<compile_context>
chip_gen: v7x
topology: tpu7x:2x2x1
jax: 0.10.2.dev20260603
libtpu: 0.0.44.dev20260713+nightly
codegen_flags: <defaults>
</compile_context>

<pallas_src>
import functools

import jax
import jax.numpy as jnp
from jax import lax
from jax.experimental import pallas as pl
from jax.experimental.pallas import tpu as pltpu
from jax.experimental.pallas import tpu_sc as plsc

_PATCH_L = 16
_PATCH_C = 8
_NUM_PATCHES = 256
_OUT_DIM = 128
_PATCH_FLAT = _PATCH_L * _PATCH_C

_NC, _NS = 2, 16
_NW = _NC * _NS
_CHUNK = 8


_CROWS = _CHUNK * 16


def _sc_gather_patches(xp, sl, sc, L, C):
    W = xp.shape[0]
    NP = sl.shape[0]
    P = NP // _NW
    n_chunks = P // _CHUNK
    lb_max = L // 128 - 1

    mesh = plsc.VectorSubcoreMesh(core_axis_name="c", subcore_axis_name="s")

    @functools.partial(
        pl.kernel,
        out_type=jax.ShapeDtypeStruct((NP * _PATCH_FLAT,), jnp.float32),
        mesh=mesh,
        scratch_types=[
            pltpu.VMEM((P + 16,), jnp.int32),
            pltpu.VMEM((P + 16,), jnp.int32),
            pltpu.VMEM((_CROWS,), jnp.int32),
            pltpu.VMEM((_CROWS,), jnp.int32),
            pltpu.VMEM((_CROWS, 128), jnp.float32),
            pltpu.VMEM((_CROWS, 128), jnp.float32),
            pltpu.VMEM((P * _PATCH_FLAT,), jnp.float32),
            pltpu.SemaphoreType.DMA,
            pltpu.SemaphoreType.DMA,
        ],
        compiler_params=pltpu.CompilerParams(needs_layout_passes=False),
    )
    def gather_kernel(x_hbm, sl_hbm, sc_hbm, out_hbm, slv, scv, idxa, idxb,
                      rowsa, rowsb, outv, sema, semb):
        wid = lax.axis_index("s") * _NC + lax.axis_index("c")
        base = wid * P
        pltpu.sync_copy(sl_hbm.at[pl.ds(base, P)], slv.at[pl.ds(0, P)])
        pltpu.sync_copy(sc_hbm.at[pl.ds(base, P)], scv.at[pl.ds(0, P)])
        rbase = wid * C
        iota = lax.iota(jnp.int32, 16)
        jh_j = lax.shift_right_logical(iota, 1)
        jh_h = lax.bitwise_and(iota, 1)
        jvec2 = lax.bitwise_and(iota, 7) * 2
        ivecs = [2 * k + lax.shift_right_logical(iota, 3)
                 for k in range(_PATCH_FLAT // 16)]

        def build_fire(ci, idxv, rowsv, sem):
            slc = slv[pl.ds(ci * _CHUNK, 16)]
            scc = scv[pl.ds(ci * _CHUNK, 16)]
            for n in range(_CHUNK):
                bcv = rbase + scc[n] + jh_j
                lbv = jnp.minimum(
                    lax.shift_right_logical(slc[n], 7) + jh_h, lb_max)
                rphys = (lax.shift_left(lax.shift_right_logical(bcv, 3), 9)
                         + lax.shift_left(lbv, 3) + lax.bitwise_and(bcv, 7))
                idxv[pl.ds(n * 16, 16)] = rphys
            pltpu.async_copy(x_hbm.at[idxv], rowsv, sem)

        def extract(ci, rowsv, sem):
            pltpu.make_async_copy(x_hbm.at[pl.ds(0, _CROWS)], rowsv,
                                  sem).wait()
            slc = slv[pl.ds(ci * _CHUNK, 16)]
            for n in range(_CHUNK):
                q = ci * _CHUNK + n
                t0 = jnp.full((16,), lax.bitwise_and(slc[n], 127), jnp.int32)
                rbn = jvec2 + n * 16
                for k in range(_PATCH_FLAT // 16):
                    t = t0 + ivecs[k]
                    rv = rbn + lax.shift_right_logical(t, 7)
                    cv = lax.bitwise_and(t, 127)
                    v = plsc.load_gather(rowsv, [rv, cv])
                    outv[pl.ds(q * _PATCH_FLAT + k * 16, 16)] = v

        build_fire(0, idxa, rowsa, sema)
        build_fire(1, idxb, rowsb, semb)

        def pair_body(i, carry):
            ci = i * 2
            extract(ci, rowsa, sema)

            @pl.when(ci + 2 < n_chunks)
            def _():
                build_fire(ci + 2, idxa, rowsa, sema)

            extract(ci + 1, rowsb, semb)

            @pl.when(ci + 3 < n_chunks)
            def _():
                build_fire(ci + 3, idxb, rowsb, semb)

            return carry

        lax.fori_loop(0, n_chunks // 2, pair_body, 0)
        pltpu.sync_copy(outv, out_hbm.at[pl.ds(base * _PATCH_FLAT,
                                               P * _PATCH_FLAT)])

    return gather_kernel(xp, sl, sc)


def _tc_mlp(pm, w1x, w1t, slf, inv_fs, b1, w2, b2):
    n = pm.shape[0]
    blk = 512
    grid = (n // blk,)

    def body(inv_ref, p_ref, w1x_ref, w1t_ref, sl_ref, b1_ref, w2_ref,
             b2_ref, o_ref):
        w1t = w1t_ref[...]
        ivec = lax.shift_right_logical(
            lax.broadcasted_iota(jnp.int32, (_PATCH_FLAT, 1), 0), 3
        ).astype(jnp.float32)
        s0 = jnp.sum(w1t, axis=0, keepdims=True)
        s1 = jnp.sum(w1t * ivec, axis=0, keepdims=True)
        inv = inv_ref[0, 0]
        h = jnp.dot(p_ref[...], w1x_ref[...],
                    preferred_element_type=jnp.float32)
        h = h + (sl_ref[...] * inv) * s0 + (inv * s1 + b1_ref[...])
        h = h * jax.nn.sigmoid(h)
        o_ref[...] = jnp.dot(h, w2_ref[...],
                             preferred_element_type=jnp.float32) + b2_ref[...]

    return pl.pallas_call(
        body,
        grid=grid,
        in_specs=[
            pl.BlockSpec(memory_space=pltpu.SMEM),
            pl.BlockSpec((blk, _PATCH_FLAT), lambda i: (i, 0)),
            pl.BlockSpec((_PATCH_FLAT, _OUT_DIM), lambda i: (0, 0)),
            pl.BlockSpec((_PATCH_FLAT, _OUT_DIM), lambda i: (0, 0)),
            pl.BlockSpec((blk, 1), lambda i: (i, 0)),
            pl.BlockSpec((1, _OUT_DIM), lambda i: (0, 0)),
            pl.BlockSpec((_OUT_DIM, _OUT_DIM), lambda i: (0, 0)),
            pl.BlockSpec((1, _OUT_DIM), lambda i: (0, 0)),
        ],
        out_specs=pl.BlockSpec((blk, _OUT_DIM), lambda i: (i, 0)),
        out_shape=jax.ShapeDtypeStruct((n, _OUT_DIM), jnp.float32),
    )(inv_fs, pm, w1x, w1t, slf, b1, w2, b2)


def kernel(x, fs, W1, b1, W2, b2):
    B, L, C = x.shape
    kidx = jax.random.key(42)
    kL, kC = jax.random.split(kidx)
    start_l = jax.random.randint(kL, (B, _NUM_PATCHES), 0, L - _PATCH_L + 1)
    start_c = jax.random.randint(kC, (B, _NUM_PATCHES), 0, C - _PATCH_C + 1)
    sl = start_l.reshape(-1).astype(jnp.int32)
    sc = start_c.reshape(-1).astype(jnp.int32)

    xp = (x.reshape(B, L // 128, 128, C // 8, 8).transpose(0, 3, 1, 4, 2)
          .reshape(B * L * C // 128, 128))
    pm = _sc_gather_patches(xp, sl, sc, L, C)
    pm = pm.reshape(B * _NUM_PATCHES, _PATCH_FLAT)

    w1r = W1.reshape(_PATCH_L, 2 * _PATCH_C, _OUT_DIM)
    w1x = w1r[:, :_PATCH_C, :].reshape(_PATCH_FLAT, _OUT_DIM)
    w1t = w1r[:, _PATCH_C:, :].reshape(_PATCH_FLAT, _OUT_DIM)
    inv_fs = (1.0 / jnp.asarray(fs).astype(jnp.float32)).reshape(1, 1)
    slf = sl.astype(jnp.float32).reshape(-1, 1)

    out = _tc_mlp(pm, w1x, w1t, slf, inv_fs, b1.reshape(1, -1), W2,
                  b2.reshape(1, -1))
    return out.reshape(B, _NUM_PATCHES, _OUT_DIM)

# --- scband reference (transcript-rebuilt; emitter-appended) ---
"""Pipeline reference for scband-e-01-hse-85942295593529 (READ-ONLY COPY).

The authoritative reference and input builder live on the scoring server;
editing this copy changes nothing except your own understanding.
"""

import jax, jax.numpy as jnp
import numpy as np

PATCH_L = 16
PATCH_C = 8
NUM_PATCHES = 256
OUTPUT_DIM = 128

def setup_inputs(seed: int = 0):
    key = jax.random.key(seed)
    k1, k2, k3 = jax.random.split(key, 3)
    B, L, C = 32, 8192, 64
    x = jax.random.normal(k1, (B, L, C), dtype=jnp.float32)
    in_dim = PATCH_L * (PATCH_C * 2)
    W1 = jax.random.normal(k2, (in_dim, OUTPUT_DIM), dtype=jnp.float32) * 0.02
    b1 = jnp.zeros((OUTPUT_DIM,), dtype=jnp.float32)
    W2 = jax.random.normal(k3, (OUTPUT_DIM, OUTPUT_DIM), dtype=jnp.float32) * 0.02
    b2 = jnp.zeros((OUTPUT_DIM,), dtype=jnp.float32)
    return {"x": x, "fs": 100, "W1": W1, "b1": b1, "W2": W2, "b2": b2}

def reference(x, fs, W1, b1, W2, b2):
    B, L, C = x.shape
    # fs is a python int scalar -> T broadcast to (B,)
    T = jnp.broadcast_to(1.0 / jnp.asarray(fs).astype(jnp.float32), (B,))
    t = jnp.arange(L, dtype=jnp.float32)[None, :] * T[:, None]
    # patch_size_L <= L and patch_size_C <= C for chosen shapes, so no repeat branch
    max_start_L = L - PATCH_L
    max_start_C = C - PATCH_C
    kidx = jax.random.key(42)
    kL, kC = jax.random.split(kidx)
    start_L = jax.random.randint(kL, (B, NUM_PATCHES), 0, max_start_L + 1)
    start_C = jax.random.randint(kC, (B, NUM_PATCHES), 0, max_start_C + 1)
    idx_L = (start_L[:, :, None] + jnp.arange(PATCH_L)) % L  # [B, P, pL]
    idx_C = (start_C[:, :, None] + jnp.arange(PATCH_C)) % C  # [B, P, pC]
    b_idx = jnp.arange(B)[:, None, None, None]
    # patches[b,p,i,j] = x[b, idx_L[b,p,i], idx_C[b,p,j]]
    patches = x[b_idx, idx_L[:, :, :, None], idx_C[:, :, None, :]]  # [B, P, pL, pC]
    t_patches = t[jnp.arange(B)[:, None, None], idx_L]  # [B, P, pL]
    t_patches = jnp.broadcast_to(t_patches[..., None], (B, NUM_PATCHES, PATCH_L, PATCH_C))
    patches = jnp.concatenate([patches, t_patches], axis=-1)  # [B, P, pL, 2*pC]
    patches = patches.reshape(B, NUM_PATCHES, PATCH_L * 2 * PATCH_C)
    h = patches @ W1 + b1
    h = h * jax.nn.sigmoid(h)  # silu
    out = h @ W2 + b2
    return out

if __name__ == "__main__":
    import jax
    _d = setup_inputs()
    print(jax.jit(kernel)(*tuple(_d.values())))

</pallas_src>

<mosaic_0001>
#map = affine_map<(d0, d1) -> (0, 0)>
#map1 = affine_map<(d0, d1) -> (0)>
module attributes {stable_mosaic.version = 14 : i64} {
  func.func @gather_kernel(%arg0: i32, %arg1: i32, %arg2: memref<131072x128xf32, #tpu.memory_space<hbm>>, %arg3: memref<8192xi32, #tpu.memory_space<hbm>>, %arg4: memref<8192xi32, #tpu.memory_space<hbm>>, %arg5: memref<1048576xf32, #tpu.memory_space<hbm>>, %arg6: memref<272xi32, #tpu.memory_space<vmem>>, %arg7: memref<272xi32, #tpu.memory_space<vmem>>, %arg8: memref<128xi32, #tpu.memory_space<vmem>>, %arg9: memref<128xi32, #tpu.memory_space<vmem>>, %arg10: memref<128x128xf32, #tpu.memory_space<vmem>>, %arg11: memref<128x128xf32, #tpu.memory_space<vmem>>, %arg12: memref<32768xf32, #tpu.memory_space<vmem>>, %arg13: memref<!tpu.dma_semaphore, #tpu.memory_space<semaphore_mem>>, %arg14: memref<!tpu.dma_semaphore, #tpu.memory_space<semaphore_mem>>) attributes {dimension_semantics = [#tpu.dimension_semantics<core_parallel>, #tpu.dimension_semantics<subcore_parallel>], iteration_bounds = array<i64: 2, 16>, scalar_prefetch = 0 : i64, scratch_operands = 9 : i64, tpu.core_type = #tpu.core_type<sc_vector_subcore>, window_params = [{transform_indices = #map}, {transform_indices = #map1}, {transform_indices = #map1}, {transform_indices = #map1}]} {
    %mul3A = arith.constant 2 : i32
    %mul3A_0 = arith.muli %arg1, %mul3A : i32
    %add3A = arith.addi %mul3A_0, %arg0 : i32
    %mul3A_1 = arith.constant 256 : i32
    %mul3A_2 = arith.muli %add3A, %mul3A_1 : i32
    "tpu.region"() ({
      %run_scoped3A = tpu.sem_alloc : memref<!tpu.dma_semaphore, #tpu.memory_space<semaphore_mem>>
      %dma_start3A_557 = arith.constant 0 : i32
      %dma_start3A_558 = tpu.memref_slice %arg6[%dma_start3A_557] : memref<272xi32, #tpu.memory_space<vmem>> -> memref<256xi32, #tpu.memory_space<vmem>>
      %dma_start3A_559 = tpu.memref_slice %arg3[%mul3A_2] : memref<8192xi32, #tpu.memory_space<hbm>> -> memref<256xi32, #tpu.memory_space<hbm>>
      %dma_start3A_560 = arith.constant 0 : i32
      %dma_start3A_561 = tpu.memref_slice %arg6[%dma_start3A_560] : memref<272xi32, #tpu.memory_space<vmem>> -> memref<256xi32, #tpu.memory_space<vmem>>
      %dma_start3A_562 = tpu.memref_slice %arg3[%mul3A_2] : memref<8192xi32, #tpu.memory_space<hbm>> -> memref<256xi32, #tpu.memory_space<hbm>>
      tpu.enqueue_dma source(%dma_start3A_562 : memref<256xi32, #tpu.memory_space<hbm>>) target(%dma_start3A_561 : memref<256xi32, #tpu.memory_space<vmem>>) target_semaphore(%run_scoped3A : memref<!tpu.dma_semaphore, #tpu.memory_space<semaphore_mem>>)
      %dma_wait3A = arith.constant 0 : i32
      %dma_wait3A_563 = tpu.memref_slice %arg6[%dma_wait3A] : memref<272xi32, #tpu.memory_space<vmem>> -> memref<256xi32, #tpu.memory_space<vmem>>
      %dma_wait3A_564 = tpu.memref_slice %arg3[%mul3A_2] : memref<8192xi32, #tpu.memory_space<hbm>> -> memref<256xi32, #tpu.memory_space<hbm>>
      %dma_wait3A_565 = arith.constant 0 : i32
      %dma_wait3A_566 = tpu.memref_slice %arg6[%dma_wait3A_565] : memref<272xi32, #tpu.memory_space<vmem>> -> memref<256xi32, #tpu.memory_space<vmem>>
      %dma_wait3A_567 = tpu.memref_slice %arg3[%mul3A_2] : memref<8192xi32, #tpu.memory_space<hbm>> -> memref<256xi32, #tpu.memory_space<hbm>>
      tpu.wait_dma2 semaphore(%run_scoped3A : memref<!tpu.dma_semaphore, #tpu.memory_space<semaphore_mem>>) src(%dma_wait3A_567 : memref<256xi32, #tpu.memory_space<hbm>>) dst(%dma_wait3A_566 : memref<256xi32, #tpu.memory_space<vmem>>)
      tpu.yield
    }) : () -> ()
    "tpu.region"() ({
      %run_scoped3A = tpu.sem_alloc : memref<!tpu.dma_semaphore, #tpu.memory_space<semaphore_mem>>
      %dma_start3A_557 = arith.constant 0 : i32
      %dma_start3A_558 = tpu.memref_slice %arg7[%dma_start3A_557] : memref<272xi32, #tpu.memory_space<vmem>> -> memref<256xi32, #tpu.memory_space<vmem>>
      %dma_start3A_559 = tpu.memref_slice %arg4[%mul3A_2] : memref<8192xi32, #tpu.memory_space<hbm>> -> memref<256xi32, #tpu.memory_space<hbm>>
      %dma_start3A_560 = arith.constant 0 : i32
      %dma_start3A_561 = tpu.memref_slice %arg7[%dma_start3A_560] : memref<272xi32, #tpu.memory_space<vmem>> -> memref<256xi32, #tpu.memory_space<vmem>>
      %dma_start3A_562 = tpu.memref_slice %arg4[%mul3A_2] : memref<8192xi32, #tpu.memory_space<hbm>> -> memref<256xi32, #tpu.memory_space<hbm>>
      tpu.enqueue_dma source(%dma_start3A_562 : memref<256xi32, #tpu.memory_space<hbm>>) target(%dma_start3A_561 : memref<256xi32, #tpu.memory_space<vmem>>) target_semaphore(%run_scoped3A : memref<!tpu.dma_semaphore, #tpu.memory_space<semaphore_mem>>)
      %dma_wait3A = arith.constant 0 : i32
      %dma_wait3A_563 = tpu.memref_slice %arg7[%dma_wait3A] : memref<272xi32, #tpu.memory_space<vmem>> -> memref<256xi32, #tpu.memory_space<vmem>>
      %dma_wait3A_564 = tpu.memref_slice %arg4[%mul3A_2] : memref<8192xi32, #tpu.memory_space<hbm>> -> memref<256xi32, #tpu.memory_space<hbm>>
      %dma_wait3A_565 = arith.constant 0 : i32
      %dma_wait3A_566 = tpu.memref_slice %arg7[%dma_wait3A_565] : memref<272xi32, #tpu.memory_space<vmem>> -> memref<256xi32, #tpu.memory_space<vmem>>
      %dma_wait3A_567 = tpu.memref_slice %arg4[%mul3A_2] : memref<8192xi32, #tpu.memory_space<hbm>> -> memref<256xi32, #tpu.memory_space<hbm>>
      tpu.wait_dma2 semaphore(%run_scoped3A : memref<!tpu.dma_semaphore, #tpu.memory_space<semaphore_mem>>) src(%dma_wait3A_567 : memref<256xi32, #tpu.memory_space<hbm>>) dst(%dma_wait3A_566 : memref<256xi32, #tpu.memory_space<vmem>>)
      tpu.yield
    }) : () -> ()
    %mul3A_3 = arith.constant 64 : i32
    %mul3A_4 = arith.muli %add3A, %mul3A_3 : i32
    %iota3A = tpu.iota {dimensions = array<i32: 0>} : vector<16xi32>
    %shift_right_logical3A = arith.constant 1 : i32
    %shift_right_logical3A_5 = vector.broadcast %shift_right_logical3A : i32 to vector<16xi32>
    %shift_right_logical3A_6 = arith.shrui %iota3A, %shift_right_logical3A_5 : vector<16xi32>
    %and3A = arith.constant 1 : i32
    %and3A_7 = vector.broadcast %and3A : i32 to vector<16xi32>
    %and3A_8 = arith.andi %iota3A, %and3A_7 : vector<16xi32>
    %and3A_9 = arith.constant 7 : i32
    %and3A_10 = vector.broadcast %and3A_9 : i32 to vector<16xi32>
    %and3A_11 = arith.andi %iota3A, %and3A_10 : vector<16xi32>
    %mul3A_12 = arith.constant 2 : i32
    %mul3A_13 = vector.broadcast %mul3A_12 : i32 to vector<16xi32>
    %mul3A_14 = arith.muli %and3A_11, %mul3A_13 : vector<16xi32>
    %shift_right_logical3A_15 = arith.constant 3 : i32
    %shift_right_logical3A_16 = vector.broadcast %shift_right_logical3A_15 : i32 to vector<16xi32>
    %shift_right_logical3A_17 = arith.shrui %iota3A, %shift_right_logical3A_16 : vector<16xi32>
    %add3A_18 = arith.constant 0 : i32
    %add3A_19 = vector.broadcast %add3A_18 : i32 to vector<16xi32>
    %add3A_20 = arith.addi %add3A_19, %shift_right_logical3A_17 : vector<16xi32>
    %shift_right_logical3A_21 = arith.constant 3 : i32
    %shift_right_logical3A_22 = vector.broadcast %shift_right_logical3A_21 : i32 to vector<16xi32>
    %shift_right_logical3A_23 = arith.shrui %iota3A, %shift_right_logical3A_22 : vector<16xi32>
    %add3A_24 = arith.constant 2 : i32
    %add3A_25 = vector.broadcast %add3A_24 : i32 to vector<16xi32>
    %add3A_26 = arith.addi %add3A_25, %shift_right_logical3A_23 : vector<16xi32>
    %shift_right_logical3A_27 = arith.constant 3 : i32
    %shift_right_logical3A_28 = vector.broadcast %shift_right_logical3A_27 : i32 to vector<16xi32>
    %shift_right_logical3A_29 = arith.shrui %iota3A, %shift_right_logical3A_28 : vector<16xi32>
    %add3A_30 = arith.constant 4 : i32
    %add3A_31 = vector.broadcast %add3A_30 : i32 to vector<16xi32>
    %add3A_32 = arith.addi %add3A_31, %shift_right_logical3A_29 : vector<16xi32>
    %shift_right_logical3A_33 = arith.constant 3 : i32
    %shift_right_logical3A_34 = vector.broadcast %shift_right_logical3A_33 : i32 to vector<16xi32>
    %shift_right_logical3A_35 = arith.shrui %iota3A, %shift_right_logical3A_34 : vector<16xi32>
    %add3A_36 = arith.constant 6 : i32
    %add3A_37 = vector.broadcast %add3A_36 : i32 to vector<16xi32>
    %add3A_38 = arith.addi %add3A_37, %shift_right_logical3A_35 : vector<16xi32>
    %shift_right_logical3A_39 = arith.constant 3 : i32
    %shift_right_logical3A_40 = vector.broadcast %shift_right_logical3A_39 : i32 to vector<16xi32>
    %shift_right_logical3A_41 = arith.shrui %iota3A, %shift_right_logical3A_40 : vector<16xi32>
    %add3A_42 = arith.constant 8 : i32
    %add3A_43 = vector.broadcast %add3A_42 : i32 to vector<16xi32>
    %add3A_44 = arith.addi %add3A_43, %shift_right_logical3A_41 : vector<16xi32>
    %shift_right_logical3A_45 = arith.constant 3 : i32
    %shift_right_logical3A_46 = vector.broadcast %shift_right_logical3A_45 : i32 to vector<16xi32>
    %shift_right_logical3A_47 = arith.shrui %iota3A, %shift_right_logical3A_46 : vector<16xi32>
    %add3A_48 = arith.constant 10 : i32
    %add3A_49 = vector.broadcast %add3A_48 : i32 to vector<16xi32>
    %add3A_50 = arith.addi %add3A_49, %shift_right_logical3A_47 : vector<16xi32>
    %shift_right_logical3A_51 = arith.constant 3 : i32
    %shift_right_logical3A_52 = vector.broadcast %shift_right_logical3A_51 : i32 to vector<16xi32>
    %shift_right_logical3A_53 = arith.shrui %iota3A, %shift_right_logical3A_52 : vector<16xi32>
    %add3A_54 = arith.constant 12 : i32
    %add3A_55 = vector.broadcast %add3A_54 : i32 to vector<16xi32>
    %add3A_56 = arith.addi %add3A_55, %shift_right_logical3A_53 : vector<16xi32>
    %shift_right_logical3A_57 = arith.constant 3 : i32
    %shift_right_logical3A_58 = vector.broadcast %shift_right_logical3A_57 : i32 to vector<16xi32>
    %shift_right_logical3A_59 = arith.shrui %iota3A, %shift_right_logical3A_58 : vector<16xi32>
    %add3A_60 = arith.constant 14 : i32
    %add3A_61 = vector.broadcast %add3A_60 : i32 to vector<16xi32>
    %add3A_62 = arith.addi %add3A_61, %shift_right_logical3A_59 : vector<16xi32>
    %get3A = arith.constant 0 : index
    %get3A_63 = tpu.vector_load %arg6[%get3A] {strides = array<i32>} : memref<272xi32, #tpu.memory_space<vmem>>, vector<16xi32>,
    %get3A_64 = arith.constant 0 : index
    %get3A_65 = tpu.vector_load %arg7[%get3A_64] {strides = array<i32>} : memref<272xi32, #tpu.memory_space<vmem>>, vector<16xi32>,
    %slice3A = vector.extract_strided_slice %get3A_65 {offsets = [0], sizes = [1], strides = [1]} : vector<16xi32> to vector<1xi32>
    %squeeze3A = vector.extract %slice3A[0] : i32 from vector<1xi32>
    %add3A_66 = arith.addi %mul3A_4, %squeeze3A : i32
    %add3A_67 = vector.broadcast %add3A_66 : i32 to vector<16xi32>
    %add3A_68 = arith.addi %add3A_67, %shift_right_logical3A_6 : vector<16xi32>
    %slice3A_69 = vector.extract_strided_slice %get3A_63 {offsets = [0], sizes = [1], strides = [1]} : vector<16xi32> to vector<1xi32>
    %squeeze3A_70 = vector.extract %slice3A_69[0] : i32 from vector<1xi32>
    %shift_right_logical3A_71 = arith.constant 7 : i32
    %shift_right_logical3A_72 = arith.shrui %squeeze3A_70, %shift_right_logical3A_71 : i32
    %add3A_73 = vector.broadcast %shift_right_logical3A_72 : i32 to vector<16xi32>
    %add3A_74 = arith.addi %add3A_73, %and3A_8 : vector<16xi32>
    %min3A = arith.constant 63 : i32
    %min3A_75 = vector.broadcast %min3A : i32 to vector<16xi32>
    %min3A_76 = arith.minsi %add3A_74, %min3A_75 : vector<16xi32>
    %shift_right_logical3A_77 = arith.constant 3 : i32
    %shift_right_logical3A_78 = vector.broadcast %shift_right_logical3A_77 : i32 to vector<16xi32>
    %shift_right_logical3A_79 = arith.shrui %add3A_68, %shift_right_logical3A_78 : vector<16xi32>
    %shift_left3A = arith.constant 9 : i32
    %shift_left3A_80 = vector.broadcast %shift_left3A : i32 to vector<16xi32>
    %shift_left3A_81 = arith.shli %shift_right_logical3A_79, %shift_left3A_80 : vector<16xi32>
    %shift_left3A_82 = arith.constant 3 : i32
    %shift_left3A_83 = vector.broadcast %shift_left3A_82 : i32 to vector<16xi32>
    %shift_left3A_84 = arith.shli %min3A_76, %shift_left3A_83 : vector<16xi32>
    %add3A_85 = arith.addi %shift_left3A_81, %shift_left3A_84 : vector<16xi32>
    %and3A_86 = arith.constant 7 : i32
    %and3A_87 = vector.broadcast %and3A_86 : i32 to vector<16xi32>
    %and3A_88 = arith.andi %add3A_68, %and3A_87 : vector<16xi32>
    %add3A_89 = arith.addi %add3A_85, %and3A_88 : vector<16xi32>
    %swap3A = arith.constant 0 : index
    %swap3A_90 = tpu.vector_load %arg8[%swap3A] {strides = array<i32>} : memref<128xi32, #tpu.memory_space<vmem>>, vector<16xi32>,
    tpu.vector_store %arg8[%swap3A], %add3A_89 {strides = array<i32>} : memref<128xi32, #tpu.memory_space<vmem>>, vector<16xi32>,
    %slice3A_91 = vector.extract_strided_slice %get3A_65 {offsets = [1], sizes = [1], strides = [1]} : vector<16xi32> to vector<1xi32>
    %squeeze3A_92 = vector.extract %slice3A_91[0] : i32 from vector<1xi32>
    %add3A_93 = arith.addi %mul3A_4, %squeeze3A_92 : i32
    %add3A_94 = vector.broadcast %add3A_93 : i32 to vector<16xi32>
    %add3A_95 = arith.addi %add3A_94, %shift_right_logical3A_6 : vector<16xi32>
    %slice3A_96 = vector.extract_strided_slice %get3A_63 {offsets = [1], sizes = [1], strides = [1]} : vector<16xi32> to vector<1xi32>
    %squeeze3A_97 = vector.extract %slice3A_96[0] : i32 from vector<1xi32>
    %shift_right_logical3A_98 = arith.constant 7 : i32
    %shift_right_logical3A_99 = arith.shrui %squeeze3A_97, %shift_right_logical3A_98 : i32
    %add3A_100 = vector.broadcast %shift_right_logical3A_99 : i32 to vector<16xi32>
    %add3A_101 = arith.addi %add3A_100, %and3A_8 : vector<16xi32>
    %min3A_102 = arith.constant 63 : i32
    %min3A_103 = vector.broadcast %min3A_102 : i32 to vector<16xi32>
    %min3A_104 = arith.minsi %add3A_101, %min3A_103 : vector<16xi32>
    %shift_right_logical3A_105 = arith.constant 3 : i32
    %shift_right_logical3A_106 = vector.broadcast %shift_right_logical3A_105 : i32 to vector<16xi32>
    %shift_right_logical3A_107 = arith.shrui %add3A_95, %shift_right_logical3A_106 : vector<16xi32>
    %shift_left3A_108 = arith.constant 9 : i32
    %shift_left3A_109 = vector.broadcast %shift_left3A_108 : i32 to vector<16xi32>
    %shift_left3A_110 = arith.shli %shift_right_logical3A_107, %shift_left3A_109 : vector<16xi32>
    %shift_left3A_111 = arith.constant 3 : i32
    %shift_left3A_112 = vector.broadcast %shift_left3A_111 : i32 to vector<16xi32>
    %shift_left3A_113 = arith.shli %min3A_104, %shift_left3A_112 : vector<16xi32>
    %add3A_114 = arith.addi %shift_left3A_110, %shift_left3A_113 : vector<16xi32>
    %and3A_115 = arith.constant 7 : i32
    %and3A_116 = vector.broadcast %and3A_115 : i32 to vector<16xi32>
    %and3A_117 = arith.andi %add3A_95, %and3A_116 : vector<16xi32>
    %add3A_118 = arith.addi %add3A_114, %and3A_117 : vector<16xi32>
    %swap3A_119 = arith.constant 16 : index
    %swap3A_120 = tpu.vector_load %arg8[%swap3A_119] {strides = array<i32>} : memref<128xi32, #tpu.memory_space<vmem>>, vector<16xi32>,
    tpu.vector_store %arg8[%swap3A_119], %add3A_118 {strides = array<i32>} : memref<128xi32, #tpu.memory_space<vmem>>, vector<16xi32>,
    %slice3A_121 = vector.extract_strided_slice %get3A_65 {offsets = [2], sizes = [1], strides = [1]} : vector<16xi32> to vector<1xi32>
    %squeeze3A_122 = vector.extract %slice3A_121[0] : i32 from vector<1xi32>
    %add3A_123 = arith.addi %mul3A_4, %squeeze3A_122 : i32
    %add3A_124 = vector.broadcast %add3A_123 : i32 to vector<16xi32>
    %add3A_125 = arith.addi %add3A_124, %shift_right_logical3A_6 : vector<16xi32>
    %slice3A_126 = vector.extract_strided_slice %get3A_63 {offsets = [2], sizes = [1], strides = [1]} : vector<16xi32> to vector<1xi32>
    %squeeze3A_127 = vector.extract %slice3A_126[0] : i32 from vector<1xi32>
    %shift_right_logical3A_128 = arith.constant 7 : i32
    %shift_right_logical3A_129 = arith.shrui %squeeze3A_127, %shift_right_logical3A_128 : i32
    %add3A_130 = vector.broadcast %shift_right_logical3A_129 : i32 to vector<16xi32>
    %add3A_131 = arith.addi %add3A_130, %and3A_8 : vector<16xi32>
    %min3A_132 = arith.constant 63 : i32
    %min3A_133 = vector.broadcast %min3A_132 : i32 to vector<16xi32>
    %min3A_134 = arith.minsi %add3A_131, %min3A_133 : vector<16xi32>
    %shift_right_logical3A_135 = arith.constant 3 : i32
    %shift_right_logical3A_136 = vector.broadcast %shift_right_logical3A_135 : i32 to vector<16xi32>
    %shift_right_logical3A_137 = arith.shrui %add3A_125, %shift_right_logical3A_136 : vector<16xi32>
    %shift_left3A_138 = arith.constant 9 : i32
    %shift_left3A_139 = vector.broadcast %shift_left3A_138 : i32 to vector<16xi32>
    %shift_left3A_140 = arith.shli %shift_right_logical3A_137, %shift_left3A_139 : vector<16xi32>
    %shift_left3A_141 = arith.constant 3 : i32
    %shift_left3A_142 = vector.broadcast %shift_left3A_141 : i32 to vector<16xi32>
    %shift_left3A_143 = arith.shli %min3A_134, %shift_left3A_142 : vector<16xi32>
    %add3A_144 = arith.addi %shift_left3A_140, %shift_left3A_143 : vector<16xi32>
    %and3A_145 = arith.constant 7 : i32
    %and3A_146 = vector.broadcast %and3A_145 : i32 to vector<16xi32>
    %and3A_147 = arith.andi %add3A_125, %and3A_146 : vector<16xi32>
    %add3A_148 = arith.addi %add3A_144, %and3A_147 : vector<16xi32>
    %swap3A_149 = arith.constant 32 : index
    %swap3A_150 = tpu.vector_load %arg8[%swap3A_149] {strides = array<i32>} : memref<128xi32, #tpu.memory_space<vmem>>, vector<16xi32>,
    tpu.vector_store %arg8[%swap3A_149], %add3A_148 {strides = array<i32>} : memref<128xi32, #tpu.memory_space<vmem>>, vector<16xi32>,
    %slice3A_151 = vector.extract_strided_slice %get3A_65 {offsets = [3], sizes = [1], strides = [1]} : vector<16xi32> to vector<1xi32>
    %squeeze3A_152 = vector.extract %slice3A_151[0] : i32 from vector<1xi32>
    %add3A_153 = arith.addi %mul3A_4, %squeeze3A_152 : i32
    %add3A_154 = vector.broadcast %add3A_153 : i32 to vector<16xi32>
    %add3A_155 = arith.addi %add3A_154, %shift_right_logical3A_6 : vector<16xi32>
    %slice3A_156 = vector.extract_strided_slice %get3A_63 {offsets = [3], sizes = [1], strides = [1]} : vector<16xi32> to vector<1xi32>
    %squeeze3A_157 = vector.extract %slice3A_156[0] : i32 from vector<1xi32>
    %shift_right_logical3A_158 = arith.constant 7 : i32
    %shift_right_logical3A_159 = arith.shrui %squeeze3A_157, %shift_right_logical3A_158 : i32
    %add3A_160 = vector.broadcast %shift_right_logical3A_159 : i32 to vector<16xi32>
    %add3A_161 = arith.addi %add3A_160, %and3A_8 : vector<16xi32>
    %min3A_162 = arith.constant 63 : i32
    %min3A_163 = vector.broadcast %min3A_162 : i32 to vector<16xi32>
    %min3A_164 = arith.minsi %add3A_161, %min3A_163 : vector<16xi32>
    %shift_right_logical3A_165 = arith.constant 3 : i32
    %shift_right_logical3A_166 = vector.broadcast %shift_right_logical3A_165 : i32 to vector<16xi32>
    %shift_right_logical3A_167 = arith.shrui %add3A_155, %shift_right_logical3A_166 : vector<16xi32>
    %shift_left3A_168 = arith.constant 9 : i32
    %shift_left3A_169 = vector.broadcast %shift_left3A_168 : i32 to vector<16xi32>
    %shift_left3A_170 = arith.shli %shift_right_logical3A_167, %shift_left3A_169 : vector<16xi32>
    %shift_left3A_171 = arith.constant 3 : i32
    %shift_left3A_172 = vector.broadcast %shift_left3A_171 : i32 to vector<16xi32>
    %shift_left3A_173 = arith.shli %min3A_164, %shift_left3A_172 : vector<16xi32>
    %add3A_174 = arith.addi %shift_left3A_170, %shift_left3A_173 : vector<16xi32>
    %and3A_175 = arith.constant 7 : i32
    %and3A_176 = vector.broadcast %and3A_175 : i32 to vector<16xi32>
    %and3A_177 = arith.andi %add3A_155, %and3A_176 : vector<16xi32>
    %add3A_178 = arith.addi %add3A_174, %and3A_177 : vector<16xi32>
    %swap3A_179 = arith.constant 48 : index
    %swap3A_180 = tpu.vector_load %arg8[%swap3A_179] {strides = array<i32>} : memref<128xi32, #tpu.memory_space<vmem>>, vector<16xi32>,
    tpu.vector_store %arg8[%swap3A_179], %add3A_178 {strides = array<i32>} : memref<128xi32, #tpu.memory_space<vmem>>, vector<16xi32>,
    %slice3A_181 = vector.extract_strided_slice %get3A_65 {offsets = [4], sizes = [1], strides = [1]} : vector<16xi32> to vector<1xi32>
    %squeeze3A_182 = vector.extract %slice3A_181[0] : i32 from vector<1xi32>
    %add3A_183 = arith.addi %mul3A_4, %squeeze3A_182 : i32
    %add3A_184 = vector.broadcast %add3A_183 : i32 to vector<16xi32>
    %add3A_185 = arith.addi %add3A_184, %shift_right_logical3A_6 : vector<16xi32>
    %slice3A_186 = vector.extract_strided_slice %get3A_63 {offsets = [4], sizes = [1], strides = [1]} : vector<16xi32> to vector<1xi32>
    %squeeze3A_187 = vector.extract %slice3A_186[0] : i32 from vector<1xi32>
    %shift_right_logical3A_188 = arith.constant 7 : i32
    %shift_right_logical3A_189 = arith.shrui %squeeze3A_187, %shift_right_logical3A_188 : i32
    %add3A_190 = vector.broadcast %shift_right_logical3A_189 : i32 to vector<16xi32>
    %add3A_191 = arith.addi %add3A_190, %and3A_8 : vector<16xi32>
    %min3A_192 = arith.constant 63 : i32
    %min3A_193 = vector.broadcast %min3A_192 : i32 to vector<16xi32>
    %min3A_194 = arith.minsi %add3A_191, %min3A_193 : vector<16xi32>
    %shift_right_logical3A_195 = arith.constant 3 : i32
    %shift_right_logical3A_196 = vector.broadcast %shift_right_logical3A_195 : i32 to vector<16xi32>
    %shift_right_logical3A_197 = arith.shrui %add3A_185, %shift_right_logical3A_196 : vector<16xi32>
    %shift_left3A_198 = arith.constant 9 : i32
    %shift_left3A_199 = vector.broadcast %shift_left3A_198 : i32 to vector<16xi32>
    %shift_left3A_200 = arith.shli %shift_right_logical3A_197, %shift_left3A_199 : vector<16xi32>
    %shift_left3A_201 = arith.constant 3 : i32
    %shift_left3A_202 = vector.broadcast %shift_left3A_201 : i32 to vector<16xi32>
    %shift_left3A_203 = arith.shli %min3A_194, %shift_left3A_202 : vector<16xi32>
    %add3A_204 = arith.addi %shift_left3A_200, %shift_left3A_203 : vector<16xi32>
    %and3A_205 = arith.constant 7 : i32
    %and3A_206 = vector.broadcast %and3A_205 : i32 to vector<16xi32>
    %and3A_207 = arith.andi %add3A_185, %and3A_206 : vector<16xi32>
    %add3A_208 = arith.addi %add3A_204, %and3A_207 : vector<16xi32>
    %swap3A_209 = arith.constant 64 : index
    %swap3A_210 = tpu.vector_load %arg8[%swap3A_209] {strides = array<i32>} : memref<128xi32, #tpu.memory_space<vmem>>, vector<16xi32>,
    tpu.vector_store %arg8[%swap3A_209], %add3A_208 {strides = array<i32>} : memref<128xi32, #tpu.memory_space<vmem>>, vector<16xi32>,
    %slice3A_211 = vector.extract_strided_slice %get3A_65 {offsets = [5], sizes = [1], strides = [1]} : vector<16xi32> to vector<1xi32>
    %squeeze3A_212 = vector.extract %slice3A_211[0] : i32 from vector<1xi32>
    %add3A_213 = arith.addi %mul3A_4, %squeeze3A_212 : i32
    %add3A_214 = vector.broadcast %add3A_213 : i32 to vector<16xi32>
    %add3A_215 = arith.addi %add3A_214, %shift_right_logical3A_6 : vector<16xi32>
    %slice3A_216 = vector.extract_strided_slice %get3A_63 {offsets = [5], sizes = [1], strides = [1]} : vector<16xi32> to vector<1xi32>
    %squeeze3A_217 = vector.extract %slice3A_216[0] : i32 from vector<1xi32>
    %shift_right_logical3A_218 = arith.constant 7 : i32
    %shift_right_logical3A_219 = arith.shrui %squeeze3A_217, %shift_right_logical3A_218 : i32
    %add3A_220 = vector.broadcast %shift_right_logical3A_219 : i32 to vector<16xi32>
    %add3A_221 = arith.addi %add3A_220, %and3A_8 : vector<16xi32>
    %min3A_222 = arith.constant 63 : i32
    %min3A_223 = vector.broadcast %min3A_222 : i32 to vector<16xi32>
    %min3A_224 = arith.minsi %add3A_221, %min3A_223 : vector<16xi32>
    %shift_right_logical3A_225 = arith.constant 3 : i32
    %shift_right_logical3A_226 = vector.broadcast %shift_right_logical3A_225 : i32 to vector<16xi32>
    %shift_right_logical3A_227 = arith.shrui %add3A_215, %shift_right_logical3A_226 : vector<16xi32>
    %shift_left3A_228 = arith.constant 9 : i32
    %shift_left3A_229 = vector.broadcast %shift_left3A_228 : i32 to vector<16xi32>
    %shift_left3A_230 = arith.shli %shift_right_logical3A_227, %shift_left3A_229 : vector<16xi32>
    %shift_left3A_231 = arith.constant 3 : i32
    %shift_left3A_232 = vector.broadcast %shift_left3A_231 : i32 to vector<16xi32>
    %shift_left3A_233 = arith.shli %min3A_224, %shift_left3A_232 : vector<16xi32>
    %add3A_234 = arith.addi %shift_left3A_230, %shift_left3A_233 : vector<16xi32>
    %and3A_235 = arith.constant 7 : i32
    %and3A_236 = vector.broadcast %and3A_235 : i32 to vector<16xi32>
    %and3A_237 = arith.andi %add3A_215, %and3A_236 : vector<16xi32>
    %add3A_238 = arith.addi %add3A_234, %and3A_237 : vector<16xi32>
    %swap3A_239 = arith.constant 80 : index
    %swap3A_240 = tpu.vector_load %arg8[%swap3A_239] {strides = array<i32>} : memref<128xi32, #tpu.memory_space<vmem>>, vector<16xi32>,
    tpu.vector_store %arg8[%swap3A_239], %add3A_238 {strides = array<i32>} : memref<128xi32, #tpu.memory_space<vmem>>, vector<16xi32>,
    %slice3A_241 = vector.extract_strided_slice %get3A_65 {offsets = [6], sizes = [1], strides = [1]} : vector<16xi32> to vector<1xi32>
    %squeeze3A_242 = vector.extract %slice3A_241[0] : i32 from vector<1xi32>
    %add3A_243 = arith.addi %mul3A_4, %squeeze3A_242 : i32
    %add3A_244 = vector.broadcast %add3A_243 : i32 to vector<16xi32>
    %add3A_245 = arith.addi %add3A_244, %shift_right_logical3A_6 : vector<16xi32>
    %slice3A_246 = vector.extract_strided_slice %get3A_63 {offsets = [6], sizes = [1], strides = [1]} : vector<16xi32> to vector<1xi32>
    %squeeze3A_247 = vector.extract %slice3A_246[0] : i32 from vector<1xi32>
    %shift_right_logical3A_248 = arith.constant 7 : i32
    %shift_right_logical3A_249 = arith.shrui %squeeze3A_247, %shift_right_logical3A_248 : i32
    %add3A_250 = vector.broadcast %shift_right_logical3A_249 : i32 to vector<16xi32>
    %add3A_251 = arith.addi %add3A_250, %and3A_8 : vector<16xi32>
    %min3A_252 = arith.constant 63 : i32
    %min3A_253 = vector.broadcast %min3A_252 : i32 to vector<16xi32>
    %min3A_254 = arith.minsi %add3A_251, %min3A_253 : vector<16xi32>
    %shift_right_logical3A_255 = arith.constant 3 : i32
    %shift_right_logical3A_256 = vector.broadcast %shift_right_logical3A_255 : i32 to vector<16xi32>
    %shift_right_logical3A_257 = arith.shrui %add3A_245, %shift_right_logical3A_256 : vector<16xi32>
    %shift_left3A_258 = arith.constant 9 : i32
    %shift_left3A_259 = vector.broadcast %shift_left3A_258 : i32 to vector<16xi32>
    %shift_left3A_260 = arith.shli %shift_right_logical3A_257, %shift_left3A_259 : vector<16xi32>
    %shift_left3A_261 = arith.constant 3 : i32
    %shift_left3A_262 = vector.broadcast %shift_left3A_261 : i32 to vector<16xi32>
    %shift_left3A_263 = arith.shli %min3A_254, %shift_left3A_262 : vector<16xi32>
    %add3A_264 = arith.addi %shift_left3A_260, %shift_left3A_263 : vector<16xi32>
    %and3A_265 = arith.constant 7 : i32
    %and3A_266 = vector.broadcast %and3A_265 : i32 to vector<16xi32>
    %and3A_267 = arith.andi %add3A_245, %and3A_266 : vector<16xi32>
    %add3A_268 = arith.addi %add3A_264, %and3A_267 : vector<16xi32>
    %swap3A_269 = arith.constant 96 : index
    %swap3A_270 = tpu.vector_load %arg8[%swap3A_269] {strides = array<i32>} : memref<128xi32, #tpu.memory_space<vmem>>, vector<16xi32>,
    tpu.vector_store %arg8[%swap3A_269], %add3A_268 {strides = array<i32>} : memref<128xi32, #tpu.memory_space<vmem>>, vector<16xi32>,
    %slice3A_271 = vector.extract_strided_slice %get3A_65 {offsets = [7], sizes = [1], strides = [1]} : vector<16xi32> to vector<1xi32>
    %squeeze3A_272 = vector.extract %slice3A_271[0] : i32 from vector<1xi32>
    %add3A_273 = arith.addi %mul3A_4, %squeeze3A_272 : i32
    %add3A_274 = vector.broadcast %add3A_273 : i32 to vector<16xi32>
    %add3A_275 = arith.addi %add3A_274, %shift_right_logical3A_6 : vector<16xi32>
    %slice3A_276 = vector.extract_strided_slice %get3A_63 {offsets = [7], sizes = [1], strides = [1]} : vector<16xi32> to vector<1xi32>
    %squeeze3A_277 = vector.extract %slice3A_276[0] : i32 from vector<1xi32>
    %shift_right_logical3A_278 = arith.constant 7 : i32
    %shift_right_logical3A_279 = arith.shrui %squeeze3A_277, %shift_right_logical3A_278 : i32
    %add3A_280 = vector.broadcast %shift_right_logical3A_279 : i32 to vector<16xi32>
    %add3A_281 = arith.addi %add3A_280, %and3A_8 : vector<16xi32>
    %min3A_282 = arith.constant 63 : i32
    %min3A_283 = vector.broadcast %min3A_282 : i32 to vector<16xi32>
    %min3A_284 = arith.minsi %add3A_281, %min3A_283 : vector<16xi32>
    %shift_right_logical3A_285 = arith.constant 3 : i32
    %shift_right_logical3A_286 = vector.broadcast %shift_right_logical3A_285 : i32 to vector<16xi32>
    %shift_right_logical3A_287 = arith.shrui %add3A_275, %shift_right_logical3A_286 : vector<16xi32>
    %shift_left3A_288 = arith.constant 9 : i32
    %shift_left3A_289 = vector.broadcast %shift_left3A_288 : i32 to vector<16xi32>
    %shift_left3A_290 = arith.shli %shift_right_logical3A_287, %shift_left3A_289 : vector<16xi32>
    %shift_left3A_291 = arith.constant 3 : i32
    %shift_left3A_292 = vector.broadcast %shift_left3A_291 : i32 to vector<16xi32>
    %shift_left3A_293 = arith.shli %min3A_284, %shift_left3A_292 : vector<16xi32>
    %add3A_294 = arith.addi %shift_left3A_290, %shift_left3A_293 : vector<16xi32>
    %and3A_295 = arith.constant 7 : i32
    %and3A_296 = vector.broadcast %and3A_295 : i32 to vector<16xi32>
    %and3A_297 = arith.andi %add3A_275, %and3A_296 : vector<16xi32>
    %add3A_298 = arith.addi %add3A_294, %and3A_297 : vector<16xi32>
    %swap3A_299 = arith.constant 112 : index
    %swap3A_300 = tpu.vector_load %arg8[%swap3A_299] {strides = array<i32>} : memref<128xi32, #tpu.memory_space<vmem>>, vector<16xi32>,
    tpu.vector_store %arg8[%swap3A_299], %add3A_298 {strides = array<i32>} : memref<128xi32, #tpu.memory_space<vmem>>, vector<16xi32>,
    %dma_start3A = arith.constant 0 : i32
    %dma_start3A_301 = arith.constant 0 : i32
    %dma_start3A_302 = tpu.memref_slice %arg2[%dma_start3A, %dma_start3A_301] : memref<131072x128xf32, #tpu.memory_space<hbm>> -> memref<131072x128xf32, #tpu.memory_space<hbm>>
    tpu.enqueue_indirect_dma source(%dma_start3A_302 : memref<131072x128xf32, #tpu.memory_space<hbm>>) target(%arg10 : memref<128x128xf32, #tpu.memory_space<vmem>>) offsets(%arg8 : memref<128xi32, #tpu.memory_space<vmem>>) semaphore(%arg13 : memref<!tpu.dma_semaphore, #tpu.memory_space<semaphore_mem>>)
    %get3A_303 = arith.constant 8 : index
    %get3A_304 = tpu.vector_load %arg6[%get3A_303] {strides = array<i32>} : memref<272xi32, #tpu.memory_space<vmem>>, vector<16xi32>,
    %get3A_305 = arith.constant 8 : index
    %get3A_306 = tpu.vector_load %arg7[%get3A_305] {strides = array<i32>} : memref<272xi32, #tpu.memory_space<vmem>>, vector<16xi32>,
    %slice3A_307 = vector.extract_strided_slice %get3A_306 {offsets = [0], sizes = [1], strides = [1]} : vector<16xi32> to vector<1xi32>
    %squeeze3A_308 = vector.extract %slice3A_307[0] : i32 from vector<1xi32>
    %add3A_309 = arith.addi %mul3A_4, %squeeze3A_308 : i32
    %add3A_310 = vector.broadcast %add3A_309 : i32 to vector<16xi32>
    %add3A_311 = arith.addi %add3A_310, %shift_right_logical3A_6 : vector<16xi32>
    %slice3A_312 = vector.extract_strided_slice %get3A_304 {offsets = [0], sizes = [1], strides = [1]} : vector<16xi32> to vector<1xi32>
    %squeeze3A_313 = vector.extract %slice3A_312[0] : i32 from vector<1xi32>
    %shift_right_logical3A_314 = arith.constant 7 : i32
    %shift_right_logical3A_315 = arith.shrui %squeeze3A_313, %shift_right_logical3A_314 : i32
    %add3A_316 = vector.broadcast %shift_right_logical3A_315 : i32 to vector<16xi32>
    %add3A_317 = arith.addi %add3A_316, %and3A_8 : vector<16xi32>
    %min3A_318 = arith.constant 63 : i32
    %min3A_319 = vector.broadcast %min3A_318 : i32 to vector<16xi32>
    %min3A_320 = arith.minsi %add3A_317, %min3A_319 : vector<16xi32>
    %shift_right_logical3A_321 = arith.constant 3 : i32
    %shift_right_logical3A_322 = vector.broadcast %shift_right_logical3A_321 : i32 to vector<16xi32>
    %shift_right_logical3A_323 = arith.shrui %add3A_311, %shift_right_logical3A_322 : vector<16xi32>
    %shift_left3A_324 = arith.constant 9 : i32
    %shift_left3A_325 = vector.broadcast %shift_left3A_324 : i32 to vector<16xi32>
    %shift_left3A_326 = arith.shli %shift_right_logical3A_323, %shift_left3A_325 : vector<16xi32>
    %shift_left3A_327 = arith.constant 3 : i32
    %shift_left3A_328 = vector.broadcast %shift_left3A_327 : i32 to vector<16xi32>
    %shift_left3A_329 = arith.shli %min3A_320, %shift_left3A_328 : vector<16xi32>
    %add3A_330 = arith.addi %shift_left3A_326, %shift_left3A_329 : vector<16xi32>
    %and3A_331 = arith.constant 7 : i32
    %and3A_332 = vector.broadcast %and3A_331 : i32 to vector<16xi32>
    %and3A_333 = arith.andi %add3A_311, %and3A_332 : vector<16xi32>
    %add3A_334 = arith.addi %add3A_330, %and3A_333 : vector<16xi32>
    %swap3A_335 = arith.constant 0 : index
    %swap3A_336 = tpu.vector_load %arg9[%swap3A_335] {strides = array<i32>} : memref<128xi32, #tpu.memory_space<vmem>>, vector<16xi32>,
    tpu.vector_store %arg9[%swap3A_335], %add3A_334 {strides = array<i32>} : memref<128xi32, #tpu.memory_space<vmem>>, vector<16xi32>,
    %slice3A_337 = vector.extract_strided_slice %get3A_306 {offsets = [1], sizes = [1], strides = [1]} : vector<16xi32> to vector<1xi32>
    %squeeze3A_338 = vector.extract %slice3A_337[0] : i32 from vector<1xi32>
    %add3A_339 = arith.addi %mul3A_4, %squeeze3A_338 : i32
    %add3A_340 = vector.broadcast %add3A_339 : i32 to vector<16xi32>
    %add3A_341 = arith.addi %add3A_340, %shift_right_logical3A_6 : vector<16xi32>
    %slice3A_342 = vector.extract_strided_slice %get3A_304 {offsets = [1], sizes = [1], strides = [1]} : vector<16xi32> to vector<1xi32>
    %squeeze3A_343 = vector.extract %slice3A_342[0] : i32 from vector<1xi32>
    %shift_right_logical3A_344 = arith.constant 7 : i32
    %shift_right_logical3A_345 = arith.shrui %squeeze3A_343, %shift_right_logical3A_344 : i32
    %add3A_346 = vector.broadcast %shift_right_logical3A_345 : i32 to vector<16xi32>
    %add3A_347 = arith.addi %add3A_346, %and3A_8 : vector<16xi32>
    %min3A_348 = arith.constant 63 : i32
    %min3A_349 = vector.broadcast %min3A_348 : i32 to vector<16xi32>
    %min3A_350 = arith.minsi %add3A_347, %min3A_349 : vector<16xi32>
    %shift_right_logical3A_351 = arith.constant 3 : i32
    %shift_right_logical3A_352 = vector.broadcast %shift_right_logical3A_351 : i32 to vector<16xi32>
    %shift_right_logical3A_353 = arith.shrui %add3A_341, %shift_right_logical3A_352 : vector<16xi32>
    %shift_left3A_354 = arith.constant 9 : i32
    %shift_left3A_355 = vector.broadcast %shift_left3A_354 : i32 to vector<16xi32>
    %shift_left3A_356 = arith.shli %shift_right_logical3A_353, %shift_left3A_355 : vector<16xi32>
    %shift_left3A_357 = arith.constant 3 : i32
    %shift_left3A_358 = vector.broadcast %shift_left3A_357 : i32 to vector<16xi32>
    %shift_left3A_359 = arith.shli %min3A_350, %shift_left3A_358 : vector<16xi32>
    %add3A_360 = arith.addi %shift_left3A_356, %shift_left3A_359 : vector<16xi32>
    %and3A_361 = arith.constant 7 : i32
    %and3A_362 = vector.broadcast %and3A_361 : i32 to vector<16xi32>
    %and3A_363 = arith.andi %add3A_341, %and3A_362 : vector<16xi32>
    %add3A_364 = arith.addi %add3A_360, %and3A_363 : vector<16xi32>
    %swap3A_365 = arith.constant 16 : index
    %swap3A_366 = tpu.vector_load %arg9[%swap3A_365] {strides = array<i32>} : memref<128xi32, #tpu.memory_space<vmem>>, vector<16xi32>,
    tpu.vector_store %arg9[%swap3A_365], %add3A_364 {strides = array<i32>} : memref<128xi32, #tpu.memory_space<vmem>>, vector<16xi32>,
    %slice3A_367 = vector.extract_strided_slice %get3A_306 {offsets = [2], sizes = [1], strides = [1]} : vector<16xi32> to vector<1xi32>
    %squeeze3A_368 = vector.extract %slice3A_367[0] : i32 from vector<1xi32>
    %add3A_369 = arith.addi %mul3A_4, %squeeze3A_368 : i32
    %add3A_370 = vector.broadcast %add3A_369 : i32 to vector<16xi32>
    %add3A_371 = arith.addi %add3A_370, %shift_right_logical3A_6 : vector<16xi32>
    %slice3A_372 = vector.extract_strided_slice %get3A_304 {offsets = [2], sizes = [1], strides = [1]} : vector<16xi32> to vector<1xi32>
    %squeeze3A_373 = vector.extract %slice3A_372[0] : i32 from vector<1xi32>
    %shift_right_logical3A_374 = arith.constant 7 : i32
    %shift_right_logical3A_375 = arith.shrui %squeeze3A_373, %shift_right_logical3A_374 : i32
    %add3A_376 = vector.broadcast %shift_right_logical3A_375 : i32 to vector<16xi32>
    %add3A_377 = arith.addi %add3A_376, %and3A_8 : vector<16xi32>
    %min3A_378 = arith.constant 63 : i32
    %min3A_379 = vector.broadcast %min3A_378 : i32 to vector<16xi32>
    %min3A_380 = arith.minsi %add3A_377, %min3A_379 : vector<16xi32>
    %shift_right_logical3A_381 = arith.constant 3 : i32
    %shift_right_logical3A_382 = vector.broadcast %shift_right_logical3A_381 : i32 to vector<16xi32>
    %shift_right_logical3A_383 = arith.shrui %add3A_371, %shift_right_logical3A_382 : vector<16xi32>
    %shift_left3A_384 = arith.constant 9 : i32
    %shift_left3A_385 = vector.broadcast %shift_left3A_384 : i32 to vector<16xi32>
    %shift_left3A_386 = arith.shli %shift_right_logical3A_383, %shift_left3A_385 : vector<16xi32>
    %shift_left3A_387 = arith.constant 3 : i32
    %shift_left3A_388 = vector.broadcast %shift_left3A_387 : i32 to vector<16xi32>
    %shift_left3A_389 = arith.shli %min3A_380, %shift_left3A_388 : vector<16xi32>
    %add3A_390 = arith.addi %shift_left3A_386, %shift_left3A_389 : vector<16xi32>
    %and3A_391 = arith.constant 7 : i32
    %and3A_392 = vector.broadcast %and3A_391 : i32 to vector<16xi32>
    %and3A_393 = arith.andi %add3A_371, %and3A_392 : vector<16xi32>
    %add3A_394 = arith.addi %add3A_390, %and3A_393 : vector<16xi32>
    %swap3A_395 = arith.constant 32 : index
    %swap3A_396 = tpu.vector_load %arg9[%swap3A_395] {strides = array<i32>} : memref<128xi32, #tpu.memory_space<vmem>>, vector<16xi32>,
    tpu.vector_store %arg9[%swap3A_395], %add3A_394 {strides = array<i32>} : memref<128xi32, #tpu.memory_space<vmem>>, vector<16xi32>,
    %slice3A_397 = vector.extract_strided_slice %get3A_306 {offsets = [3], sizes = [1], strides = [1]} : vector<16xi32> to vector<1xi32>
    %squeeze3A_398 = vector.extract %slice3A_397[0] : i32 from vector<1xi32>
    %add3A_399 = arith.addi %mul3A_4, %squeeze3A_398 : i32
    %add3A_400 = vector.broadcast %add3A_399 : i32 to vector<16xi32>
    %add3A_401 = arith.addi %add3A_400, %shift_right_logical3A_6 : vector<16xi32>
    %slice3A_402 = vector.extract_strided_slice %get3A_304 {offsets = [3], sizes = [1], strides = [1]} : vector<16xi32> to vector<1xi32>
    %squeeze3A_403 = vector.extract %slice3A_402[0] : i32 from vector<1xi32>
    %shift_right_logical3A_404 = arith.constant 7 : i32
    %shift_right_logical3A_405 = arith.shrui %squeeze3A_403, %shift_right_logical3A_404 : i32
    %add3A_406 = vector.broadcast %shift_right_logical3A_405 : i32 to vector<16xi32>
    %add3A_407 = arith.addi %add3A_406, %and3A_8 : vector<16xi32>
    %min3A_408 = arith.constant 63 : i32
    %min3A_409 = vector.broadcast %min3A_408 : i32 to vector<16xi32>
    %min3A_410 = arith.minsi %add3A_407, %min3A_409 : vector<16xi32>
    %shift_right_logical3A_411 = arith.constant 3 : i32
    %shift_right_logical3A_412 = vector.broadcast %shift_right_logical3A_411 : i32 to vector<16xi32>
    %shift_right_logical3A_413 = arith.shrui %add3A_401, %shift_right_logical3A_412 : vector<16xi32>
    %shift_left3A_414 = arith.constant 9 : i32
    %shift_left3A_415 = vector.broadcast %shift_left3A_414 : i32 to vector<16xi32>
    %shift_left3A_416 = arith.shli %shift_right_logical3A_413, %shift_left3A_415 : vector<16xi32>
    %shift_left3A_417 = arith.constant 3 : i32
    %shift_left3A_418 = vector.broadcast %shift_left3A_417 : i32 to vector<16xi32>
    %shift_left3A_419 = arith.shli %min3A_410, %shift_left3A_418 : vector<16xi32>
    %add3A_420 = arith.addi %shift_left3A_416, %shift_left3A_419 : vector<16xi32>
    %and3A_421 = arith.constant 7 : i32
    %and3A_422 = vector.broadcast %and3A_421 : i32 to vector<16xi32>
    %and3A_423 = arith.andi %add3A_401, %and3A_422 : vector<16xi32>
    %add3A_424 = arith.addi %add3A_420, %and3A_423 : vector<16xi32>
    %swap3A_425 = arith.constant 48 : index
    %swap3A_426 = tpu.vector_load %arg9[%swap3A_425] {strides = array<i32>} : memref<128xi32, #tpu.memory_space<vmem>>, vector<16xi32>,
    tpu.vector_store %arg9[%swap3A_425], %add3A_424 {strides = array<i32>} : memref<128xi32, #tpu.memory_space<vmem>>, vector<16xi32>,
    %slice3A_427 = vector.extract_strided_slice %get3A_306 {offsets = [4], sizes = [1], strides = [1]} : vector<16xi32> to vector<1xi32>
    %squeeze3A_428 = vector.extract %slice3A_427[0] : i32 from vector<1xi32>
    %add3A_429 = arith.addi %mul3A_4, %squeeze3A_428 : i32
    %add3A_430 = vector.broadcast %add3A_429 : i32 to vector<16xi32>
    %add3A_431 = arith.addi %add3A_430, %shift_right_logical3A_6 : vector<16xi32>
    %slice3A_432 = vector.extract_strided_slice %get3A_304 {offsets = [4], sizes = [1], strides = [1]} : vector<16xi32> to vector<1xi32>
    %squeeze3A_433 = vector.extract %slice3A_432[0] : i32 from vector<1xi32>
    %shift_right_logical3A_434 = arith.constant 7 : i32
    %shift_right_logical3A_435 = arith.shrui %squeeze3A_433, %shift_right_logical3A_434 : i32
    %add3A_436 = vector.broadcast %shift_right_logical3A_435 : i32 to vector<16xi32>
    %add3A_437 = arith.addi %add3A_436, %and3A_8 : vector<16xi32>
    %min3A_438 = arith.constant 63 : i32
    %min3A_439 = vector.broadcast %min3A_438 : i32 to vector<16xi32>
    %min3A_440 = arith.minsi %add3A_437, %min3A_439 : vector<16xi32>
    %shift_right_logical3A_441 = arith.constant 3 : i32
    %shift_right_logical3A_442 = vector.broadcast %shift_right_logical3A_441 : i32 to vector<16xi32>
    %shift_right_logical3A_443 = arith.shrui %add3A_431, %shift_right_logical3A_442 : vector<16xi32>
    %shift_left3A_444 = arith.constant 9 : i32
    %shift_left3A_445 = vector.broadcast %shift_left3A_444 : i32 to vector<16xi32>
    %shift_left3A_446 = arith.shli %shift_right_logical3A_443, %shift_left3A_445 : vector<16xi32>
    %shift_left3A_447 = arith.constant 3 : i32
    %shift_left3A_448 = vector.broadcast %shift_left3A_447 : i32 to vector<16xi32>
    %shift_left3A_449 = arith.shli %min3A_440, %shift_left3A_448 : vector<16xi32>
    %add3A_450 = arith.addi %shift_left3A_446, %shift_left3A_449 : vector<16xi32>
    %and3A_451 = arith.constant 7 : i32
    %and3A_452 = vector.broadcast %and3A_451 : i32 to vector<16xi32>
    %and3A_453 = arith.andi %add3A_431, %and3A_452 : vector<16xi32>
    %add3A_454 = arith.addi %add3A_450, %and3A_453 : vector<16xi32>
    %swap3A_455 = arith.constant 64 : index
    %swap3A_456 = tpu.vector_load %arg9[%swap3A_455] {strides = array<i32>} : memref<128xi32, #tpu.memory_space<vmem>>, vector<16xi32>,
    tpu.vector_store %arg9[%swap3A_455], %add3A_454 {strides = array<i32>} : memref<128xi32, #tpu.memory_space<vmem>>, vector<16xi32>,
    %slice3A_457 = vector.extract_strided_slice %get3A_306 {offsets = [5], sizes = [1], strides = [1]} : vector<16xi32> to vector<1xi32>
    %squeeze3A_458 = vector.extract %slice3A_457[0] : i32 from vector<1xi32>
    %add3A_459 = arith.addi %mul3A_4, %squeeze3A_458 : i32
    %add3A_460 = vector.broadcast %add3A_459 : i32 to vector<16xi32>
    %add3A_461 = arith.addi %add3A_460, %shift_right_logical3A_6 : vector<16xi32>
    %slice3A_462 = vector.extract_strided_slice %get3A_304 {offsets = [5], sizes = [1], strides = [1]} : vector<16xi32> to vector<1xi32>
    %squeeze3A_463 = vector.extract %slice3A_462[0] : i32 from vector<1xi32>
    %shift_right_logical3A_464 = arith.constant 7 : i32
    %shift_right_logical3A_465 = arith.shrui %squeeze3A_463, %shift_right_logical3A_464 : i32
    %add3A_466 = vector.broadcast %shift_right_logical3A_465 : i32 to vector<16xi32>
    %add3A_467 = arith.addi %add3A_466, %and3A_8 : vector<16xi32>
    %min3A_468 = arith.constant 63 : i32
    %min3A_469 = vector.broadcast %min3A_468 : i32 to vector<16xi32>
    %min3A_470 = arith.minsi %add3A_467, %min3A_469 : vector<16xi32>
    %shift_right_logical3A_471 = arith.constant 3 : i32
    %shift_right_logical3A_472 = vector.broadcast %shift_right_logical3A_471 : i32 to vector<16xi32>
    %shift_right_logical3A_473 = arith.shrui %add3A_461, %shift_right_logical3A_472 : vector<16xi32>
    %shift_left3A_474 = arith.constant 9 : i32
    %shift_left3A_475 = vector.broadcast %shift_left3A_474 : i32 to vector<16xi32>
    %shift_left3A_476 = arith.shli %shift_right_logical3A_473, %shift_left3A_475 : vector<16xi32>
    %shift_left3A_477 = arith.constant 3 : i32
    %shift_left3A_478 = vector.broadcast %shift_left3A_477 : i32 to vector<16xi32>
    %shift_left3A_479 = arith.shli %min3A_470, %shift_left3A_478 : vector<16xi32>
    %add3A_480 = arith.addi %shift_left3A_476, %shift_left3A_479 : vector<16xi32>
    %and3A_481 = arith.constant 7 : i32
    %and3A_482 = vector.broadcast %and3A_481 : i32 to vector<16xi32>
    %and3A_483 = arith.andi %add3A_461, %and3A_482 : vector<16xi32>
    %add3A_484 = arith.addi %add3A_480, %and3A_483 : vector<16xi32>
    %swap3A_485 = arith.constant 80 : index
    %swap3A_486 = tpu.vector_load %arg9[%swap3A_485] {strides = array<i32>} : memref<128xi32, #tpu.memory_space<vmem>>, vector<16xi32>,
    tpu.vector_store %arg9[%swap3A_485], %add3A_484 {strides = array<i32>} : memref<128xi32, #tpu.memory_space<vmem>>, vector<16xi32>,
    %slice3A_487 = vector.extract_strided_slice %get3A_306 {offsets = [6], sizes = [1], strides = [1]} : vector<16xi32> to vector<1xi32>
    %squeeze3A_488 = vector.extract %slice3A_487[0] : i32 from vector<1xi32>
    %add3A_489 = arith.addi %mul3A_4, %squeeze3A_488 : i32
    %add3A_490 = vector.broadcast %add3A_489 : i32 to vector<16xi32>
    %add3A_491 = arith.addi %add3A_490, %shift_right_logical3A_6 : vector<16xi32>
    %slice3A_492 = vector.extract_strided_slice %get3A_304 {offsets = [6], sizes = [1], strides = [1]} : vector<16xi32> to vector<1xi32>
    %squeeze3A_493 = vector.extract %slice3A_492[0] : i32 from vector<1xi32>
    %shift_right_logical3A_494 = arith.constant 7 : i32
    %shift_right_logical3A_495 = arith.shrui %squeeze3A_493, %shift_right_logical3A_494 : i32
    %add3A_496 = vector.broadcast %shift_right_logical3A_495 : i32 to vector<16xi32>
    %add3A_497 = arith.addi %add3A_496, %and3A_8 : vector<16xi32>
    %min3A_498 = arith.constant 63 : i32
    %min3A_499 = vector.broadcast %min3A_498 : i32 to vector<16xi32>
    %min3A_500 = arith.minsi %add3A_497, %min3A_499 : vector<16xi32>
    %shift_right_logical3A_501 = arith.constant 3 : i32
    %shift_right_logical3A_502 = vector.broadcast %shift_right_logical3A_501 : i32 to vector<16xi32>
    %shift_right_logical3A_503 = arith.shrui %add3A_491, %shift_right_logical3A_502 : vector<16xi32>
    %shift_left3A_504 = arith.constant 9 : i32
    %shift_left3A_505 = vector.broadcast %shift_left3A_504 : i32 to vector<16xi32>
    %shift_left3A_506 = arith.shli %shift_right_logical3A_503, %shift_left3A_505 : vector<16xi32>
    %shift_left3A_507 = arith.constant 3 : i32
    %shift_left3A_508 = vector.broadcast %shift_left3A_507 : i32 to vector<16xi32>
    %shift_left3A_509 = arith.shli %min3A_500, %shift_left3A_508 : vector<16xi32>
    %add3A_510 = arith.addi %shift_left3A_506, %shift_left3A_509 : vector<16xi32>
    %and3A_511 = arith.constant 7 : i32
    %and3A_512 = vector.broadcast %and3A_511 : i32 to vector<16xi32>
    %and3A_513 = arith.andi %add3A_491, %and3A_512 : vector<16xi32>
    %add3A_514 = arith.addi %add3A_510, %and3A_513 : vector<16xi32>
    %swap3A_515 = arith.constant 96 : index
    %swap3A_516 = tpu.vector_load %arg9[%swap3A_515] {strides = array<i32>} : memref<128xi32, #tpu.memory_space<vmem>>, vector<16xi32>,
    tpu.vector_store %arg9[%swap3A_515], %add3A_514 {strides = array<i32>} : memref<128xi32, #tpu.memory_space<vmem>>, vector<16xi32>,
    %slice3A_517 = vector.extract_strided_slice %get3A_306 {offsets = [7], sizes = [1], strides = [1]} : vector<16xi32> to vector<1xi32>
    %squeeze3A_518 = vector.extract %slice3A_517[0] : i32 from vector<1xi32>
    %add3A_519 = arith.addi %mul3A_4, %squeeze3A_518 : i32
    %add3A_520 = vector.broadcast %add3A_519 : i32 to vector<16xi32>
    %add3A_521 = arith.addi %add3A_520, %shift_right_logical3A_6 : vector<16xi32>
    %slice3A_522 = vector.extract_strided_slice %get3A_304 {offsets = [7], sizes = [1], strides = [1]} : vector<16xi32> to vector<1xi32>
    %squeeze3A_523 = vector.extract %slice3A_522[0] : i32 from vector<1xi32>
    %shift_right_logical3A_524 = arith.constant 7 : i32
    %shift_right_logical3A_525 = arith.shrui %squeeze3A_523, %shift_right_logical3A_524 : i32
    %add3A_526 = vector.broadcast %shift_right_logical3A_525 : i32 to vector<16xi32>
    %add3A_527 = arith.addi %add3A_526, %and3A_8 : vector<16xi32>
    %min3A_528 = arith.constant 63 : i32
    %min3A_529 = vector.broadcast %min3A_528 : i32 to vector<16xi32>
    %min3A_530 = arith.minsi %add3A_527, %min3A_529 : vector<16xi32>
    %shift_right_logical3A_531 = arith.constant 3 : i32
    %shift_right_logical3A_532 = vector.broadcast %shift_right_logical3A_531 : i32 to vector<16xi32>
    %shift_right_logical3A_533 = arith.shrui %add3A_521, %shift_right_logical3A_532 : vector<16xi32>
    %shift_left3A_534 = arith.constant 9 : i32
    %shift_left3A_535 = vector.broadcast %shift_left3A_534 : i32 to vector<16xi32>
    %shift_left3A_536 = arith.shli %shift_right_logical3A_533, %shift_left3A_535 : vector<16xi32>
    %shift_left3A_537 = arith.constant 3 : i32
    %shift_left3A_538 = vector.broadcast %shift_left3A_537 : i32 to vector<16xi32>
    %shift_left3A_539 = arith.shli %min3A_530, %shift_left3A_538 : vector<16xi32>
    %add3A_540 = arith.addi %shift_left3A_536, %shift_left3A_539 : vector<16xi32>
    %and3A_541 = arith.constant 7 : i32
    %and3A_542 = vector.broadcast %and3A_541 : i32 to vector<16xi32>
    %and3A_543 = arith.andi %add3A_521, %and3A_542 : vector<16xi32>
    %add3A_544 = arith.addi %add3A_540, %and3A_543 : vector<16xi32>
    %swap3A_545 = arith.constant 112 : index
    %swap3A_546 = tpu.vector_load %arg9[%swap3A_545] {strides = array<i32>} : memref<128xi32, #tpu.memory_space<vmem>>, vector<16xi32>,
    tpu.vector_store %arg9[%swap3A_545], %add3A_544 {strides = array<i32>} : memref<128xi32, #tpu.memory_space<vmem>>, vector<16xi32>,
    %dma_start3A_547 = arith.constant 0 : i32
    %dma_start3A_548 = arith.constant 0 : i32
    %dma_start3A_549 = tpu.memref_slice %arg2[%dma_start3A_547, %dma_start3A_548] : memref<131072x128xf32, #tpu.memory_space<hbm>> -> memref<131072x128xf32, #tpu.memory_space<hbm>>
    tpu.enqueue_indirect_dma source(%dma_start3A_549 : memref<131072x128xf32, #tpu.memory_space<hbm>>) target(%arg11 : memref<128x128xf32, #tpu.memory_space<vmem>>) offsets(%arg9 : memref<128xi32, #tpu.memory_space<vmem>>) semaphore(%arg14 : memref<!tpu.dma_semaphore, #tpu.memory_space<semaphore_mem>>)
    %scan3A = arith.constant 0 : i32
    %scan3A_550 = arith.constant 0 : i32
    %scan3A_551 = arith.constant 16 : i32
    %scan3A_552 = arith.addi %scan3A_550, %scan3A_551 : i32
    %scan3A_553 = arith.constant 1 : i32
    scf.for %scan3A_557 = %scan3A_550 to %scan3A_552 step %scan3A_553  : i32 {
      %mul3A_558 = arith.constant 2 : i32
      %mul3A_559 = arith.muli %scan3A_557, %mul3A_558 : i32
      %dma_wait3A = arith.constant 0 : i32
      %dma_wait3A_560 = arith.constant 0 : i32
      %dma_wait3A_561 = tpu.memref_slice %arg2[%dma_wait3A, %dma_wait3A_560] : memref<131072x128xf32, #tpu.memory_space<hbm>> -> memref<128x128xf32, #tpu.memory_space<hbm>>
      %dma_wait3A_562 = arith.constant 0 : i32
      %dma_wait3A_563 = arith.constant 0 : i32
      %dma_wait3A_564 = tpu.memref_slice %arg2[%dma_wait3A_562, %dma_wait3A_563] : memref<131072x128xf32, #tpu.memory_space<hbm>> -> memref<128x128xf32, #tpu.memory_space<hbm>>
      tpu.wait_dma2 semaphore(%arg13 : memref<!tpu.dma_semaphore, #tpu.memory_space<semaphore_mem>>) src(%dma_wait3A_564 : memref<128x128xf32, #tpu.memory_space<hbm>>) dst(%arg10 : memref<128x128xf32, #tpu.memory_space<vmem>>)
      %mul3A_565 = arith.constant 8 : i32
      %mul3A_566 = arith.muli %mul3A_559, %mul3A_565 : i32
      %get3A_567 = arith.index_cast %mul3A_566 : i32 to index
      %get3A_568 = tpu.vector_load %arg6[%get3A_567] {strides = array<i32>} : memref<272xi32, #tpu.memory_space<vmem>>, vector<16xi32>,
      %mul3A_569 = arith.constant 8 : i32
      %mul3A_570 = arith.muli %mul3A_559, %mul3A_569 : i32
      %add3A_571 = arith.constant 0 : i32
      %add3A_572 = arith.addi %mul3A_570, %add3A_571 : i32
      %slice3A_573 = vector.extract_strided_slice %get3A_568 {offsets = [0], sizes = [1], strides = [1]} : vector<16xi32> to vector<1xi32>
      %squeeze3A_574 = vector.extract %slice3A_573[0] : i32 from vector<1xi32>
      %and3A_575 = arith.constant 127 : i32
      %and3A_576 = arith.andi %squeeze3A_574, %and3A_575 : i32
      %broadcast_in_dim3A = vector.broadcast %and3A_576 : i32 to vector<16xi32>
      %add3A_577 = arith.constant 0 : i32
      %add3A_578 = vector.broadcast %add3A_577 : i32 to vector<16xi32>
      %add3A_579 = arith.addi %mul3A_14, %add3A_578 : vector<16xi32>
      %add3A_580 = arith.addi %broadcast_in_dim3A, %add3A_20 : vector<16xi32>
      %shift_right_logical3A_581 = arith.constant 7 : i32
      %shift_right_logical3A_582 = vector.broadcast %shift_right_logical3A_581 : i32 to vector<16xi32>
      %shift_right_logical3A_583 = arith.shrui %add3A_580, %shift_right_logical3A_582 : vector<16xi32>
      %add3A_584 = arith.addi %add3A_579, %shift_right_logical3A_583 : vector<16xi32>
      %and3A_585 = arith.constant 127 : i32
      %and3A_586 = vector.broadcast %and3A_585 : i32 to vector<16xi32>
      %and3A_587 = arith.andi %add3A_580, %and3A_586 : vector<16xi32>
      %gather3A = tpu.vector_load_idx %arg10[%add3A_584, %and3A_587] : memref<128x128xf32, #tpu.memory_space<vmem>>[vector<16xi32>, vector<16xi32>], vector<16xf32>,
      %mul3A_588 = arith.constant 128 : i32
      %mul3A_589 = arith.muli %add3A_572, %mul3A_588 : i32
      %add3A_590 = arith.constant 0 : i32
      %add3A_591 = arith.addi %mul3A_589, %add3A_590 : i32
      %swap3A_592 = arith.index_cast %add3A_591 : i32 to index
      %swap3A_593 = tpu.vector_load %arg12[%swap3A_592] {strides = array<i32>} : memref<32768xf32, #tpu.memory_space<vmem>>, vector<16xf32>,
      tpu.vector_store %arg12[%swap3A_592], %gather3A {strides = array<i32>} : memref<32768xf32, #tpu.memory_space<vmem>>, vector<16xf32>,
      %add3A_594 = arith.addi %broadcast_in_dim3A, %add3A_26 : vector<16xi32>
      %shift_right_logical3A_595 = arith.constant 7 : i32
      %shift_right_logical3A_596 = vector.broadcast %shift_right_logical3A_595 : i32 to vector<16xi32>
      %shift_right_logical3A_597 = arith.shrui %add3A_594, %shift_right_logical3A_596 : vector<16xi32>
      %add3A_598 = arith.addi %add3A_579, %shift_right_logical3A_597 : vector<16xi32>
      %and3A_599 = arith.constant 127 : i32
      %and3A_600 = vector.broadcast %and3A_599 : i32 to vector<16xi32>
      %and3A_601 = arith.andi %add3A_594, %and3A_600 : vector<16xi32>
      %gather3A_602 = tpu.vector_load_idx %arg10[%add3A_598, %and3A_601] : memref<128x128xf32, #tpu.memory_space<vmem>>[vector<16xi32>, vector<16xi32>], vector<16xf32>,
      %mul3A_603 = arith.constant 128 : i32
      %mul3A_604 = arith.muli %add3A_572, %mul3A_603 : i32
      %add3A_605 = arith.constant 16 : i32
      %add3A_606 = arith.addi %mul3A_604, %add3A_605 : i32
      %swap3A_607 = arith.index_cast %add3A_606 : i32 to index
      %swap3A_608 = tpu.vector_load %arg12[%swap3A_607] {strides = array<i32>} : memref<32768xf32, #tpu.memory_space<vmem>>, vector<16xf32>,
      tpu.vector_store %arg12[%swap3A_607], %gather3A_602 {strides = array<i32>} : memref<32768xf32, #tpu.memory_space<vmem>>, vector<16xf32>,
      %add3A_609 = arith.addi %broadcast_in_dim3A, %add3A_32 : vector<16xi32>
      %shift_right_logical3A_610 = arith.constant 7 : i32
      %shift_right_logical3A_611 = vector.broadcast %shift_right_logical3A_610 : i32 to vector<16xi32>
      %shift_right_logical3A_612 = arith.shrui %add3A_609, %shift_right_logical3A_611 : vector<16xi32>
      %add3A_613 = arith.addi %add3A_579, %shift_right_logical3A_612 : vector<16xi32>
      %and3A_614 = arith.constant 127 : i32
      %and3A_615 = vector.broadcast %and3A_614 : i32 to vector<16xi32>
      %and3A_616 = arith.andi %add3A_609, %and3A_615 : vector<16xi32>
      %gather3A_617 = tpu.vector_load_idx %arg10[%add3A_613, %and3A_616] : memref<128x128xf32, #tpu.memory_space<vmem>>[vector<16xi32>, vector<16xi32>], vector<16xf32>,
      %mul3A_618 = arith.constant 128 : i32
      %mul3A_619 = arith.muli %add3A_572, %mul3A_618 : i32
      %add3A_620 = arith.constant 32 : i32
      %add3A_621 = arith.addi %mul3A_619, %add3A_620 : i32
      %swap3A_622 = arith.index_cast %add3A_621 : i32 to index
      %swap3A_623 = tpu.vector_load %arg12[%swap3A_622] {strides = array<i32>} : memref<32768xf32, #tpu.memory_space<vmem>>, vector<16xf32>,
      tpu.vector_store %arg12[%swap3A_622], %gather3A_617 {strides = array<i32>} : memref<32768xf32, #tpu.memory_space<vmem>>, vector<16xf32>,
      %add3A_624 = arith.addi %broadcast_in_dim3A, %add3A_38 : vector<16xi32>
      %shift_right_logical3A_625 = arith.constant 7 : i32
      %shift_right_logical3A_626 = vector.broadcast %shift_right_logical3A_625 : i32 to vector<16xi32>
      %shift_right_logical3A_627 = arith.shrui %add3A_624, %shift_right_logical3A_626 : vector<16xi32>
      %add3A_628 = arith.addi %add3A_579, %shift_right_logical3A_627 : vector<16xi32>
      %and3A_629 = arith.constant 127 : i32
      %and3A_630 = vector.broadcast %and3A_629 : i32 to vector<16xi32>
      %and3A_631 = arith.andi %add3A_624, %and3A_630 : vector<16xi32>
      %gather3A_632 = tpu.vector_load_idx %arg10[%add3A_628, %and3A_631] : memref<128x128xf32, #tpu.memory_space<vmem>>[vector<16xi32>, vector<16xi32>], vector<16xf32>,
      %mul3A_633 = arith.constant 128 : i32
      %mul3A_634 = arith.muli %add3A_572, %mul3A_633 : i32
      %add3A_635 = arith.constant 48 : i32
      %add3A_636 = arith.addi %mul3A_634, %add3A_635 : i32
      %swap3A_637 = arith.index_cast %add3A_636 : i32 to index
      %swap3A_638 = tpu.vector_load %arg12[%swap3A_637] {strides = array<i32>} : memref<32768xf32, #tpu.memory_space<vmem>>, vector<16xf32>,
      tpu.vector_store %arg12[%swap3A_637], %gather3A_632 {strides = array<i32>} : memref<32768xf32, #tpu.memory_space<vmem>>, vector<16xf32>,
      %add3A_639 = arith.addi %broadcast_in_dim3A, %add3A_44 : vector<16xi32>
      %shift_right_logical3A_640 = arith.constant 7 : i32
      %shift_right_logical3A_641 = vector.broadcast %shift_right_logical3A_640 : i32 to vector<16xi32>
      %shift_right_logical3A_642 = arith.shrui %add3A_639, %shift_right_logical3A_641 : vector<16xi32>
      %add3A_643 = arith.addi %add3A_579, %shift_right_logical3A_642 : vector<16xi32>
      %and3A_644 = arith.constant 127 : i32
      %and3A_645 = vector.broadcast %and3A_644 : i32 to vector<16xi32>
      %and3A_646 = arith.andi %add3A_639, %and3A_645 : vector<16xi32>
      %gather3A_647 = tpu.vector_load_idx %arg10[%add3A_643, %and3A_646] : memref<128x128xf32, #tpu.memory_space<vmem>>[vector<16xi32>, vector<16xi32>], vector<16xf32>,
      %mul3A_648 = arith.constant 128 : i32
      %mul3A_649 = arith.muli %add3A_572, %mul3A_648 : i32
      %add3A_650 = arith.constant 64 : i32
      %add3A_651 = arith.addi %mul3A_649, %add3A_650 : i32
      %swap3A_652 = arith.index_cast %add3A_651 : i32 to index
      %swap3A_653 = tpu.vector_load %arg12[%swap3A_652] {strides = array<i32>} : memref<32768xf32, #tpu.memory_space<vmem>>, vector<16xf32>,
      tpu.vector_store %arg12[%swap3A_652], %gather3A_647 {strides = array<i32>} : memref<32768xf32, #tpu.memory_space<vmem>>, vector<16xf32>,
      %add3A_654 = arith.addi %broadcast_in_dim3A, %add3A_50 : vector<16xi32>
      %shift_right_logical3A_655 = arith.constant 7 : i32
      %shift_right_logical3A_656 = vector.broadcast %shift_right_logical3A_655 : i32 to vector<16xi32>
      %shift_right_logical3A_657 = arith.shrui %add3A_654, %shift_right_logical3A_656 : vector<16xi32>
      %add3A_658 = arith.addi %add3A_579, %shift_right_logical3A_657 : vector<16xi32>
      %and3A_659 = arith.constant 127 : i32
      %and3A_660 = vector.broadcast %and3A_659 : i32 to vector<16xi32>
      %and3A_661 = arith.andi %add3A_654, %and3A_660 : vector<16xi32>
      %gather3A_662 = tpu.vector_load_idx %arg10[%add3A_658, %and3A_661] : memref<128x128xf32, #tpu.memory_space<vmem>>[vector<16xi32>, vector<16xi32>], vector<16xf32>,
      %mul3A_663 = arith.constant 128 : i32
      %mul3A_664 = arith.muli %add3A_572, %mul3A_663 : i32
      %add3A_665 = arith.constant 80 : i32
      %add3A_666 = arith.addi %mul3A_664, %add3A_665 : i32
      %swap3A_667 = arith.index_cast %add3A_666 : i32 to index
      %swap3A_668 = tpu.vector_load %arg12[%swap3A_667] {strides = array<i32>} : memref<32768xf32, #tpu.memory_space<vmem>>, vector<16xf32>,
      tpu.vector_store %arg12[%swap3A_667], %gather3A_662 {strides = array<i32>} : memref<32768xf32, #tpu.memory_space<vmem>>, vector<16xf32>,
      %add3A_669 = arith.addi %broadcast_in_dim3A, %add3A_56 : vector<16xi32>
      %shift_right_logical3A_670 = arith.constant 7 : i32
      %shift_right_logical3A_671 = vector.broadcast %shift_right_logical3A_670 : i32 to vector<16xi32>
      %shift_right_logical3A_672 = arith.shrui %add3A_669, %shift_right_logical3A_671 : vector<16xi32>
      %add3A_673 = arith.addi %add3A_579, %shift_right_logical3A_672 : vector<16xi32>
      %and3A_674 = arith.constant 127 : i32
      %and3A_675 = vector.broadcast %and3A_674 : i32 to vector<16xi32>
      %and3A_676 = arith.andi %add3A_669, %and3A_675 : vector<16xi32>
      %gather3A_677 = tpu.vector_load_idx %arg10[%add3A_673, %and3A_676] : memref<128x128xf32, #tpu.memory_space<vmem>>[vector<16xi32>, vector<16xi32>], vector<16xf32>,
      %mul3A_678 = arith.constant 128 : i32
      %mul3A_679 = arith.muli %add3A_572, %mul3A_678 : i32
      %add3A_680 = arith.constant 96 : i32
      %add3A_681 = arith.addi %mul3A_679, %add3A_680 : i32
      %swap3A_682 = arith.index_cast %add3A_681 : i32 to index
      %swap3A_683 = tpu.vector_load %arg12[%swap3A_682] {strides = array<i32>} : memref<32768xf32, #tpu.memory_space<vmem>>, vector<16xf32>,
      tpu.vector_store %arg12[%swap3A_682], %gather3A_677 {strides = array<i32>} : memref<32768xf32, #tpu.memory_space<vmem>>, vector<16xf32>,
      %add3A_684 = arith.addi %broadcast_in_dim3A, %add3A_62 : vector<16xi32>
      %shift_right_logical3A_685 = arith.constant 7 : i32
      %shift_right_logical3A_686 = vector.broadcast %shift_right_logical3A_685 : i32 to vector<16xi32>
      %shift_right_logical3A_687 = arith.shrui %add3A_684, %shift_right_logical3A_686 : vector<16xi32>
      %add3A_688 = arith.addi %add3A_579, %shift_right_logical3A_687 : vector<16xi32>
      %and3A_689 = arith.constant 127 : i32
      %and3A_690 = vector.broadcast %and3A_689 : i32 to vector<16xi32>
      %and3A_691 = arith.andi %add3A_684, %and3A_690 : vector<16xi32>
      %gather3A_692 = tpu.vector_load_idx %arg10[%add3A_688, %and3A_691] : memref<128x128xf32, #tpu.memory_space<vmem>>[vector<16xi32>, vector<16xi32>], vector<16xf32>,
      %mul3A_693 = arith.constant 128 : i32
      %mul3A_694 = arith.muli %add3A_572, %mul3A_693 : i32
      %add3A_695 = arith.constant 112 : i32
      %add3A_696 = arith.addi %mul3A_694, %add3A_695 : i32
      %swap3A_697 = arith.index_cast %add3A_696 : i32 to index
      %swap3A_698 = tpu.vector_load %arg12[%swap3A_697] {strides = array<i32>} : memref<32768xf32, #tpu.memory_space<vmem>>, vector<16xf32>,
      tpu.vector_store %arg12[%swap3A_697], %gather3A_692 {strides = array<i32>} : memref<32768xf32, #tpu.memory_space<vmem>>, vector<16xf32>,
      %mul3A_699 = arith.constant 8 : i32
      %mul3A_700 = arith.muli %mul3A_559, %mul3A_699 : i32
      %add3A_701 = arith.constant 1 : i32
      %add3A_702 = arith.addi %mul3A_700, %add3A_701 : i32
      %slice3A_703 = vector.extract_strided_slice %get3A_568 {offsets = [1], sizes = [1], strides = [1]} : vector<16xi32> to vector<1xi32>
      %squeeze3A_704 = vector.extract %slice3A_703[0] : i32 from vector<1xi32>
      %and3A_705 = arith.constant 127 : i32
      %and3A_706 = arith.andi %squeeze3A_704, %and3A_705 : i32
      %broadcast_in_dim3A_707 = vector.broadcast %and3A_706 : i32 to vector<16xi32>
      %add3A_708 = arith.constant 16 : i32
      %add3A_709 = vector.broadcast %add3A_708 : i32 to vector<16xi32>
      %add3A_710 = arith.addi %mul3A_14, %add3A_709 : vector<16xi32>
      %add3A_711 = arith.addi %broadcast_in_dim3A_707, %add3A_20 : vector<16xi32>
      %shift_right_logical3A_712 = arith.constant 7 : i32
      %shift_right_logical3A_713 = vector.broadcast %shift_right_logical3A_712 : i32 to vector<16xi32>
      %shift_right_logical3A_714 = arith.shrui %add3A_711, %shift_right_logical3A_713 : vector<16xi32>
      %add3A_715 = arith.addi %add3A_710, %shift_right_logical3A_714 : vector<16xi32>
      %and3A_716 = arith.constant 127 : i32
      %and3A_717 = vector.broadcast %and3A_716 : i32 to vector<16xi32>
      %and3A_718 = arith.andi %add3A_711, %and3A_717 : vector<16xi32>
      %gather3A_719 = tpu.vector_load_idx %arg10[%add3A_715, %and3A_718] : memref<128x128xf32, #tpu.memory_space<vmem>>[vector<16xi32>, vector<16xi32>], vector<16xf32>,
      %mul3A_720 = arith.constant 128 : i32
      %mul3A_721 = arith.muli %add3A_702, %mul3A_720 : i32
      %add3A_722 = arith.constant 0 : i32
      %add3A_723 = arith.addi %mul3A_721, %add3A_722 : i32
      %swap3A_724 = arith.index_cast %add3A_723 : i32 to index
      %swap3A_725 = tpu.vector_load %arg12[%swap3A_724] {strides = array<i32>} : memref<32768xf32, #tpu.memory_space<vmem>>, vector<16xf32>,
      tpu.vector_store %arg12[%swap3A_724], %gather3A_719 {strides = array<i32>} : memref<32768xf32, #tpu.memory_space<vmem>>, vector<16xf32>,
      %add3A_726 = arith.addi %broadcast_in_dim3A_707, %add3A_26 : vector<16xi32>
      %shift_right_logical3A_727 = arith.constant 7 : i32
      %shift_right_logical3A_728 = vector.broadcast %shift_right_logical3A_727 : i32 to vector<16xi32>
      %shift_right_logical3A_729 = arith.shrui %add3A_726, %shift_right_logical3A_728 : vector<16xi32>
      %add3A_730 = arith.addi %add3A_710, %shift_right_logical3A_729 : vector<16xi32>
      %and3A_731 = arith.constant 127 : i32
      %and3A_732 = vector.broadcast %and3A_731 : i32 to vector<16xi32>
      %and3A_733 = arith.andi %add3A_726, %and3A_732 : vector<16xi32>
      %gather3A_734 = tpu.vector_load_idx %arg10[%add3A_730, %and3A_733] : memref<128x128xf32, #tpu.memory_space<vmem>>[vector<16xi32>, vector<16xi32>], vector<16xf32>,
      %mul3A_735 = arith.constant 128 : i32
      %mul3A_736 = arith.muli %add3A_702, %mul3A_735 : i32
      %add3A_737 = arith.constant 16 : i32
      %add3A_738 = arith.addi %mul3A_736, %add3A_737 : i32
      %swap3A_739 = arith.index_cast %add3A_738 : i32 to index
      %swap3A_740 = tpu.vector_load %arg12[%swap3A_739] {strides = array<i32>} : memref<32768xf32, #tpu.memory_space<vmem>>, vector<16xf32>,
      tpu.vector_store %arg12[%swap3A_739], %gather3A_734 {strides = array<i32>} : memref<32768xf32, #tpu.memory_space<vmem>>, vector<16xf32>,
      %add3A_741 = arith.addi %broadcast_in_dim3A_707, %add3A_32 : vector<16xi32>
      %shift_right_logical3A_742 = arith.constant 7 : i32
      %shift_right_logical3A_743 = vector.broadcast %shift_right_logical3A_742 : i32 to vector<16xi32>
      %shift_right_logical3A_744 = arith.shrui %add3A_741, %shift_right_logical3A_743 : vector<16xi32>
      %add3A_745 = arith.addi %add3A_710, %shift_right_logical3A_744 : vector<16xi32>
      %and3A_746 = arith.constant 127 : i32
      %and3A_747 = vector.broadcast %and3A_746 : i32 to vector<16xi32>
      %and3A_748 = arith.andi %add3A_741, %and3A_747 : vector<16xi32>
      %gather3A_749 = tpu.vector_load_idx %arg10[%add3A_745, %and3A_748] : memref<128x128xf32, #tpu.memory_space<vmem>>[vector<16xi32>, vector<16xi32>], vector<16xf32>,
      %mul3A_750 = arith.constant 128 : i32
      %mul3A_751 = arith.muli %add3A_702, %mul3A_750 : i32
      %add3A_752 = arith.constant 32 : i32
      %add3A_753 = arith.addi %mul3A_751, %add3A_752 : i32
      %swap3A_754 = arith.index_cast %add3A_753 : i32 to index
      %swap3A_755 = tpu.vector_load %arg12[%swap3A_754] {strides = array<i32>} : memref<32768xf32, #tpu.memory_space<vmem>>, vector<16xf32>,
      tpu.vector_store %arg12[%swap3A_754], %gather3A_749 {strides = array<i32>} : memref<32768xf32, #tpu.memory_space<vmem>>, vector<16xf32>,
      %add3A_756 = arith.addi %broadcast_in_dim3A_707, %add3A_38 : vector<16xi32>
      %shift_right_logical3A_757 = arith.constant 7 : i32
      %shift_right_logical3A_758 = vector.broadcast %shift_right_logical3A_757 : i32 to vector<16xi32>
      %shift_right_logical3A_759 = arith.shrui %add3A_756, %shift_right_logical3A_758 : vector<16xi32>
      %add3A_760 = arith.addi %add3A_710, %shift_right_logical3A_759 : vector<16xi32>
      %and3A_761 = arith.constant 127 : i32
      %and3A_762 = vector.broadcast %and3A_761 : i32 to vector<16xi32>
      %and3A_763 = arith.andi %add3A_756, %and3A_762 : vector<16xi32>
      %gather3A_764 = tpu.vector_load_idx %arg10[%add3A_760, %and3A_763] : memref<128x128xf32, #tpu.memory_space<vmem>>[vector<16xi32>, vector<16xi32>], vector<16xf32>,
      %mul3A_765 = arith.constant 128 : i32
      %mul3A_766 = arith.muli %add3A_702, %mul3A_765 : i32
      %add3A_767 = arith.constant 48 : i32
      %add3A_768 = arith.addi %mul3A_766, %add3A_767 : i32
      %swap3A_769 = arith.index_cast %add3A_768 : i32 to index
      %swap3A_770 = tpu.vector_load %arg12[%swap3A_769] {strides = array<i32>} : memref<32768xf32, #tpu.memory_space<vmem>>, vector<16xf32>,
      tpu.vector_store %arg12[%swap3A_769], %gather3A_764 {strides = array<i32>} : memref<32768xf32, #tpu.memory_space<vmem>>, vector<16xf32>,
      %add3A_771 = arith.addi %broadcast_in_dim3A_707, %add3A_44 : vector<16xi32>
      %shift_right_logical3A_772 = arith.constant 7 : i32
      %shift_right_logical3A_773 = vector.broadcast %shift_right_logical3A_772 : i32 to vector<16xi32>
      %shift_right_logical3A_774 = arith.shrui %add3A_771, %shift_right_logical3A_773 : vector<16xi32>
      %add3A_775 = arith.addi %add3A_710, %shift_right_logical3A_774 : vector<16xi32>
      %and3A_776 = arith.constant 127 : i32
      %and3A_777 = vector.broadcast %and3A_776 : i32 to vector<16xi32>
      %and3A_778 = arith.andi %add3A_771, %and3A_777 : vector<16xi32>
      %gather3A_779 = tpu.vector_load_idx %arg10[%add3A_775, %and3A_778] : memref<128x128xf32, #tpu.memory_space<vmem>>[vector<16xi32>, vector<16xi32>], vector<16xf32>,
      %mul3A_780 = arith.constant 128 : i32
      %mul3A_781 = arith.muli %add3A_702, %mul3A_780 : i32
      %add3A_782 = arith.constant 64 : i32
      %add3A_783 = arith.addi %mul3A_781, %add3A_782 : i32
      %swap3A_784 = arith.index_cast %add3A_783 : i32 to index
      %swap3A_785 = tpu.vector_load %arg12[%swap3A_784] {strides = array<i32>} : memref<32768xf32, #tpu.memory_space<vmem>>, vector<16xf32>,
      tpu.vector_store %arg12[%swap3A_784], %gather3A_779 {strides = array<i32>} : memref<32768xf32, #tpu.memory_space<vmem>>, vector<16xf32>,
      %add3A_786 = arith.addi %broadcast_in_dim3A_707, %add3A_50 : vector<16xi32>
      %shift_right_logical3A_787 = arith.constant 7 : i32
      %shift_right_logical3A_788 = vector.broadcast %shift_right_logical3A_787 : i32 to vector<16xi32>
      %shift_right_logical3A_789 = arith.shrui %add3A_786, %shift_right_logical3A_788 : vector<16xi32>
      %add3A_790 = arith.addi %add3A_710, %shift_right_logical3A_789 : vector<16xi32>
      %and3A_791 = arith.constant 127 : i32
      %and3A_792 = vector.broadcast %and3A_791 : i32 to vector<16xi32>
      %and3A_793 = arith.andi %add3A_786, %and3A_792 : vector<16xi32>
      %gather3A_794 = tpu.vector_load_idx %arg10[%add3A_790, %and3A_793] : memref<128x128xf32, #tpu.memory_space<vmem>>[vector<16xi32>, vector<16xi32>], vector<16xf32>,
      %mul3A_795 = arith.constant 128 : i32
      %mul3A_796 = arith.muli %add3A_702, %mul3A_795 : i32
      %add3A_797 = arith.constant 80 : i32
      %add3A_798 = arith.addi %mul3A_796, %add3A_797 : i32
      %swap3A_799 = arith.index_cast %add3A_798 : i32 to index
      %swap3A_800 = tpu.vector_load %arg12[%swap3A_799] {strides = array<i32>} : memref<32768xf32, #tpu.memory_space<vmem>>, vector<16xf32>,
      tpu.vector_store %arg12[%swap3A_799], %gather3A_794 {strides = array<i32>} : memref<32768xf32, #tpu.memory_space<vmem>>, vector<16xf32>,
      %add3A_801 = arith.addi %broadcast_in_dim3A_707, %add3A_56 : vector<16xi32>
      %shift_right_logical3A_802 = arith.constant 7 : i32
      %shift_right_logical3A_803 = vector.broadcast %shift_right_logical3A_802 : i32 to vector<16xi32>
      %shift_right_logical3A_804 = arith.shrui %add3A_801, %shift_right_logical3A_803 : vector<16xi32>
      %add3A_805 = arith.addi %add3A_710, %shift_right_logical3A_804 : vector<16xi32>
      %and3A_806 = arith.constant 127 : i32
      %and3A_807 = vector.broadcast %and3A_806 : i32 to vector<16xi32>
      %and3A_808 = arith.andi %add3A_801, %and3A_807 : vector<16xi32>
      %gather3A_809 = tpu.vector_load_idx %arg10[%add3A_805, %and3A_808] : memref<128x128xf32, #tpu.memory_space<vmem>>[vector<16xi32>, vector<16xi32>], vector<16xf32>,
      %mul3A_810 = arith.constant 128 : i32
      %mul3A_811 = arith.muli %add3A_702, %mul3A_810 : i32
      %add3A_812 = arith.constant 96 : i32
      %add3A_813 = arith.addi %mul3A_811, %add3A_812 : i32
      %swap3A_814 = arith.index_cast %add3A_813 : i32 to index
      %swap3A_815 = tpu.vector_load %arg12[%swap3A_814] {strides = array<i32>} : memref<32768xf32, #tpu.memory_space<vmem>>, vector<16xf32>,
      tpu.vector_store %arg12[%swap3A_814], %gather3A_809 {strides = array<i32>} : memref<32768xf32, #tpu.memory_space<vmem>>, vector<16xf32>,
      %add3A_816 = arith.addi %broadcast_in_dim3A_707, %add3A_62 : vector<16xi32>
      %shift_right_logical3A_817 = arith.constant 7 : i32
      %shift_right_logical3A_818 = vector.broadcast %shift_right_logical3A_817 : i32 to vector<16xi32>
      %shift_right_logical3A_819 = arith.shrui %add3A_816, %shift_right_logical3A_818 : vector<16xi32>
      %add3A_820 = arith.addi %add3A_710, %shift_right_logical3A_819 : vector<16xi32>
      %and3A_821 = arith.constant 127 : i32
      %and3A_822 = vector.broadcast %and3A_821 : i32 to vector<16xi32>
      %and3A_823 = arith.andi %add3A_816, %and3A_822 : vector<16xi32>
      %gather3A_824 = tpu.vector_load_idx %arg10[%add3A_820, %and3A_823] : memref<128x128xf32, #tpu.memory_space<vmem>>[vector<16xi32>, vector<16xi32>], vector<16xf32>,
      %mul3A_825 = arith.constant 128 : i32
      %mul3A_826 = arith.muli %add3A_702, %mul3A_825 : i32
      %add3A_827 = arith.constant 112 : i32
      %add3A_828 = arith.addi %mul3A_826, %add3A_827 : i32
      %swap3A_829 = arith.index_cast %add3A_828 : i32 to index
      %swap3A_830 = tpu.vector_load %arg12[%swap3A_829] {strides = array<i32>} : memref<32768xf32, #tpu.memory_space<vmem>>, vector<16xf32>,
      tpu.vector_store %arg12[%swap3A_829], %gather3A_824 {strides = array<i32>} : memref<32768xf32, #tpu.memory_space<vmem>>, vector<16xf32>,
      %mul3A_831 = arith.constant 8 : i32
      %mul3A_832 = arith.muli %mul3A_559, %mul3A_831 : i32
      %add3A_833 = arith.constant 2 : i32
      %add3A_834 = arith.addi %mul3A_832, %add3A_833 : i32
      %slice3A_835 = vector.extract_strided_slice %get3A_568 {offsets = [2], sizes = [1], strides = [1]} : vector<16xi32> to vector<1xi32>
      %squeeze3A_836 = vector.extract %slice3A_835[0] : i32 from vector<1xi32>
      %and3A_837 = arith.constant 127 : i32
      %and3A_838 = arith.andi %squeeze3A_836, %and3A_837 : i32
      %broadcast_in_dim3A_839 = vector.broadcast %and3A_838 : i32 to vector<16xi32>
      %add3A_840 = arith.constant 32 : i32
      %add3A_841 = vector.broadcast %add3A_840 : i32 to vector<16xi32>
      %add3A_842 = arith.addi %mul3A_14, %add3A_841 : vector<16xi32>
      %add3A_843 = arith.addi %broadcast_in_dim3A_839, %add3A_20 : vector<16xi32>
      %shift_right_logical3A_844 = arith.constant 7 : i32
      %shift_right_logical3A_845 = vector.broadcast %shift_right_logical3A_844 : i32 to vector<16xi32>
      %shift_right_logical3A_846 = arith.shrui %add3A_843, %shift_right_logical3A_845 : vector<16xi32>
      %add3A_847 = arith.addi %add3A_842, %shift_right_logical3A_846 : vector<16xi32>
      %and3A_848 = arith.constant 127 : i32
      %and3A_849 = vector.broadcast %and3A_848 : i32 to vector<16xi32>
      %and3A_850 = arith.andi %add3A_843, %and3A_849 : vector<16xi32>
      %gather3A_851 = tpu.vector_load_idx %arg10[%add3A_847, %and3A_850] : memref<128x128xf32, #tpu.memory_space<vmem>>[vector<16xi32>, vector<16xi32>], vector<16xf32>,
      %mul3A_852 = arith.constant 128 : i32
      %mul3A_853 = arith.muli %add3A_834, %mul3A_852 : i32
      %add3A_854 = arith.constant 0 : i32
      %add3A_855 = arith.addi %mul3A_853, %add3A_854 : i32
      %swap3A_856 = arith.index_cast %add3A_855 : i32 to index
      %swap3A_857 = tpu.vector_load %arg12[%swap3A_856] {strides = array<i32>} : memref<32768xf32, #tpu.memory_space<vmem>>, vector<16xf32>,
      tpu.vector_store %arg12[%swap3A_856], %gather3A_851 {strides = array<i32>} : memref<32768xf32, #tpu.memory_space<vmem>>, vector<16xf32>,
      %add3A_858 = arith.addi %broadcast_in_dim3A_839, %add3A_26 : vector<16xi32>
      %shift_right_logical3A_859 = arith.constant 7 : i32
      %shift_right_logical3A_860 = vector.broadcast %shift_right_logical3A_859 : i32 to vector<16xi32>
      %shift_right_logical3A_861 = arith.shrui %add3A_858, %shift_right_logical3A_860 : vector<16xi32>
      %add3A_862 = arith.addi %add3A_842, %shift_right_logical3A_861 : vector<16xi32>
      %and3A_863 = arith.constant 127 : i32
      %and3A_864 = vector.broadcast %and3A_863 : i32 to vector<16xi32>
      %and3A_865 = arith.andi %add3A_858, %and3A_864 : vector<16xi32>
      %gather3A_866 = tpu.vector_load_idx %arg10[%add3A_862, %and3A_865] : memref<128x128xf32, #tpu.memory_space<vmem>>[vector<16xi32>, vector<16xi32>], vector<16xf32>,
      %mul3A_867 = arith.constant 128 : i32
      %mul3A_868 = arith.muli %add3A_834, %mul3A_867 : i32
      %add3A_869 = arith.constant 16 : i32
      %add3A_870 = arith.addi %mul3A_868, %add3A_869 : i32
      %swap3A_871 = arith.index_cast %add3A_870 : i32 to index
      %swap3A_872 = tpu.vector_load %arg12[%swap3A_871] {strides = array<i32>} : memref<32768xf32, #tpu.memory_space<vmem>>, vector<16xf32>,
      tpu.vector_store %arg12[%swap3A_871], %gather3A_866 {strides = array<i32>} : memref<32768xf32, #tpu.memory_space<vmem>>, vector<16xf32>,
      %add3A_873 = arith.addi %broadcast_in_dim3A_839, %add3A_32 : vector<16xi32>
      %shift_right_logical3A_874 = arith.constant 7 : i32
      %shift_right_logical3A_875 = vector.broadcast %shift_right_logical3A_874 : i32 to vector<16xi32>
      %shift_right_logical3A_876 = arith.shrui %add3A_873, %shift_right_logical3A_875 : vector<16xi32>
      %add3A_877 = arith.addi %add3A_842, %shift_right_logical3A_876 : vector<16xi32>
      %and3A_878 = arith.constant 127 : i32
      %and3A_879 = vector.broadcast %and3A_878 : i32 to vector<16xi32>
      %and3A_880 = arith.andi %add3A_873, %and3A_879 : vector<16xi32>
      %gather3A_881 = tpu.vector_load_idx %arg10[%add3A_877, %and3A_880] : memref<128x128xf32, #tpu.memory_space<vmem>>[vector<16xi32>, vector<16xi32>], vector<16xf32>,
      %mul3A_882 = arith.constant 128 : i32
      %mul3A_883 = arith.muli %add3A_834, %mul3A_882 : i32
      %add3A_884 = arith.constant 32 : i32
      %add3A_885 = arith.addi %mul3A_883, %add3A_884 : i32
      %swap3A_886 = arith.index_cast %add3A_885 : i32 to index
      %swap3A_887 = tpu.vector_load %arg12[%swap3A_886] {strides = array<i32>} : memref<32768xf32, #tpu.memory_space<vmem>>, vector<16xf32>,
      tpu.vector_store %arg12[%swap3A_886], %gather3A_881 {strides = array<i32>} : memref<32768xf32, #tpu.memory_space<vmem>>, vector<16xf32>,
      %add3A_888 = arith.addi %broadcast_in_dim3A_839, %add3A_38 : vector<16xi32>
      %shift_right_logical3A_889 = arith.constant 7 : i32
      %shift_right_logical3A_890 = vector.broadcast %shift_right_logical3A_889 : i32 to vector<16xi32>
      %shift_right_logical3A_891 = arith.shrui %add3A_888, %shift_right_logical3A_890 : vector<16xi32>
      %add3A_892 = arith.addi %add3A_842, %shift_right_logical3A_891 : vector<16xi32>
      %and3A_893 = arith.constant 127 : i32
      %and3A_894 = vector.broadcast %and3A_893 : i32 to vector<16xi32>
      %and3A_895 = arith.andi %add3A_888, %and3A_894 : vector<16xi32>
      %gather3A_896 = tpu.vector_load_idx %arg10[%add3A_892, %and3A_895] : memref<128x128xf32, #tpu.memory_space<vmem>>[vector<16xi32>, vector<16xi32>], vector<16xf32>,
      %mul3A_897 = arith.constant 128 : i32
      %mul3A_898 = arith.muli %add3A_834, %mul3A_897 : i32
      %add3A_899 = arith.constant 48 : i32
      %add3A_900 = arith.addi %mul3A_898, %add3A_899 : i32
      %swap3A_901 = arith.index_cast %add3A_900 : i32 to index
      %swap3A_902 = tpu.vector_load %arg12[%swap3A_901] {strides = array<i32>} : memref<32768xf32, #tpu.memory_space<vmem>>, vector<16xf32>,
      tpu.vector_store %arg12[%swap3A_901], %gather3A_896 {strides = array<i32>} : memref<32768xf32, #tpu.memory_space<vmem>>, vector<16xf32>,
      %add3A_903 = arith.addi %broadcast_in_dim3A_839, %add3A_44 : vector<16xi32>
      %shift_right_logical3A_904 = arith.constant 7 : i32
      %shift_right_logical3A_905 = vector.broadcast %shift_right_logical3A_904 : i32 to vector<16xi32>
      %shift_right_logical3A_906 = arith.shrui %add3A_903, %shift_right_logical3A_905 : vector<16xi32>
      %add3A_907 = arith.addi %add3A_842, %shift_right_logical3A_906 : vector<16xi32>
      %and3A_908 = arith.constant 127 : i32
      %and3A_909 = vector.broadcast %and3A_908 : i32 to vector<16xi32>
      %and3A_910 = arith.andi %add3A_903, %and3A_909 : vector<16xi32>
      %gather3A_911 = tpu.vector_load_idx %arg10[%add3A_907, %and3A_910] : memref<128x128xf32, #tpu.memory_space<vmem>>[vector<16xi32>, vector<16xi32>], vector<16xf32>,
      %mul3A_912 = arith.constant 128 : i32
      %mul3A_913 = arith.muli %add3A_834, %mul3A_912 : i32
      %add3A_914 = arith.constant 64 : i32
      %add3A_915 = arith.addi %mul3A_913, %add3A_914 : i32
      %swap3A_916 = arith.index_cast %add3A_915 : i32 to index
      %swap3A_917 = tpu.vector_load %arg12[%swap3A_916] {strides = array<i32>} : memref<32768xf32, #tpu.memory_space<vmem>>, vector<16xf32>,
      tpu.vector_store %arg12[%swap3A_916], %gather3A_911 {strides = array<i32>} : memref<32768xf32, #tpu.memory_space<vmem>>, vector<16xf32>,
      %add3A_918 = arith.addi %broadcast_in_dim3A_839, %add3A_50 : vector<16xi32>
      %shift_right_logical3A_919 = arith.constant 7 : i32
      %shift_right_logical3A_920 = vector.broadcast %shift_right_logical3A_919 : i32 to vector<16xi32>
      %shift_right_logical3A_921 = arith.shrui %add3A_918, %shift_right_logical3A_920 : vector<16xi32>
      %add3A_922 = arith.addi %add3A_842, %shift_right_logical3A_921 : vector<16xi32>
      %and3A_923 = arith.constant 127 : i32
      %and3A_924 = vector.broadcast %and3A_923 : i32 to vector<16xi32>
      %and3A_925 = arith.andi %add3A_918, %and3A_924 : vector<16xi32>
      %gather3A_926 = tpu.vector_load_idx %arg10[%add3A_922, %and3A_925] : memref<128x128xf32, #tpu.memory_space<vmem>>[vector<16xi32>, vector<16xi32>], vector<16xf32>,
      %mul3A_927 = arith.constant 128 : i32
      %mul3A_928 = arith.muli %add3A_834, %mul3A_927 : i32
      %add3A_929 = arith.constant 80 : i32
      %add3A_930 = arith.addi %mul3A_928, %add3A_929 : i32
      %swap3A_931 = arith.index_cast %add3A_930 : i32 to index
      %swap3A_932 = tpu.vector_load %arg12[%swap3A_931] {strides = array<i32>} : memref<32768xf32, #tpu.memory_space<vmem>>, vector<16xf32>,
      tpu.vector_store %arg12[%swap3A_931], %gather3A_926 {strides = array<i32>} : memref<32768xf32, #tpu.memory_space<vmem>>, vector<16xf32>,
      %add3A_933 = arith.addi %broadcast_in_dim3A_839, %add3A_56 : vector<16xi32>
      %shift_right_logical3A_934 = arith.constant 7 : i32
      %shift_right_logical3A_935 = vector.broadcast %shift_right_logical3A_934 : i32 to vector<16xi32>
      %shift_right_logical3A_936 = arith.shrui %add3A_933, %shift_right_logical3A_935 : vector<16xi32>
      %add3A_937 = arith.addi %add3A_842, %shift_right_logical3A_936 : vector<16xi32>
      %and3A_938 = arith.constant 127 : i32
      %and3A_939 = vector.broadcast %and3A_938 : i32 to vector<16xi32>
      %and3A_940 = arith.andi %add3A_933, %and3A_939 : vector<16xi32>
      %gather3A_941 = tpu.vector_load_idx %arg10[%add3A_937, %and3A_940] : memref<128x128xf32, #tpu.memory_space<vmem>>[vector<16xi32>, vector<16xi32>], vector<16xf32>,
      %mul3A_942 = arith.constant 128 : i32
      %mul3A_943 = arith.muli %add3A_834, %mul3A_942 : i32
      %add3A_944 = arith.constant 96 : i32
      %add3A_945 = arith.addi %mul3A_943, %add3A_944 : i32
      %swap3A_946 = arith.index_cast %add3A_945 : i32 to index
      %swap3A_947 = tpu.vector_load %arg12[%swap3A_946] {strides = array<i32>} : memref<32768xf32, #tpu.memory_space<vmem>>, vector<16xf32>,
      tpu.vector_store %arg12[%swap3A_946], %gather3A_941 {strides = array<i32>} : memref<32768xf32, #tpu.memory_space<vmem>>, vector<16xf32>,
      %add3A_948 = arith.addi %broadcast_in_dim3A_839, %add3A_62 : vector<16xi32>
      %shift_right_logical3A_949 = arith.constant 7 : i32
      %shift_right_logical3A_950 = vector.broadcast %shift_right_logical3A_949 : i32 to vector<16xi32>
      %shift_right_logical3A_951 = arith.shrui %add3A_948, %shift_right_logical3A_950 : vector<16xi32>
      %add3A_952 = arith.addi %add3A_842, %shift_right_logical3A_951 : vector<16xi32>
      %and3A_953 = arith.constant 127 : i32
      %and3A_954 = vector.broadcast %and3A_953 : i32 to vector<16xi32>
      %and3A_955 = arith.andi %add3A_948, %and3A_954 : vector<16xi32>
      %gather3A_956 = tpu.vector_load_idx %arg10[%add3A_952, %and3A_955] : memref<128x128xf32, #tpu.memory_space<vmem>>[vector<16xi32>, vector<16xi32>], vector<16xf32>,
      %mul3A_957 = arith.constant 128 : i32
      %mul3A_958 = arith.muli %add3A_834, %mul3A_957 : i32
      %add3A_959 = arith.constant 112 : i32
      %add3A_960 = arith.addi %mul3A_958, %add3A_959 : i32
      %swap3A_961 = arith.index_cast %add3A_960 : i32 to index
      %swap3A_962 = tpu.vector_load %arg12[%swap3A_961] {strides = array<i32>} : memref<32768xf32, #tpu.memory_space<vmem>>, vector<16xf32>,
      tpu.vector_store %arg12[%swap3A_961], %gather3A_956 {strides = array<i32>} : memref<32768xf32, #tpu.memory_space<vmem>>, vector<16xf32>,
      %mul3A_963 = arith.constant 8 : i32
      %mul3A_964 = arith.muli %mul3A_559, %mul3A_963 : i32
      %add3A_965 = arith.constant 3 : i32
      %add3A_966 = arith.addi %mul3A_964, %add3A_965 : i32
      %slice3A_967 = vector.extract_strided_slice %get3A_568 {offsets = [3], sizes = [1], strides = [1]} : vector<16xi32> to vector<1xi32>
      %squeeze3A_968 = vector.extract %slice3A_967[0] : i32 from vector<1xi32>
      %and3A_969 = arith.constant 127 : i32
      %and3A_970 = arith.andi %squeeze3A_968, %and3A_969 : i32
      %broadcast_in_dim3A_971 = vector.broadcast %and3A_970 : i32 to vector<16xi32>
      %add3A_972 = arith.constant 48 : i32
      %add3A_973 = vector.broadcast %add3A_972 : i32 to vector<16xi32>
      %add3A_974 = arith.addi %mul3A_14, %add3A_973 : vector<16xi32>
      %add3A_975 = arith.addi %broadcast_in_dim3A_971, %add3A_20 : vector<16xi32>
      %shift_right_logical3A_976 = arith.constant 7 : i32
      %shift_right_logical3A_977 = vector.broadcast %shift_right_logical3A_976 : i32 to vector<16xi32>
      %shift_right_logical3A_978 = arith.shrui %add3A_975, %shift_right_logical3A_977 : vector<16xi32>
      %add3A_979 = arith.addi %add3A_974, %shift_right_logical3A_978 : vector<16xi32>
      %and3A_980 = arith.constant 127 : i32
      %and3A_981 = vector.broadcast %and3A_980 : i32 to vector<16xi32>
      %and3A_982 = arith.andi %add3A_975, %and3A_981 : vector<16xi32>
      %gather3A_983 = tpu.vector_load_idx %arg10[%add3A_979, %and3A_982] : memref<128x128xf32, #tpu.memory_space<vmem>>[vector<16xi32>, vector<16xi32>], vector<16xf32>,
      %mul3A_984 = arith.constant 128 : i32
      %mul3A_985 = arith.muli %add3A_966, %mul3A_984 : i32
      %add3A_986 = arith.constant 0 : i32
      %add3A_987 = arith.addi %mul3A_985, %add3A_986 : i32
      %swap3A_988 = arith.index_cast %add3A_987 : i32 to index
      %swap3A_989 = tpu.vector_load %arg12[%swap3A_988] {strides = array<i32>} : memref<32768xf32, #tpu.memory_space<vmem>>, vector<16xf32>,
      tpu.vector_store %arg12[%swap3A_988], %gather3A_983 {strides = array<i32>} : memref<32768xf32, #tpu.memory_space<vmem>>, vector<16xf32>,
      %add3A_990 = arith.addi %broadcast_in_dim3A_971, %add3A_26 : vector<16xi32>
      %shift_right_logical3A_991 = arith.constant 7 : i32
      %shift_right_logical3A_992 = vector.broadcast %shift_right_logical3A_991 : i32 to vector<16xi32>
      %shift_right_logical3A_993 = arith.shrui %add3A_990, %shift_right_logical3A_992 : vector<16xi32>
      %add3A_994 = arith.addi %add3A_974, %shift_right_logical3A_993 : vector<16xi32>
      %and3A_995 = arith.constant 127 : i32
      %and3A_996 = vector.broadcast %and3A_995 : i32 to vector<16xi32>
      %and3A_997 = arith.andi %add3A_990, %and3A_996 : vector<16xi32>
      %gather3A_998 = tpu.vector_load_idx %arg10[%add3A_994, %and3A_997] : memref<128x128xf32, #tpu.memory_space<vmem>>[vector<16xi32>, vector<16xi32>], vector<16xf32>,
      %mul3A_999 = arith.constant 128 : i32
      %mul3A_1000 = arith.muli %add3A_966, %mul3A_999 : i32
      %add3A_1001 = arith.constant 16 : i32
      %add3A_1002 = arith.addi %mul3A_1000, %add3A_1001 : i32
      %swap3A_1003 = arith.index_cast %add3A_1002 : i32 to index
      %swap3A_1004 = tpu.vector_load %arg12[%swap3A_1003] {strides = array<i32>} : memref<32768xf32, #tpu.memory_space<vmem>>, vector<16xf32>,
      tpu.vector_store %arg12[%swap3A_1003], %gather3A_998 {strides = array<i32>} : memref<32768xf32, #tpu.memory_space<vmem>>, vector<16xf32>,
      %add3A_1005 = arith.addi %broadcast_in_dim3A_971, %add3A_32 : vector<16xi32>
      %shift_right_logical3A_1006 = arith.constant 7 : i32
      %shift_right_logical3A_1007 = vector.broadcast %shift_right_logical3A_1006 : i32 to vector<16xi32>
      %shift_right_logical3A_1008 = arith.shrui %add3A_1005, %shift_right_logical3A_1007 : vector<16xi32>
      %add3A_1009 = arith.addi %add3A_974, %shift_right_logical3A_1008 : vector<16xi32>
      %and3A_1010 = arith.constant 127 : i32
      %and3A_1011 = vector.broadcast %and3A_1010 : i32 to vector<16xi32>
      %and3A_1012 = arith.andi %add3A_1005, %and3A_1011 : vector<16xi32>
      %gather3A_1013 = tpu.vector_load_idx %arg10[%add3A_1009, %and3A_1012] : memref<128x128xf32, #tpu.memory_space<vmem>>[vector<16xi32>, vector<16xi32>], vector<16xf32>,
      %mul3A_1014 = arith.constant 128 : i32
      %mul3A_1015 = arith.muli %add3A_966, %mul3A_1014 : i32
      %add3A_1016 = arith.constant 32 : i32
      %add3A_1017 = arith.addi %mul3A_1015, %add3A_1016 : i32
      %swap3A_1018 = arith.index_cast %add3A_1017 : i32 to index
      %swap3A_1019 = tpu.vector_load %arg12[%swap3A_1018] {strides = array<i32>} : memref<32768xf32, #tpu.memory_space<vmem>>, vector<16xf32>,
      tpu.vector_store %arg12[%swap3A_1018], %gather3A_1013 {strides = array<i32>} : memref<32768xf32, #tpu.memory_space<vmem>>, vector<16xf32>,
      %add3A_1020 = arith.addi %broadcast_in_dim3A_971, %add3A_38 : vector<16xi32>
      %shift_right_logical3A_1021 = arith.constant 7 : i32
      %shift_right_logical3A_1022 = vector.broadcast %shift_right_logical3A_1021 : i32 to vector<16xi32>
      %shift_right_logical3A_1023 = arith.shrui %add3A_1020, %shift_right_logical3A_1022 : vector<16xi32>
      %add3A_1024 = arith.addi %add3A_974, %shift_right_logical3A_1023 : vector<16xi32>
      %and3A_1025 = arith.constant 127 : i32
      %and3A_1026 = vector.broadcast %and3A_1025 : i32 to vector<16xi32>
      %and3A_1027 = arith.andi %add3A_1020, %and3A_1026 : vector<16xi32>
      %gather3A_1028 = tpu.vector_load_idx %arg10[%add3A_1024, %and3A_1027] : memref<128x128xf32, #tpu.memory_space<vmem>>[vector<16xi32>, vector<16xi32>], vector<16xf32>,
      %mul3A_1029 = arith.constant 128 : i32
      %mul3A_1030 = arith.muli %add3A_966, %mul3A_1029 : i32
      %add3A_1031 = arith.constant 48 : i32
      %add3A_1032 = arith.addi %mul3A_1030, %add3A_1031 : i32
      %swap3A_1033 = arith.index_cast %add3A_1032 : i32 to index
      %swap3A_1034 = tpu.vector_load %arg12[%swap3A_1033] {strides = array<i32>} : memref<32768xf32, #tpu.memory_space<vmem>>, vector<16xf32>,
      tpu.vector_store %arg12[%swap3A_1033], %gather3A_1028 {strides = array<i32>} : memref<32768xf32, #tpu.memory_space<vmem>>, vector<16xf32>,
      %add3A_1035 = arith.addi %broadcast_in_dim3A_971, %add3A_44 : vector<16xi32>
      %shift_right_logical3A_1036 = arith.constant 7 : i32
      %shift_right_logical3A_1037 = vector.broadcast %shift_right_logical3A_1036 : i32 to vector<16xi32>
      %shift_right_logical3A_1038 = arith.shrui %add3A_1035, %shift_right_logical3A_1037 : vector<16xi32>
      %add3A_1039 = arith.addi %add3A_974, %shift_right_logical3A_1038 : vector<16xi32>
      %and3A_1040 = arith.constant 127 : i32
      %and3A_1041 = vector.broadcast %and3A_1040 : i32 to vector<16xi32>
      %and3A_1042 = arith.andi %add3A_1035, %and3A_1041 : vector<16xi32>
      %gather3A_1043 = tpu.vector_load_idx %arg10[%add3A_1039, %and3A_1042] : memref<128x128xf32, #tpu.memory_space<vmem>>[vector<16xi32>, vector<16xi32>], vector<16xf32>,
      %mul3A_1044 = arith.constant 128 : i32
      %mul3A_1045 = arith.muli %add3A_966, %mul3A_1044 : i32
      %add3A_1046 = arith.constant 64 : i32
      %add3A_1047 = arith.addi %mul3A_1045, %add3A_1046 : i32
      %swap3A_1048 = arith.index_cast %add3A_1047 : i32 to index
      %swap3A_1049 = tpu.vector_load %arg12[%swap3A_1048] {strides = array<i32>} : memref<32768xf32, #tpu.memory_space<vmem>>, vector<16xf32>,
      tpu.vector_store %arg12[%swap3A_1048], %gather3A_1043 {strides = array<i32>} : memref<32768xf32, #tpu.memory_space<vmem>>, vector<16xf32>,
      %add3A_1050 = arith.addi %broadcast_in_dim3A_971, %add3A_50 : vector<16xi32>
      %shift_right_logical3A_1051 = arith.constant 7 : i32
      %shift_right_logical3A_1052 = vector.broadcast %shift_right_logical3A_1051 : i32 to vector<16xi32>
      %shift_right_logical3A_1053 = arith.shrui %add3A_1050, %shift_right_logical3A_1052 : vector<16xi32>
      %add3A_1054 = arith.addi %add3A_974, %shift_right_logical3A_1053 : vector<16xi32>
      %and3A_1055 = arith.constant 127 : i32
      %and3A_1056 = vector.broadcast %and3A_1055 : i32 to vector<16xi32>
      %and3A_1057 = arith.andi %add3A_1050, %and3A_1056 : vector<16xi32>
      %gather3A_1058 = tpu.vector_load_idx %arg10[%add3A_1054, %and3A_1057] : memref<128x128xf32, #tpu.memory_space<vmem>>[vector<16xi32>, vector<16xi32>], vector<16xf32>,
      %mul3A_1059 = arith.constant 128 : i32
      %mul3A_1060 = arith.muli %add3A_966, %mul3A_1059 : i32
      %add3A_1061 = arith.constant 80 : i32
      %add3A_1062 = arith.addi %mul3A_1060, %add3A_1061 : i32
      %swap3A_1063 = arith.index_cast %add3A_1062 : i32 to index
      %swap3A_1064 = tpu.vector_load %arg12[%swap3A_1063] {strides = array<i32>} : memref<32768xf32, #tpu.memory_space<vmem>>, vector<16xf32>,
      tpu.vector_store %arg12[%swap3A_1063], %gather3A_1058 {strides = array<i32>} : memref<32768xf32, #tpu.memory_space<vmem>>, vector<16xf32>,
      %add3A_1065 = arith.addi %broadcast_in_dim3A_971, %add3A_56 : vector<16xi32>
      %shift_right_logical3A_1066 = arith.constant 7 : i32
      %shift_right_logical3A_1067 = vector.broadcast %shift_right_logical3A_1066 : i32 to vector<16xi32>
      %shift_right_logical3A_1068 = arith.shrui %add3A_1065, %shift_right_logical3A_1067 : vector<16xi32>
      %add3A_1069 = arith.addi %add3A_974, %shift_right_logical3A_1068 : vector<16xi32>
      %and3A_1070 = arith.constant 127 : i32
      %and3A_1071 = vector.broadcast %and3A_1070 : i32 to vector<16xi32>
      %and3A_1072 = arith.andi %add3A_1065, %and3A_1071 : vector<16xi32>
      %gather3A_1073 = tpu.vector_load_idx %arg10[%add3A_1069, %and3A_1072] : memref<128x128xf32, #tpu.memory_space<vmem>>[vector<16xi32>, vector<16xi32>], vector<16xf32>,
      %mul3A_1074 = arith.constant 128 : i32
      %mul3A_1075 = arith.muli %add3A_966, %mul3A_1074 : i32
      %add3A_1076 = arith.constant 96 : i32
      %add3A_1077 = arith.addi %mul3A_1075, %add3A_1076 : i32
      %swap3A_1078 = arith.index_cast %add3A_1077 : i32 to index
      %swap3A_1079 = tpu.vector_load %arg12[%swap3A_1078] {strides = array<i32>} : memref<32768xf32, #tpu.memory_space<vmem>>, vector<16xf32>,
      tpu.vector_store %arg12[%swap3A_1078], %gather3A_1073 {strides = array<i32>} : memref<32768xf32, #tpu.memory_space<vmem>>, vector<16xf32>,
      %add3A_1080 = arith.addi %broadcast_in_dim3A_971, %add3A_62 : vector<16xi32>
      %shift_right_logical3A_1081 = arith.constant 7 : i32
      %shift_right_logical3A_1082 = vector.broadcast %shift_right_logical3A_1081 : i32 to vector<16xi32>
      %shift_right_logical3A_1083 = arith.shrui %add3A_1080, %shift_right_logical3A_1082 : vector<16xi32>
      %add3A_1084 = arith.addi %add3A_974, %shift_right_logical3A_1083 : vector<16xi32>
      %and3A_1085 = arith.constant 127 : i32
      %and3A_1086 = vector.broadcast %and3A_1085 : i32 to vector<16xi32>
      %and3A_1087 = arith.andi %add3A_1080, %and3A_1086 : vector<16xi32>
      %gather3A_1088 = tpu.vector_load_idx %arg10[%add3A_1084, %and3A_1087] : memref<128x128xf32, #tpu.memory_space<vmem>>[vector<16xi32>, vector<16xi32>], vector<16xf32>,
      %mul3A_1089 = arith.constant 128 : i32
      %mul3A_1090 = arith.muli %add3A_966, %mul3A_1089 : i32
      %add3A_1091 = arith.constant 112 : i32
      %add3A_1092 = arith.addi %mul3A_1090, %add3A_1091 : i32
      %swap3A_1093 = arith.index_cast %add3A_1092 : i32 to index
      %swap3A_1094 = tpu.vector_load %arg12[%swap3A_1093] {strides = array<i32>} : memref<32768xf32, #tpu.memory_space<vmem>>, vector<16xf32>,
      tpu.vector_store %arg12[%swap3A_1093], %gather3A_1088 {strides = array<i32>} : memref<32768xf32, #tpu.memory_space<vmem>>, vector<16xf32>,
      %mul3A_1095 = arith.constant 8 : i32
      %mul3A_1096 = arith.muli %mul3A_559, %mul3A_1095 : i32
      %add3A_1097 = arith.constant 4 : i32
      %add3A_1098 = arith.addi %mul3A_1096, %add3A_1097 : i32
      %slice3A_1099 = vector.extract_strided_slice %get3A_568 {offsets = [4], sizes = [1], strides = [1]} : vector<16xi32> to vector<1xi32>
      %squeeze3A_1100 = vector.extract %slice3A_1099[0] : i32 from vector<1xi32>
      %and3A_1101 = arith.constant 127 : i32
      %and3A_1102 = arith.andi %squeeze3A_1100, %and3A_1101 : i32
      %broadcast_in_dim3A_1103 = vector.broadcast %and3A_1102 : i32 to vector<16xi32>
      %add3A_1104 = arith.constant 64 : i32
      %add3A_1105 = vector.broadcast %add3A_1104 : i32 to vector<16xi32>
      %add3A_1106 = arith.addi %mul3A_14, %add3A_1105 : vector<16xi32>
      %add3A_1107 = arith.addi %broadcast_in_dim3A_1103, %add3A_20 : vector<16xi32>
      %shift_right_logical3A_1108 = arith.constant 7 : i32
      %shift_right_logical3A_1109 = vector.broadcast %shift_right_logical3A_1108 : i32 to vector<16xi32>
      %shift_right_logical3A_1110 = arith.shrui %add3A_1107, %shift_right_logical3A_1109 : vector<16xi32>
      %add3A_1111 = arith.addi %add3A_1106, %shift_right_logical3A_1110 : vector<16xi32>
      %and3A_1112 = arith.constant 127 : i32
      %and3A_1113 = vector.broadcast %and3A_1112 : i32 to vector<16xi32>
      %and3A_1114 = arith.andi %add3A_1107, %and3A_1113 : vector<16xi32>
      %gather3A_1115 = tpu.vector_load_idx %arg10[%add3A_1111, %and3A_1114] : memref<128x128xf32, #tpu.memory_space<vmem>>[vector<16xi32>, vector<16xi32>], vector<16xf32>,
      %mul3A_1116 = arith.constant 128 : i32
      %mul3A_1117 = arith.muli %add3A_1098, %mul3A_1116 : i32
      %add3A_1118 = arith.constant 0 : i32
      %add3A_1119 = arith.addi %mul3A_1117, %add3A_1118 : i32
      %swap3A_1120 = arith.index_cast %add3A_1119 : i32 to index
      %swap3A_1121 = tpu.vector_load %arg12[%swap3A_1120] {strides = array<i32>} : memref<32768xf32, #tpu.memory_space<vmem>>, vector<16xf32>,
      tpu.vector_store %arg12[%swap3A_1120], %gather3A_1115 {strides = array<i32>} : memref<32768xf32, #tpu.memory_space<vmem>>, vector<16xf32>,
      %add3A_1122 = arith.addi %broadcast_in_dim3A_1103, %add3A_26 : vector<16xi32>
      %shift_right_logical3A_1123 = arith.constant 7 : i32
      %shift_right_logical3A_1124 = vector.broadcast %shift_right_logical3A_1123 : i32 to vector<16xi32>
      %shift_right_logical3A_1125 = arith.shrui %add3A_1122, %shift_right_logical3A_1124 : vector<16xi32>
      %add3A_1126 = arith.addi %add3A_1106, %shift_right_logical3A_1125 : vector<16xi32>
      %and3A_1127 = arith.constant 127 : i32
      %and3A_1128 = vector.broadcast %and3A_1127 : i32 to vector<16xi32>
      %and3A_1129 = arith.andi %add3A_1122, %and3A_1128 : vector<16xi32>
      %gather3A_1130 = tpu.vector_load_idx %arg10[%add3A_1126, %and3A_1129] : memref<128x128xf32, #tpu.memory_space<vmem>>[vector<16xi32>, vector<16xi32>], vector<16xf32>,
      %mul3A_1131 = arith.constant 128 : i32
      %mul3A_1132 = arith.muli %add3A_1098, %mul3A_1131 : i32
      %add3A_1133 = arith.constant 16 : i32
      %add3A_1134 = arith.addi %mul3A_1132, %add3A_1133 : i32
      %swap3A_1135 = arith.index_cast %add3A_1134 : i32 to index
      %swap3A_1136 = tpu.vector_load %arg12[%swap3A_1135] {strides = array<i32>} : memref<32768xf32, #tpu.memory_space<vmem>>, vector<16xf32>,
      tpu.vector_store %arg12[%swap3A_1135], %gather3A_1130 {strides = array<i32>} : memref<32768xf32, #tpu.memory_space<vmem>>, vector<16xf32>,
      %add3A_1137 = arith.addi %broadcast_in_dim3A_1103, %add3A_32 : vector<16xi32>
      %shift_right_logical3A_1138 = arith.constant 7 : i32
      %shift_right_logical3A_1139 = vector.broadcast %shift_right_logical3A_1138 : i32 to vector<16xi32>
      %shift_right_logical3A_1140 = arith.shrui %add3A_1137, %shift_right_logical3A_1139 : vector<16xi32>
      %add3A_1141 = arith.addi %add3A_1106, %shift_right_logical3A_1140 : vector<16xi32>
      %and3A_1142 = arith.constant 127 : i32
      %and3A_1143 = vector.broadcast %and3A_1142 : i32 to vector<16xi32>
      %and3A_1144 = arith.andi %add3A_1137, %and3A_1143 : vector<16xi32>
      %gather3A_1145 = tpu.vector_load_idx %arg10[%add3A_1141, %and3A_1144] : memref<128x128xf32, #tpu.memory_space<vmem>>[vector<16xi32>, vector<16xi32>], vector<16xf32>,
      %mul3A_1146 = arith.constant 128 : i32
      %mul3A_1147 = arith.muli %add3A_1098, %mul3A_1146 : i32
      %add3A_1148 = arith.constant 32 : i32
      %add3A_1149 = arith.addi %mul3A_1147, %add3A_1148 : i32
      %swap3A_1150 = arith.index_cast %add3A_1149 : i32 to index
      %swap3A_1151 = tpu.vector_load %arg12[%swap3A_1150] {strides = array<i32>} : memref<32768xf32, #tpu.memory_space<vmem>>, vector<16xf32>,
      tpu.vector_store %arg12[%swap3A_1150], %gather3A_1145 {strides = array<i32>} : memref<32768xf32, #tpu.memory_space<vmem>>, vector<16xf32>,
      %add3A_1152 = arith.addi %broadcast_in_dim3A_1103, %add3A_38 : vector<16xi32>
      %shift_right_logical3A_1153 = arith.constant 7 : i32
      %shift_right_logical3A_1154 = vector.broadcast %shift_right_logical3A_1153 : i32 to vector<16xi32>
      %shift_right_logical3A_1155 = arith.shrui %add3A_1152, %shift_right_logical3A_1154 : vector<16xi32>
      %add3A_1156 = arith.addi %add3A_1106, %shift_right_logical3A_1155 : vector<16xi32>
      %and3A_1157 = arith.constant 127 : i32
      %and3A_1158 = vector.broadcast %and3A_1157 : i32 to vector<16xi32>
      %and3A_1159 = arith.andi %add3A_1152, %and3A_1158 : vector<16xi32>
      %gather3A_1160 = tpu.vector_load_idx %arg10[%add3A_1156, %and3A_1159] : memref<128x128xf32, #tpu.memory_space<vmem>>[vector<16xi32>, vector<16xi32>], vector<16xf32>,
      %mul3A_1161 = arith.constant 128 : i32
      %mul3A_1162 = arith.muli %add3A_1098, %mul3A_1161 : i32
      %add3A_1163 = arith.constant 48 : i32
      %add3A_1164 = arith.addi %mul3A_1162, %add3A_1163 : i32
      %swap3A_1165 = arith.index_cast %add3A_1164 : i32 to index
      %swap3A_1166 = tpu.vector_load %arg12[%swap3A_1165] {strides = array<i32>} : memref<32768xf32, #tpu.memory_space<vmem>>, vector<16xf32>,
      tpu.vector_store %arg12[%swap3A_1165], %gather3A_1160 {strides = array<i32>} : memref<32768xf32, #tpu.memory_space<vmem>>, vector<16xf32>,
      %add3A_1167 = arith.addi %broadcast_in_dim3A_1103, %add3A_44 : vector<16xi32>
      %shift_right_logical3A_1168 = arith.constant 7 : i32
      %shift_right_logical3A_1169 = vector.broadcast %shift_right_logical3A_1168 : i32 to vector<16xi32>
      %shift_right_logical3A_1170 = arith.shrui %add3A_1167, %shift_right_logical3A_1169 : vector<16xi32>
      %add3A_1171 = arith.addi %add3A_1106, %shift_right_logical3A_1170 : vector<16xi32>
      %and3A_1172 = arith.constant 127 : i32
      %and3A_1173 = vector.broadcast %and3A_1172 : i32 to vector<16xi32>
      %and3A_1174 = arith.andi %add3A_1167, %and3A_1173 : vector<16xi32>
      %gather3A_1175 = tpu.vector_load_idx %arg10[%add3A_1171, %and3A_1174] : memref<128x128xf32, #tpu.memory_space<vmem>>[vector<16xi32>, vector<16xi32>], vector<16xf32>,
      %mul3A_1176 = arith.constant 128 : i32
      %mul3A_1177 = arith.muli %add3A_1098, %mul3A_1176 : i32
      %add3A_1178 = arith.constant 64 : i32
      %add3A_1179 = arith.addi %mul3A_1177, %add3A_1178 : i32
      %swap3A_1180 = arith.index_cast %add3A_1179 : i32 to index
      %swap3A_1181 = tpu.vector_load %arg12[%swap3A_1180] {strides = array<i32>} : memref<32768xf32, #tpu.memory_space<vmem>>, vector<16xf32>,
      tpu.vector_store %arg12[%swap3A_1180], %gather3A_1175 {strides = array<i32>} : memref<32768xf32, #tpu.memory_space<vmem>>, vector<16xf32>,
      %add3A_1182 = arith.addi %broadcast_in_dim3A_1103, %add3A_50 : vector<16xi32>
      %shift_right_logical3A_1183 = arith.constant 7 : i32
      %shift_right_logical3A_1184 = vector.broadcast %shift_right_logical3A_1183 : i32 to vector<16xi32>
      %shift_right_logical3A_1185 = arith.shrui %add3A_1182, %shift_right_logical3A_1184 : vector<16xi32>
      %add3A_1186 = arith.addi %add3A_1106, %shift_right_logical3A_1185 : vector<16xi32>
      %and3A_1187 = arith.constant 127 : i32
      %and3A_1188 = vector.broadcast %and3A_1187 : i32 to vector<16xi32>
      %and3A_1189 = arith.andi %add3A_1182, %and3A_1188 : vector<16xi32>
      %gather3A_1190 = tpu.vector_load_idx %arg10[%add3A_1186, %and3A_1189] : memref<128x128xf32, #tpu.memory_space<vmem>>[vector<16xi32>, vector<16xi32>], vector<16xf32>,
      %mul3A_1191 = arith.constant 128 : i32
      %mul3A_1192 = arith.muli %add3A_1098, %mul3A_1191 : i32
      %add3A_1193 = arith.constant 80 : i32
      %add3A_1194 = arith.addi %mul3A_1192, %add3A_1193 : i32
      %swap3A_1195 = arith.index_cast %add3A_1194 : i32 to index
      %swap3A_1196 = tpu.vector_load %arg12[%swap3A_1195] {strides = array<i32>} : memref<32768xf32, #tpu.memory_space<vmem>>, vector<16xf32>,
      tpu.vector_store %arg12[%swap3A_1195], %gather3A_1190 {strides = array<i32>} : memref<32768xf32, #tpu.memory_space<vmem>>, vector<16xf32>,
      %add3A_1197 = arith.addi %broadcast_in_dim3A_1103, %add3A_56 : vector<16xi32>
      %shift_right_logical3A_1198 = arith.constant 7 : i32
      %shift_right_logical3A_1199 = vector.broadcast %shift_right_logical3A_1198 : i32 to vector<16xi32>
      %shift_right_logical3A_1200 = arith.shrui %add3A_1197, %shift_right_logical3A_1199 : vector<16xi32>
      %add3A_1201 = arith.addi %add3A_1106, %shift_right_logical3A_1200 : vector<16xi32>
      %and3A_1202 = arith.constant 127 : i32
      %and3A_1203 = vector.broadcast %and3A_1202 : i32 to vector<16xi32>
      %and3A_1204 = arith.andi %add3A_1197, %and3A_1203 : vector<16xi32>
      %gather3A_1205 = tpu.vector_load_idx %arg10[%add3A_1201, %and3A_1204] : memref<128x128xf32, #tpu.memory_space<vmem>>[vector<16xi32>, vector<16xi32>], vector<16xf32>,
      %mul3A_1206 = arith.constant 128 : i32
      %mul3A_1207 = arith.muli %add3A_1098, %mul3A_1206 : i32
      %add3A_1208 = arith.constant 96 : i32
      %add3A_1209 = arith.addi %mul3A_1207, %add3A_1208 : i32
      %swap3A_1210 = arith.index_cast %add3A_1209 : i32 to index
      %swap3A_1211 = tpu.vector_load %arg12[%swap3A_1210] {strides = array<i32>} : memref<32768xf32, #tpu.memory_space<vmem>>, vector<16xf32>,
      tpu.vector_store %arg12[%swap3A_1210], %gather3A_1205 {strides = array<i32>} : memref<32768xf32, #tpu.memory_space<vmem>>, vector<16xf32>,
      %add3A_1212 = arith.addi %broadcast_in_dim3A_1103, %add3A_62 : vector<16xi32>
      %shift_right_logical3A_1213 = arith.constant 7 : i32
      %shift_right_logical3A_1214 = vector.broadcast %shift_right_logical3A_1213 : i32 to vector<16xi32>
      %shift_right_logical3A_1215 = arith.shrui %add3A_1212, %shift_right_logical3A_1214 : vector<16xi32>
      %add3A_1216 = arith.addi %add3A_1106, %shift_right_logical3A_1215 : vector<16xi32>
      %and3A_1217 = arith.constant 127 : i32
      %and3A_1218 = vector.broadcast %and3A_1217 : i32 to vector<16xi32>
      %and3A_1219 = arith.andi %add3A_1212, %and3A_1218 : vector<16xi32>
      %gather3A_1220 = tpu.vector_load_idx %arg10[%add3A_1216, %and3A_1219] : memref<128x128xf32, #tpu.memory_space<vmem>>[vector<16xi32>, vector<16xi32>], vector<16xf32>,
      %mul3A_1221 = arith.constant 128 : i32
      %mul3A_1222 = arith.muli %add3A_1098, %mul3A_1221 : i32
      %add3A_1223 = arith.constant 112 : i32
      %add3A_1224 = arith.addi %mul3A_1222, %add3A_1223 : i32
      %swap3A_1225 = arith.index_cast %add3A_1224 : i32 to index
      %swap3A_1226 = tpu.vector_load %arg12[%swap3A_1225] {strides = array<i32>} : memref<32768xf32, #tpu.memory_space<vmem>>, vector<16xf32>,
      tpu.vector_store %arg12[%swap3A_1225], %gather3A_1220 {strides = array<i32>} : memref<32768xf32, #tpu.memory_space<vmem>>, vector<16xf32>,
      %mul3A_1227 = arith.constant 8 : i32
      %mul3A_1228 = arith.muli %mul3A_559, %mul3A_1227 : i32
      %add3A_1229 = arith.constant 5 : i32
      %add3A_1230 = arith.addi %mul3A_1228, %add3A_1229 : i32
      %slice3A_1231 = vector.extract_strided_slice %get3A_568 {offsets = [5], sizes = [1], strides = [1]} : vector<16xi32> to vector<1xi32>
      %squeeze3A_1232 = vector.extract %slice3A_1231[0] : i32 from vector<1xi32>
      %and3A_1233 = arith.constant 127 : i32
      %and3A_1234 = arith.andi %squeeze3A_1232, %and3A_1233 : i32
      %broadcast_in_dim3A_1235 = vector.broadcast %and3A_1234 : i32 to vector<16xi32>
      %add3A_1236 = arith.constant 80 : i32
      %add3A_1237 = vector.broadcast %add3A_1236 : i32 to vector<16xi32>
      %add3A_1238 = arith.addi %mul3A_14, %add3A_1237 : vector<16xi32>
      %add3A_1239 = arith.addi %broadcast_in_dim3A_1235, %add3A_20 : vector<16xi32>
      %shift_right_logical3A_1240 = arith.constant 7 : i32
      %shift_right_logical3A_1241 = vector.broadcast %shift_right_logical3A_1240 : i32 to vector<16xi32>
      %shift_right_logical3A_1242 = arith.shrui %add3A_1239, %shift_right_logical3A_1241 : vector<16xi32>
      %add3A_1243 = arith.addi %add3A_1238, %shift_right_logical3A_1242 : vector<16xi32>
      %and3A_1244 = arith.constant 127 : i32
      %and3A_1245 = vector.broadcast %and3A_1244 : i32 to vector<16xi32>
      %and3A_1246 = arith.andi %add3A_1239, %and3A_1245 : vector<16xi32>
      %gather3A_1247 = tpu.vector_load_idx %arg10[%add3A_1243, %and3A_1246] : memref<128x128xf32, #tpu.memory_space<vmem>>[vector<16xi32>, vector<16xi32>], vector<16xf32>,
      %mul3A_1248 = arith.constant 128 : i32
      %mul3A_1249 = arith.muli %add3A_1230, %mul3A_1248 : i32
      %add3A_1250 = arith.constant 0 : i32
      %add3A_1251 = arith.addi %mul3A_1249, %add3A_1250 : i32
      %swap3A_1252 = arith.index_cast %add3A_1251 : i32 to index
      %swap3A_1253 = tpu.vector_load %arg12[%swap3A_1252] {strides = array<i32>} : memref<32768xf32, #tpu.memory_space<vmem>>, vector<16xf32>,
      tpu.vector_store %arg12[%swap3A_1252], %gather3A_1247 {strides = array<i32>} : memref<32768xf32, #tpu.memory_space<vmem>>, vector<16xf32>,
      %add3A_1254 = arith.addi %broadcast_in_dim3A_1235, %add3A_26 : vector<16xi32>
      %shift_right_logical3A_1255 = arith.constant 7 : i32
      %shift_right_logical3A_1256 = vector.broadcast %shift_right_logical3A_1255 : i32 to vector<16xi32>
      %shift_right_logical3A_1257 = arith.shrui %add3A_1254, %shift_right_logical3A_1256 : vector<16xi32>
      %add3A_1258 = arith.addi %add3A_1238, %shift_right_logical3A_1257 : vector<16xi32>
      %and3A_1259 = arith.constant 127 : i32
      %and3A_1260 = vector.broadcast %and3A_1259 : i32 to vector<16xi32>
      %and3A_1261 = arith.andi %add3A_1254, %and3A_1260 : vector<16xi32>
      %gather3A_1262 = tpu.vector_load_idx %arg10[%add3A_1258, %and3A_1261] : memref<128x128xf32, #tpu.memory_space<vmem>>[vector<16xi32>, vector<16xi32>], vector<16xf32>,
      %mul3A_1263 = arith.constant 128 : i32
      %mul3A_1264 = arith.muli %add3A_1230, %mul3A_1263 : i32
      %add3A_1265 = arith.constant 16 : i32
      %add3A_1266 = arith.addi %mul3A_1264, %add3A_1265 : i32
      %swap3A_1267 = arith.index_cast %add3A_1266 : i32 to index
      %swap3A_1268 = tpu.vector_load %arg12[%swap3A_1267] {strides = array<i32>} : memref<32768xf32, #tpu.memory_space<vmem>>, vector<16xf32>,
      tpu.vector_store %arg12[%swap3A_1267], %gather3A_1262 {strides = array<i32>} : memref<32768xf32, #tpu.memory_space<vmem>>, vector<16xf32>,
      %add3A_1269 = arith.addi %broadcast_in_dim3A_1235, %add3A_32 : vector<16xi32>
      %shift_right_logical3A_1270 = arith.constant 7 : i32
      %shift_right_logical3A_1271 = vector.broadcast %shift_right_logical3A_1270 : i32 to vector<16xi32>
      %shift_right_logical3A_1272 = arith.shrui %add3A_1269, %shift_right_logical3A_1271 : vector<16xi32>
      %add3A_1273 = arith.addi %add3A_1238, %shift_right_logical3A_1272 : vector<16xi32>
      %and3A_1274 = arith.constant 127 : i32
      %and3A_1275 = vector.broadcast %and3A_1274 : i32 to vector<16xi32>
      %and3A_1276 = arith.andi %add3A_1269, %and3A_1275 : vector<16xi32>
      %gather3A_1277 = tpu.vector_load_idx %arg10[%add3A_1273, %and3A_1276] : memref<128x128xf32, #tpu.memory_space<vmem>>[vector<16xi32>, vector<16xi32>], vector<16xf32>,
      %mul3A_1278 = arith.constant 128 : i32
      %mul3A_1279 = arith.muli %add3A_1230, %mul3A_1278 : i32
      %add3A_1280 = arith.constant 32 : i32
      %add3A_1281 = arith.addi %mul3A_1279, %add3A_1280 : i32
      %swap3A_1282 = arith.index_cast %add3A_1281 : i32 to index
      %swap3A_1283 = tpu.vector_load %arg12[%swap3A_1282] {strides = array<i32>} : memref<32768xf32, #tpu.memory_space<vmem>>, vector<16xf32>,
      tpu.vector_store %arg12[%swap3A_1282], %gather3A_1277 {strides = array<i32>} : memref<32768xf32, #tpu.memory_space<vmem>>, vector<16xf32>,
      %add3A_1284 = arith.addi %broadcast_in_dim3A_1235, %add3A_38 : vector<16xi32>
      %shift_right_logical3A_1285 = arith.constant 7 : i32
      %shift_right_logical3A_1286 = vector.broadcast %shift_right_logical3A_1285 : i32 to vector<16xi32>
      %shift_right_logical3A_1287 = arith.shrui %add3A_1284, %shift_right_logical3A_1286 : vector<16xi32>
      %add3A_1288 = arith.addi %add3A_1238, %shift_right_logical3A_1287 : vector<16xi32>
      %and3A_1289 = arith.constant 127 : i32
      %and3A_1290 = vector.broadcast %and3A_1289 : i32 to vector<16xi32>
      %and3A_1291 = arith.andi %add3A_1284, %and3A_1290 : vector<16xi32>
      %gather3A_1292 = tpu.vector_load_idx %arg10[%add3A_1288, %and3A_1291] : memref<128x128xf32, #tpu.memory_space<vmem>>[vector<16xi32>, vector<16xi32>], vector<16xf32>,
      %mul3A_1293 = arith.constant 128 : i32
      %mul3A_1294 = arith.muli %add3A_1230, %mul3A_1293 : i32
      %add3A_1295 = arith.constant 48 : i32
      %add3A_1296 = arith.addi %mul3A_1294, %add3A_1295 : i32
      %swap3A_1297 = arith.index_cast %add3A_1296 : i32 to index
      %swap3A_1298 = tpu.vector_load %arg12[%swap3A_1297] {strides = array<i32>} : memref<32768xf32, #tpu.memory_space<vmem>>, vector<16xf32>,
      tpu.vector_store %arg12[%swap3A_1297], %gather3A_1292 {strides = array<i32>} : memref<32768xf32, #tpu.memory_space<vmem>>, vector<16xf32>,
      %add3A_1299 = arith.addi %broadcast_in_dim3A_1235, %add3A_44 : vector<16xi32>
      %shift_right_logical3A_1300 = arith.constant 7 : i32
      %shift_right_logical3A_1301 = vector.broadcast %shift_right_logical3A_1300 : i32 to vector<16xi32>
      %shift_right_logical3A_1302 = arith.shrui %add3A_1299, %shift_right_logical3A_1301 : vector<16xi32>
      %add3A_1303 = arith.addi %add3A_1238, %shift_right_logical3A_1302 : vector<16xi32>
      %and3A_1304 = arith.constant 127 : i32
      %and3A_1305 = vector.broadcast %and3A_1304 : i32 to vector<16xi32>
      %and3A_1306 = arith.andi %add3A_1299, %and3A_1305 : vector<16xi32>
      %gather3A_1307 = tpu.vector_load_idx %arg10[%add3A_1303, %and3A_1306] : memref<128x128xf32, #tpu.memory_space<vmem>>[vector<16xi32>, vector<16xi32>], vector<16xf32>,
      %mul3A_1308 = arith.constant 128 : i32
      %mul3A_1309 = arith.muli %add3A_1230, %mul3A_1308 : i32
      %add3A_1310 = arith.constant 64 : i32
      %add3A_1311 = arith.addi %mul3A_1309, %add3A_1310 : i32
      %swap3A_1312 = arith.index_cast %add3A_1311 : i32 to index
      %swap3A_1313 = tpu.vector_load %arg12[%swap3A_1312] {strides = array<i32>} : memref<32768xf32, #tpu.memory_space<vmem>>, vector<16xf32>,
      tpu.vector_store %arg12[%swap3A_1312], %gather3A_1307 {strides = array<i32>} : memref<32768xf32, #tpu.memory_space<vmem>>, vector<16xf32>,
      %add3A_1314 = arith.addi %broadcast_in_dim3A_1235, %add3A_50 : vector<16xi32>
      %shift_right_logical3A_1315 = arith.constant 7 : i32
      %shift_right_logical3A_1316 = vector.broadcast %shift_right_logical3A_1315 : i32 to vector<16xi32>
      %shift_right_logical3A_1317 = arith.shrui %add3A_1314, %shift_right_logical3A_1316 : vector<16xi32>
      %add3A_1318 = arith.addi %add3A_1238, %shift_right_logical3A_1317 : vector<16xi32>
      %and3A_1319 = arith.constant 127 : i32
      %and3A_1320 = vector.broadcast %and3A_1319 : i32 to vector<16xi32>
      %and3A_1321 = arith.andi %add3A_1314, %and3A_1320 : vector<16xi32>
      %gather3A_1322 = tpu.vector_load_idx %arg10[%add3A_1318, %and3A_1321] : memref<128x128xf32, #tpu.memory_space<vmem>>[vector<16xi32>, vector<16xi32>], vector<16xf32>,
      %mul3A_1323 = arith.constant 128 : i32
      %mul3A_1324 = arith.muli %add3A_1230, %mul3A_1323 : i32
      %add3A_1325 = arith.constant 80 : i32
      %add3A_1326 = arith.addi %mul3A_1324, %add3A_1325 : i32
      %swap3A_1327 = arith.index_cast %add3A_1326 : i32 to index
      %swap3A_1328 = tpu.vector_load %arg12[%swap3A_1327] {strides = array<i32>} : memref<32768xf32, #tpu.memory_space<vmem>>, vector<16xf32>,
      tpu.vector_store %arg12[%swap3A_1327], %gather3A_1322 {strides = array<i32>} : memref<32768xf32, #tpu.memory_space<vmem>>, vector<16xf32>,
      %add3A_1329 = arith.addi %broadcast_in_dim3A_1235, %add3A_56 : vector<16xi32>
      %shift_right_logical3A_1330 = arith.constant 7 : i32
      %shift_right_logical3A_1331 = vector.broadcast %shift_right_logical3A_1330 : i32 to vector<16xi32>
      %shift_right_logical3A_1332 = arith.shrui %add3A_1329, %shift_right_logical3A_1331 : vector<16xi32>
      %add3A_1333 = arith.addi %add3A_1238, %shift_right_logical3A_1332 : vector<16xi32>
      %and3A_1334 = arith.constant 127 : i32
      %and3A_1335 = vector.broadcast %and3A_1334 : i32 to vector<16xi32>
      %and3A_1336 = arith.andi %add3A_1329, %and3A_1335 : vector<16xi32>
      %gather3A_1337 = tpu.vector_load_idx %arg10[%add3A_1333, %and3A_1336] : memref<128x128xf32, #tpu.memory_space<vmem>>[vector<16xi32>, vector<16xi32>], vector<16xf32>,
      %mul3A_1338 = arith.constant 128 : i32
      %mul3A_1339 = arith.muli %add3A_1230, %mul3A_1338 : i32
      %add3A_1340 = arith.constant 96 : i32
      %add3A_1341 = arith.addi %mul3A_1339, %add3A_1340 : i32
      %swap3A_1342 = arith.index_cast %add3A_1341 : i32 to index
      %swap3A_1343 = tpu.vector_load %arg12[%swap3A_1342] {strides = array<i32>} : memref<32768xf32, #tpu.memory_space<vmem>>, vector<16xf32>,
      tpu.vector_store %arg12[%swap3A_1342], %gather3A_1337 {strides = array<i32>} : memref<32768xf32, #tpu.memory_space<vmem>>, vector<16xf32>,
      %add3A_1344 = arith.addi %broadcast_in_dim3A_1235, %add3A_62 : vector<16xi32>
      %shift_right_logical3A_1345 = arith.constant 7 : i32
      %shift_right_logical3A_1346 = vector.broadcast %shift_right_logical3A_1345 : i32 to vector<16xi32>
      %shift_right_logical3A_1347 = arith.shrui %add3A_1344, %shift_right_logical3A_1346 : vector<16xi32>
      %add3A_1348 = arith.addi %add3A_1238, %shift_right_logical3A_1347 : vector<16xi32>
      %and3A_1349 = arith.constant 127 : i32
      %and3A_1350 = vector.broadcast %and3A_1349 : i32 to vector<16xi32>
      %and3A_1351 = arith.andi %add3A_1344, %and3A_1350 : vector<16xi32>
      %gather3A_1352 = tpu.vector_load_idx %arg10[%add3A_1348, %and3A_1351] : memref<128x128xf32, #tpu.memory_space<vmem>>[vector<16xi32>, vector<16xi32>], vector<16xf32>,
      %mul3A_1353 = arith.constant 128 : i32
      %mul3A_1354 = arith.muli %add3A_1230, %mul3A_1353 : i32
      %add3A_1355 = arith.constant 112 : i32
      %add3A_1356 = arith.addi %mul3A_1354, %add3A_1355 : i32
      %swap3A_1357 = arith.index_cast %add3A_1356 : i32 to index
      %swap3A_1358 = tpu.vector_load %arg12[%swap3A_1357] {strides = array<i32>} : memref<32768xf32, #tpu.memory_space<vmem>>, vector<16xf32>,
      tpu.vector_store %arg12[%swap3A_1357], %gather3A_1352 {strides = array<i32>} : memref<32768xf32, #tpu.memory_space<vmem>>, vector<16xf32>,
      %mul3A_1359 = arith.constant 8 : i32
      %mul3A_1360 = arith.muli %mul3A_559, %mul3A_1359 : i32
      %add3A_1361 = arith.constant 6 : i32
      %add3A_1362 = arith.addi %mul3A_1360, %add3A_1361 : i32
      %slice3A_1363 = vector.extract_strided_slice %get3A_568 {offsets = [6], sizes = [1], strides = [1]} : vector<16xi32> to vector<1xi32>
      %squeeze3A_1364 = vector.extract %slice3A_1363[0] : i32 from vector<1xi32>
      %and3A_1365 = arith.constant 127 : i32
      %and3A_1366 = arith.andi %squeeze3A_1364, %and3A_1365 : i32
      %broadcast_in_dim3A_1367 = vector.broadcast %and3A_1366 : i32 to vector<16xi32>
      %add3A_1368 = arith.constant 96 : i32
      %add3A_1369 = vector.broadcast %add3A_1368 : i32 to vector<16xi32>
      %add3A_1370 = arith.addi %mul3A_14, %add3A_1369 : vector<16xi32>
      %add3A_1371 = arith.addi %broadcast_in_dim3A_1367, %add3A_20 : vector<16xi32>
      %shift_right_logical3A_1372 = arith.constant 7 : i32
      %shift_right_logical3A_1373 = vector.broadcast %shift_right_logical3A_1372 : i32 to vector<16xi32>
      %shift_right_logical3A_1374 = arith.shrui %add3A_1371, %shift_right_logical3A_1373 : vector<16xi32>
      %add3A_1375 = arith.addi %add3A_1370, %shift_right_logical3A_1374 : vector<16xi32>
      %and3A_1376 = arith.constant 127 : i32
      %and3A_1377 = vector.broadcast %and3A_1376 : i32 to vector<16xi32>
      %and3A_1378 = arith.andi %add3A_1371, %and3A_1377 : vector<16xi32>
      %gather3A_1379 = tpu.vector_load_idx %arg10[%add3A_1375, %and3A_1378] : memref<128x128xf32, #tpu.memory_space<vmem>>[vector<16xi32>, vector<16xi32>], vector<16xf32>,
      %mul3A_1380 = arith.constant 128 : i32
      %mul3A_1381 = arith.muli %add3A_1362, %mul3A_1380 : i32
      %add3A_1382 = arith.constant 0 : i32
      %add3A_1383 = arith.addi %mul3A_1381, %add3A_1382 : i32
      %swap3A_1384 = arith.index_cast %add3A_1383 : i32 to index
      %swap3A_1385 = tpu.vector_load %arg12[%swap3A_1384] {strides = array<i32>} : memref<32768xf32, #tpu.memory_space<vmem>>, vector<16xf32>,
      tpu.vector_store %arg12[%swap3A_1384], %gather3A_1379 {strides = array<i32>} : memref<32768xf32, #tpu.memory_space<vmem>>, vector<16xf32>,
      %add3A_1386 = arith.addi %broadcast_in_dim3A_1367, %add3A_26 : vector<16xi32>
      %shift_right_logical3A_1387 = arith.constant 7 : i32
      %shift_right_logical3A_1388 = vector.broadcast %shift_right_logical3A_1387 : i32 to vector<16xi32>
      %shift_right_logical3A_1389 = arith.shrui %add3A_1386, %shift_right_logical3A_1388 : vector<16xi32>
      %add3A_1390 = arith.addi %add3A_1370, %shift_right_logical3A_1389 : vector<16xi32>
      %and3A_1391 = arith.constant 127 : i32
      %and3A_1392 = vector.broadcast %and3A_1391 : i32 to vector<16xi32>
      %and3A_1393 = arith.andi %add3A_1386, %and3A_1392 : vector<16xi32>
      %gather3A_1394 = tpu.vector_load_idx %arg10[%add3A_1390, %and3A_1393] : memref<128x128xf32, #tpu.memory_space<vmem>>[vector<16xi32>, vector<16xi32>], vector<16xf32>,
      %mul3A_1395 = arith.constant 128 : i32
      %mul3A_1396 = arith.muli %add3A_1362, %mul3A_1395 : i32
      %add3A_1397 = arith.constant 16 : i32
      %add3A_1398 = arith.addi %mul3A_1396, %add3A_1397 : i32
      %swap3A_1399 = arith.index_cast %add3A_1398 : i32 to index
      %swap3A_1400 = tpu.vector_load %arg12[%swap3A_1399] {strides = array<i32>} : memref<32768xf32, #tpu.memory_space<vmem>>, vector<16xf32>,
      tpu.vector_store %arg12[%swap3A_1399], %gather3A_1394 {strides = array<i32>} : memref<32768xf32, #tpu.memory_space<vmem>>, vector<16xf32>,
      %add3A_1401 = arith.addi %broadcast_in_dim3A_1367, %add3A_32 : vector<16xi32>
      %shift_right_logical3A_1402 = arith.constant 7 : i32
      %shift_right_logical3A_1403 = vector.broadcast %shift_right_logical3A_1402 : i32 to vector<16xi32>
      %shift_right_logical3A_1404 = arith.shrui %add3A_1401, %shift_right_logical3A_1403 : vector<16xi32>
      %add3A_1405 = arith.addi %add3A_1370, %shift_right_logical3A_1404 : vector<16xi32>
      %and3A_1406 = arith.constant 127 : i32
      %and3A_1407 = vector.broadcast %and3A_1406 : i32 to vector<16xi32>
      %and3A_1408 = arith.andi %add3A_1401, %and3A_1407 : vector<16xi32>
      %gather3A_1409 = tpu.vector_load_idx %arg10[%add3A_1405, %and3A_1408] : memref<128x128xf32, #tpu.memory_space<vmem>>[vector<16xi32>, vector<16xi32>], vector<16xf32>,
      %mul3A_1410 = arith.constant 128 : i32
      %mul3A_1411 = arith.muli %add3A_1362, %mul3A_1410 : i32
      %add3A_1412 = arith.constant 32 : i32
      %add3A_1413 = arith.addi %mul3A_1411, %add3A_1412 : i32
      %swap3A_1414 = arith.index_cast %add3A_1413 : i32 to index
      %swap3A_1415 = tpu.vector_load %arg12[%swap3A_1414] {strides = array<i32>} : memref<32768xf32, #tpu.memory_space<vmem>>, vector<16xf32>,
      tpu.vector_store %arg12[%swap3A_1414], %gather3A_1409 {strides = array<i32>} : memref<32768xf32, #tpu.memory_space<vmem>>, vector<16xf32>,
      %add3A_1416 = arith.addi %broadcast_in_dim3A_1367, %add3A_38 : vector<16xi32>
      %shift_right_logical3A_1417 = arith.constant 7 : i32
      %shift_right_logical3A_1418 = vector.broadcast %shift_right_logical3A_1417 : i32 to vector<16xi32>
      %shift_right_logical3A_1419 = arith.shrui %add3A_1416, %shift_right_logical3A_1418 : vector<16xi32>
      %add3A_1420 = arith.addi %add3A_1370, %shift_right_logical3A_1419 : vector<16xi32>
      %and3A_1421 = arith.constant 127 : i32
      %and3A_1422 = vector.broadcast %and3A_1421 : i32 to vector<16xi32>
      %and3A_1423 = arith.andi %add3A_1416, %and3A_1422 : vector<16xi32>
      %gather3A_1424 = tpu.vector_load_idx %arg10[%add3A_1420, %and3A_1423] : memref<128x128xf32, #tpu.memory_space<vmem>>[vector<16xi32>, vector<16xi32>], vector<16xf32>,
      %mul3A_1425 = arith.constant 128 : i32
      %mul3A_1426 = arith.muli %add3A_1362, %mul3A_1425 : i32
      %add3A_1427 = arith.constant 48 : i32
      %add3A_1428 = arith.addi %mul3A_1426, %add3A_1427 : i32
      %swap3A_1429 = arith.index_cast %add3A_1428 : i32 to index
      %swap3A_1430 = tpu.vector_load %arg12[%swap3A_1429] {strides = array<i32>} : memref<32768xf32, #tpu.memory_space<vmem>>, vector<16xf32>,
      tpu.vector_store %arg12[%swap3A_1429], %gather3A_1424 {strides = array<i32>} : memref<32768xf32, #tpu.memory_space<vmem>>, vector<16xf32>,
      %add3A_1431 = arith.addi %broadcast_in_dim3A_1367, %add3A_44 : vector<16xi32>
      %shift_right_logical3A_1432 = arith.constant 7 : i32
      %shift_right_logical3A_1433 = vector.broadcast %shift_right_logical3A_1432 : i32 to vector<16xi32>
      %shift_right_logical3A_1434 = arith.shrui %add3A_1431, %shift_right_logical3A_1433 : vector<16xi32>
      %add3A_1435 = arith.addi %add3A_1370, %shift_right_logical3A_1434 : vector<16xi32>
      %and3A_1436 = arith.constant 127 : i32
      %and3A_1437 = vector.broadcast %and3A_1436 : i32 to vector<16xi32>
      %and3A_1438 = arith.andi %add3A_1431, %and3A_1437 : vector<16xi32>
      %gather3A_1439 = tpu.vector_load_idx %arg10[%add3A_1435, %and3A_1438] : memref<128x128xf32, #tpu.memory_space<vmem>>[vector<16xi32>, vector<16xi32>], vector<16xf32>,
      %mul3A_1440 = arith.constant 128 : i32
      %mul3A_1441 = arith.muli %add3A_1362, %mul3A_1440 : i32
      %add3A_1442 = arith.constant 64 : i32
      %add3A_1443 = arith.addi %mul3A_1441, %add3A_1442 : i32
      %swap3A_1444 = arith.index_cast %add3A_1443 : i32 to index
      %swap3A_1445 = tpu.vector_load %arg12[%swap3A_1444] {strides = array<i32>} : memref<32768xf32, #tpu.memory_space<vmem>>, vector<16xf32>,
      tpu.vector_store %arg12[%swap3A_1444], %gather3A_1439 {strides = array<i32>} : memref<32768xf32, #tpu.memory_space<vmem>>, vector<16xf32>,
      %add3A_1446 = arith.addi %broadcast_in_dim3A_1367, %add3A_50 : vector<16xi32>
      %shift_right_logical3A_1447 = arith.constant 7 : i32
      %shift_right_logical3A_1448 = vector.broadcast %shift_right_logical3A_1447 : i32 to vector<16xi32>
      %shift_right_logical3A_1449 = arith.shrui %add3A_1446, %shift_right_logical3A_1448 : vector<16xi32>
      %add3A_1450 = arith.addi %add3A_1370, %shift_right_logical3A_1449 : vector<16xi32>
      %and3A_1451 = arith.constant 127 : i32
      %and3A_1452 = vector.broadcast %and3A_1451 : i32 to vector<16xi32>
      %and3A_1453 = arith.andi %add3A_1446, %and3A_1452 : vector<16xi32>
      %gather3A_1454 = tpu.vector_load_idx %arg10[%add3A_1450, %and3A_1453] : memref<128x128xf32, #tpu.memory_space<vmem>>[vector<16xi32>, vector<16xi32>], vector<16xf32>,
      %mul3A_1455 = arith.constant 128 : i32
      %mul3A_1456 = arith.muli %add3A_1362, %mul3A_1455 : i32
      %add3A_1457 = arith.constant 80 : i32
      %add3A_1458 = arith.addi %mul3A_1456, %add3A_1457 : i32
      %swap3A_1459 = arith.index_cast %add3A_1458 : i32 to index
      %swap3A_1460 = tpu.vector_load %arg12[%swap3A_1459] {strides = array<i32>} : memref<32768xf32, #tpu.memory_space<vmem>>, vector<16xf32>,
      tpu.vector_store %arg12[%swap3A_1459], %gather3A_1454 {strides = array<i32>} : memref<32768xf32, #tpu.memory_space<vmem>>, vector<16xf32>,
      %add3A_1461 = arith.addi %broadcast_in_dim3A_1367, %add3A_56 : vector<16xi32>
      %shift_right_logical3A_1462 = arith.constant 7 : i32
      %shift_right_logical3A_1463 = vector.broadcast %shift_right_logical3A_1462 : i32 to vector<16xi32>
      %shift_right_logical3A_1464 = arith.shrui %add3A_1461, %shift_right_logical3A_1463 : vector<16xi32>
      %add3A_1465 = arith.addi %add3A_1370, %shift_right_logical3A_1464 : vector<16xi32>
      %and3A_1466 = arith.constant 127 : i32
      %and3A_1467 = vector.broadcast %and3A_1466 : i32 to vector<16xi32>
      %and3A_1468 = arith.andi %add3A_1461, %and3A_1467 : vector<16xi32>
      %gather3A_1469 = tpu.vector_load_idx %arg10[%add3A_1465, %and3A_1468] : memref<128x128xf32, #tpu.memory_space<vmem>>[vector<16xi32>, vector<16xi32>], vector<16xf32>,
      %mul3A_1470 = arith.constant 128 : i32
      %mul3A_1471 = arith.muli %add3A_1362, %mul3A_1470 : i32
      %add3A_1472 = arith.constant 96 : i32
      %add3A_1473 = arith.addi %mul3A_1471, %add3A_1472 : i32
      %swap3A_1474 = arith.index_cast %add3A_1473 : i32 to index
      %swap3A_1475 = tpu.vector_load %arg12[%swap3A_1474] {strides = array<i32>} : memref<32768xf32, #tpu.memory_space<vmem>>, vector<16xf32>,
      tpu.vector_store %arg12[%swap3A_1474], %gather3A_1469 {strides = array<i32>} : memref<32768xf32, #tpu.memory_space<vmem>>, vector<16xf32>,
      %add3A_1476 = arith.addi %broadcast_in_dim3A_1367, %add3A_62 : vector<16xi32>
      %shift_right_logical3A_1477 = arith.constant 7 : i32
      %shift_right_logical3A_1478 = vector.broadcast %shift_right_logical3A_1477 : i32 to vector<16xi32>
      %shift_right_logical3A_1479 = arith.shrui %add3A_1476, %shift_right_logical3A_1478 : vector<16xi32>
      %add3A_1480 = arith.addi %add3A_1370, %shift_right_logical3A_1479 : vector<16xi32>
      %and3A_1481 = arith.constant 127 : i32
      %and3A_1482 = vector.broadcast %and3A_1481 : i32 to vector<16xi32>
      %and3A_1483 = arith.andi %add3A_1476, %and3A_1482 : vector<16xi32>
      %gather3A_1484 = tpu.vector_load_idx %arg10[%add3A_1480, %and3A_1483] : memref<128x128xf32, #tpu.memory_space<vmem>>[vector<16xi32>, vector<16xi32>], vector<16xf32>,
      %mul3A_1485 = arith.constant 128 : i32
      %mul3A_1486 = arith.muli %add3A_1362, %mul3A_1485 : i32
      %add3A_1487 = arith.constant 112 : i32
      %add3A_1488 = arith.addi %mul3A_1486, %add3A_1487 : i32
      %swap3A_1489 = arith.index_cast %add3A_1488 : i32 to index
      %swap3A_1490 = tpu.vector_load %arg12[%swap3A_1489] {strides = array<i32>} : memref<32768xf32, #tpu.memory_space<vmem>>, vector<16xf32>,
      tpu.vector_store %arg12[%swap3A_1489], %gather3A_1484 {strides = array<i32>} : memref<32768xf32, #tpu.memory_space<vmem>>, vector<16xf32>,
      %mul3A_1491 = arith.constant 8 : i32
      %mul3A_1492 = arith.muli %mul3A_559, %mul3A_1491 : i32
      %add3A_1493 = arith.constant 7 : i32
      %add3A_1494 = arith.addi %mul3A_1492, %add3A_1493 : i32
      %slice3A_1495 = vector.extract_strided_slice %get3A_568 {offsets = [7], sizes = [1], strides = [1]} : vector<16xi32> to vector<1xi32>
      %squeeze3A_1496 = vector.extract %slice3A_1495[0] : i32 from vector<1xi32>
      %and3A_1497 = arith.constant 127 : i32
      %and3A_1498 = arith.andi %squeeze3A_1496, %and3A_1497 : i32
      %broadcast_in_dim3A_1499 = vector.broadcast %and3A_1498 : i32 to vector<16xi32>
      %add3A_1500 = arith.constant 112 : i32
      %add3A_1501 = vector.broadcast %add3A_1500 : i32 to vector<16xi32>
      %add3A_1502 = arith.addi %mul3A_14, %add3A_1501 : vector<16xi32>
      %add3A_1503 = arith.addi %broadcast_in_dim3A_1499, %add3A_20 : vector<16xi32>
      %shift_right_logical3A_1504 = arith.constant 7 : i32
      %shift_right_logical3A_1505 = vector.broadcast %shift_right_logical3A_1504 : i32 to vector<16xi32>
      %shift_right_logical3A_1506 = arith.shrui %add3A_1503, %shift_right_logical3A_1505 : vector<16xi32>
      %add3A_1507 = arith.addi %add3A_1502, %shift_right_logical3A_1506 : vector<16xi32>
      %and3A_1508 = arith.constant 127 : i32
      %and3A_1509 = vector.broadcast %and3A_1508 : i32 to vector<16xi32>
      %and3A_1510 = arith.andi %add3A_1503, %and3A_1509 : vector<16xi32>
      %gather3A_1511 = tpu.vector_load_idx %arg10[%add3A_1507, %and3A_1510] : memref<128x128xf32, #tpu.memory_space<vmem>>[vector<16xi32>, vector<16xi32>], vector<16xf32>,
      %mul3A_1512 = arith.constant 128 : i32
      %mul3A_1513 = arith.muli %add3A_1494, %mul3A_1512 : i32
      %add3A_1514 = arith.constant 0 : i32
      %add3A_1515 = arith.addi %mul3A_1513, %add3A_1514 : i32
      %swap3A_1516 = arith.index_cast %add3A_1515 : i32 to index
      %swap3A_1517 = tpu.vector_load %arg12[%swap3A_1516] {strides = array<i32>} : memref<32768xf32, #tpu.memory_space<vmem>>, vector<16xf32>,
      tpu.vector_store %arg12[%swap3A_1516], %gather3A_1511 {strides = array<i32>} : memref<32768xf32, #tpu.memory_space<vmem>>, vector<16xf32>,
      %add3A_1518 = arith.addi %broadcast_in_dim3A_1499, %add3A_26 : vector<16xi32>
      %shift_right_logical3A_1519 = arith.constant 7 : i32
      %shift_right_logical3A_1520 = vector.broadcast %shift_right_logical3A_1519 : i32 to vector<16xi32>
      %shift_right_logical3A_1521 = arith.shrui %add3A_1518, %shift_right_logical3A_1520 : vector<16xi32>
      %add3A_1522 = arith.addi %add3A_1502, %shift_right_logical3A_1521 : vector<16xi32>
      %and3A_1523 = arith.constant 127 : i32
      %and3A_1524 = vector.broadcast %and3A_1523 : i32 to vector<16xi32>
      %and3A_1525 = arith.andi %add3A_1518, %and3A_1524 : vector<16xi32>
      %gather3A_1526 = tpu.vector_load_idx %arg10[%add3A_1522, %and3A_1525] : memref<128x128xf32, #tpu.memory_space<vmem>>[vector<16xi32>, vector<16xi32>], vector<16xf32>,
      %mul3A_1527 = arith.constant 128 : i32
      %mul3A_1528 = arith.muli %add3A_1494, %mul3A_1527 : i32
      %add3A_1529 = arith.constant 16 : i32
      %add3A_1530 = arith.addi %mul3A_1528, %add3A_1529 : i32
      %swap3A_1531 = arith.index_cast %add3A_1530 : i32 to index
      %swap3A_1532 = tpu.vector_load %arg12[%swap3A_1531] {strides = array<i32>} : memref<32768xf32, #tpu.memory_space<vmem>>, vector<16xf32>,
      tpu.vector_store %arg12[%swap3A_1531], %gather3A_1526 {strides = array<i32>} : memref<32768xf32, #tpu.memory_space<vmem>>, vector<16xf32>,
      %add3A_1533 = arith.addi %broadcast_in_dim3A_1499, %add3A_32 : vector<16xi32>
      %shift_right_logical3A_1534 = arith.constant 7 : i32
      %shift_right_logical3A_1535 = vector.broadcast %shift_right_logical3A_1534 : i32 to vector<16xi32>
      %shift_right_logical3A_1536 = arith.shrui %add3A_1533, %shift_right_logical3A_1535 : vector<16xi32>
      %add3A_1537 = arith.addi %add3A_1502, %shift_right_logical3A_1536 : vector<16xi32>
      %and3A_1538 = arith.constant 127 : i32
      %and3A_1539 = vector.broadcast %and3A_1538 : i32 to vector<16xi32>
      %and3A_1540 = arith.andi %add3A_1533, %and3A_1539 : vector<16xi32>
      %gather3A_1541 = tpu.vector_load_idx %arg10[%add3A_1537, %and3A_1540] : memref<128x128xf32, #tpu.memory_space<vmem>>[vector<16xi32>, vector<16xi32>], vector<16xf32>,
      %mul3A_1542 = arith.constant 128 : i32
      %mul3A_1543 = arith.muli %add3A_1494, %mul3A_1542 : i32
      %add3A_1544 = arith.constant 32 : i32
      %add3A_1545 = arith.addi %mul3A_1543, %add3A_1544 : i32
      %swap3A_1546 = arith.index_cast %add3A_1545 : i32 to index
      %swap3A_1547 = tpu.vector_load %arg12[%swap3A_1546] {strides = array<i32>} : memref<32768xf32, #tpu.memory_space<vmem>>, vector<16xf32>,
      tpu.vector_store %arg12[%swap3A_1546], %gather3A_1541 {strides = array<i32>} : memref<32768xf32, #tpu.memory_space<vmem>>, vector<16xf32>,
      %add3A_1548 = arith.addi %broadcast_in_dim3A_1499, %add3A_38 : vector<16xi32>
      %shift_right_logical3A_1549 = arith.constant 7 : i32
      %shift_right_logical3A_1550 = vector.broadcast %shift_right_logical3A_1549 : i32 to vector<16xi32>
      %shift_right_logical3A_1551 = arith.shrui %add3A_1548, %shift_right_logical3A_1550 : vector<16xi32>
      %add3A_1552 = arith.addi %add3A_1502, %shift_right_logical3A_1551 : vector<16xi32>
      %and3A_1553 = arith.constant 127 : i32
      %and3A_1554 = vector.broadcast %and3A_1553 : i32 to vector<16xi32>
      %and3A_1555 = arith.andi %add3A_1548, %and3A_1554 : vector<16xi32>
      %gather3A_1556 = tpu.vector_load_idx %arg10[%add3A_1552, %and3A_1555] : memref<128x128xf32, #tpu.memory_space<vmem>>[vector<16xi32>, vector<16xi32>], vector<16xf32>,
      %mul3A_1557 = arith.constant 128 : i32
      %mul3A_1558 = arith.muli %add3A_1494, %mul3A_1557 : i32
      %add3A_1559 = arith.constant 48 : i32
      %add3A_1560 = arith.addi %mul3A_1558, %add3A_1559 : i32
      %swap3A_1561 = arith.index_cast %add3A_1560 : i32 to index
      %swap3A_1562 = tpu.vector_load %arg12[%swap3A_1561] {strides = array<i32>} : memref<32768xf32, #tpu.memory_space<vmem>>, vector<16xf32>,
      tpu.vector_store %arg12[%swap3A_1561], %gather3A_1556 {strides = array<i32>} : memref<32768xf32, #tpu.memory_space<vmem>>, vector<16xf32>,
      %add3A_1563 = arith.addi %broadcast_in_dim3A_1499, %add3A_44 : vector<16xi32>
      %shift_right_logical3A_1564 = arith.constant 7 : i32
      %shift_right_logical3A_1565 = vector.broadcast %shift_right_logical3A_1564 : i32 to vector<16xi32>
      %shift_right_logical3A_1566 = arith.shrui %add3A_1563, %shift_right_logical3A_1565 : vector<16xi32>
      %add3A_1567 = arith.addi %add3A_1502, %shift_right_logical3A_1566 : vector<16xi32>
      %and3A_1568 = arith.constant 127 : i32
      %and3A_1569 = vector.broadcast %and3A_1568 : i32 to vector<16xi32>
      %and3A_1570 = arith.andi %add3A_1563, %and3A_1569 : vector<16xi32>
      %gather3A_1571 = tpu.vector_load_idx %arg10[%add3A_1567, %and3A_1570] : memref<128x128xf32, #tpu.memory_space<vmem>>[vector<16xi32>, vector<16xi32>], vector<16xf32>,
      %mul3A_1572 = arith.constant 128 : i32
      %mul3A_1573 = arith.muli %add3A_1494, %mul3A_1572 : i32
      %add3A_1574 = arith.constant 64 : i32
      %add3A_1575 = arith.addi %mul3A_1573, %add3A_1574 : i32
      %swap3A_1576 = arith.index_cast %add3A_1575 : i32 to index
      %swap3A_1577 = tpu.vector_load %arg12[%swap3A_1576] {strides = array<i32>} : memref<32768xf32, #tpu.memory_space<vmem>>, vector<16xf32>,
      tpu.vector_store %arg12[%swap3A_1576], %gather3A_1571 {strides = array<i32>} : memref<32768xf32, #tpu.memory_space<vmem>>, vector<16xf32>,
      %add3A_1578 = arith.addi %broadcast_in_dim3A_1499, %add3A_50 : vector<16xi32>
      %shift_right_logical3A_1579 = arith.constant 7 : i32
      %shift_right_logical3A_1580 = vector.broadcast %shift_right_logical3A_1579 : i32 to vector<16xi32>
      %shift_right_logical3A_1581 = arith.shrui %add3A_1578, %shift_right_logical3A_1580 : vector<16xi32>
      %add3A_1582 = arith.addi %add3A_1502, %shift_right_logical3A_1581 : vector<16xi32>
      %and3A_1583 = arith.constant 127 : i32
      %and3A_1584 = vector.broadcast %and3A_1583 : i32 to vector<16xi32>
      %and3A_1585 = arith.andi %add3A_1578, %and3A_1584 : vector<16xi32>
      %gather3A_1586 = tpu.vector_load_idx %arg10[%add3A_1582, %and3A_1585] : memref<128x128xf32, #tpu.memory_space<vmem>>[vector<16xi32>, vector<16xi32>], vector<16xf32>,
      %mul3A_1587 = arith.constant 128 : i32
      %mul3A_1588 = arith.muli %add3A_1494, %mul3A_1587 : i32
      %add3A_1589 = arith.constant 80 : i32
      %add3A_1590 = arith.addi %mul3A_1588, %add3A_1589 : i32
      %swap3A_1591 = arith.index_cast %add3A_1590 : i32 to index
      %swap3A_1592 = tpu.vector_load %arg12[%swap3A_1591] {strides = array<i32>} : memref<32768xf32, #tpu.memory_space<vmem>>, vector<16xf32>,
      tpu.vector_store %arg12[%swap3A_1591], %gather3A_1586 {strides = array<i32>} : memref<32768xf32, #tpu.memory_space<vmem>>, vector<16xf32>,
      %add3A_1593 = arith.addi %broadcast_in_dim3A_1499, %add3A_56 : vector<16xi32>
      %shift_right_logical3A_1594 = arith.constant 7 : i32
      %shift_right_logical3A_1595 = vector.broadcast %shift_right_logical3A_1594 : i32 to vector<16xi32>
      %shift_right_logical3A_1596 = arith.shrui %add3A_1593, %shift_right_logical3A_1595 : vector<16xi32>
      %add3A_1597 = arith.addi %add3A_1502, %shift_right_logical3A_1596 : vector<16xi32>
      %and3A_1598 = arith.constant 127 : i32
      %and3A_1599 = vector.broadcast %and3A_1598 : i32 to vector<16xi32>
      %and3A_1600 = arith.andi %add3A_1593, %and3A_1599 : vector<16xi32>
      %gather3A_1601 = tpu.vector_load_idx %arg10[%add3A_1597, %and3A_1600] : memref<128x128xf32, #tpu.memory_space<vmem>>[vector<16xi32>, vector<16xi32>], vector<16xf32>,
      %mul3A_1602 = arith.constant 128 : i32
      %mul3A_1603 = arith.muli %add3A_1494, %mul3A_1602 : i32
      %add3A_1604 = arith.constant 96 : i32
      %add3A_1605 = arith.addi %mul3A_1603, %add3A_1604 : i32
      %swap3A_1606 = arith.index_cast %add3A_1605 : i32 to index
      %swap3A_1607 = tpu.vector_load %arg12[%swap3A_1606] {strides = array<i32>} : memref<32768xf32, #tpu.memory_space<vmem>>, vector<16xf32>,
      tpu.vector_store %arg12[%swap3A_1606], %gather3A_1601 {strides = array<i32>} : memref<32768xf32, #tpu.memory_space<vmem>>, vector<16xf32>,
      %add3A_1608 = arith.addi %broadcast_in_dim3A_1499, %add3A_62 : vector<16xi32>
      %shift_right_logical3A_1609 = arith.constant 7 : i32
      %shift_right_logical3A_1610 = vector.broadcast %shift_right_logical3A_1609 : i32 to vector<16xi32>
      %shift_right_logical3A_1611 = arith.shrui %add3A_1608, %shift_right_logical3A_1610 : vector<16xi32>
      %add3A_1612 = arith.addi %add3A_1502, %shift_right_logical3A_1611 : vector<16xi32>
      %and3A_1613 = arith.constant 127 : i32
      %and3A_1614 = vector.broadcast %and3A_1613 : i32 to vector<16xi32>
      %and3A_1615 = arith.andi %add3A_1608, %and3A_1614 : vector<16xi32>
      %gather3A_1616 = tpu.vector_load_idx %arg10[%add3A_1612, %and3A_1615] : memref<128x128xf32, #tpu.memory_space<vmem>>[vector<16xi32>, vector<16xi32>], vector<16xf32>,
      %mul3A_1617 = arith.constant 128 : i32
      %mul3A_1618 = arith.muli %add3A_1494, %mul3A_1617 : i32
      %add3A_1619 = arith.constant 112 : i32
      %add3A_1620 = arith.addi %mul3A_1618, %add3A_1619 : i32
      %swap3A_1621 = arith.index_cast %add3A_1620 : i32 to index
      %swap3A_1622 = tpu.vector_load %arg12[%swap3A_1621] {strides = array<i32>} : memref<32768xf32, #tpu.memory_space<vmem>>, vector<16xf32>,
      tpu.vector_store %arg12[%swap3A_1621], %gather3A_1616 {strides = array<i32>} : memref<32768xf32, #tpu.memory_space<vmem>>, vector<16xf32>,
      %add3A_1623 = arith.constant 2 : i32
      %add3A_1624 = arith.addi %mul3A_559, %add3A_1623 : i32
      %lt3A = arith.constant 32 : i32
      %lt3A_1625 = arith.cmpi slt, %add3A_1624, %lt3A : i32
      %convert_element_type3A = arith.extui %lt3A_1625 : i1 to i32
      %cond3A = arith.constant 0 : i32
      %cond3A_1626 = arith.cmpi ne, %convert_element_type3A, %cond3A : i32
      scf.if %cond3A_1626 {
        %add3A_2702 = arith.constant 2 : i32
        %add3A_2703 = arith.addi %mul3A_559, %add3A_2702 : i32
        %mul3A_2704 = arith.constant 8 : i32
        %mul3A_2705 = arith.muli %add3A_2703, %mul3A_2704 : i32
        %get3A_2706 = arith.index_cast %mul3A_2705 : i32 to index
        %get3A_2707 = tpu.vector_load %arg6[%get3A_2706] {strides = array<i32>} : memref<272xi32, #tpu.memory_space<vmem>>, vector<16xi32>,
        %mul3A_2708 = arith.constant 8 : i32
        %mul3A_2709 = arith.muli %add3A_2703, %mul3A_2708 : i32
        %get3A_2710 = arith.index_cast %mul3A_2709 : i32 to index
        %get3A_2711 = tpu.vector_load %arg7[%get3A_2710] {strides = array<i32>} : memref<272xi32, #tpu.memory_space<vmem>>, vector<16xi32>,
        %slice3A_2712 = vector.extract_strided_slice %get3A_2711 {offsets = [0], sizes = [1], strides = [1]} : vector<16xi32> to vector<1xi32>
        %squeeze3A_2713 = vector.extract %slice3A_2712[0] : i32 from vector<1xi32>
        %add3A_2714 = arith.addi %mul3A_4, %squeeze3A_2713 : i32
        %add3A_2715 = vector.broadcast %add3A_2714 : i32 to vector<16xi32>
        %add3A_2716 = arith.addi %add3A_2715, %shift_right_logical3A_6 : vector<16xi32>
        %slice3A_2717 = vector.extract_strided_slice %get3A_2707 {offsets = [0], sizes = [1], strides = [1]} : vector<16xi32> to vector<1xi32>
        %squeeze3A_2718 = vector.extract %slice3A_2717[0] : i32 from vector<1xi32>
        %shift_right_logical3A_2719 = arith.constant 7 : i32
        %shift_right_logical3A_2720 = arith.shrui %squeeze3A_2718, %shift_right_logical3A_2719 : i32
        %add3A_2721 = vector.broadcast %shift_right_logical3A_2720 : i32 to vector<16xi32>
        %add3A_2722 = arith.addi %add3A_2721, %and3A_8 : vector<16xi32>
        %min3A_2723 = arith.constant 63 : i32
        %min3A_2724 = vector.broadcast %min3A_2723 : i32 to vector<16xi32>
        %min3A_2725 = arith.minsi %add3A_2722, %min3A_2724 : vector<16xi32>
        %shift_right_logical3A_2726 = arith.constant 3 : i32
        %shift_right_logical3A_2727 = vector.broadcast %shift_right_logical3A_2726 : i32 to vector<16xi32>
        %shift_right_logical3A_2728 = arith.shrui %add3A_2716, %shift_right_logical3A_2727 : vector<16xi32>
        %shift_left3A_2729 = arith.constant 9 : i32
        %shift_left3A_2730 = vector.broadcast %shift_left3A_2729 : i32 to vector<16xi32>
        %shift_left3A_2731 = arith.shli %shift_right_logical3A_2728, %shift_left3A_2730 : vector<16xi32>
        %shift_left3A_2732 = arith.constant 3 : i32
        %shift_left3A_2733 = vector.broadcast %shift_left3A_2732 : i32 to vector<16xi32>
        %shift_left3A_2734 = arith.shli %min3A_2725, %shift_left3A_2733 : vector<16xi32>
        %add3A_2735 = arith.addi %shift_left3A_2731, %shift_left3A_2734 : vector<16xi32>
        %and3A_2736 = arith.constant 7 : i32
        %and3A_2737 = vector.broadcast %and3A_2736 : i32 to vector<16xi32>
        %and3A_2738 = arith.andi %add3A_2716, %and3A_2737 : vector<16xi32>
        %add3A_2739 = arith.addi %add3A_2735, %and3A_2738 : vector<16xi32>
        %swap3A_2740 = arith.constant 0 : index
        %swap3A_2741 = tpu.vector_load %arg8[%swap3A_2740] {strides = array<i32>} : memref<128xi32, #tpu.memory_space<vmem>>, vector<16xi32>,
        tpu.vector_store %arg8[%swap3A_2740], %add3A_2739 {strides = array<i32>} : memref<128xi32, #tpu.memory_space<vmem>>, vector<16xi32>,
        %slice3A_2742 = vector.extract_strided_slice %get3A_2711 {offsets = [1], sizes = [1], strides = [1]} : vector<16xi32> to vector<1xi32>
        %squeeze3A_2743 = vector.extract %slice3A_2742[0] : i32 from vector<1xi32>
        %add3A_2744 = arith.addi %mul3A_4, %squeeze3A_2743 : i32
        %add3A_2745 = vector.broadcast %add3A_2744 : i32 to vector<16xi32>
        %add3A_2746 = arith.addi %add3A_2745, %shift_right_logical3A_6 : vector<16xi32>
        %slice3A_2747 = vector.extract_strided_slice %get3A_2707 {offsets = [1], sizes = [1], strides = [1]} : vector<16xi32> to vector<1xi32>
        %squeeze3A_2748 = vector.extract %slice3A_2747[0] : i32 from vector<1xi32>
        %shift_right_logical3A_2749 = arith.constant 7 : i32
        %shift_right_logical3A_2750 = arith.shrui %squeeze3A_2748, %shift_right_logical3A_2749 : i32
        %add3A_2751 = vector.broadcast %shift_right_logical3A_2750 : i32 to vector<16xi32>
        %add3A_2752 = arith.addi %add3A_2751, %and3A_8 : vector<16xi32>
        %min3A_2753 = arith.constant 63 : i32
        %min3A_2754 = vector.broadcast %min3A_2753 : i32 to vector<16xi32>
        %min3A_2755 = arith.minsi %add3A_2752, %min3A_2754 : vector<16xi32>
        %shift_right_logical3A_2756 = arith.constant 3 : i32
        %shift_right_logical3A_2757 = vector.broadcast %shift_right_logical3A_2756 : i32 to vector<16xi32>
        %shift_right_logical3A_2758 = arith.shrui %add3A_2746, %shift_right_logical3A_2757 : vector<16xi32>
        %shift_left3A_2759 = arith.constant 9 : i32
        %shift_left3A_2760 = vector.broadcast %shift_left3A_2759 : i32 to vector<16xi32>
        %shift_left3A_2761 = arith.shli %shift_right_logical3A_2758, %shift_left3A_2760 : vector<16xi32>
        %shift_left3A_2762 = arith.constant 3 : i32
        %shift_left3A_2763 = vector.broadcast %shift_left3A_2762 : i32 to vector<16xi32>
        %shift_left3A_2764 = arith.shli %min3A_2755, %shift_left3A_2763 : vector<16xi32>
        %add3A_2765 = arith.addi %shift_left3A_2761, %shift_left3A_2764 : vector<16xi32>
        %and3A_2766 = arith.constant 7 : i32
        %and3A_2767 = vector.broadcast %and3A_2766 : i32 to vector<16xi32>
        %and3A_2768 = arith.andi %add3A_2746, %and3A_2767 : vector<16xi32>
        %add3A_2769 = arith.addi %add3A_2765, %and3A_2768 : vector<16xi32>
        %swap3A_2770 = arith.constant 16 : index
        %swap3A_2771 = tpu.vector_load %arg8[%swap3A_2770] {strides = array<i32>} : memref<128xi32, #tpu.memory_space<vmem>>, vector<16xi32>,
        tpu.vector_store %arg8[%swap3A_2770], %add3A_2769 {strides = array<i32>} : memref<128xi32, #tpu.memory_space<vmem>>, vector<16xi32>,
        %slice3A_2772 = vector.extract_strided_slice %get3A_2711 {offsets = [2], sizes = [1], strides = [1]} : vector<16xi32> to vector<1xi32>
        %squeeze3A_2773 = vector.extract %slice3A_2772[0] : i32 from vector<1xi32>
        %add3A_2774 = arith.addi %mul3A_4, %squeeze3A_2773 : i32
        %add3A_2775 = vector.broadcast %add3A_2774 : i32 to vector<16xi32>
        %add3A_2776 = arith.addi %add3A_2775, %shift_right_logical3A_6 : vector<16xi32>
        %slice3A_2777 = vector.extract_strided_slice %get3A_2707 {offsets = [2], sizes = [1], strides = [1]} : vector<16xi32> to vector<1xi32>
        %squeeze3A_2778 = vector.extract %slice3A_2777[0] : i32 from vector<1xi32>
        %shift_right_logical3A_2779 = arith.constant 7 : i32
        %shift_right_logical3A_2780 = arith.shrui %squeeze3A_2778, %shift_right_logical3A_2779 : i32
        %add3A_2781 = vector.broadcast %shift_right_logical3A_2780 : i32 to vector<16xi32>
        %add3A_2782 = arith.addi %add3A_2781, %and3A_8 : vector<16xi32>
        %min3A_2783 = arith.constant 63 : i32
        %min3A_2784 = vector.broadcast %min3A_2783 : i32 to vector<16xi32>
        %min3A_2785 = arith.minsi %add3A_2782, %min3A_2784 : vector<16xi32>
        %shift_right_logical3A_2786 = arith.constant 3 : i32
        %shift_right_logical3A_2787 = vector.broadcast %shift_right_logical3A_2786 : i32 to vector<16xi32>
        %shift_right_logical3A_2788 = arith.shrui %add3A_2776, %shift_right_logical3A_2787 : vector<16xi32>
        %shift_left3A_2789 = arith.constant 9 : i32
        %shift_left3A_2790 = vector.broadcast %shift_left3A_2789 : i32 to vector<16xi32>
        %shift_left3A_2791 = arith.shli %shift_right_logical3A_2788, %shift_left3A_2790 : vector<16xi32>
        %shift_left3A_2792 = arith.constant 3 : i32
        %shift_left3A_2793 = vector.broadcast %shift_left3A_2792 : i32 to vector<16xi32>
        %shift_left3A_2794 = arith.shli %min3A_2785, %shift_left3A_2793 : vector<16xi32>
        %add3A_2795 = arith.addi %shift_left3A_2791, %shift_left3A_2794 : vector<16xi32>
        %and3A_2796 = arith.constant 7 : i32
        %and3A_2797 = vector.broadcast %and3A_2796 : i32 to vector<16xi32>
        %and3A_2798 = arith.andi %add3A_2776, %and3A_2797 : vector<16xi32>
        %add3A_2799 = arith.addi %add3A_2795, %and3A_2798 : vector<16xi32>
        %swap3A_2800 = arith.constant 32 : index
        %swap3A_2801 = tpu.vector_load %arg8[%swap3A_2800] {strides = array<i32>} : memref<128xi32, #tpu.memory_space<vmem>>, vector<16xi32>,
        tpu.vector_store %arg8[%swap3A_2800], %add3A_2799 {strides = array<i32>} : memref<128xi32, #tpu.memory_space<vmem>>, vector<16xi32>,
        %slice3A_2802 = vector.extract_strided_slice %get3A_2711 {offsets = [3], sizes = [1], strides = [1]} : vector<16xi32> to vector<1xi32>
        %squeeze3A_2803 = vector.extract %slice3A_2802[0] : i32 from vector<1xi32>
        %add3A_2804 = arith.addi %mul3A_4, %squeeze3A_2803 : i32
        %add3A_2805 = vector.broadcast %add3A_2804 : i32 to vector<16xi32>
        %add3A_2806 = arith.addi %add3A_2805, %shift_right_logical3A_6 : vector<16xi32>
        %slice3A_2807 = vector.extract_strided_slice %get3A_2707 {offsets = [3], sizes = [1], strides = [1]} : vector<16xi32> to vector<1xi32>
        %squeeze3A_2808 = vector.extract %slice3A_2807[0] : i32 from vector<1xi32>
        %shift_right_logical3A_2809 = arith.constant 7 : i32
        %shift_right_logical3A_2810 = arith.shrui %squeeze3A_2808, %shift_right_logical3A_2809 : i32
        %add3A_2811 = vector.broadcast %shift_right_logical3A_2810 : i32 to vector<16xi32>
        %add3A_2812 = arith.addi %add3A_2811, %and3A_8 : vector<16xi32>
        %min3A_2813 = arith.constant 63 : i32
        %min3A_2814 = vector.broadcast %min3A_2813 : i32 to vector<16xi32>
        %min3A_2815 = arith.minsi %add3A_2812, %min3A_2814 : vector<16xi32>
        %shift_right_logical3A_2816 = arith.constant 3 : i32
        %shift_right_logical3A_2817 = vector.broadcast %shift_right_logical3A_2816 : i32 to vector<16xi32>
        %shift_right_logical3A_2818 = arith.shrui %add3A_2806, %shift_right_logical3A_2817 : vector<16xi32>
        %shift_left3A_2819 = arith.constant 9 : i32
        %shift_left3A_2820 = vector.broadcast %shift_left3A_2819 : i32 to vector<16xi32>
        %shift_left3A_2821 = arith.shli %shift_right_logical3A_2818, %shift_left3A_2820 : vector<16xi32>
        %shift_left3A_2822 = arith.constant 3 : i32
        %shift_left3A_2823 = vector.broadcast %shift_left3A_2822 : i32 to vector<16xi32>
        %shift_left3A_2824 = arith.shli %min3A_2815, %shift_left3A_2823 : vector<16xi32>
        %add3A_2825 = arith.addi %shift_left3A_2821, %shift_left3A_2824 : vector<16xi32>
        %and3A_2826 = arith.constant 7 : i32
        %and3A_2827 = vector.broadcast %and3A_2826 : i32 to vector<16xi32>
        %and3A_2828 = arith.andi %add3A_2806, %and3A_2827 : vector<16xi32>
        %add3A_2829 = arith.addi %add3A_2825, %and3A_2828 : vector<16xi32>
        %swap3A_2830 = arith.constant 48 : index
        %swap3A_2831 = tpu.vector_load %arg8[%swap3A_2830] {strides = array<i32>} : memref<128xi32, #tpu.memory_space<vmem>>, vector<16xi32>,
        tpu.vector_store %arg8[%swap3A_2830], %add3A_2829 {strides = array<i32>} : memref<128xi32, #tpu.memory_space<vmem>>, vector<16xi32>,
        %slice3A_2832 = vector.extract_strided_slice %get3A_2711 {offsets = [4], sizes = [1], strides = [1]} : vector<16xi32> to vector<1xi32>
        %squeeze3A_2833 = vector.extract %slice3A_2832[0] : i32 from vector<1xi32>
        %add3A_2834 = arith.addi %mul3A_4, %squeeze3A_2833 : i32
        %add3A_2835 = vector.broadcast %add3A_2834 : i32 to vector<16xi32>
        %add3A_2836 = arith.addi %add3A_2835, %shift_right_logical3A_6 : vector<16xi32>
        %slice3A_2837 = vector.extract_strided_slice %get3A_2707 {offsets = [4], sizes = [1], strides = [1]} : vector<16xi32> to vector<1xi32>
        %squeeze3A_2838 = vector.extract %slice3A_2837[0] : i32 from vector<1xi32>
        %shift_right_logical3A_2839 = arith.constant 7 : i32
        %shift_right_logical3A_2840 = arith.shrui %squeeze3A_2838, %shift_right_logical3A_2839 : i32
        %add3A_2841 = vector.broadcast %shift_right_logical3A_2840 : i32 to vector<16xi32>
        %add3A_2842 = arith.addi %add3A_2841, %and3A_8 : vector<16xi32>
        %min3A_2843 = arith.constant 63 : i32
        %min3A_2844 = vector.broadcast %min3A_2843 : i32 to vector<16xi32>
        %min3A_2845 = arith.minsi %add3A_2842, %min3A_2844 : vector<16xi32>
        %shift_right_logical3A_2846 = arith.constant 3 : i32
        %shift_right_logical3A_2847 = vector.broadcast %shift_right_logical3A_2846 : i32 to vector<16xi32>
        %shift_right_logical3A_2848 = arith.shrui %add3A_2836, %shift_right_logical3A_2847 : vector<16xi32>
        %shift_left3A_2849 = arith.constant 9 : i32
        %shift_left3A_2850 = vector.broadcast %shift_left3A_2849 : i32 to vector<16xi32>
        %shift_left3A_2851 = arith.shli %shift_right_logical3A_2848, %shift_left3A_2850 : vector<16xi32>
        %shift_left3A_2852 = arith.constant 3 : i32
        %shift_left3A_2853 = vector.broadcast %shift_left3A_2852 : i32 to vector<16xi32>
        %shift_left3A_2854 = arith.shli %min3A_2845, %shift_left3A_2853 : vector<16xi32>
        %add3A_2855 = arith.addi %shift_left3A_2851, %shift_left3A_2854 : vector<16xi32>
        %and3A_2856 = arith.constant 7 : i32
        %and3A_2857 = vector.broadcast %and3A_2856 : i32 to vector<16xi32>
        %and3A_2858 = arith.andi %add3A_2836, %and3A_2857 : vector<16xi32>
        %add3A_2859 = arith.addi %add3A_2855, %and3A_2858 : vector<16xi32>
        %swap3A_2860 = arith.constant 64 : index
        %swap3A_2861 = tpu.vector_load %arg8[%swap3A_2860] {strides = array<i32>} : memref<128xi32, #tpu.memory_space<vmem>>, vector<16xi32>,
        tpu.vector_store %arg8[%swap3A_2860], %add3A_2859 {strides = array<i32>} : memref<128xi32, #tpu.memory_space<vmem>>, vector<16xi32>,
        %slice3A_2862 = vector.extract_strided_slice %get3A_2711 {offsets = [5], sizes = [1], strides = [1]} : vector<16xi32> to vector<1xi32>
        %squeeze3A_2863 = vector.extract %slice3A_2862[0] : i32 from vector<1xi32>
        %add3A_2864 = arith.addi %mul3A_4, %squeeze3A_2863 : i32
        %add3A_2865 = vector.broadcast %add3A_2864 : i32 to vector<16xi32>
        %add3A_2866 = arith.addi %add3A_2865, %shift_right_logical3A_6 : vector<16xi32>
        %slice3A_2867 = vector.extract_strided_slice %get3A_2707 {offsets = [5], sizes = [1], strides = [1]} : vector<16xi32> to vector<1xi32>
        %squeeze3A_2868 = vector.extract %slice3A_2867[0] : i32 from vector<1xi32>
        %shift_right_logical3A_2869 = arith.constant 7 : i32
        %shift_right_logical3A_2870 = arith.shrui %squeeze3A_2868, %shift_right_logical3A_2869 : i32
        %add3A_2871 = vector.broadcast %shift_right_logical3A_2870 : i32 to vector<16xi32>
        %add3A_2872 = arith.addi %add3A_2871, %and3A_8 : vector<16xi32>
        %min3A_2873 = arith.constant 63 : i32
        %min3A_2874 = vector.broadcast %min3A_2873 : i32 to vector<16xi32>
        %min3A_2875 = arith.minsi %add3A_2872, %min3A_2874 : vector<16xi32>
        %shift_right_logical3A_2876 = arith.constant 3 : i32
        %shift_right_logical3A_2877 = vector.broadcast %shift_right_logical3A_2876 : i32 to vector<16xi32>
        %shift_right_logical3A_2878 = arith.shrui %add3A_2866, %shift_right_logical3A_2877 : vector<16xi32>
        %shift_left3A_2879 = arith.constant 9 : i32
        %shift_left3A_2880 = vector.broadcast %shift_left3A_2879 : i32 to vector<16xi32>
        %shift_left3A_2881 = arith.shli %shift_right_logical3A_2878, %shift_left3A_2880 : vector<16xi32>
        %shift_left3A_2882 = arith.constant 3 : i32
        %shift_left3A_2883 = vector.broadcast %shift_left3A_2882 : i32 to vector<16xi32>
        %shift_left3A_2884 = arith.shli %min3A_2875, %shift_left3A_2883 : vector<16xi32>
        %add3A_2885 = arith.addi %shift_left3A_2881, %shift_left3A_2884 : vector<16xi32>
        %and3A_2886 = arith.constant 7 : i32
        %and3A_2887 = vector.broadcast %and3A_2886 : i32 to vector<16xi32>
        %and3A_2888 = arith.andi %add3A_2866, %and3A_2887 : vector<16xi32>
        %add3A_2889 = arith.addi %add3A_2885, %and3A_2888 : vector<16xi32>
        %swap3A_2890 = arith.constant 80 : index
        %swap3A_2891 = tpu.vector_load %arg8[%swap3A_2890] {strides = array<i32>} : memref<128xi32, #tpu.memory_space<vmem>>, vector<16xi32>,
        tpu.vector_store %arg8[%swap3A_2890], %add3A_2889 {strides = array<i32>} : memref<128xi32, #tpu.memory_space<vmem>>, vector<16xi32>,
        %slice3A_2892 = vector.extract_strided_slice %get3A_2711 {offsets = [6], sizes = [1], strides = [1]} : vector<16xi32> to vector<1xi32>
        %squeeze3A_2893 = vector.extract %slice3A_2892[0] : i32 from vector<1xi32>
        %add3A_2894 = arith.addi %mul3A_4, %squeeze3A_2893 : i32
        %add3A_2895 = vector.broadcast %add3A_2894 : i32 to vector<16xi32>
        %add3A_2896 = arith.addi %add3A_2895, %shift_right_logical3A_6 : vector<16xi32>
        %slice3A_2897 = vector.extract_strided_slice %get3A_2707 {offsets = [6], sizes = [1], strides = [1]} : vector<16xi32> to vector<1xi32>
        %squeeze3A_2898 = vector.extract %slice3A_2897[0] : i32 from vector<1xi32>
        %shift_right_logical3A_2899 = arith.constant 7 : i32
        %shift_right_logical3A_2900 = arith.shrui %squeeze3A_2898, %shift_right_logical3A_2899 : i32
        %add3A_2901 = vector.broadcast %shift_right_logical3A_2900 : i32 to vector<16xi32>
        %add3A_2902 = arith.addi %add3A_2901, %and3A_8 : vector<16xi32>
        %min3A_2903 = arith.constant 63 : i32
        %min3A_2904 = vector.broadcast %min3A_2903 : i32 to vector<16xi32>
        %min3A_2905 = arith.minsi %add3A_2902, %min3A_2904 : vector<16xi32>
        %shift_right_logical3A_2906 = arith.constant 3 : i32
        %shift_right_logical3A_2907 = vector.broadcast %shift_right_logical3A_2906 : i32 to vector<16xi32>
        %shift_right_logical3A_2908 = arith.shrui %add3A_2896, %shift_right_logical3A_2907 : vector<16xi32>
        %shift_left3A_2909 = arith.constant 9 : i32
        %shift_left3A_2910 = vector.broadcast %shift_left3A_2909 : i32 to vector<16xi32>
        %shift_left3A_2911 = arith.shli %shift_right_logical3A_2908, %shift_left3A_2910 : vector<16xi32>
        %shift_left3A_2912 = arith.constant 3 : i32
        %shift_left3A_2913 = vector.broadcast %shift_left3A_2912 : i32 to vector<16xi32>
        %shift_left3A_2914 = arith.shli %min3A_2905, %shift_left3A_2913 : vector<16xi32>
        %add3A_2915 = arith.addi %shift_left3A_2911, %shift_left3A_2914 : vector<16xi32>
        %and3A_2916 = arith.constant 7 : i32
        %and3A_2917 = vector.broadcast %and3A_2916 : i32 to vector<16xi32>
        %and3A_2918 = arith.andi %add3A_2896, %and3A_2917 : vector<16xi32>
        %add3A_2919 = arith.addi %add3A_2915, %and3A_2918 : vector<16xi32>
        %swap3A_2920 = arith.constant 96 : index
        %swap3A_2921 = tpu.vector_load %arg8[%swap3A_2920] {strides = array<i32>} : memref<128xi32, #tpu.memory_space<vmem>>, vector<16xi32>,
        tpu.vector_store %arg8[%swap3A_2920], %add3A_2919 {strides = array<i32>} : memref<128xi32, #tpu.memory_space<vmem>>, vector<16xi32>,
        %slice3A_2922 = vector.extract_strided_slice %get3A_2711 {offsets = [7], sizes = [1], strides = [1]} : vector<16xi32> to vector<1xi32>
        %squeeze3A_2923 = vector.extract %slice3A_2922[0] : i32 from vector<1xi32>
        %add3A_2924 = arith.addi %mul3A_4, %squeeze3A_2923 : i32
        %add3A_2925 = vector.broadcast %add3A_2924 : i32 to vector<16xi32>
        %add3A_2926 = arith.addi %add3A_2925, %shift_right_logical3A_6 : vector<16xi32>
        %slice3A_2927 = vector.extract_strided_slice %get3A_2707 {offsets = [7], sizes = [1], strides = [1]} : vector<16xi32> to vector<1xi32>
        %squeeze3A_2928 = vector.extract %slice3A_2927[0] : i32 from vector<1xi32>
        %shift_right_logical3A_2929 = arith.constant 7 : i32
        %shift_right_logical3A_2930 = arith.shrui %squeeze3A_2928, %shift_right_logical3A_2929 : i32
        %add3A_2931 = vector.broadcast %shift_right_logical3A_2930 : i32 to vector<16xi32>
        %add3A_2932 = arith.addi %add3A_2931, %and3A_8 : vector<16xi32>
        %min3A_2933 = arith.constant 63 : i32
        %min3A_2934 = vector.broadcast %min3A_2933 : i32 to vector<16xi32>
        %min3A_2935 = arith.minsi %add3A_2932, %min3A_2934 : vector<16xi32>
        %shift_right_logical3A_2936 = arith.constant 3 : i32
        %shift_right_logical3A_2937 = vector.broadcast %shift_right_logical3A_2936 : i32 to vector<16xi32>
        %shift_right_logical3A_2938 = arith.shrui %add3A_2926, %shift_right_logical3A_2937 : vector<16xi32>
        %shift_left3A_2939 = arith.constant 9 : i32
        %shift_left3A_2940 = vector.broadcast %shift_left3A_2939 : i32 to vector<16xi32>
        %shift_left3A_2941 = arith.shli %shift_right_logical3A_2938, %shift_left3A_2940 : vector<16xi32>
        %shift_left3A_2942 = arith.constant 3 : i32
        %shift_left3A_2943 = vector.broadcast %shift_left3A_2942 : i32 to vector<16xi32>
        %shift_left3A_2944 = arith.shli %min3A_2935, %shift_left3A_2943 : vector<16xi32>
        %add3A_2945 = arith.addi %shift_left3A_2941, %shift_left3A_2944 : vector<16xi32>
        %and3A_2946 = arith.constant 7 : i32
        %and3A_2947 = vector.broadcast %and3A_2946 : i32 to vector<16xi32>
        %and3A_2948 = arith.andi %add3A_2926, %and3A_2947 : vector<16xi32>
        %add3A_2949 = arith.addi %add3A_2945, %and3A_2948 : vector<16xi32>
        %swap3A_2950 = arith.constant 112 : index
        %swap3A_2951 = tpu.vector_load %arg8[%swap3A_2950] {strides = array<i32>} : memref<128xi32, #tpu.memory_space<vmem>>, vector<16xi32>,
        tpu.vector_store %arg8[%swap3A_2950], %add3A_2949 {strides = array<i32>} : memref<128xi32, #tpu.memory_space<vmem>>, vector<16xi32>,
        %dma_start3A_2952 = arith.constant 0 : i32
        %dma_start3A_2953 = arith.constant 0 : i32
        %dma_start3A_2954 = tpu.memref_slice %arg2[%dma_start3A_2952, %dma_start3A_2953] : memref<131072x128xf32, #tpu.memory_space<hbm>> -> memref<131072x128xf32, #tpu.memory_space<hbm>>
        tpu.enqueue_indirect_dma source(%dma_start3A_2954 : memref<131072x128xf32, #tpu.memory_space<hbm>>) target(%arg10 : memref<128x128xf32, #tpu.memory_space<vmem>>) offsets(%arg8 : memref<128xi32, #tpu.memory_space<vmem>>) semaphore(%arg13 : memref<!tpu.dma_semaphore, #tpu.memory_space<semaphore_mem>>)
      } else {
      }
      %add3A_1627 = arith.constant 1 : i32
      %add3A_1628 = arith.addi %mul3A_559, %add3A_1627 : i32
      %dma_wait3A_1629 = arith.constant 0 : i32
      %dma_wait3A_1630 = arith.constant 0 : i32
      %dma_wait3A_1631 = tpu.memref_slice %arg2[%dma_wait3A_1629, %dma_wait3A_1630] : memref<131072x128xf32, #tpu.memory_space<hbm>> -> memref<128x128xf32, #tpu.memory_space<hbm>>
      %dma_wait3A_1632 = arith.constant 0 : i32
      %dma_wait3A_1633 = arith.constant 0 : i32
      %dma_wait3A_1634 = tpu.memref_slice %arg2[%dma_wait3A_1632, %dma_wait3A_1633] : memref<131072x128xf32, #tpu.memory_space<hbm>> -> memref<128x128xf32, #tpu.memory_space<hbm>>
      tpu.wait_dma2 semaphore(%arg14 : memref<!tpu.dma_semaphore, #tpu.memory_space<semaphore_mem>>) src(%dma_wait3A_1634 : memref<128x128xf32, #tpu.memory_space<hbm>>) dst(%arg11 : memref<128x128xf32, #tpu.memory_space<vmem>>)
      %mul3A_1635 = arith.constant 8 : i32
      %mul3A_1636 = arith.muli %add3A_1628, %mul3A_1635 : i32
      %get3A_1637 = arith.index_cast %mul3A_1636 : i32 to index
      %get3A_1638 = tpu.vector_load %arg6[%get3A_1637] {strides = array<i32>} : memref<272xi32, #tpu.memory_space<vmem>>, vector<16xi32>,
      %mul3A_1639 = arith.constant 8 : i32
      %mul3A_1640 = arith.muli %add3A_1628, %mul3A_1639 : i32
      %add3A_1641 = arith.constant 0 : i32
      %add3A_1642 = arith.addi %mul3A_1640, %add3A_1641 : i32
      %slice3A_1643 = vector.extract_strided_slice %get3A_1638 {offsets = [0], sizes = [1], strides = [1]} : vector<16xi32> to vector<1xi32>
      %squeeze3A_1644 = vector.extract %slice3A_1643[0] : i32 from vector<1xi32>
      %and3A_1645 = arith.constant 127 : i32
      %and3A_1646 = arith.andi %squeeze3A_1644, %and3A_1645 : i32
      %broadcast_in_dim3A_1647 = vector.broadcast %and3A_1646 : i32 to vector<16xi32>
      %add3A_1648 = arith.constant 0 : i32
      %add3A_1649 = vector.broadcast %add3A_1648 : i32 to vector<16xi32>
      %add3A_1650 = arith.addi %mul3A_14, %add3A_1649 : vector<16xi32>
      %add3A_1651 = arith.addi %broadcast_in_dim3A_1647, %add3A_20 : vector<16xi32>
      %shift_right_logical3A_1652 = arith.constant 7 : i32
      %shift_right_logical3A_1653 = vector.broadcast %shift_right_logical3A_1652 : i32 to vector<16xi32>
      %shift_right_logical3A_1654 = arith.shrui %add3A_1651, %shift_right_logical3A_1653 : vector<16xi32>
      %add3A_1655 = arith.addi %add3A_1650, %shift_right_logical3A_1654 : vector<16xi32>
      %and3A_1656 = arith.constant 127 : i32
      %and3A_1657 = vector.broadcast %and3A_1656 : i32 to vector<16xi32>
      %and3A_1658 = arith.andi %add3A_1651, %and3A_1657 : vector<16xi32>
      %gather3A_1659 = tpu.vector_load_idx %arg11[%add3A_1655, %and3A_1658] : memref<128x128xf32, #tpu.memory_space<vmem>>[vector<16xi32>, vector<16xi32>], vector<16xf32>,
      %mul3A_1660 = arith.constant 128 : i32
      %mul3A_1661 = arith.muli %add3A_1642, %mul3A_1660 : i32
      %add3A_1662 = arith.constant 0 : i32
      %add3A_1663 = arith.addi %mul3A_1661, %add3A_1662 : i32
      %swap3A_1664 = arith.index_cast %add3A_1663 : i32 to index
      %swap3A_1665 = tpu.vector_load %arg12[%swap3A_1664] {strides = array<i32>} : memref<32768xf32, #tpu.memory_space<vmem>>, vector<16xf32>,
      tpu.vector_store %arg12[%swap3A_1664], %gather3A_1659 {strides = array<i32>} : memref<32768xf32, #tpu.memory_space<vmem>>, vector<16xf32>,
      %add3A_1666 = arith.addi %broadcast_in_dim3A_1647, %add3A_26 : vector<16xi32>
      %shift_right_logical3A_1667 = arith.constant 7 : i32
      %shift_right_logical3A_1668 = vector.broadcast %shift_right_logical3A_1667 : i32 to vector<16xi32>
      %shift_right_logical3A_1669 = arith.shrui %add3A_1666, %shift_right_logical3A_1668 : vector<16xi32>
      %add3A_1670 = arith.addi %add3A_1650, %shift_right_logical3A_1669 : vector<16xi32>
      %and3A_1671 = arith.constant 127 : i32
      %and3A_1672 = vector.broadcast %and3A_1671 : i32 to vector<16xi32>
      %and3A_1673 = arith.andi %add3A_1666, %and3A_1672 : vector<16xi32>
      %gather3A_1674 = tpu.vector_load_idx %arg11[%add3A_1670, %and3A_1673] : memref<128x128xf32, #tpu.memory_space<vmem>>[vector<16xi32>, vector<16xi32>], vector<16xf32>,
      %mul3A_1675 = arith.constant 128 : i32
      %mul3A_1676 = arith.muli %add3A_1642, %mul3A_1675 : i32
      %add3A_1677 = arith.constant 16 : i32
      %add3A_1678 = arith.addi %mul3A_1676, %add3A_1677 : i32
      %swap3A_1679 = arith.index_cast %add3A_1678 : i32 to index
      %swap3A_1680 = tpu.vector_load %arg12[%swap3A_1679] {strides = array<i32>} : memref<32768xf32, #tpu.memory_space<vmem>>, vector<16xf32>,
      tpu.vector_store %arg12[%swap3A_1679], %gather3A_1674 {strides = array<i32>} : memref<32768xf32, #tpu.memory_space<vmem>>, vector<16xf32>,
      %add3A_1681 = arith.addi %broadcast_in_dim3A_1647, %add3A_32 : vector<16xi32>
      %shift_right_logical3A_1682 = arith.constant 7 : i32
      %shift_right_logical3A_1683 = vector.broadcast %shift_right_logical3A_1682 : i32 to vector<16xi32>
      %shift_right_logical3A_1684 = arith.shrui %add3A_1681, %shift_right_logical3A_1683 : vector<16xi32>
      %add3A_1685 = arith.addi %add3A_1650, %shift_right_logical3A_1684 : vector<16xi32>
      %and3A_1686 = arith.constant 127 : i32
      %and3A_1687 = vector.broadcast %and3A_1686 : i32 to vector<16xi32>
      %and3A_1688 = arith.andi %add3A_1681, %and3A_1687 : vector<16xi32>
      %gather3A_1689 = tpu.vector_load_idx %arg11[%add3A_1685, %and3A_1688] : memref<128x128xf32, #tpu.memory_space<vmem>>[vector<16xi32>, vector<16xi32>], vector<16xf32>,
      %mul3A_1690 = arith.constant 128 : i32
      %mul3A_1691 = arith.muli %add3A_1642, %mul3A_1690 : i32
      %add3A_1692 = arith.constant 32 : i32
      %add3A_1693 = arith.addi %mul3A_1691, %add3A_1692 : i32
      %swap3A_1694 = arith.index_cast %add3A_1693 : i32 to index
      %swap3A_1695 = tpu.vector_load %arg12[%swap3A_1694] {strides = array<i32>} : memref<32768xf32, #tpu.memory_space<vmem>>, vector<16xf32>,
      tpu.vector_store %arg12[%swap3A_1694], %gather3A_1689 {strides = array<i32>} : memref<32768xf32, #tpu.memory_space<vmem>>, vector<16xf32>,
      %add3A_1696 = arith.addi %broadcast_in_dim3A_1647, %add3A_38 : vector<16xi32>
      %shift_right_logical3A_1697 = arith.constant 7 : i32
      %shift_right_logical3A_1698 = vector.broadcast %shift_right_logical3A_1697 : i32 to vector<16xi32>
      %shift_right_logical3A_1699 = arith.shrui %add3A_1696, %shift_right_logical3A_1698 : vector<16xi32>
      %add3A_1700 = arith.addi %add3A_1650, %shift_right_logical3A_1699 : vector<16xi32>
      %and3A_1701 = arith.constant 127 : i32
      %and3A_1702 = vector.broadcast %and3A_1701 : i32 to vector<16xi32>
      %and3A_1703 = arith.andi %add3A_1696, %and3A_1702 : vector<16xi32>
      %gather3A_1704 = tpu.vector_load_idx %arg11[%add3A_1700, %and3A_1703] : memref<128x128xf32, #tpu.memory_space<vmem>>[vector<16xi32>, vector<16xi32>], vector<16xf32>,
      %mul3A_1705 = arith.constant 128 : i32
      %mul3A_1706 = arith.muli %add3A_1642, %mul3A_1705 : i32
      %add3A_1707 = arith.constant 48 : i32
      %add3A_1708 = arith.addi %mul3A_1706, %add3A_1707 : i32
      %swap3A_1709 = arith.index_cast %add3A_1708 : i32 to index
      %swap3A_1710 = tpu.vector_load %arg12[%swap3A_1709] {strides = array<i32>} : memref<32768xf32, #tpu.memory_space<vmem>>, vector<16xf32>,
      tpu.vector_store %arg12[%swap3A_1709], %gather3A_1704 {strides = array<i32>} : memref<32768xf32, #tpu.memory_space<vmem>>, vector<16xf32>,
      %add3A_1711 = arith.addi %broadcast_in_dim3A_1647, %add3A_44 : vector<16xi32>
      %shift_right_logical3A_1712 = arith.constant 7 : i32
      %shift_right_logical3A_1713 = vector.broadcast %shift_right_logical3A_1712 : i32 to vector<16xi32>
      %shift_right_logical3A_1714 = arith.shrui %add3A_1711, %shift_right_logical3A_1713 : vector<16xi32>
      %add3A_1715 = arith.addi %add3A_1650, %shift_right_logical3A_1714 : vector<16xi32>
      %and3A_1716 = arith.constant 127 : i32
      %and3A_1717 = vector.broadcast %and3A_1716 : i32 to vector<16xi32>
      %and3A_1718 = arith.andi %add3A_1711, %and3A_1717 : vector<16xi32>
      %gather3A_1719 = tpu.vector_load_idx %arg11[%add3A_1715, %and3A_1718] : memref<128x128xf32, #tpu.memory_space<vmem>>[vector<16xi32>, vector<16xi32>], vector<16xf32>,
      %mul3A_1720 = arith.constant 128 : i32
      %mul3A_1721 = arith.muli %add3A_1642, %mul3A_1720 : i32
      %add3A_1722 = arith.constant 64 : i32
      %add3A_1723 = arith.addi %mul3A_1721, %add3A_1722 : i32
      %swap3A_1724 = arith.index_cast %add3A_1723 : i32 to index
      %swap3A_1725 = tpu.vector_load %arg12[%swap3A_1724] {strides = array<i32>} : memref<32768xf32, #tpu.memory_space<vmem>>, vector<16xf32>,
      tpu.vector_store %arg12[%swap3A_1724], %gather3A_1719 {strides = array<i32>} : memref<32768xf32, #tpu.memory_space<vmem>>, vector<16xf32>,
      %add3A_1726 = arith.addi %broadcast_in_dim3A_1647, %add3A_50 : vector<16xi32>
      %shift_right_logical3A_1727 = arith.constant 7 : i32
      %shift_right_logical3A_1728 = vector.broadcast %shift_right_logical3A_1727 : i32 to vector<16xi32>
      %shift_right_logical3A_1729 = arith.shrui %add3A_1726, %shift_right_logical3A_1728 : vector<16xi32>
      %add3A_1730 = arith.addi %add3A_1650, %shift_right_logical3A_1729 : vector<16xi32>
      %and3A_1731 = arith.constant 127 : i32
      %and3A_1732 = vector.broadcast %and3A_1731 : i32 to vector<16xi32>
      %and3A_1733 = arith.andi %add3A_1726, %and3A_1732 : vector<16xi32>
      %gather3A_1734 = tpu.vector_load_idx %arg11[%add3A_1730, %and3A_1733] : memref<128x128xf32, #tpu.memory_space<vmem>>[vector<16xi32>, vector<16xi32>], vector<16xf32>,
      %mul3A_1735 = arith.constant 128 : i32
      %mul3A_1736 = arith.muli %add3A_1642, %mul3A_1735 : i32
      %add3A_1737 = arith.constant 80 : i32
      %add3A_1738 = arith.addi %mul3A_1736, %add3A_1737 : i32
      %swap3A_1739 = arith.index_cast %add3A_1738 : i32 to index
      %swap3A_1740 = tpu.vector_load %arg12[%swap3A_1739] {strides = array<i32>} : memref<32768xf32, #tpu.memory_space<vmem>>, vector<16xf32>,
      tpu.vector_store %arg12[%swap3A_1739], %gather3A_1734 {strides = array<i32>} : memref<32768xf32, #tpu.memory_space<vmem>>, vector<16xf32>,
      %add3A_1741 = arith.addi %broadcast_in_dim3A_1647, %add3A_56 : vector<16xi32>
      %shift_right_logical3A_1742 = arith.constant 7 : i32
      %shift_right_logical3A_1743 = vector.broadcast %shift_right_logical3A_1742 : i32 to vector<16xi32>
      %shift_right_logical3A_1744 = arith.shrui %add3A_1741, %shift_right_logical3A_1743 : vector<16xi32>
      %add3A_1745 = arith.addi %add3A_1650, %shift_right_logical3A_1744 : vector<16xi32>
      %and3A_1746 = arith.constant 127 : i32
      %and3A_1747 = vector.broadcast %and3A_1746 : i32 to vector<16xi32>
      %and3A_1748 = arith.andi %add3A_1741, %and3A_1747 : vector<16xi32>
      %gather3A_1749 = tpu.vector_load_idx %arg11[%add3A_1745, %and3A_1748] : memref<128x128xf32, #tpu.memory_space<vmem>>[vector<16xi32>, vector<16xi32>], vector<16xf32>,
      %mul3A_1750 = arith.constant 128 : i32
      %mul3A_1751 = arith.muli %add3A_1642, %mul3A_1750 : i32
      %add3A_1752 = arith.constant 96 : i32
      %add3A_1753 = arith.addi %mul3A_1751, %add3A_1752 : i32
      %swap3A_1754 = arith.index_cast %add3A_1753 : i32 to index
      %swap3A_1755 = tpu.vector_load %arg12[%swap3A_1754] {strides = array<i32>} : memref<32768xf32, #tpu.memory_space<vmem>>, vector<16xf32>,
      tpu.vector_store %arg12[%swap3A_1754], %gather3A_1749 {strides = array<i32>} : memref<32768xf32, #tpu.memory_space<vmem>>, vector<16xf32>,
      %add3A_1756 = arith.addi %broadcast_in_dim3A_1647, %add3A_62 : vector<16xi32>
      %shift_right_logical3A_1757 = arith.constant 7 : i32
      %shift_right_logical3A_1758 = vector.broadcast %shift_right_logical3A_1757 : i32 to vector<16xi32>
      %shift_right_logical3A_1759 = arith.shrui %add3A_1756, %shift_right_logical3A_1758 : vector<16xi32>
      %add3A_1760 = arith.addi %add3A_1650, %shift_right_logical3A_1759 : vector<16xi32>
      %and3A_1761 = arith.constant 127 : i32
      %and3A_1762 = vector.broadcast %and3A_1761 : i32 to vector<16xi32>
      %and3A_1763 = arith.andi %add3A_1756, %and3A_1762 : vector<16xi32>
      %gather3A_1764 = tpu.vector_load_idx %arg11[%add3A_1760, %and3A_1763] : memref<128x128xf32, #tpu.memory_space<vmem>>[vector<16xi32>, vector<16xi32>], vector<16xf32>,
      %mul3A_1765 = arith.constant 128 : i32
      %mul3A_1766 = arith.muli %add3A_1642, %mul3A_1765 : i32
      %add3A_1767 = arith.constant 112 : i32
      %add3A_1768 = arith.addi %mul3A_1766, %add3A_1767 : i32
      %swap3A_1769 = arith.index_cast %add3A_1768 : i32 to index
      %swap3A_1770 = tpu.vector_load %arg12[%swap3A_1769] {strides = array<i32>} : memref<32768xf32, #tpu.memory_space<vmem>>, vector<16xf32>,
      tpu.vector_store %arg12[%swap3A_1769], %gather3A_1764 {strides = array<i32>} : memref<32768xf32, #tpu.memory_space<vmem>>, vector<16xf32>,
      %mul3A_1771 = arith.constant 8 : i32
      %mul3A_1772 = arith.muli %add3A_1628, %mul3A_1771 : i32
      %add3A_1773 = arith.constant 1 : i32
      %add3A_1774 = arith.addi %mul3A_1772, %add3A_1773 : i32
      %slice3A_1775 = vector.extract_strided_slice %get3A_1638 {offsets = [1], sizes = [1], strides = [1]} : vector<16xi32> to vector<1xi32>
      %squeeze3A_1776 = vector.extract %slice3A_1775[0] : i32 from vector<1xi32>
      %and3A_1777 = arith.constant 127 : i32
      %and3A_1778 = arith.andi %squeeze3A_1776, %and3A_1777 : i32
      %broadcast_in_dim3A_1779 = vector.broadcast %and3A_1778 : i32 to vector<16xi32>
      %add3A_1780 = arith.constant 16 : i32
      %add3A_1781 = vector.broadcast %add3A_1780 : i32 to vector<16xi32>
      %add3A_1782 = arith.addi %mul3A_14, %add3A_1781 : vector<16xi32>
      %add3A_1783 = arith.addi %broadcast_in_dim3A_1779, %add3A_20 : vector<16xi32>
      %shift_right_logical3A_1784 = arith.constant 7 : i32
      %shift_right_logical3A_1785 = vector.broadcast %shift_right_logical3A_1784 : i32 to vector<16xi32>
      %shift_right_logical3A_1786 = arith.shrui %add3A_1783, %shift_right_logical3A_1785 : vector<16xi32>
      %add3A_1787 = arith.addi %add3A_1782, %shift_right_logical3A_1786 : vector<16xi32>
      %and3A_1788 = arith.constant 127 : i32
      %and3A_1789 = vector.broadcast %and3A_1788 : i32 to vector<16xi32>
      %and3A_1790 = arith.andi %add3A_1783, %and3A_1789 : vector<16xi32>
      %gather3A_1791 = tpu.vector_load_idx %arg11[%add3A_1787, %and3A_1790] : memref<128x128xf32, #tpu.memory_space<vmem>>[vector<16xi32>, vector<16xi32>], vector<16xf32>,
      %mul3A_1792 = arith.constant 128 : i32
      %mul3A_1793 = arith.muli %add3A_1774, %mul3A_1792 : i32
      %add3A_1794 = arith.constant 0 : i32
      %add3A_1795 = arith.addi %mul3A_1793, %add3A_1794 : i32
      %swap3A_1796 = arith.index_cast %add3A_1795 : i32 to index
      %swap3A_1797 = tpu.vector_load %arg12[%swap3A_1796] {strides = array<i32>} : memref<32768xf32, #tpu.memory_space<vmem>>, vector<16xf32>,
      tpu.vector_store %arg12[%swap3A_1796], %gather3A_1791 {strides = array<i32>} : memref<32768xf32, #tpu.memory_space<vmem>>, vector<16xf32>,
      %add3A_1798 = arith.addi %broadcast_in_dim3A_1779, %add3A_26 : vector<16xi32>
      %shift_right_logical3A_1799 = arith.constant 7 : i32
      %shift_right_logical3A_1800 = vector.broadcast %shift_right_logical3A_1799 : i32 to vector<16xi32>
      %shift_right_logical3A_1801 = arith.shrui %add3A_1798, %shift_right_logical3A_1800 : vector<16xi32>
      %add3A_1802 = arith.addi %add3A_1782, %shift_right_logical3A_1801 : vector<16xi32>
      %and3A_1803 = arith.constant 127 : i32
      %and3A_1804 = vector.broadcast %and3A_1803 : i32 to vector<16xi32>
      %and3A_1805 = arith.andi %add3A_1798, %and3A_1804 : vector<16xi32>
      %gather3A_1806 = tpu.vector_load_idx %arg11[%add3A_1802, %and3A_1805] : memref<128x128xf32, #tpu.memory_space<vmem>>[vector<16xi32>, vector<16xi32>], vector<16xf32>,
      %mul3A_1807 = arith.constant 128 : i32
      %mul3A_1808 = arith.muli %add3A_1774, %mul3A_1807 : i32
      %add3A_1809 = arith.constant 16 : i32
      %add3A_1810 = arith.addi %mul3A_1808, %add3A_1809 : i32
      %swap3A_1811 = arith.index_cast %add3A_1810 : i32 to index
      %swap3A_1812 = tpu.vector_load %arg12[%swap3A_1811] {strides = array<i32>} : memref<32768xf32, #tpu.memory_space<vmem>>, vector<16xf32>,
      tpu.vector_store %arg12[%swap3A_1811], %gather3A_1806 {strides = array<i32>} : memref<32768xf32, #tpu.memory_space<vmem>>, vector<16xf32>,
      %add3A_1813 = arith.addi %broadcast_in_dim3A_1779, %add3A_32 : vector<16xi32>
      %shift_right_logical3A_1814 = arith.constant 7 : i32
      %shift_right_logical3A_1815 = vector.broadcast %shift_right_logical3A_1814 : i32 to vector<16xi32>
      %shift_right_logical3A_1816 = arith.shrui %add3A_1813, %shift_right_logical3A_1815 : vector<16xi32>
      %add3A_1817 = arith.addi %add3A_1782, %shift_right_logical3A_1816 : vector<16xi32>
      %and3A_1818 = arith.constant 127 : i32
      %and3A_1819 = vector.broadcast %and3A_1818 : i32 to vector<16xi32>
      %and3A_1820 = arith.andi %add3A_1813, %and3A_1819 : vector<16xi32>
      %gather3A_1821 = tpu.vector_load_idx %arg11[%add3A_1817, %and3A_1820] : memref<128x128xf32, #tpu.memory_space<vmem>>[vector<16xi32>, vector<16xi32>], vector<16xf32>,
      %mul3A_1822 = arith.constant 128 : i32
      %mul3A_1823 = arith.muli %add3A_1774, %mul3A_1822 : i32
      %add3A_1824 = arith.constant 32 : i32
      %add3A_1825 = arith.addi %mul3A_1823, %add3A_1824 : i32
      %swap3A_1826 = arith.index_cast %add3A_1825 : i32 to index
      %swap3A_1827 = tpu.vector_load %arg12[%swap3A_1826] {strides = array<i32>} : memref<32768xf32, #tpu.memory_space<vmem>>, vector<16xf32>,
      tpu.vector_store %arg12[%swap3A_1826], %gather3A_1821 {strides = array<i32>} : memref<32768xf32, #tpu.memory_space<vmem>>, vector<16xf32>,
      %add3A_1828 = arith.addi %broadcast_in_dim3A_1779, %add3A_38 : vector<16xi32>
      %shift_right_logical3A_1829 = arith.constant 7 : i32
      %shift_right_logical3A_1830 = vector.broadcast %shift_right_logical3A_1829 : i32 to vector<16xi32>
      %shift_right_logical3A_1831 = arith.shrui %add3A_1828, %shift_right_logical3A_1830 : vector<16xi32>
      %add3A_1832 = arith.addi %add3A_1782, %shift_right_logical3A_1831 : vector<16xi32>
      %and3A_1833 = arith.constant 127 : i32
      %and3A_1834 = vector.broadcast %and3A_1833 : i32 to vector<16xi32>
      %and3A_1835 = arith.andi %add3A_1828, %and3A_1834 : vector<16xi32>
      %gather3A_1836 = tpu.vector_load_idx %arg11[%add3A_1832, %and3A_1835] : memref<128x128xf32, #tpu.memory_space<vmem>>[vector<16xi32>, vector<16xi32>], vector<16xf32>,
      %mul3A_1837 = arith.constant 128 : i32
      %mul3A_1838 = arith.muli %add3A_1774, %mul3A_1837 : i32
      %add3A_1839 = arith.constant 48 : i32
      %add3A_1840 = arith.addi %mul3A_1838, %add3A_1839 : i32
      %swap3A_1841 = arith.index_cast %add3A_1840 : i32 to index
      %swap3A_1842 = tpu.vector_load %arg12[%swap3A_1841] {strides = array<i32>} : memref<32768xf32, #tpu.memory_space<vmem>>, vector<16xf32>,
      tpu.vector_store %arg12[%swap3A_1841], %gather3A_1836 {strides = array<i32>} : memref<32768xf32, #tpu.memory_space<vmem>>, vector<16xf32>,
      %add3A_1843 = arith.addi %broadcast_in_dim3A_1779, %add3A_44 : vector<16xi32>
      %shift_right_logical3A_1844 = arith.constant 7 : i32
      %shift_right_logical3A_1845 = vector.broadcast %shift_right_logical3A_1844 : i32 to vector<16xi32>
      %shift_right_logical3A_1846 = arith.shrui %add3A_1843, %shift_right_logical3A_1845 : vector<16xi32>
      %add3A_1847 = arith.addi %add3A_1782, %shift_right_logical3A_1846 : vector<16xi32>
      %and3A_1848 = arith.constant 127 : i32
      %and3A_1849 = vector.broadcast %and3A_1848 : i32 to vector<16xi32>
      %and3A_1850 = arith.andi %add3A_1843, %and3A_1849 : vector<16xi32>
      %gather3A_1851 = tpu.vector_load_idx %arg11[%add3A_1847, %and3A_1850] : memref<128x128xf32, #tpu.memory_space<vmem>>[vector<16xi32>, vector<16xi32>], vector<16xf32>,
      %mul3A_1852 = arith.constant 128 : i32
      %mul3A_1853 = arith.muli %add3A_1774, %mul3A_1852 : i32
      %add3A_1854 = arith.constant 64 : i32
      %add3A_1855 = arith.addi %mul3A_1853, %add3A_1854 : i32
      %swap3A_1856 = arith.index_cast %add3A_1855 : i32 to index
      %swap3A_1857 = tpu.vector_load %arg12[%swap3A_1856] {strides = array<i32>} : memref<32768xf32, #tpu.memory_space<vmem>>, vector<16xf32>,
      tpu.vector_store %arg12[%swap3A_1856], %gather3A_1851 {strides = array<i32>} : memref<32768xf32, #tpu.memory_space<vmem>>, vector<16xf32>,
      %add3A_1858 = arith.addi %broadcast_in_dim3A_1779, %add3A_50 : vector<16xi32>
      %shift_right_logical3A_1859 = arith.constant 7 : i32
      %shift_right_logical3A_1860 = vector.broadcast %shift_right_logical3A_1859 : i32 to vector<16xi32>
      %shift_right_logical3A_1861 = arith.shrui %add3A_1858, %shift_right_logical3A_1860 : vector<16xi32>
      %add3A_1862 = arith.addi %add3A_1782, %shift_right_logical3A_1861 : vector<16xi32>
      %and3A_1863 = arith.constant 127 : i32
      %and3A_1864 = vector.broadcast %and3A_1863 : i32 to vector<16xi32>
      %and3A_1865 = arith.andi %add3A_1858, %and3A_1864 : vector<16xi32>
      %gather3A_1866 = tpu.vector_load_idx %arg11[%add3A_1862, %and3A_1865] : memref<128x128xf32, #tpu.memory_space<vmem>>[vector<16xi32>, vector<16xi32>], vector<16xf32>,
      %mul3A_1867 = arith.constant 128 : i32
      %mul3A_1868 = arith.muli %add3A_1774, %mul3A_1867 : i32
      %add3A_1869 = arith.constant 80 : i32
      %add3A_1870 = arith.addi %mul3A_1868, %add3A_1869 : i32
      %swap3A_1871 = arith.index_cast %add3A_1870 : i32 to index
      %swap3A_1872 = tpu.vector_load %arg12[%swap3A_1871] {strides = array<i32>} : memref<32768xf32, #tpu.memory_space<vmem>>, vector<16xf32>,
      tpu.vector_store %arg12[%swap3A_1871], %gather3A_1866 {strides = array<i32>} : memref<32768xf32, #tpu.memory_space<vmem>>, vector<16xf32>,
      %add3A_1873 = arith.addi %broadcast_in_dim3A_1779, %add3A_56 : vector<16xi32>
      %shift_right_logical3A_1874 = arith.constant 7 : i32
      %shift_right_logical3A_1875 = vector.broadcast %shift_right_logical3A_1874 : i32 to vector<16xi32>
      %shift_right_logical3A_1876 = arith.shrui %add3A_1873, %shift_right_logical3A_1875 : vector<16xi32>
      %add3A_1877 = arith.addi %add3A_1782, %shift_right_logical3A_1876 : vector<16xi32>
      %and3A_1878 = arith.constant 127 : i32
      %and3A_1879 = vector.broadcast %and3A_1878 : i32 to vector<16xi32>
      %and3A_1880 = arith.andi %add3A_1873, %and3A_1879 : vector<16xi32>
      %gather3A_1881 = tpu.vector_load_idx %arg11[%add3A_1877, %and3A_1880] : memref<128x128xf32, #tpu.memory_space<vmem>>[vector<16xi32>, vector<16xi32>], vector<16xf32>,
      %mul3A_1882 = arith.constant 128 : i32
      %mul3A_1883 = arith.muli %add3A_1774, %mul3A_1882 : i32
      %add3A_1884 = arith.constant 96 : i32
      %add3A_1885 = arith.addi %mul3A_1883, %add3A_1884 : i32
      %swap3A_1886 = arith.index_cast %add3A_1885 : i32 to index
      %swap3A_1887 = tpu.vector_load %arg12[%swap3A_1886] {strides = array<i32>} : memref<32768xf32, #tpu.memory_space<vmem>>, vector<16xf32>,
      tpu.vector_store %arg12[%swap3A_1886], %gather3A_1881 {strides = array<i32>} : memref<32768xf32, #tpu.memory_space<vmem>>, vector<16xf32>,
      %add3A_1888 = arith.addi %broadcast_in_dim3A_1779, %add3A_62 : vector<16xi32>
      %shift_right_logical3A_1889 = arith.constant 7 : i32
      %shift_right_logical3A_1890 = vector.broadcast %shift_right_logical3A_1889 : i32 to vector<16xi32>
      %shift_right_logical3A_1891 = arith.shrui %add3A_1888, %shift_right_logical3A_1890 : vector<16xi32>
      %add3A_1892 = arith.addi %add3A_1782, %shift_right_logical3A_1891 : vector<16xi32>
      %and3A_1893 = arith.constant 127 : i32
      %and3A_1894 = vector.broadcast %and3A_1893 : i32 to vector<16xi32>
      %and3A_1895 = arith.andi %add3A_1888, %and3A_1894 : vector<16xi32>
      %gather3A_1896 = tpu.vector_load_idx %arg11[%add3A_1892, %and3A_1895] : memref<128x128xf32, #tpu.memory_space<vmem>>[vector<16xi32>, vector<16xi32>], vector<16xf32>,
      %mul3A_1897 = arith.constant 128 : i32
      %mul3A_1898 = arith.muli %add3A_1774, %mul3A_1897 : i32
      %add3A_1899 = arith.constant 112 : i32
      %add3A_1900 = arith.addi %mul3A_1898, %add3A_1899 : i32
      %swap3A_1901 = arith.index_cast %add3A_1900 : i32 to index
      %swap3A_1902 = tpu.vector_load %arg12[%swap3A_1901] {strides = array<i32>} : memref<32768xf32, #tpu.memory_space<vmem>>, vector<16xf32>,
      tpu.vector_store %arg12[%swap3A_1901], %gather3A_1896 {strides = array<i32>} : memref<32768xf32, #tpu.memory_space<vmem>>, vector<16xf32>,
      %mul3A_1903 = arith.constant 8 : i32
      %mul3A_1904 = arith.muli %add3A_1628, %mul3A_1903 : i32
      %add3A_1905 = arith.constant 2 : i32
      %add3A_1906 = arith.addi %mul3A_1904, %add3A_1905 : i32
      %slice3A_1907 = vector.extract_strided_slice %get3A_1638 {offsets = [2], sizes = [1], strides = [1]} : vector<16xi32> to vector<1xi32>
      %squeeze3A_1908 = vector.extract %slice3A_1907[0] : i32 from vector<1xi32>
      %and3A_1909 = arith.constant 127 : i32
      %and3A_1910 = arith.andi %squeeze3A_1908, %and3A_1909 : i32
      %broadcast_in_dim3A_1911 = vector.broadcast %and3A_1910 : i32 to vector<16xi32>
      %add3A_1912 = arith.constant 32 : i32
      %add3A_1913 = vector.broadcast %add3A_1912 : i32 to vector<16xi32>
      %add3A_1914 = arith.addi %mul3A_14, %add3A_1913 : vector<16xi32>
      %add3A_1915 = arith.addi %broadcast_in_dim3A_1911, %add3A_20 : vector<16xi32>
      %shift_right_logical3A_1916 = arith.constant 7 : i32
      %shift_right_logical3A_1917 = vector.broadcast %shift_right_logical3A_1916 : i32 to vector<16xi32>
      %shift_right_logical3A_1918 = arith.shrui %add3A_1915, %shift_right_logical3A_1917 : vector<16xi32>
      %add3A_1919 = arith.addi %add3A_1914, %shift_right_logical3A_1918 : vector<16xi32>
      %and3A_1920 = arith.constant 127 : i32
      %and3A_1921 = vector.broadcast %and3A_1920 : i32 to vector<16xi32>
      %and3A_1922 = arith.andi %add3A_1915, %and3A_1921 : vector<16xi32>
      %gather3A_1923 = tpu.vector_load_idx %arg11[%add3A_1919, %and3A_1922] : memref<128x128xf32, #tpu.memory_space<vmem>>[vector<16xi32>, vector<16xi32>], vector<16xf32>,
      %mul3A_1924 = arith.constant 128 : i32
      %mul3A_1925 = arith.muli %add3A_1906, %mul3A_1924 : i32
      %add3A_1926 = arith.constant 0 : i32
      %add3A_1927 = arith.addi %mul3A_1925, %add3A_1926 : i32
      %swap3A_1928 = arith.index_cast %add3A_1927 : i32 to index
      %swap3A_1929 = tpu.vector_load %arg12[%swap3A_1928] {strides = array<i32>} : memref<32768xf32, #tpu.memory_space<vmem>>, vector<16xf32>,
      tpu.vector_store %arg12[%swap3A_1928], %gather3A_1923 {strides = array<i32>} : memref<32768xf32, #tpu.memory_space<vmem>>, vector<16xf32>,
      %add3A_1930 = arith.addi %broadcast_in_dim3A_1911, %add3A_26 : vector<16xi32>
      %shift_right_logical3A_1931 = arith.constant 7 : i32
      %shift_right_logical3A_1932 = vector.broadcast %shift_right_logical3A_1931 : i32 to vector<16xi32>
      %shift_right_logical3A_1933 = arith.shrui %add3A_1930, %shift_right_logical3A_1932 : vector<16xi32>
      %add3A_1934 = arith.addi %add3A_1914, %shift_right_logical3A_1933 : vector<16xi32>
      %and3A_1935 = arith.constant 127 : i32
      %and3A_1936 = vector.broadcast %and3A_1935 : i32 to vector<16xi32>
      %and3A_1937 = arith.andi %add3A_1930, %and3A_1936 : vector<16xi32>
      %gather3A_1938 = tpu.vector_load_idx %arg11[%add3A_1934, %and3A_1937] : memref<128x128xf32, #tpu.memory_space<vmem>>[vector<16xi32>, vector<16xi32>], vector<16xf32>,
      %mul3A_1939 = arith.constant 128 : i32
      %mul3A_1940 = arith.muli %add3A_1906, %mul3A_1939 : i32
      %add3A_1941 = arith.constant 16 : i32
      %add3A_1942 = arith.addi %mul3A_1940, %add3A_1941 : i32
      %swap3A_1943 = arith.index_cast %add3A_1942 : i32 to index
      %swap3A_1944 = tpu.vector_load %arg12[%swap3A_1943] {strides = array<i32>} : memref<32768xf32, #tpu.memory_space<vmem>>, vector<16xf32>,
      tpu.vector_store %arg12[%swap3A_1943], %gather3A_1938 {strides = array<i32>} : memref<32768xf32, #tpu.memory_space<vmem>>, vector<16xf32>,
      %add3A_1945 = arith.addi %broadcast_in_dim3A_1911, %add3A_32 : vector<16xi32>
      %shift_right_logical3A_1946 = arith.constant 7 : i32
      %shift_right_logical3A_1947 = vector.broadcast %shift_right_logical3A_1946 : i32 to vector<16xi32>
      %shift_right_logical3A_1948 = arith.shrui %add3A_1945, %shift_right_logical3A_1947 : vector<16xi32>
      %add3A_1949 = arith.addi %add3A_1914, %shift_right_logical3A_1948 : vector<16xi32>
      %and3A_1950 = arith.constant 127 : i32
      %and3A_1951 = vector.broadcast %and3A_1950 : i32 to vector<16xi32>
      %and3A_1952 = arith.andi %add3A_1945, %and3A_1951 : vector<16xi32>
      %gather3A_1953 = tpu.vector_load_idx %arg11[%add3A_1949, %and3A_1952] : memref<128x128xf32, #tpu.memory_space<vmem>>[vector<16xi32>, vector<16xi32>], vector<16xf32>,
      %mul3A_1954 = arith.constant 128 : i32
      %mul3A_1955 = arith.muli %add3A_1906, %mul3A_1954 : i32
      %add3A_1956 = arith.constant 32 : i32
      %add3A_1957 = arith.addi %mul3A_1955, %add3A_1956 : i32
      %swap3A_1958 = arith.index_cast %add3A_1957 : i32 to index
      %swap3A_1959 = tpu.vector_load %arg12[%swap3A_1958] {strides = array<i32>} : memref<32768xf32, #tpu.memory_space<vmem>>, vector<16xf32>,
      tpu.vector_store %arg12[%swap3A_1958], %gather3A_1953 {strides = array<i32>} : memref<32768xf32, #tpu.memory_space<vmem>>, vector<16xf32>,
      %add3A_1960 = arith.addi %broadcast_in_dim3A_1911, %add3A_38 : vector<16xi32>
      %shift_right_logical3A_1961 = arith.constant 7 : i32
      %shift_right_logical3A_1962 = vector.broadcast %shift_right_logical3A_1961 : i32 to vector<16xi32>
      %shift_right_logical3A_1963 = arith.shrui %add3A_1960, %shift_right_logical3A_1962 : vector<16xi32>
      %add3A_1964 = arith.addi %add3A_1914, %shift_right_logical3A_1963 : vector<16xi32>
      %and3A_1965 = arith.constant 127 : i32
      %and3A_1966 = vector.broadcast %and3A_1965 : i32 to vector<16xi32>
      %and3A_1967 = arith.andi %add3A_1960, %and3A_1966 : vector<16xi32>
      %gather3A_1968 = tpu.vector_load_idx %arg11[%add3A_1964, %and3A_1967] : memref<128x128xf32, #tpu.memory_space<vmem>>[vector<16xi32>, vector<16xi32>], vector<16xf32>,
      %mul3A_1969 = arith.constant 128 : i32
      %mul3A_1970 = arith.muli %add3A_1906, %mul3A_1969 : i32
      %add3A_1971 = arith.constant 48 : i32
      %add3A_1972 = arith.addi %mul3A_1970, %add3A_1971 : i32
      %swap3A_1973 = arith.index_cast %add3A_1972 : i32 to index
      %swap3A_1974 = tpu.vector_load %arg12[%swap3A_1973] {strides = array<i32>} : memref<32768xf32, #tpu.memory_space<vmem>>, vector<16xf32>,
      tpu.vector_store %arg12[%swap3A_1973], %gather3A_1968 {strides = array<i32>} : memref<32768xf32, #tpu.memory_space<vmem>>, vector<16xf32>,
      %add3A_1975 = arith.addi %broadcast_in_dim3A_1911, %add3A_44 : vector<16xi32>
      %shift_right_logical3A_1976 = arith.constant 7 : i32
      %shift_right_logical3A_1977 = vector.broadcast %shift_right_logical3A_1976 : i32 to vector<16xi32>
      %shift_right_logical3A_1978 = arith.shrui %add3A_1975, %shift_right_logical3A_1977 : vector<16xi32>
      %add3A_1979 = arith.addi %add3A_1914, %shift_right_logical3A_1978 : vector<16xi32>
      %and3A_1980 = arith.constant 127 : i32
      %and3A_1981 = vector.broadcast %and3A_1980 : i32 to vector<16xi32>
      %and3A_1982 = arith.andi %add3A_1975, %and3A_1981 : vector<16xi32>
      %gather3A_1983 = tpu.vector_load_idx %arg11[%add3A_1979, %and3A_1982] : memref<128x128xf32, #tpu.memory_space<vmem>>[vector<16xi32>, vector<16xi32>], vector<16xf32>,
      %mul3A_1984 = arith.constant 128 : i32
      %mul3A_1985 = arith.muli %add3A_1906, %mul3A_1984 : i32
      %add3A_1986 = arith.constant 64 : i32
      %add3A_1987 = arith.addi %mul3A_1985, %add3A_1986 : i32
      %swap3A_1988 = arith.index_cast %add3A_1987 : i32 to index
      %swap3A_1989 = tpu.vector_load %arg12[%swap3A_1988] {strides = array<i32>} : memref<32768xf32, #tpu.memory_space<vmem>>, vector<16xf32>,
      tpu.vector_store %arg12[%swap3A_1988], %gather3A_1983 {strides = array<i32>} : memref<32768xf32, #tpu.memory_space<vmem>>, vector<16xf32>,
      %add3A_1990 = arith.addi %broadcast_in_dim3A_1911, %add3A_50 : vector<16xi32>
      %shift_right_logical3A_1991 = arith.constant 7 : i32
      %shift_right_logical3A_1992 = vector.broadcast %shift_right_logical3A_1991 : i32 to vector<16xi32>
      %shift_right_logical3A_1993 = arith.shrui %add3A_1990, %shift_right_logical3A_1992 : vector<16xi32>
      %add3A_1994 = arith.addi %add3A_1914, %shift_right_logical3A_1993 : vector<16xi32>
      %and3A_1995 = arith.constant 127 : i32
      %and3A_1996 = vector.broadcast %and3A_1995 : i32 to vector<16xi32>
      %and3A_1997 = arith.andi %add3A_1990, %and3A_1996 : vector<16xi32>
      %gather3A_1998 = tpu.vector_load_idx %arg11[%add3A_1994, %and3A_1997] : memref<128x128xf32, #tpu.memory_space<vmem>>[vector<16xi32>, vector<16xi32>], vector<16xf32>,
      %mul3A_1999 = arith.constant 128 : i32
      %mul3A_2000 = arith.muli %add3A_1906, %mul3A_1999 : i32
      %add3A_2001 = arith.constant 80 : i32
      %add3A_2002 = arith.addi %mul3A_2000, %add3A_2001 : i32
      %swap3A_2003 = arith.index_cast %add3A_2002 : i32 to index
      %swap3A_2004 = tpu.vector_load %arg12[%swap3A_2003] {strides = array<i32>} : memref<32768xf32, #tpu.memory_space<vmem>>, vector<16xf32>,
      tpu.vector_store %arg12[%swap3A_2003], %gather3A_1998 {strides = array<i32>} : memref<32768xf32, #tpu.memory_space<vmem>>, vector<16xf32>,
      %add3A_2005 = arith.addi %broadcast_in_dim3A_1911, %add3A_56 : vector<16xi32>
      %shift_right_logical3A_2006 = arith.constant 7 : i32
      %shift_right_logical3A_2007 = vector.broadcast %shift_right_logical3A_2006 : i32 to vector<16xi32>
      %shift_right_logical3A_2008 = arith.shrui %add3A_2005, %shift_right_logical3A_2007 : vector<16xi32>
      %add3A_2009 = arith.addi %add3A_1914, %shift_right_logical3A_2008 : vector<16xi32>
      %and3A_2010 = arith.constant 127 : i32
      %and3A_2011 = vector.broadcast %and3A_2010 : i32 to vector<16xi32>
      %and3A_2012 = arith.andi %add3A_2005, %and3A_2011 : vector<16xi32>
      %gather3A_2013 = tpu.vector_load_idx %arg11[%add3A_2009, %and3A_2012] : memref<128x128xf32, #tpu.memory_space<vmem>>[vector<16xi32>, vector<16xi32>], vector<16xf32>,
      %mul3A_2014 = arith.constant 128 : i32
      %mul3A_2015 = arith.muli %add3A_1906, %mul3A_2014 : i32
      %add3A_2016 = arith.constant 96 : i32
      %add3A_2017 = arith.addi %mul3A_2015, %add3A_2016 : i32
      %swap3A_2018 = arith.index_cast %add3A_2017 : i32 to index
      %swap3A_2019 = tpu.vector_load %arg12[%swap3A_2018] {strides = array<i32>} : memref<32768xf32, #tpu.memory_space<vmem>>, vector<16xf32>,
      tpu.vector_store %arg12[%swap3A_2018], %gather3A_2013 {strides = array<i32>} : memref<32768xf32, #tpu.memory_space<vmem>>, vector<16xf32>,
      %add3A_2020 = arith.addi %broadcast_in_dim3A_1911, %add3A_62 : vector<16xi32>
      %shift_right_logical3A_2021 = arith.constant 7 : i32
      %shift_right_logical3A_2022 = vector.broadcast %shift_right_logical3A_2021 : i32 to vector<16xi32>
      %shift_right_logical3A_2023 = arith.shrui %add3A_2020, %shift_right_logical3A_2022 : vector<16xi32>
      %add3A_2024 = arith.addi %add3A_1914, %shift_right_logical3A_2023 : vector<16xi32>
      %and3A_2025 = arith.constant 127 : i32
      %and3A_2026 = vector.broadcast %and3A_2025 : i32 to vector<16xi32>
      %and3A_2027 = arith.andi %add3A_2020, %and3A_2026 : vector<16xi32>
      %gather3A_2028 = tpu.vector_load_idx %arg11[%add3A_2024, %and3A_2027] : memref<128x128xf32, #tpu.memory_space<vmem>>[vector<16xi32>, vector<16xi32>], vector<16xf32>,
      %mul3A_2029 = arith.constant 128 : i32
      %mul3A_2030 = arith.muli %add3A_1906, %mul3A_2029 : i32
      %add3A_2031 = arith.constant 112 : i32
      %add3A_2032 = arith.addi %mul3A_2030, %add3A_2031 : i32
      %swap3A_2033 = arith.index_cast %add3A_2032 : i32 to index
      %swap3A_2034 = tpu.vector_load %arg12[%swap3A_2033] {strides = array<i32>} : memref<32768xf32, #tpu.memory_space<vmem>>, vector<16xf32>,
      tpu.vector_store %arg12[%swap3A_2033], %gather3A_2028 {strides = array<i32>} : memref<32768xf32, #tpu.memory_space<vmem>>, vector<16xf32>,
      %mul3A_2035 = arith.constant 8 : i32
      %mul3A_2036 = arith.muli %add3A_1628, %mul3A_2035 : i32
      %add3A_2037 = arith.constant 3 : i32
      %add3A_2038 = arith.addi %mul3A_2036, %add3A_2037 : i32
      %slice3A_2039 = vector.extract_strided_slice %get3A_1638 {offsets = [3], sizes = [1], strides = [1]} : vector<16xi32> to vector<1xi32>
      %squeeze3A_2040 = vector.extract %slice3A_2039[0] : i32 from vector<1xi32>
      %and3A_2041 = arith.constant 127 : i32
      %and3A_2042 = arith.andi %squeeze3A_2040, %and3A_2041 : i32
      %broadcast_in_dim3A_2043 = vector.broadcast %and3A_2042 : i32 to vector<16xi32>
      %add3A_2044 = arith.constant 48 : i32
      %add3A_2045 = vector.broadcast %add3A_2044 : i32 to vector<16xi32>
      %add3A_2046 = arith.addi %mul3A_14, %add3A_2045 : vector<16xi32>
      %add3A_2047 = arith.addi %broadcast_in_dim3A_2043, %add3A_20 : vector<16xi32>
      %shift_right_logical3A_2048 = arith.constant 7 : i32
      %shift_right_logical3A_2049 = vector.broadcast %shift_right_logical3A_2048 : i32 to vector<16xi32>
      %shift_right_logical3A_2050 = arith.shrui %add3A_2047, %shift_right_logical3A_2049 : vector<16xi32>
      %add3A_2051 = arith.addi %add3A_2046, %shift_right_logical3A_2050 : vector<16xi32>
      %and3A_2052 = arith.constant 127 : i32
      %and3A_2053 = vector.broadcast %and3A_2052 : i32 to vector<16xi32>
      %and3A_2054 = arith.andi %add3A_2047, %and3A_2053 : vector<16xi32>
      %gather3A_2055 = tpu.vector_load_idx %arg11[%add3A_2051, %and3A_2054] : memref<128x128xf32, #tpu.memory_space<vmem>>[vector<16xi32>, vector<16xi32>], vector<16xf32>,
      %mul3A_2056 = arith.constant 128 : i32
      %mul3A_2057 = arith.muli %add3A_2038, %mul3A_2056 : i32
      %add3A_2058 = arith.constant 0 : i32
      %add3A_2059 = arith.addi %mul3A_2057, %add3A_2058 : i32
      %swap3A_2060 = arith.index_cast %add3A_2059 : i32 to index
      %swap3A_2061 = tpu.vector_load %arg12[%swap3A_2060] {strides = array<i32>} : memref<32768xf32, #tpu.memory_space<vmem>>, vector<16xf32>,
      tpu.vector_store %arg12[%swap3A_2060], %gather3A_2055 {strides = array<i32>} : memref<32768xf32, #tpu.memory_space<vmem>>, vector<16xf32>,
      %add3A_2062 = arith.addi %broadcast_in_dim3A_2043, %add3A_26 : vector<16xi32>
      %shift_right_logical3A_2063 = arith.constant 7 : i32
      %shift_right_logical3A_2064 = vector.broadcast %shift_right_logical3A_2063 : i32 to vector<16xi32>
      %shift_right_logical3A_2065 = arith.shrui %add3A_2062, %shift_right_logical3A_2064 : vector<16xi32>
      %add3A_2066 = arith.addi %add3A_2046, %shift_right_logical3A_2065 : vector<16xi32>
      %and3A_2067 = arith.constant 127 : i32
      %and3A_2068 = vector.broadcast %and3A_2067 : i32 to vector<16xi32>
      %and3A_2069 = arith.andi %add3A_2062, %and3A_2068 : vector<16xi32>
      %gather3A_2070 = tpu.vector_load_idx %arg11[%add3A_2066, %and3A_2069] : memref<128x128xf32, #tpu.memory_space<vmem>>[vector<16xi32>, vector<16xi32>], vector<16xf32>,
      %mul3A_2071 = arith.constant 128 : i32
      %mul3A_2072 = arith.muli %add3A_2038, %mul3A_2071 : i32
      %add3A_2073 = arith.constant 16 : i32
      %add3A_2074 = arith.addi %mul3A_2072, %add3A_2073 : i32
      %swap3A_2075 = arith.index_cast %add3A_2074 : i32 to index
      %swap3A_2076 = tpu.vector_load %arg12[%swap3A_2075] {strides = array<i32>} : memref<32768xf32, #tpu.memory_space<vmem>>, vector<16xf32>,
      tpu.vector_store %arg12[%swap3A_2075], %gather3A_2070 {strides = array<i32>} : memref<32768xf32, #tpu.memory_space<vmem>>, vector<16xf32>,
      %add3A_2077 = arith.addi %broadcast_in_dim3A_2043, %add3A_32 : vector<16xi32>
      %shift_right_logical3A_2078 = arith.constant 7 : i32
      %shift_right_logical3A_2079 = vector.broadcast %shift_right_logical3A_2078 : i32 to vector<16xi32>
      %shift_right_logical3A_2080 = arith.shrui %add3A_2077, %shift_right_logical3A_2079 : vector<16xi32>
      %add3A_2081 = arith.addi %add3A_2046, %shift_right_logical3A_2080 : vector<16xi32>
      %and3A_2082 = arith.constant 127 : i32
      %and3A_2083 = vector.broadcast %and3A_2082 : i32 to vector<16xi32>
      %and3A_2084 = arith.andi %add3A_2077, %and3A_2083 : vector<16xi32>
      %gather3A_2085 = tpu.vector_load_idx %arg11[%add3A_2081, %and3A_2084] : memref<128x128xf32, #tpu.memory_space<vmem>>[vector<16xi32>, vector<16xi32>], vector<16xf32>,
      %mul3A_2086 = arith.constant 128 : i32
      %mul3A_2087 = arith.muli %add3A_2038, %mul3A_2086 : i32
      %add3A_2088 = arith.constant 32 : i32
      %add3A_2089 = arith.addi %mul3A_2087, %add3A_2088 : i32
      %swap3A_2090 = arith.index_cast %add3A_2089 : i32 to index
      %swap3A_2091 = tpu.vector_load %arg12[%swap3A_2090] {strides = array<i32>} : memref<32768xf32, #tpu.memory_space<vmem>>, vector<16xf32>,
      tpu.vector_store %arg12[%swap3A_2090], %gather3A_2085 {strides = array<i32>} : memref<32768xf32, #tpu.memory_space<vmem>>, vector<16xf32>,
      %add3A_2092 = arith.addi %broadcast_in_dim3A_2043, %add3A_38 : vector<16xi32>
      %shift_right_logical3A_2093 = arith.constant 7 : i32
      %shift_right_logical3A_2094 = vector.broadcast %shift_right_logical3A_2093 : i32 to vector<16xi32>
      %shift_right_logical3A_2095 = arith.shrui %add3A_2092, %shift_right_logical3A_2094 : vector<16xi32>
      %add3A_2096 = arith.addi %add3A_2046, %shift_right_logical3A_2095 : vector<16xi32>
      %and3A_2097 = arith.constant 127 : i32
      %and3A_2098 = vector.broadcast %and3A_2097 : i32 to vector<16xi32>
      %and3A_2099 = arith.andi %add3A_2092, %and3A_2098 : vector<16xi32>
      %gather3A_2100 = tpu.vector_load_idx %arg11[%add3A_2096, %and3A_2099] : memref<128x128xf32, #tpu.memory_space<vmem>>[vector<16xi32>, vector<16xi32>], vector<16xf32>,
      %mul3A_2101 = arith.constant 128 : i32
      %mul3A_2102 = arith.muli %add3A_2038, %mul3A_2101 : i32
      %add3A_2103 = arith.constant 48 : i32
      %add3A_2104 = arith.addi %mul3A_2102, %add3A_2103 : i32
      %swap3A_2105 = arith.index_cast %add3A_2104 : i32 to index
      %swap3A_2106 = tpu.vector_load %arg12[%swap3A_2105] {strides = array<i32>} : memref<32768xf32, #tpu.memory_space<vmem>>, vector<16xf32>,
      tpu.vector_store %arg12[%swap3A_2105], %gather3A_2100 {strides = array<i32>} : memref<32768xf32, #tpu.memory_space<vmem>>, vector<16xf32>,
      %add3A_2107 = arith.addi %broadcast_in_dim3A_2043, %add3A_44 : vector<16xi32>
      %shift_right_logical3A_2108 = arith.constant 7 : i32
      %shift_right_logical3A_2109 = vector.broadcast %shift_right_logical3A_2108 : i32 to vector<16xi32>
      %shift_right_logical3A_2110 = arith.shrui %add3A_2107, %shift_right_logical3A_2109 : vector<16xi32>
      %add3A_2111 = arith.addi %add3A_2046, %shift_right_logical3A_2110 : vector<16xi32>
      %and3A_2112 = arith.constant 127 : i32
      %and3A_2113 = vector.broadcast %and3A_2112 : i32 to vector<16xi32>
      %and3A_2114 = arith.andi %add3A_2107, %and3A_2113 : vector<16xi32>
      %gather3A_2115 = tpu.vector_load_idx %arg11[%add3A_2111, %and3A_2114] : memref<128x128xf32, #tpu.memory_space<vmem>>[vector<16xi32>, vector<16xi32>], vector<16xf32>,
      %mul3A_2116 = arith.constant 128 : i32
      %mul3A_2117 = arith.muli %add3A_2038, %mul3A_2116 : i32
      %add3A_2118 = arith.constant 64 : i32
      %add3A_2119 = arith.addi %mul3A_2117, %add3A_2118 : i32
      %swap3A_2120 = arith.index_cast %add3A_2119 : i32 to index
      %swap3A_2121 = tpu.vector_load %arg12[%swap3A_2120] {strides = array<i32>} : memref<32768xf32, #tpu.memory_space<vmem>>, vector<16xf32>,
      tpu.vector_store %arg12[%swap3A_2120], %gather3A_2115 {strides = array<i32>} : memref<32768xf32, #tpu.memory_space<vmem>>, vector<16xf32>,
      %add3A_2122 = arith.addi %broadcast_in_dim3A_2043, %add3A_50 : vector<16xi32>
      %shift_right_logical3A_2123 = arith.constant 7 : i32
      %shift_right_logical3A_2124 = vector.broadcast %shift_right_logical3A_2123 : i32 to vector<16xi32>
      %shift_right_logical3A_2125 = arith.shrui %add3A_2122, %shift_right_logical3A_2124 : vector<16xi32>
      %add3A_2126 = arith.addi %add3A_2046, %shift_right_logical3A_2125 : vector<16xi32>
      %and3A_2127 = arith.constant 127 : i32
      %and3A_2128 = vector.broadcast %and3A_2127 : i32 to vector<16xi32>
      %and3A_2129 = arith.andi %add3A_2122, %and3A_2128 : vector<16xi32>
      %gather3A_2130 = tpu.vector_load_idx %arg11[%add3A_2126, %and3A_2129] : memref<128x128xf32, #tpu.memory_space<vmem>>[vector<16xi32>, vector<16xi32>], vector<16xf32>,
      %mul3A_2131 = arith.constant 128 : i32
      %mul3A_2132 = arith.muli %add3A_2038, %mul3A_2131 : i32
      %add3A_2133 = arith.constant 80 : i32
      %add3A_2134 = arith.addi %mul3A_2132, %add3A_2133 : i32
      %swap3A_2135 = arith.index_cast %add3A_2134 : i32 to index
      %swap3A_2136 = tpu.vector_load %arg12[%swap3A_2135] {strides = array<i32>} : memref<32768xf32, #tpu.memory_space<vmem>>, vector<16xf32>,
      tpu.vector_store %arg12[%swap3A_2135], %gather3A_2130 {strides = array<i32>} : memref<32768xf32, #tpu.memory_space<vmem>>, vector<16xf32>,
      %add3A_2137 = arith.addi %broadcast_in_dim3A_2043, %add3A_56 : vector<16xi32>
      %shift_right_logical3A_2138 = arith.constant 7 : i32
      %shift_right_logical3A_2139 = vector.broadcast %shift_right_logical3A_2138 : i32 to vector<16xi32>
      %shift_right_logical3A_2140 = arith.shrui %add3A_2137, %shift_right_logical3A_2139 : vector<16xi32>
      %add3A_2141 = arith.addi %add3A_2046, %shift_right_logical3A_2140 : vector<16xi32>
      %and3A_2142 = arith.constant 127 : i32
      %and3A_2143 = vector.broadcast %and3A_2142 : i32 to vector<16xi32>
      %and3A_2144 = arith.andi %add3A_2137, %and3A_2143 : vector<16xi32>
      %gather3A_2145 = tpu.vector_load_idx %arg11[%add3A_2141, %and3A_2144] : memref<128x128xf32, #tpu.memory_space<vmem>>[vector<16xi32>, vector<16xi32>], vector<16xf32>,
      %mul3A_2146 = arith.constant 128 : i32
      %mul3A_2147 = arith.muli %add3A_2038, %mul3A_2146 : i32
      %add3A_2148 = arith.constant 96 : i32
      %add3A_2149 = arith.addi %mul3A_2147, %add3A_2148 : i32
      %swap3A_2150 = arith.index_cast %add3A_2149 : i32 to index
      %swap3A_2151 = tpu.vector_load %arg12[%swap3A_2150] {strides = array<i32>} : memref<32768xf32, #tpu.memory_space<vmem>>, vector<16xf32>,
      tpu.vector_store %arg12[%swap3A_2150], %gather3A_2145 {strides = array<i32>} : memref<32768xf32, #tpu.memory_space<vmem>>, vector<16xf32>,
      %add3A_2152 = arith.addi %broadcast_in_dim3A_2043, %add3A_62 : vector<16xi32>
      %shift_right_logical3A_2153 = arith.constant 7 : i32
      %shift_right_logical3A_2154 = vector.broadcast %shift_right_logical3A_2153 : i32 to vector<16xi32>
      %shift_right_logical3A_2155 = arith.shrui %add3A_2152, %shift_right_logical3A_2154 : vector<16xi32>
      %add3A_2156 = arith.addi %add3A_2046, %shift_right_logical3A_2155 : vector<16xi32>
      %and3A_2157 = arith.constant 127 : i32
      %and3A_2158 = vector.broadcast %and3A_2157 : i32 to vector<16xi32>
      %and3A_2159 = arith.andi %add3A_2152, %and3A_2158 : vector<16xi32>
      %gather3A_2160 = tpu.vector_load_idx %arg11[%add3A_2156, %and3A_2159] : memref<128x128xf32, #tpu.memory_space<vmem>>[vector<16xi32>, vector<16xi32>], vector<16xf32>,
      %mul3A_2161 = arith.constant 128 : i32
      %mul3A_2162 = arith.muli %add3A_2038, %mul3A_2161 : i32
      %add3A_2163 = arith.constant 112 : i32
      %add3A_2164 = arith.addi %mul3A_2162, %add3A_2163 : i32
      %swap3A_2165 = arith.index_cast %add3A_2164 : i32 to index
      %swap3A_2166 = tpu.vector_load %arg12[%swap3A_2165] {strides = array<i32>} : memref<32768xf32, #tpu.memory_space<vmem>>, vector<16xf32>,
      tpu.vector_store %arg12[%swap3A_2165], %gather3A_2160 {strides = array<i32>} : memref<32768xf32, #tpu.memory_space<vmem>>, vector<16xf32>,
      %mul3A_2167 = arith.constant 8 : i32
      %mul3A_2168 = arith.muli %add3A_1628, %mul3A_2167 : i32
      %add3A_2169 = arith.constant 4 : i32
      %add3A_2170 = arith.addi %mul3A_2168, %add3A_2169 : i32
      %slice3A_2171 = vector.extract_strided_slice %get3A_1638 {offsets = [4], sizes = [1], strides = [1]} : vector<16xi32> to vector<1xi32>
      %squeeze3A_2172 = vector.extract %slice3A_2171[0] : i32 from vector<1xi32>
      %and3A_2173 = arith.constant 127 : i32
      %and3A_2174 = arith.andi %squeeze3A_2172, %and3A_2173 : i32
      %broadcast_in_dim3A_2175 = vector.broadcast %and3A_2174 : i32 to vector<16xi32>
      %add3A_2176 = arith.constant 64 : i32
      %add3A_2177 = vector.broadcast %add3A_2176 : i32 to vector<16xi32>
      %add3A_2178 = arith.addi %mul3A_14, %add3A_2177 : vector<16xi32>
      %add3A_2179 = arith.addi %broadcast_in_dim3A_2175, %add3A_20 : vector<16xi32>
      %shift_right_logical3A_2180 = arith.constant 7 : i32
      %shift_right_logical3A_2181 = vector.broadcast %shift_right_logical3A_2180 : i32 to vector<16xi32>
      %shift_right_logical3A_2182 = arith.shrui %add3A_2179, %shift_right_logical3A_2181 : vector<16xi32>
      %add3A_2183 = arith.addi %add3A_2178, %shift_right_logical3A_2182 : vector<16xi32>
      %and3A_2184 = arith.constant 127 : i32
      %and3A_2185 = vector.broadcast %and3A_2184 : i32 to vector<16xi32>
      %and3A_2186 = arith.andi %add3A_2179, %and3A_2185 : vector<16xi32>
      %gather3A_2187 = tpu.vector_load_idx %arg11[%add3A_2183, %and3A_2186] : memref<128x128xf32, #tpu.memory_space<vmem>>[vector<16xi32>, vector<16xi32>], vector<16xf32>,
      %mul3A_2188 = arith.constant 128 : i32
      %mul3A_2189 = arith.muli %add3A_2170, %mul3A_2188 : i32
      %add3A_2190 = arith.constant 0 : i32
      %add3A_2191 = arith.addi %mul3A_2189, %add3A_2190 : i32
      %swap3A_2192 = arith.index_cast %add3A_2191 : i32 to index
      %swap3A_2193 = tpu.vector_load %arg12[%swap3A_2192] {strides = array<i32>} : memref<32768xf32, #tpu.memory_space<vmem>>, vector<16xf32>,
      tpu.vector_store %arg12[%swap3A_2192], %gather3A_2187 {strides = array<i32>} : memref<32768xf32, #tpu.memory_space<vmem>>, vector<16xf32>,
      %add3A_2194 = arith.addi %broadcast_in_dim3A_2175, %add3A_26 : vector<16xi32>
      %shift_right_logical3A_2195 = arith.constant 7 : i32
      %shift_right_logical3A_2196 = vector.broadcast %shift_right_logical3A_2195 : i32 to vector<16xi32>
      %shift_right_logical3A_2197 = arith.shrui %add3A_2194, %shift_right_logical3A_2196 : vector<16xi32>
      %add3A_2198 = arith.addi %add3A_2178, %shift_right_logical3A_2197 : vector<16xi32>
      %and3A_2199 = arith.constant 127 : i32
      %and3A_2200 = vector.broadcast %and3A_2199 : i32 to vector<16xi32>
      %and3A_2201 = arith.andi %add3A_2194, %and3A_2200 : vector<16xi32>
      %gather3A_2202 = tpu.vector_load_idx %arg11[%add3A_2198, %and3A_2201] : memref<128x128xf32, #tpu.memory_space<vmem>>[vector<16xi32>, vector<16xi32>], vector<16xf32>,
      %mul3A_2203 = arith.constant 128 : i32
      %mul3A_2204 = arith.muli %add3A_2170, %mul3A_2203 : i32
      %add3A_2205 = arith.constant 16 : i32
      %add3A_2206 = arith.addi %mul3A_2204, %add3A_2205 : i32
      %swap3A_2207 = arith.index_cast %add3A_2206 : i32 to index
      %swap3A_2208 = tpu.vector_load %arg12[%swap3A_2207] {strides = array<i32>} : memref<32768xf32, #tpu.memory_space<vmem>>, vector<16xf32>,
      tpu.vector_store %arg12[%swap3A_2207], %gather3A_2202 {strides = array<i32>} : memref<32768xf32, #tpu.memory_space<vmem>>, vector<16xf32>,
      %add3A_2209 = arith.addi %broadcast_in_dim3A_2175, %add3A_32 : vector<16xi32>
      %shift_right_logical3A_2210 = arith.constant 7 : i32
      %shift_right_logical3A_2211 = vector.broadcast %shift_right_logical3A_2210 : i32 to vector<16xi32>
      %shift_right_logical3A_2212 = arith.shrui %add3A_2209, %shift_right_logical3A_2211 : vector<16xi32>
      %add3A_2213 = arith.addi %add3A_2178, %shift_right_logical3A_2212 : vector<16xi32>
      %and3A_2214 = arith.constant 127 : i32
      %and3A_2215 = vector.broadcast %and3A_2214 : i32 to vector<16xi32>
      %and3A_2216 = arith.andi %add3A_2209, %and3A_2215 : vector<16xi32>
      %gather3A_2217 = tpu.vector_load_idx %arg11[%add3A_2213, %and3A_2216] : memref<128x128xf32, #tpu.memory_space<vmem>>[vector<16xi32>, vector<16xi32>], vector<16xf32>,
      %mul3A_2218 = arith.constant 128 : i32
      %mul3A_2219 = arith.muli %add3A_2170, %mul3A_2218 : i32
      %add3A_2220 = arith.constant 32 : i32
      %add3A_2221 = arith.addi %mul3A_2219, %add3A_2220 : i32
      %swap3A_2222 = arith.index_cast %add3A_2221 : i32 to index
      %swap3A_2223 = tpu.vector_load %arg12[%swap3A_2222] {strides = array<i32>} : memref<32768xf32, #tpu.memory_space<vmem>>, vector<16xf32>,
      tpu.vector_store %arg12[%swap3A_2222], %gather3A_2217 {strides = array<i32>} : memref<32768xf32, #tpu.memory_space<vmem>>, vector<16xf32>,
      %add3A_2224 = arith.addi %broadcast_in_dim3A_2175, %add3A_38 : vector<16xi32>
      %shift_right_logical3A_2225 = arith.constant 7 : i32
      %shift_right_logical3A_2226 = vector.broadcast %shift_right_logical3A_2225 : i32 to vector<16xi32>
      %shift_right_logical3A_2227 = arith.shrui %add3A_2224, %shift_right_logical3A_2226 : vector<16xi32>
      %add3A_2228 = arith.addi %add3A_2178, %shift_right_logical3A_2227 : vector<16xi32>
      %and3A_2229 = arith.constant 127 : i32
      %and3A_2230 = vector.broadcast %and3A_2229 : i32 to vector<16xi32>
      %and3A_2231 = arith.andi %add3A_2224, %and3A_2230 : vector<16xi32>
      %gather3A_2232 = tpu.vector_load_idx %arg11[%add3A_2228, %and3A_2231] : memref<128x128xf32, #tpu.memory_space<vmem>>[vector<16xi32>, vector<16xi32>], vector<16xf32>,
      %mul3A_2233 = arith.constant 128 : i32
      %mul3A_2234 = arith.muli %add3A_2170, %mul3A_2233 : i32
      %add3A_2235 = arith.constant 48 : i32
      %add3A_2236 = arith.addi %mul3A_2234, %add3A_2235 : i32
      %swap3A_2237 = arith.index_cast %add3A_2236 : i32 to index
      %swap3A_2238 = tpu.vector_load %arg12[%swap3A_2237] {strides = array<i32>} : memref<32768xf32, #tpu.memory_space<vmem>>, vector<16xf32>,
      tpu.vector_store %arg12[%swap3A_2237], %gather3A_2232 {strides = array<i32>} : memref<32768xf32, #tpu.memory_space<vmem>>, vector<16xf32>,
      %add3A_2239 = arith.addi %broadcast_in_dim3A_2175, %add3A_44 : vector<16xi32>
      %shift_right_logical3A_2240 = arith.constant 7 : i32
      %shift_right_logical3A_2241 = vector.broadcast %shift_right_logical3A_2240 : i32 to vector<16xi32>
      %shift_right_logical3A_2242 = arith.shrui %add3A_2239, %shift_right_logical3A_2241 : vector<16xi32>
      %add3A_2243 = arith.addi %add3A_2178, %shift_right_logical3A_2242 : vector<16xi32>
      %and3A_2244 = arith.constant 127 : i32
      %and3A_2245 = vector.broadcast %and3A_2244 : i32 to vector<16xi32>
      %and3A_2246 = arith.andi %add3A_2239, %and3A_2245 : vector<16xi32>
      %gather3A_2247 = tpu.vector_load_idx %arg11[%add3A_2243, %and3A_2246] : memref<128x128xf32, #tpu.memory_space<vmem>>[vector<16xi32>, vector<16xi32>], vector<16xf32>,
      %mul3A_2248 = arith.constant 128 : i32
      %mul3A_2249 = arith.muli %add3A_2170, %mul3A_2248 : i32
      %add3A_2250 = arith.constant 64 : i32
      %add3A_2251 = arith.addi %mul3A_2249, %add3A_2250 : i32
      %swap3A_2252 = arith.index_cast %add3A_2251 : i32 to index
      %swap3A_2253 = tpu.vector_load %arg12[%swap3A_2252] {strides = array<i32>} : memref<32768xf32, #tpu.memory_space<vmem>>, vector<16xf32>,
      tpu.vector_store %arg12[%swap3A_2252], %gather3A_2247 {strides = array<i32>} : memref<32768xf32, #tpu.memory_space<vmem>>, vector<16xf32>,
      %add3A_2254 = arith.addi %broadcast_in_dim3A_2175, %add3A_50 : vector<16xi32>
      %shift_right_logical3A_2255 = arith.constant 7 : i32
      %shift_right_logical3A_2256 = vector.broadcast %shift_right_logical3A_2255 : i32 to vector<16xi32>
      %shift_right_logical3A_2257 = arith.shrui %add3A_2254, %shift_right_logical3A_2256 : vector<16xi32>
      %add3A_2258 = arith.addi %add3A_2178, %shift_right_logical3A_2257 : vector<16xi32>
      %and3A_2259 = arith.constant 127 : i32
      %and3A_2260 = vector.broadcast %and3A_2259 : i32 to vector<16xi32>
      %and3A_2261 = arith.andi %add3A_2254, %and3A_2260 : vector<16xi32>
      %gather3A_2262 = tpu.vector_load_idx %arg11[%add3A_2258, %and3A_2261] : memref<128x128xf32, #tpu.memory_space<vmem>>[vector<16xi32>, vector<16xi32>], vector<16xf32>,
      %mul3A_2263 = arith.constant 128 : i32
      %mul3A_2264 = arith.muli %add3A_2170, %mul3A_2263 : i32
      %add3A_2265 = arith.constant 80 : i32
      %add3A_2266 = arith.addi %mul3A_2264, %add3A_2265 : i32
      %swap3A_2267 = arith.index_cast %add3A_2266 : i32 to index
      %swap3A_2268 = tpu.vector_load %arg12[%swap3A_2267] {strides = array<i32>} : memref<32768xf32, #tpu.memory_space<vmem>>, vector<16xf32>,
      tpu.vector_store %arg12[%swap3A_2267], %gather3A_2262 {strides = array<i32>} : memref<32768xf32, #tpu.memory_space<vmem>>, vector<16xf32>,
      %add3A_2269 = arith.addi %broadcast_in_dim3A_2175, %add3A_56 : vector<16xi32>
      %shift_right_logical3A_2270 = arith.constant 7 : i32
      %shift_right_logical3A_2271 = vector.broadcast %shift_right_logical3A_2270 : i32 to vector<16xi32>
      %shift_right_logical3A_2272 = arith.shrui %add3A_2269, %shift_right_logical3A_2271 : vector<16xi32>
      %add3A_2273 = arith.addi %add3A_2178, %shift_right_logical3A_2272 : vector<16xi32>
      %and3A_2274 = arith.constant 127 : i32
      %and3A_2275 = vector.broadcast %and3A_2274 : i32 to vector<16xi32>
      %and3A_2276 = arith.andi %add3A_2269, %and3A_2275 : vector<16xi32>
      %gather3A_2277 = tpu.vector_load_idx %arg11[%add3A_2273, %and3A_2276] : memref<128x128xf32, #tpu.memory_space<vmem>>[vector<16xi32>, vector<16xi32>], vector<16xf32>,
      %mul3A_2278 = arith.constant 128 : i32
      %mul3A_2279 = arith.muli %add3A_2170, %mul3A_2278 : i32
      %add3A_2280 = arith.constant 96 : i32
      %add3A_2281 = arith.addi %mul3A_2279, %add3A_2280 : i32
      %swap3A_2282 = arith.index_cast %add3A_2281 : i32 to index
      %swap3A_2283 = tpu.vector_load %arg12[%swap3A_2282] {strides = array<i32>} : memref<32768xf32, #tpu.memory_space<vmem>>, vector<16xf32>,
      tpu.vector_store %arg12[%swap3A_2282], %gather3A_2277 {strides = array<i32>} : memref<32768xf32, #tpu.memory_space<vmem>>, vector<16xf32>,
      %add3A_2284 = arith.addi %broadcast_in_dim3A_2175, %add3A_62 : vector<16xi32>
      %shift_right_logical3A_2285 = arith.constant 7 : i32
      %shift_right_logical3A_2286 = vector.broadcast %shift_right_logical3A_2285 : i32 to vector<16xi32>
      %shift_right_logical3A_2287 = arith.shrui %add3A_2284, %shift_right_logical3A_2286 : vector<16xi32>
      %add3A_2288 = arith.addi %add3A_2178, %shift_right_logical3A_2287 : vector<16xi32>
      %and3A_2289 = arith.constant 127 : i32
      %and3A_2290 = vector.broadcast %and3A_2289 : i32 to vector<16xi32>
      %and3A_2291 = arith.andi %add3A_2284, %and3A_2290 : vector<16xi32>
      %gather3A_2292 = tpu.vector_load_idx %arg11[%add3A_2288, %and3A_2291] : memref<128x128xf32, #tpu.memory_space<vmem>>[vector<16xi32>, vector<16xi32>], vector<16xf32>,
      %mul3A_2293 = arith.constant 128 : i32
      %mul3A_2294 = arith.muli %add3A_2170, %mul3A_2293 : i32
      %add3A_2295 = arith.constant 112 : i32
      %add3A_2296 = arith.addi %mul3A_2294, %add3A_2295 : i32
      %swap3A_2297 = arith.index_cast %add3A_2296 : i32 to index
      %swap3A_2298 = tpu.vector_load %arg12[%swap3A_2297] {strides = array<i32>} : memref<32768xf32, #tpu.memory_space<vmem>>, vector<16xf32>,
      tpu.vector_store %arg12[%swap3A_2297], %gather3A_2292 {strides = array<i32>} : memref<32768xf32, #tpu.memory_space<vmem>>, vector<16xf32>,
      %mul3A_2299 = arith.constant 8 : i32
      %mul3A_2300 = arith.muli %add3A_1628, %mul3A_2299 : i32
      %add3A_2301 = arith.constant 5 : i32
      %add3A_2302 = arith.addi %mul3A_2300, %add3A_2301 : i32
      %slice3A_2303 = vector.extract_strided_slice %get3A_1638 {offsets = [5], sizes = [1], strides = [1]} : vector<16xi32> to vector<1xi32>
      %squeeze3A_2304 = vector.extract %slice3A_2303[0] : i32 from vector<1xi32>
      %and3A_2305 = arith.constant 127 : i32
      %and3A_2306 = arith.andi %squeeze3A_2304, %and3A_2305 : i32
      %broadcast_in_dim3A_2307 = vector.broadcast %and3A_2306 : i32 to vector<16xi32>
      %add3A_2308 = arith.constant 80 : i32
      %add3A_2309 = vector.broadcast %add3A_2308 : i32 to vector<16xi32>
      %add3A_2310 = arith.addi %mul3A_14, %add3A_2309 : vector<16xi32>
      %add3A_2311 = arith.addi %broadcast_in_dim3A_2307, %add3A_20 : vector<16xi32>
      %shift_right_logical3A_2312 = arith.constant 7 : i32
      %shift_right_logical3A_2313 = vector.broadcast %shift_right_logical3A_2312 : i32 to vector<16xi32>
      %shift_right_logical3A_2314 = arith.shrui %add3A_2311, %shift_right_logical3A_2313 : vector<16xi32>
      %add3A_2315 = arith.addi %add3A_2310, %shift_right_logical3A_2314 : vector<16xi32>
      %and3A_2316 = arith.constant 127 : i32
      %and3A_2317 = vector.broadcast %and3A_2316 : i32 to vector<16xi32>
      %and3A_2318 = arith.andi %add3A_2311, %and3A_2317 : vector<16xi32>
      %gather3A_2319 = tpu.vector_load_idx %arg11[%add3A_2315, %and3A_2318] : memref<128x128xf32, #tpu.memory_space<vmem>>[vector<16xi32>, vector<16xi32>], vector<16xf32>,
      %mul3A_2320 = arith.constant 128 : i32
      %mul3A_2321 = arith.muli %add3A_2302, %mul3A_2320 : i32
      %add3A_2322 = arith.constant 0 : i32
      %add3A_2323 = arith.addi %mul3A_2321, %add3A_2322 : i32
      %swap3A_2324 = arith.index_cast %add3A_2323 : i32 to index
      %swap3A_2325 = tpu.vector_load %arg12[%swap3A_2324] {strides = array<i32>} : memref<32768xf32, #tpu.memory_space<vmem>>, vector<16xf32>,
      tpu.vector_store %arg12[%swap3A_2324], %gather3A_2319 {strides = array<i32>} : memref<32768xf32, #tpu.memory_space<vmem>>, vector<16xf32>,
      %add3A_2326 = arith.addi %broadcast_in_dim3A_2307, %add3A_26 : vector<16xi32>
      %shift_right_logical3A_2327 = arith.constant 7 : i32
      %shift_right_logical3A_2328 = vector.broadcast %shift_right_logical3A_2327 : i32 to vector<16xi32>
      %shift_right_logical3A_2329 = arith.shrui %add3A_2326, %shift_right_logical3A_2328 : vector<16xi32>
      %add3A_2330 = arith.addi %add3A_2310, %shift_right_logical3A_2329 : vector<16xi32>
      %and3A_2331 = arith.constant 127 : i32
      %and3A_2332 = vector.broadcast %and3A_2331 : i32 to vector<16xi32>
      %and3A_2333 = arith.andi %add3A_2326, %and3A_2332 : vector<16xi32>
      %gather3A_2334 = tpu.vector_load_idx %arg11[%add3A_2330, %and3A_2333] : memref<128x128xf32, #tpu.memory_space<vmem>>[vector<16xi32>, vector<16xi32>], vector<16xf32>,
      %mul3A_2335 = arith.constant 128 : i32
      %mul3A_2336 = arith.muli %add3A_2302, %mul3A_2335 : i32
      %add3A_2337 = arith.constant 16 : i32
      %add3A_2338 = arith.addi %mul3A_2336, %add3A_2337 : i32
      %swap3A_2339 = arith.index_cast %add3A_2338 : i32 to index
      %swap3A_2340 = tpu.vector_load %arg12[%swap3A_2339] {strides = array<i32>} : memref<32768xf32, #tpu.memory_space<vmem>>, vector<16xf32>,
      tpu.vector_store %arg12[%swap3A_2339], %gather3A_2334 {strides = array<i32>} : memref<32768xf32, #tpu.memory_space<vmem>>, vector<16xf32>,
      %add3A_2341 = arith.addi %broadcast_in_dim3A_2307, %add3A_32 : vector<16xi32>
      %shift_right_logical3A_2342 = arith.constant 7 : i32
      %shift_right_logical3A_2343 = vector.broadcast %shift_right_logical3A_2342 : i32 to vector<16xi32>
      %shift_right_logical3A_2344 = arith.shrui %add3A_2341, %shift_right_logical3A_2343 : vector<16xi32>
      %add3A_2345 = arith.addi %add3A_2310, %shift_right_logical3A_2344 : vector<16xi32>
      %and3A_2346 = arith.constant 127 : i32
      %and3A_2347 = vector.broadcast %and3A_2346 : i32 to vector<16xi32>
      %and3A_2348 = arith.andi %add3A_2341, %and3A_2347 : vector<16xi32>
      %gather3A_2349 = tpu.vector_load_idx %arg11[%add3A_2345, %and3A_2348] : memref<128x128xf32, #tpu.memory_space<vmem>>[vector<16xi32>, vector<16xi32>], vector<16xf32>,
      %mul3A_2350 = arith.constant 128 : i32
      %mul3A_2351 = arith.muli %add3A_2302, %mul3A_2350 : i32
      %add3A_2352 = arith.constant 32 : i32
      %add3A_2353 = arith.addi %mul3A_2351, %add3A_2352 : i32
      %swap3A_2354 = arith.index_cast %add3A_2353 : i32 to index
      %swap3A_2355 = tpu.vector_load %arg12[%swap3A_2354] {strides = array<i32>} : memref<32768xf32, #tpu.memory_space<vmem>>, vector<16xf32>,
      tpu.vector_store %arg12[%swap3A_2354], %gather3A_2349 {strides = array<i32>} : memref<32768xf32, #tpu.memory_space<vmem>>, vector<16xf32>,
      %add3A_2356 = arith.addi %broadcast_in_dim3A_2307, %add3A_38 : vector<16xi32>
      %shift_right_logical3A_2357 = arith.constant 7 : i32
      %shift_right_logical3A_2358 = vector.broadcast %shift_right_logical3A_2357 : i32 to vector<16xi32>
      %shift_right_logical3A_2359 = arith.shrui %add3A_2356, %shift_right_logical3A_2358 : vector<16xi32>
      %add3A_2360 = arith.addi %add3A_2310, %shift_right_logical3A_2359 : vector<16xi32>
      %and3A_2361 = arith.constant 127 : i32
      %and3A_2362 = vector.broadcast %and3A_2361 : i32 to vector<16xi32>
      %and3A_2363 = arith.andi %add3A_2356, %and3A_2362 : vector<16xi32>
      %gather3A_2364 = tpu.vector_load_idx %arg11[%add3A_2360, %and3A_2363] : memref<128x128xf32, #tpu.memory_space<vmem>>[vector<16xi32>, vector<16xi32>], vector<16xf32>,
      %mul3A_2365 = arith.constant 128 : i32
      %mul3A_2366 = arith.muli %add3A_2302, %mul3A_2365 : i32
      %add3A_2367 = arith.constant 48 : i32
      %add3A_2368 = arith.addi %mul3A_2366, %add3A_2367 : i32
      %swap3A_2369 = arith.index_cast %add3A_2368 : i32 to index
      %swap3A_2370 = tpu.vector_load %arg12[%swap3A_2369] {strides = array<i32>} : memref<32768xf32, #tpu.memory_space<vmem>>, vector<16xf32>,
      tpu.vector_store %arg12[%swap3A_2369], %gather3A_2364 {strides = array<i32>} : memref<32768xf32, #tpu.memory_space<vmem>>, vector<16xf32>,
      %add3A_2371 = arith.addi %broadcast_in_dim3A_2307, %add3A_44 : vector<16xi32>
      %shift_right_logical3A_2372 = arith.constant 7 : i32
      %shift_right_logical3A_2373 = vector.broadcast %shift_right_logical3A_2372 : i32 to vector<16xi32>
      %shift_right_logical3A_2374 = arith.shrui %add3A_2371, %shift_right_logical3A_2373 : vector<16xi32>
      %add3A_2375 = arith.addi %add3A_2310, %shift_right_logical3A_2374 : vector<16xi32>
      %and3A_2376 = arith.constant 127 : i32
      %and3A_2377 = vector.broadcast %and3A_2376 : i32 to vector<16xi32>
      %and3A_2378 = arith.andi %add3A_2371, %and3A_2377 : vector<16xi32>
      %gather3A_2379 = tpu.vector_load_idx %arg11[%add3A_2375, %and3A_2378] : memref<128x128xf32, #tpu.memory_space<vmem>>[vector<16xi32>, vector<16xi32>], vector<16xf32>,
      %mul3A_2380 = arith.constant 128 : i32
      %mul3A_2381 = arith.muli %add3A_2302, %mul3A_2380 : i32
      %add3A_2382 = arith.constant 64 : i32
      %add3A_2383 = arith.addi %mul3A_2381, %add3A_2382 : i32
      %swap3A_2384 = arith.index_cast %add3A_2383 : i32 to index
      %swap3A_2385 = tpu.vector_load %arg12[%swap3A_2384] {strides = array<i32>} : memref<32768xf32, #tpu.memory_space<vmem>>, vector<16xf32>,
      tpu.vector_store %arg12[%swap3A_2384], %gather3A_2379 {strides = array<i32>} : memref<32768xf32, #tpu.memory_space<vmem>>, vector<16xf32>,
      %add3A_2386 = arith.addi %broadcast_in_dim3A_2307, %add3A_50 : vector<16xi32>
      %shift_right_logical3A_2387 = arith.constant 7 : i32
      %shift_right_logical3A_2388 = vector.broadcast %shift_right_logical3A_2387 : i32 to vector<16xi32>
      %shift_right_logical3A_2389 = arith.shrui %add3A_2386, %shift_right_logical3A_2388 : vector<16xi32>
      %add3A_2390 = arith.addi %add3A_2310, %shift_right_logical3A_2389 : vector<16xi32>
      %and3A_2391 = arith.constant 127 : i32
      %and3A_2392 = vector.broadcast %and3A_2391 : i32 to vector<16xi32>
      %and3A_2393 = arith.andi %add3A_2386, %and3A_2392 : vector<16xi32>
      %gather3A_2394 = tpu.vector_load_idx %arg11[%add3A_2390, %and3A_2393] : memref<128x128xf32, #tpu.memory_space<vmem>>[vector<16xi32>, vector<16xi32>], vector<16xf32>,
      %mul3A_2395 = arith.constant 128 : i32
      %mul3A_2396 = arith.muli %add3A_2302, %mul3A_2395 : i32
      %add3A_2397 = arith.constant 80 : i32
      %add3A_2398 = arith.addi %mul3A_2396, %add3A_2397 : i32
      %swap3A_2399 = arith.index_cast %add3A_2398 : i32 to index
      %swap3A_2400 = tpu.vector_load %arg12[%swap3A_2399] {strides = array<i32>} : memref<32768xf32, #tpu.memory_space<vmem>>, vector<16xf32>,
      tpu.vector_store %arg12[%swap3A_2399], %gather3A_2394 {strides = array<i32>} : memref<32768xf32, #tpu.memory_space<vmem>>, vector<16xf32>,
      %add3A_2401 = arith.addi %broadcast_in_dim3A_2307, %add3A_56 : vector<16xi32>
      %shift_right_logical3A_2402 = arith.constant 7 : i32
      %shift_right_logical3A_2403 = vector.broadcast %shift_right_logical3A_2402 : i32 to vector<16xi32>
      %shift_right_logical3A_2404 = arith.shrui %add3A_2401, %shift_right_logical3A_2403 : vector<16xi32>
      %add3A_2405 = arith.addi %add3A_2310, %shift_right_logical3A_2404 : vector<16xi32>
      %and3A_2406 = arith.constant 127 : i32
      %and3A_2407 = vector.broadcast %and3A_2406 : i32 to vector<16xi32>
      %and3A_2408 = arith.andi %add3A_2401, %and3A_2407 : vector<16xi32>
      %gather3A_2409 = tpu.vector_load_idx %arg11[%add3A_2405, %and3A_2408] : memref<128x128xf32, #tpu.memory_space<vmem>>[vector<16xi32>, vector<16xi32>], vector<16xf32>,
      %mul3A_2410 = arith.constant 128 : i32
      %mul3A_2411 = arith.muli %add3A_2302, %mul3A_2410 : i32
      %add3A_2412 = arith.constant 96 : i32
      %add3A_2413 = arith.addi %mul3A_2411, %add3A_2412 : i32
      %swap3A_2414 = arith.index_cast %add3A_2413 : i32 to index
      %swap3A_2415 = tpu.vector_load %arg12[%swap3A_2414] {strides = array<i32>} : memref<32768xf32, #tpu.memory_space<vmem>>, vector<16xf32>,
      tpu.vector_store %arg12[%swap3A_2414], %gather3A_2409 {strides = array<i32>} : memref<32768xf32, #tpu.memory_space<vmem>>, vector<16xf32>,
      %add3A_2416 = arith.addi %broadcast_in_dim3A_2307, %add3A_62 : vector<16xi32>
      %shift_right_logical3A_2417 = arith.constant 7 : i32
      %shift_right_logical3A_2418 = vector.broadcast %shift_right_logical3A_2417 : i32 to vector<16xi32>
      %shift_right_logical3A_2419 = arith.shrui %add3A_2416, %shift_right_logical3A_2418 : vector<16xi32>
      %add3A_2420 = arith.addi %add3A_2310, %shift_right_logical3A_2419 : vector<16xi32>
      %and3A_2421 = arith.constant 127 : i32
      %and3A_2422 = vector.broadcast %and3A_2421 : i32 to vector<16xi32>
      %and3A_2423 = arith.andi %add3A_2416, %and3A_2422 : vector<16xi32>
      %gather3A_2424 = tpu.vector_load_idx %arg11[%add3A_2420, %and3A_2423] : memref<128x128xf32, #tpu.memory_space<vmem>>[vector<16xi32>, vector<16xi32>], vector<16xf32>,
      %mul3A_2425 = arith.constant 128 : i32
      %mul3A_2426 = arith.muli %add3A_2302, %mul3A_2425 : i32
      %add3A_2427 = arith.constant 112 : i32
      %add3A_2428 = arith.addi %mul3A_2426, %add3A_2427 : i32
      %swap3A_2429 = arith.index_cast %add3A_2428 : i32 to index
      %swap3A_2430 = tpu.vector_load %arg12[%swap3A_2429] {strides = array<i32>} : memref<32768xf32, #tpu.memory_space<vmem>>, vector<16xf32>,
      tpu.vector_store %arg12[%swap3A_2429], %gather3A_2424 {strides = array<i32>} : memref<32768xf32, #tpu.memory_space<vmem>>, vector<16xf32>,
      %mul3A_2431 = arith.constant 8 : i32
      %mul3A_2432 = arith.muli %add3A_1628, %mul3A_2431 : i32
      %add3A_2433 = arith.constant 6 : i32
      %add3A_2434 = arith.addi %mul3A_2432, %add3A_2433 : i32
      %slice3A_2435 = vector.extract_strided_slice %get3A_1638 {offsets = [6], sizes = [1], strides = [1]} : vector<16xi32> to vector<1xi32>
      %squeeze3A_2436 = vector.extract %slice3A_2435[0] : i32 from vector<1xi32>
      %and3A_2437 = arith.constant 127 : i32
      %and3A_2438 = arith.andi %squeeze3A_2436, %and3A_2437 : i32
      %broadcast_in_dim3A_2439 = vector.broadcast %and3A_2438 : i32 to vector<16xi32>
      %add3A_2440 = arith.constant 96 : i32
      %add3A_2441 = vector.broadcast %add3A_2440 : i32 to vector<16xi32>
      %add3A_2442 = arith.addi %mul3A_14, %add3A_2441 : vector<16xi32>
      %add3A_2443 = arith.addi %broadcast_in_dim3A_2439, %add3A_20 : vector<16xi32>
      %shift_right_logical3A_2444 = arith.constant 7 : i32
      %shift_right_logical3A_2445 = vector.broadcast %shift_right_logical3A_2444 : i32 to vector<16xi32>
      %shift_right_logical3A_2446 = arith.shrui %add3A_2443, %shift_right_logical3A_2445 : vector<16xi32>
      %add3A_2447 = arith.addi %add3A_2442, %shift_right_logical3A_2446 : vector<16xi32>
      %and3A_2448 = arith.constant 127 : i32
      %and3A_2449 = vector.broadcast %and3A_2448 : i32 to vector<16xi32>
      %and3A_2450 = arith.andi %add3A_2443, %and3A_2449 : vector<16xi32>
      %gather3A_2451 = tpu.vector_load_idx %arg11[%add3A_2447, %and3A_2450] : memref<128x128xf32, #tpu.memory_space<vmem>>[vector<16xi32>, vector<16xi32>], vector<16xf32>,
      %mul3A_2452 = arith.constant 128 : i32
      %mul3A_2453 = arith.muli %add3A_2434, %mul3A_2452 : i32
      %add3A_2454 = arith.constant 0 : i32
      %add3A_2455 = arith.addi %mul3A_2453, %add3A_2454 : i32
      %swap3A_2456 = arith.index_cast %add3A_2455 : i32 to index
      %swap3A_2457 = tpu.vector_load %arg12[%swap3A_2456] {strides = array<i32>} : memref<32768xf32, #tpu.memory_space<vmem>>, vector<16xf32>,
      tpu.vector_store %arg12[%swap3A_2456], %gather3A_2451 {strides = array<i32>} : memref<32768xf32, #tpu.memory_space<vmem>>, vector<16xf32>,
      %add3A_2458 = arith.addi %broadcast_in_dim3A_2439, %add3A_26 : vector<16xi32>
      %shift_right_logical3A_2459 = arith.constant 7 : i32
      %shift_right_logical3A_2460 = vector.broadcast %shift_right_logical3A_2459 : i32 to vector<16xi32>
      %shift_right_logical3A_2461 = arith.shrui %add3A_2458, %shift_right_logical3A_2460 : vector<16xi32>
      %add3A_2462 = arith.addi %add3A_2442, %shift_right_logical3A_2461 : vector<16xi32>
      %and3A_2463 = arith.constant 127 : i32
      %and3A_2464 = vector.broadcast %and3A_2463 : i32 to vector<16xi32>
      %and3A_2465 = arith.andi %add3A_2458, %and3A_2464 : vector<16xi32>
      %gather3A_2466 = tpu.vector_load_idx %arg11[%add3A_2462, %and3A_2465] : memref<128x128xf32, #tpu.memory_space<vmem>>[vector<16xi32>, vector<16xi32>], vector<16xf32>,
      %mul3A_2467 = arith.constant 128 : i32
      %mul3A_2468 = arith.muli %add3A_2434, %mul3A_2467 : i32
      %add3A_2469 = arith.constant 16 : i32
      %add3A_2470 = arith.addi %mul3A_2468, %add3A_2469 : i32
      %swap3A_2471 = arith.index_cast %add3A_2470 : i32 to index
      %swap3A_2472 = tpu.vector_load %arg12[%swap3A_2471] {strides = array<i32>} : memref<32768xf32, #tpu.memory_space<vmem>>, vector<16xf32>,
      tpu.vector_store %arg12[%swap3A_2471], %gather3A_2466 {strides = array<i32>} : memref<32768xf32, #tpu.memory_space<vmem>>, vector<16xf32>,
      %add3A_2473 = arith.addi %broadcast_in_dim3A_2439, %add3A_32 : vector<16xi32>
      %shift_right_logical3A_2474 = arith.constant 7 : i32
      %shift_right_logical3A_2475 = vector.broadcast %shift_right_logical3A_2474 : i32 to vector<16xi32>
      %shift_right_logical3A_2476 = arith.shrui %add3A_2473, %shift_right_logical3A_2475 : vector<16xi32>
      %add3A_2477 = arith.addi %add3A_2442, %shift_right_logical3A_2476 : vector<16xi32>
      %and3A_2478 = arith.constant 127 : i32
      %and3A_2479 = vector.broadcast %and3A_2478 : i32 to vector<16xi32>
      %and3A_2480 = arith.andi %add3A_2473, %and3A_2479 : vector<16xi32>
      %gather3A_2481 = tpu.vector_load_idx %arg11[%add3A_2477, %and3A_2480] : memref<128x128xf32, #tpu.memory_space<vmem>>[vector<16xi32>, vector<16xi32>], vector<16xf32>,
      %mul3A_2482 = arith.constant 128 : i32
      %mul3A_2483 = arith.muli %add3A_2434, %mul3A_2482 : i32
      %add3A_2484 = arith.constant 32 : i32
      %add3A_2485 = arith.addi %mul3A_2483, %add3A_2484 : i32
      %swap3A_2486 = arith.index_cast %add3A_2485 : i32 to index
      %swap3A_2487 = tpu.vector_load %arg12[%swap3A_2486] {strides = array<i32>} : memref<32768xf32, #tpu.memory_space<vmem>>, vector<16xf32>,
      tpu.vector_store %arg12[%swap3A_2486], %gather3A_2481 {strides = array<i32>} : memref<32768xf32, #tpu.memory_space<vmem>>, vector<16xf32>,
      %add3A_2488 = arith.addi %broadcast_in_dim3A_2439, %add3A_38 : vector<16xi32>
      %shift_right_logical3A_2489 = arith.constant 7 : i32
      %shift_right_logical3A_2490 = vector.broadcast %shift_right_logical3A_2489 : i32 to vector<16xi32>
      %shift_right_logical3A_2491 = arith.shrui %add3A_2488, %shift_right_logical3A_2490 : vector<16xi32>
      %add3A_2492 = arith.addi %add3A_2442, %shift_right_logical3A_2491 : vector<16xi32>
      %and3A_2493 = arith.constant 127 : i32
      %and3A_2494 = vector.broadcast %and3A_2493 : i32 to vector<16xi32>
      %and3A_2495 = arith.andi %add3A_2488, %and3A_2494 : vector<16xi32>
      %gather3A_2496 = tpu.vector_load_idx %arg11[%add3A_2492, %and3A_2495] : memref<128x128xf32, #tpu.memory_space<vmem>>[vector<16xi32>, vector<16xi32>], vector<16xf32>,
      %mul3A_2497 = arith.constant 128 : i32
      %mul3A_2498 = arith.muli %add3A_2434, %mul3A_2497 : i32
      %add3A_2499 = arith.constant 48 : i32
      %add3A_2500 = arith.addi %mul3A_2498, %add3A_2499 : i32
      %swap3A_2501 = arith.index_cast %add3A_2500 : i32 to index
      %swap3A_2502 = tpu.vector_load %arg12[%swap3A_2501] {strides = array<i32>} : memref<32768xf32, #tpu.memory_space<vmem>>, vector<16xf32>,
      tpu.vector_store %arg12[%swap3A_2501], %gather3A_2496 {strides = array<i32>} : memref<32768xf32, #tpu.memory_space<vmem>>, vector<16xf32>,
      %add3A_2503 = arith.addi %broadcast_in_dim3A_2439, %add3A_44 : vector<16xi32>
      %shift_right_logical3A_2504 = arith.constant 7 : i32
      %shift_right_logical3A_2505 = vector.broadcast %shift_right_logical3A_2504 : i32 to vector<16xi32>
      %shift_right_logical3A_2506 = arith.shrui %add3A_2503, %shift_right_logical3A_2505 : vector<16xi32>
      %add3A_2507 = arith.addi %add3A_2442, %shift_right_logical3A_2506 : vector<16xi32>
      %and3A_2508 = arith.constant 127 : i32
      %and3A_2509 = vector.broadcast %and3A_2508 : i32 to vector<16xi32>
      %and3A_2510 = arith.andi %add3A_2503, %and3A_2509 : vector<16xi32>
      %gather3A_2511 = tpu.vector_load_idx %arg11[%add3A_2507, %and3A_2510] : memref<128x128xf32, #tpu.memory_space<vmem>>[vector<16xi32>, vector<16xi32>], vector<16xf32>,
      %mul3A_2512 = arith.constant 128 : i32
      %mul3A_2513 = arith.muli %add3A_2434, %mul3A_2512 : i32
      %add3A_2514 = arith.constant 64 : i32
      %add3A_2515 = arith.addi %mul3A_2513, %add3A_2514 : i32
      %swap3A_2516 = arith.index_cast %add3A_2515 : i32 to index
      %swap3A_2517 = tpu.vector_load %arg12[%swap3A_2516] {strides = array<i32>} : memref<32768xf32, #tpu.memory_space<vmem>>, vector<16xf32>,
      tpu.vector_store %arg12[%swap3A_2516], %gather3A_2511 {strides = array<i32>} : memref<32768xf32, #tpu.memory_space<vmem>>, vector<16xf32>,
      %add3A_2518 = arith.addi %broadcast_in_dim3A_2439, %add3A_50 : vector<16xi32>
      %shift_right_logical3A_2519 = arith.constant 7 : i32
      %shift_right_logical3A_2520 = vector.broadcast %shift_right_logical3A_2519 : i32 to vector<16xi32>
      %shift_right_logical3A_2521 = arith.shrui %add3A_2518, %shift_right_logical3A_2520 : vector<16xi32>
      %add3A_2522 = arith.addi %add3A_2442, %shift_right_logical3A_2521 : vector<16xi32>
      %and3A_2523 = arith.constant 127 : i32
      %and3A_2524 = vector.broadcast %and3A_2523 : i32 to vector<16xi32>
      %and3A_2525 = arith.andi %add3A_2518, %and3A_2524 : vector<16xi32>
      %gather3A_2526 = tpu.vector_load_idx %arg11[%add3A_2522, %and3A_2525] : memref<128x128xf32, #tpu.memory_space<vmem>>[vector<16xi32>, vector<16xi32>], vector<16xf32>,
      %mul3A_2527 = arith.constant 128 : i32
      %mul3A_2528 = arith.muli %add3A_2434, %mul3A_2527 : i32
      %add3A_2529 = arith.constant 80 : i32
      %add3A_2530 = arith.addi %mul3A_2528, %add3A_2529 : i32
      %swap3A_2531 = arith.index_cast %add3A_2530 : i32 to index
      %swap3A_2532 = tpu.vector_load %arg12[%swap3A_2531] {strides = array<i32>} : memref<32768xf32, #tpu.memory_space<vmem>>, vector<16xf32>,
      tpu.vector_store %arg12[%swap3A_2531], %gather3A_2526 {strides = array<i32>} : memref<32768xf32, #tpu.memory_space<vmem>>, vector<16xf32>,
      %add3A_2533 = arith.addi %broadcast_in_dim3A_2439, %add3A_56 : vector<16xi32>
      %shift_right_logical3A_2534 = arith.constant 7 : i32
      %shift_right_logical3A_2535 = vector.broadcast %shift_right_logical3A_2534 : i32 to vector<16xi32>
      %shift_right_logical3A_2536 = arith.shrui %add3A_2533, %shift_right_logical3A_2535 : vector<16xi32>
      %add3A_2537 = arith.addi %add3A_2442, %shift_right_logical3A_2536 : vector<16xi32>
      %and3A_2538 = arith.constant 127 : i32
      %and3A_2539 = vector.broadcast %and3A_2538 : i32 to vector<16xi32>
      %and3A_2540 = arith.andi %add3A_2533, %and3A_2539 : vector<16xi32>
      %gather3A_2541 = tpu.vector_load_idx %arg11[%add3A_2537, %and3A_2540] : memref<128x128xf32, #tpu.memory_space<vmem>>[vector<16xi32>, vector<16xi32>], vector<16xf32>,
      %mul3A_2542 = arith.constant 128 : i32
      %mul3A_2543 = arith.muli %add3A_2434, %mul3A_2542 : i32
      %add3A_2544 = arith.constant 96 : i32
      %add3A_2545 = arith.addi %mul3A_2543, %add3A_2544 : i32
      %swap3A_2546 = arith.index_cast %add3A_2545 : i32 to index
      %swap3A_2547 = tpu.vector_load %arg12[%swap3A_2546] {strides = array<i32>} : memref<32768xf32, #tpu.memory_space<vmem>>, vector<16xf32>,
      tpu.vector_store %arg12[%swap3A_2546], %gather3A_2541 {strides = array<i32>} : memref<32768xf32, #tpu.memory_space<vmem>>, vector<16xf32>,
      %add3A_2548 = arith.addi %broadcast_in_dim3A_2439, %add3A_62 : vector<16xi32>
      %shift_right_logical3A_2549 = arith.constant 7 : i32
      %shift_right_logical3A_2550 = vector.broadcast %shift_right_logical3A_2549 : i32 to vector<16xi32>
      %shift_right_logical3A_2551 = arith.shrui %add3A_2548, %shift_right_logical3A_2550 : vector<16xi32>
      %add3A_2552 = arith.addi %add3A_2442, %shift_right_logical3A_2551 : vector<16xi32>
      %and3A_2553 = arith.constant 127 : i32
      %and3A_2554 = vector.broadcast %and3A_2553 : i32 to vector<16xi32>
      %and3A_2555 = arith.andi %add3A_2548, %and3A_2554 : vector<16xi32>
      %gather3A_2556 = tpu.vector_load_idx %arg11[%add3A_2552, %and3A_2555] : memref<128x128xf32, #tpu.memory_space<vmem>>[vector<16xi32>, vector<16xi32>], vector<16xf32>,
      %mul3A_2557 = arith.constant 128 : i32
      %mul3A_2558 = arith.muli %add3A_2434, %mul3A_2557 : i32
      %add3A_2559 = arith.constant 112 : i32
      %add3A_2560 = arith.addi %mul3A_2558, %add3A_2559 : i32
      %swap3A_2561 = arith.index_cast %add3A_2560 : i32 to index
      %swap3A_2562 = tpu.vector_load %arg12[%swap3A_2561] {strides = array<i32>} : memref<32768xf32, #tpu.memory_space<vmem>>, vector<16xf32>,
      tpu.vector_store %arg12[%swap3A_2561], %gather3A_2556 {strides = array<i32>} : memref<32768xf32, #tpu.memory_space<vmem>>, vector<16xf32>,
      %mul3A_2563 = arith.constant 8 : i32
      %mul3A_2564 = arith.muli %add3A_1628, %mul3A_2563 : i32
      %add3A_2565 = arith.constant 7 : i32
      %add3A_2566 = arith.addi %mul3A_2564, %add3A_2565 : i32
      %slice3A_2567 = vector.extract_strided_slice %get3A_1638 {offsets = [7], sizes = [1], strides = [1]} : vector<16xi32> to vector<1xi32>
      %squeeze3A_2568 = vector.extract %slice3A_2567[0] : i32 from vector<1xi32>
      %and3A_2569 = arith.constant 127 : i32
      %and3A_2570 = arith.andi %squeeze3A_2568, %and3A_2569 : i32
      %broadcast_in_dim3A_2571 = vector.broadcast %and3A_2570 : i32 to vector<16xi32>
      %add3A_2572 = arith.constant 112 : i32
      %add3A_2573 = vector.broadcast %add3A_2572 : i32 to vector<16xi32>
      %add3A_2574 = arith.addi %mul3A_14, %add3A_2573 : vector<16xi32>
      %add3A_2575 = arith.addi %broadcast_in_dim3A_2571, %add3A_20 : vector<16xi32>
      %shift_right_logical3A_2576 = arith.constant 7 : i32
      %shift_right_logical3A_2577 = vector.broadcast %shift_right_logical3A_2576 : i32 to vector<16xi32>
      %shift_right_logical3A_2578 = arith.shrui %add3A_2575, %shift_right_logical3A_2577 : vector<16xi32>
      %add3A_2579 = arith.addi %add3A_2574, %shift_right_logical3A_2578 : vector<16xi32>
      %and3A_2580 = arith.constant 127 : i32
      %and3A_2581 = vector.broadcast %and3A_2580 : i32 to vector<16xi32>
      %and3A_2582 = arith.andi %add3A_2575, %and3A_2581 : vector<16xi32>
      %gather3A_2583 = tpu.vector_load_idx %arg11[%add3A_2579, %and3A_2582] : memref<128x128xf32, #tpu.memory_space<vmem>>[vector<16xi32>, vector<16xi32>], vector<16xf32>,
      %mul3A_2584 = arith.constant 128 : i32
      %mul3A_2585 = arith.muli %add3A_2566, %mul3A_2584 : i32
      %add3A_2586 = arith.constant 0 : i32
      %add3A_2587 = arith.addi %mul3A_2585, %add3A_2586 : i32
      %swap3A_2588 = arith.index_cast %add3A_2587 : i32 to index
      %swap3A_2589 = tpu.vector_load %arg12[%swap3A_2588] {strides = array<i32>} : memref<32768xf32, #tpu.memory_space<vmem>>, vector<16xf32>,
      tpu.vector_store %arg12[%swap3A_2588], %gather3A_2583 {strides = array<i32>} : memref<32768xf32, #tpu.memory_space<vmem>>, vector<16xf32>,
      %add3A_2590 = arith.addi %broadcast_in_dim3A_2571, %add3A_26 : vector<16xi32>
      %shift_right_logical3A_2591 = arith.constant 7 : i32
      %shift_right_logical3A_2592 = vector.broadcast %shift_right_logical3A_2591 : i32 to vector<16xi32>
      %shift_right_logical3A_2593 = arith.shrui %add3A_2590, %shift_right_logical3A_2592 : vector<16xi32>
      %add3A_2594 = arith.addi %add3A_2574, %shift_right_logical3A_2593 : vector<16xi32>
      %and3A_2595 = arith.constant 127 : i32
      %and3A_2596 = vector.broadcast %and3A_2595 : i32 to vector<16xi32>
      %and3A_2597 = arith.andi %add3A_2590, %and3A_2596 : vector<16xi32>
      %gather3A_2598 = tpu.vector_load_idx %arg11[%add3A_2594, %and3A_2597] : memref<128x128xf32, #tpu.memory_space<vmem>>[vector<16xi32>, vector<16xi32>], vector<16xf32>,
      %mul3A_2599 = arith.constant 128 : i32
      %mul3A_2600 = arith.muli %add3A_2566, %mul3A_2599 : i32
      %add3A_2601 = arith.constant 16 : i32
      %add3A_2602 = arith.addi %mul3A_2600, %add3A_2601 : i32
      %swap3A_2603 = arith.index_cast %add3A_2602 : i32 to index
      %swap3A_2604 = tpu.vector_load %arg12[%swap3A_2603] {strides = array<i32>} : memref<32768xf32, #tpu.memory_space<vmem>>, vector<16xf32>,
      tpu.vector_store %arg12[%swap3A_2603], %gather3A_2598 {strides = array<i32>} : memref<32768xf32, #tpu.memory_space<vmem>>, vector<16xf32>,
      %add3A_2605 = arith.addi %broadcast_in_dim3A_2571, %add3A_32 : vector<16xi32>
      %shift_right_logical3A_2606 = arith.constant 7 : i32
      %shift_right_logical3A_2607 = vector.broadcast %shift_right_logical3A_2606 : i32 to vector<16xi32>
      %shift_right_logical3A_2608 = arith.shrui %add3A_2605, %shift_right_logical3A_2607 : vector<16xi32>
      %add3A_2609 = arith.addi %add3A_2574, %shift_right_logical3A_2608 : vector<16xi32>
      %and3A_2610 = arith.constant 127 : i32
      %and3A_2611 = vector.broadcast %and3A_2610 : i32 to vector<16xi32>
      %and3A_2612 = arith.andi %add3A_2605, %and3A_2611 : vector<16xi32>
      %gather3A_2613 = tpu.vector_load_idx %arg11[%add3A_2609, %and3A_2612] : memref<128x128xf32, #tpu.memory_space<vmem>>[vector<16xi32>, vector<16xi32>], vector<16xf32>,
      %mul3A_2614 = arith.constant 128 : i32
      %mul3A_2615 = arith.muli %add3A_2566, %mul3A_2614 : i32
      %add3A_2616 = arith.constant 32 : i32
      %add3A_2617 = arith.addi %mul3A_2615, %add3A_2616 : i32
      %swap3A_2618 = arith.index_cast %add3A_2617 : i32 to index
      %swap3A_2619 = tpu.vector_load %arg12[%swap3A_2618] {strides = array<i32>} : memref<32768xf32, #tpu.memory_space<vmem>>, vector<16xf32>,
      tpu.vector_store %arg12[%swap3A_2618], %gather3A_2613 {strides = array<i32>} : memref<32768xf32, #tpu.memory_space<vmem>>, vector<16xf32>,
      %add3A_2620 = arith.addi %broadcast_in_dim3A_2571, %add3A_38 : vector<16xi32>
      %shift_right_logical3A_2621 = arith.constant 7 : i32
      %shift_right_logical3A_2622 = vector.broadcast %shift_right_logical3A_2621 : i32 to vector<16xi32>
      %shift_right_logical3A_2623 = arith.shrui %add3A_2620, %shift_right_logical3A_2622 : vector<16xi32>
      %add3A_2624 = arith.addi %add3A_2574, %shift_right_logical3A_2623 : vector<16xi32>
      %and3A_2625 = arith.constant 127 : i32
      %and3A_2626 = vector.broadcast %and3A_2625 : i32 to vector<16xi32>
      %and3A_2627 = arith.andi %add3A_2620, %and3A_2626 : vector<16xi32>
      %gather3A_2628 = tpu.vector_load_idx %arg11[%add3A_2624, %and3A_2627] : memref<128x128xf32, #tpu.memory_space<vmem>>[vector<16xi32>, vector<16xi32>], vector<16xf32>,
      %mul3A_2629 = arith.constant 128 : i32
      %mul3A_2630 = arith.muli %add3A_2566, %mul3A_2629 : i32
      %add3A_2631 = arith.constant 48 : i32
      %add3A_2632 = arith.addi %mul3A_2630, %add3A_2631 : i32
      %swap3A_2633 = arith.index_cast %add3A_2632 : i32 to index
      %swap3A_2634 = tpu.vector_load %arg12[%swap3A_2633] {strides = array<i32>} : memref<32768xf32, #tpu.memory_space<vmem>>, vector<16xf32>,
      tpu.vector_store %arg12[%swap3A_2633], %gather3A_2628 {strides = array<i32>} : memref<32768xf32, #tpu.memory_space<vmem>>, vector<16xf32>,
      %add3A_2635 = arith.addi %broadcast_in_dim3A_2571, %add3A_44 : vector<16xi32>
      %shift_right_logical3A_2636 = arith.constant 7 : i32
      %shift_right_logical3A_2637 = vector.broadcast %shift_right_logical3A_2636 : i32 to vector<16xi32>
      %shift_right_logical3A_2638 = arith.shrui %add3A_2635, %shift_right_logical3A_2637 : vector<16xi32>
      %add3A_2639 = arith.addi %add3A_2574, %shift_right_logical3A_2638 : vector<16xi32>
      %and3A_2640 = arith.constant 127 : i32
      %and3A_2641 = vector.broadcast %and3A_2640 : i32 to vector<16xi32>
      %and3A_2642 = arith.andi %add3A_2635, %and3A_2641 : vector<16xi32>
      %gather3A_2643 = tpu.vector_load_idx %arg11[%add3A_2639, %and3A_2642] : memref<128x128xf32, #tpu.memory_space<vmem>>[vector<16xi32>, vector<16xi32>], vector<16xf32>,
      %mul3A_2644 = arith.constant 128 : i32
      %mul3A_2645 = arith.muli %add3A_2566, %mul3A_2644 : i32
      %add3A_2646 = arith.constant 64 : i32
      %add3A_2647 = arith.addi %mul3A_2645, %add3A_2646 : i32
      %swap3A_2648 = arith.index_cast %add3A_2647 : i32 to index
      %swap3A_2649 = tpu.vector_load %arg12[%swap3A_2648] {strides = array<i32>} : memref<32768xf32, #tpu.memory_space<vmem>>, vector<16xf32>,
      tpu.vector_store %arg12[%swap3A_2648], %gather3A_2643 {strides = array<i32>} : memref<32768xf32, #tpu.memory_space<vmem>>, vector<16xf32>,
      %add3A_2650 = arith.addi %broadcast_in_dim3A_2571, %add3A_50 : vector<16xi32>
      %shift_right_logical3A_2651 = arith.constant 7 : i32
      %shift_right_logical3A_2652 = vector.broadcast %shift_right_logical3A_2651 : i32 to vector<16xi32>
      %shift_right_logical3A_2653 = arith.shrui %add3A_2650, %shift_right_logical3A_2652 : vector<16xi32>
      %add3A_2654 = arith.addi %add3A_2574, %shift_right_logical3A_2653 : vector<16xi32>
      %and3A_2655 = arith.constant 127 : i32
      %and3A_2656 = vector.broadcast %and3A_2655 : i32 to vector<16xi32>
      %and3A_2657 = arith.andi %add3A_2650, %and3A_2656 : vector<16xi32>
      %gather3A_2658 = tpu.vector_load_idx %arg11[%add3A_2654, %and3A_2657] : memref<128x128xf32, #tpu.memory_space<vmem>>[vector<16xi32>, vector<16xi32>], vector<16xf32>,
      %mul3A_2659 = arith.constant 128 : i32
      %mul3A_2660 = arith.muli %add3A_2566, %mul3A_2659 : i32
      %add3A_2661 = arith.constant 80 : i32
      %add3A_2662 = arith.addi %mul3A_2660, %add3A_2661 : i32
      %swap3A_2663 = arith.index_cast %add3A_2662 : i32 to index
      %swap3A_2664 = tpu.vector_load %arg12[%swap3A_2663] {strides = array<i32>} : memref<32768xf32, #tpu.memory_space<vmem>>, vector<16xf32>,
      tpu.vector_store %arg12[%swap3A_2663], %gather3A_2658 {strides = array<i32>} : memref<32768xf32, #tpu.memory_space<vmem>>, vector<16xf32>,
      %add3A_2665 = arith.addi %broadcast_in_dim3A_2571, %add3A_56 : vector<16xi32>
      %shift_right_logical3A_2666 = arith.constant 7 : i32
      %shift_right_logical3A_2667 = vector.broadcast %shift_right_logical3A_2666 : i32 to vector<16xi32>
      %shift_right_logical3A_2668 = arith.shrui %add3A_2665, %shift_right_logical3A_2667 : vector<16xi32>
      %add3A_2669 = arith.addi %add3A_2574, %shift_right_logical3A_2668 : vector<16xi32>
      %and3A_2670 = arith.constant 127 : i32
      %and3A_2671 = vector.broadcast %and3A_2670 : i32 to vector<16xi32>
      %and3A_2672 = arith.andi %add3A_2665, %and3A_2671 : vector<16xi32>
      %gather3A_2673 = tpu.vector_load_idx %arg11[%add3A_2669, %and3A_2672] : memref<128x128xf32, #tpu.memory_space<vmem>>[vector<16xi32>, vector<16xi32>], vector<16xf32>,
      %mul3A_2674 = arith.constant 128 : i32
      %mul3A_2675 = arith.muli %add3A_2566, %mul3A_2674 : i32
      %add3A_2676 = arith.constant 96 : i32
      %add3A_2677 = arith.addi %mul3A_2675, %add3A_2676 : i32
      %swap3A_2678 = arith.index_cast %add3A_2677 : i32 to index
      %swap3A_2679 = tpu.vector_load %arg12[%swap3A_2678] {strides = array<i32>} : memref<32768xf32, #tpu.memory_space<vmem>>, vector<16xf32>,
      tpu.vector_store %arg12[%swap3A_2678], %gather3A_2673 {strides = array<i32>} : memref<32768xf32, #tpu.memory_space<vmem>>, vector<16xf32>,
      %add3A_2680 = arith.addi %broadcast_in_dim3A_2571, %add3A_62 : vector<16xi32>
      %shift_right_logical3A_2681 = arith.constant 7 : i32
      %shift_right_logical3A_2682 = vector.broadcast %shift_right_logical3A_2681 : i32 to vector<16xi32>
      %shift_right_logical3A_2683 = arith.shrui %add3A_2680, %shift_right_logical3A_2682 : vector<16xi32>
      %add3A_2684 = arith.addi %add3A_2574, %shift_right_logical3A_2683 : vector<16xi32>
      %and3A_2685 = arith.constant 127 : i32
      %and3A_2686 = vector.broadcast %and3A_2685 : i32 to vector<16xi32>
      %and3A_2687 = arith.andi %add3A_2680, %and3A_2686 : vector<16xi32>
      %gather3A_2688 = tpu.vector_load_idx %arg11[%add3A_2684, %and3A_2687] : memref<128x128xf32, #tpu.memory_space<vmem>>[vector<16xi32>, vector<16xi32>], vector<16xf32>,
      %mul3A_2689 = arith.constant 128 : i32
      %mul3A_2690 = arith.muli %add3A_2566, %mul3A_2689 : i32
      %add3A_2691 = arith.constant 112 : i32
      %add3A_2692 = arith.addi %mul3A_2690, %add3A_2691 : i32
      %swap3A_2693 = arith.index_cast %add3A_2692 : i32 to index
      %swap3A_2694 = tpu.vector_load %arg12[%swap3A_2693] {strides = array<i32>} : memref<32768xf32, #tpu.memory_space<vmem>>, vector<16xf32>,
      tpu.vector_store %arg12[%swap3A_2693], %gather3A_2688 {strides = array<i32>} : memref<32768xf32, #tpu.memory_space<vmem>>, vector<16xf32>,
      %add3A_2695 = arith.constant 3 : i32
      %add3A_2696 = arith.addi %mul3A_559, %add3A_2695 : i32
      %lt3A_2697 = arith.constant 32 : i32
      %lt3A_2698 = arith.cmpi slt, %add3A_2696, %lt3A_2697 : i32
      %convert_element_type3A_2699 = arith.extui %lt3A_2698 : i1 to i32
      %cond3A_2700 = arith.constant 0 : i32
      %cond3A_2701 = arith.cmpi ne, %convert_element_type3A_2699, %cond3A_2700 : i32
      scf.if %cond3A_2701 {
        %add3A_2702 = arith.constant 3 : i32
        %add3A_2703 = arith.addi %mul3A_559, %add3A_2702 : i32
        %mul3A_2704 = arith.constant 8 : i32
        %mul3A_2705 = arith.muli %add3A_2703, %mul3A_2704 : i32
        %get3A_2706 = arith.index_cast %mul3A_2705 : i32 to index
        %get3A_2707 = tpu.vector_load %arg6[%get3A_2706] {strides = array<i32>} : memref<272xi32, #tpu.memory_space<vmem>>, vector<16xi32>,
        %mul3A_2708 = arith.constant 8 : i32
        %mul3A_2709 = arith.muli %add3A_2703, %mul3A_2708 : i32
        %get3A_2710 = arith.index_cast %mul3A_2709 : i32 to index
        %get3A_2711 = tpu.vector_load %arg7[%get3A_2710] {strides = array<i32>} : memref<272xi32, #tpu.memory_space<vmem>>, vector<16xi32>,
        %slice3A_2712 = vector.extract_strided_slice %get3A_2711 {offsets = [0], sizes = [1], strides = [1]} : vector<16xi32> to vector<1xi32>
        %squeeze3A_2713 = vector.extract %slice3A_2712[0] : i32 from vector<1xi32>
        %add3A_2714 = arith.addi %mul3A_4, %squeeze3A_2713 : i32
        %add3A_2715 = vector.broadcast %add3A_2714 : i32 to vector<16xi32>
        %add3A_2716 = arith.addi %add3A_2715, %shift_right_logical3A_6 : vector<16xi32>
        %slice3A_2717 = vector.extract_strided_slice %get3A_2707 {offsets = [0], sizes = [1], strides = [1]} : vector<16xi32> to vector<1xi32>
        %squeeze3A_2718 = vector.extract %slice3A_2717[0] : i32 from vector<1xi32>
        %shift_right_logical3A_2719 = arith.constant 7 : i32
        %shift_right_logical3A_2720 = arith.shrui %squeeze3A_2718, %shift_right_logical3A_2719 : i32
        %add3A_2721 = vector.broadcast %shift_right_logical3A_2720 : i32 to vector<16xi32>
        %add3A_2722 = arith.addi %add3A_2721, %and3A_8 : vector<16xi32>
        %min3A_2723 = arith.constant 63 : i32
        %min3A_2724 = vector.broadcast %min3A_2723 : i32 to vector<16xi32>
        %min3A_2725 = arith.minsi %add3A_2722, %min3A_2724 : vector<16xi32>
        %shift_right_logical3A_2726 = arith.constant 3 : i32
        %shift_right_logical3A_2727 = vector.broadcast %shift_right_logical3A_2726 : i32 to vector<16xi32>
        %shift_right_logical3A_2728 = arith.shrui %add3A_2716, %shift_right_logical3A_2727 : vector<16xi32>
        %shift_left3A_2729 = arith.constant 9 : i32
        %shift_left3A_2730 = vector.broadcast %shift_left3A_2729 : i32 to vector<16xi32>
        %shift_left3A_2731 = arith.shli %shift_right_logical3A_2728, %shift_left3A_2730 : vector<16xi32>
        %shift_left3A_2732 = arith.constant 3 : i32
        %shift_left3A_2733 = vector.broadcast %shift_left3A_2732 : i32 to vector<16xi32>
        %shift_left3A_2734 = arith.shli %min3A_2725, %shift_left3A_2733 : vector<16xi32>
        %add3A_2735 = arith.addi %shift_left3A_2731, %shift_left3A_2734 : vector<16xi32>
        %and3A_2736 = arith.constant 7 : i32
        %and3A_2737 = vector.broadcast %and3A_2736 : i32 to vector<16xi32>
        %and3A_2738 = arith.andi %add3A_2716, %and3A_2737 : vector<16xi32>
        %add3A_2739 = arith.addi %add3A_2735, %and3A_2738 : vector<16xi32>
        %swap3A_2740 = arith.constant 0 : index
        %swap3A_2741 = tpu.vector_load %arg9[%swap3A_2740] {strides = array<i32>} : memref<128xi32, #tpu.memory_space<vmem>>, vector<16xi32>,
        tpu.vector_store %arg9[%swap3A_2740], %add3A_2739 {strides = array<i32>} : memref<128xi32, #tpu.memory_space<vmem>>, vector<16xi32>,
        %slice3A_2742 = vector.extract_strided_slice %get3A_2711 {offsets = [1], sizes = [1], strides = [1]} : vector<16xi32> to vector<1xi32>
        %squeeze3A_2743 = vector.extract %slice3A_2742[0] : i32 from vector<1xi32>
        %add3A_2744 = arith.addi %mul3A_4, %squeeze3A_2743 : i32
        %add3A_2745 = vector.broadcast %add3A_2744 : i32 to vector<16xi32>
        %add3A_2746 = arith.addi %add3A_2745, %shift_right_logical3A_6 : vector<16xi32>
        %slice3A_2747 = vector.extract_strided_slice %get3A_2707 {offsets = [1], sizes = [1], strides = [1]} : vector<16xi32> to vector<1xi32>
        %squeeze3A_2748 = vector.extract %slice3A_2747[0] : i32 from vector<1xi32>
        %shift_right_logical3A_2749 = arith.constant 7 : i32
        %shift_right_logical3A_2750 = arith.shrui %squeeze3A_2748, %shift_right_logical3A_2749 : i32
        %add3A_2751 = vector.broadcast %shift_right_logical3A_2750 : i32 to vector<16xi32>
        %add3A_2752 = arith.addi %add3A_2751, %and3A_8 : vector<16xi32>
        %min3A_2753 = arith.constant 63 : i32
        %min3A_2754 = vector.broadcast %min3A_2753 : i32 to vector<16xi32>
        %min3A_2755 = arith.minsi %add3A_2752, %min3A_2754 : vector<16xi32>
        %shift_right_logical3A_2756 = arith.constant 3 : i32
        %shift_right_logical3A_2757 = vector.broadcast %shift_right_logical3A_2756 : i32 to vector<16xi32>
        %shift_right_logical3A_2758 = arith.shrui %add3A_2746, %shift_right_logical3A_2757 : vector<16xi32>
        %shift_left3A_2759 = arith.constant 9 : i32
        %shift_left3A_2760 = vector.broadcast %shift_left3A_2759 : i32 to vector<16xi32>
        %shift_left3A_2761 = arith.shli %shift_right_logical3A_2758, %shift_left3A_2760 : vector<16xi32>
        %shift_left3A_2762 = arith.constant 3 : i32
        %shift_left3A_2763 = vector.broadcast %shift_left3A_2762 : i32 to vector<16xi32>
        %shift_left3A_2764 = arith.shli %min3A_2755, %shift_left3A_2763 : vector<16xi32>
        %add3A_2765 = arith.addi %shift_left3A_2761, %shift_left3A_2764 : vector<16xi32>
        %and3A_2766 = arith.constant 7 : i32
        %and3A_2767 = vector.broadcast %and3A_2766 : i32 to vector<16xi32>
        %and3A_2768 = arith.andi %add3A_2746, %and3A_2767 : vector<16xi32>
        %add3A_2769 = arith.addi %add3A_2765, %and3A_2768 : vector<16xi32>
        %swap3A_2770 = arith.constant 16 : index
        %swap3A_2771 = tpu.vector_load %arg9[%swap3A_2770] {strides = array<i32>} : memref<128xi32, #tpu.memory_space<vmem>>, vector<16xi32>,
        tpu.vector_store %arg9[%swap3A_2770], %add3A_2769 {strides = array<i32>} : memref<128xi32, #tpu.memory_space<vmem>>, vector<16xi32>,
        %slice3A_2772 = vector.extract_strided_slice %get3A_2711 {offsets = [2], sizes = [1], strides = [1]} : vector<16xi32> to vector<1xi32>
        %squeeze3A_2773 = vector.extract %slice3A_2772[0] : i32 from vector<1xi32>
        %add3A_2774 = arith.addi %mul3A_4, %squeeze3A_2773 : i32
        %add3A_2775 = vector.broadcast %add3A_2774 : i32 to vector<16xi32>
        %add3A_2776 = arith.addi %add3A_2775, %shift_right_logical3A_6 : vector<16xi32>
        %slice3A_2777 = vector.extract_strided_slice %get3A_2707 {offsets = [2], sizes = [1], strides = [1]} : vector<16xi32> to vector<1xi32>
        %squeeze3A_2778 = vector.extract %slice3A_2777[0] : i32 from vector<1xi32>
        %shift_right_logical3A_2779 = arith.constant 7 : i32
        %shift_right_logical3A_2780 = arith.shrui %squeeze3A_2778, %shift_right_logical3A_2779 : i32
        %add3A_2781 = vector.broadcast %shift_right_logical3A_2780 : i32 to vector<16xi32>
        %add3A_2782 = arith.addi %add3A_2781, %and3A_8 : vector<16xi32>
        %min3A_2783 = arith.constant 63 : i32
        %min3A_2784 = vector.broadcast %min3A_2783 : i32 to vector<16xi32>
        %min3A_2785 = arith.minsi %add3A_2782, %min3A_2784 : vector<16xi32>
        %shift_right_logical3A_2786 = arith.constant 3 : i32
        %shift_right_logical3A_2787 = vector.broadcast %shift_right_logical3A_2786 : i32 to vector<16xi32>
        %shift_right_logical3A_2788 = arith.shrui %add3A_2776, %shift_right_logical3A_2787 : vector<16xi32>
        %shift_left3A_2789 = arith.constant 9 : i32
        %shift_left3A_2790 = vector.broadcast %shift_left3A_2789 : i32 to vector<16xi32>
        %shift_left3A_2791 = arith.shli %shift_right_logical3A_2788, %shift_left3A_2790 : vector<16xi32>
        %shift_left3A_2792 = arith.constant 3 : i32
        %shift_left3A_2793 = vector.broadcast %shift_left3A_2792 : i32 to vector<16xi32>
        %shift_left3A_2794 = arith.shli %min3A_2785, %shift_left3A_2793 : vector<16xi32>
        %add3A_2795 = arith.addi %shift_left3A_2791, %shift_left3A_2794 : vector<16xi32>
        %and3A_2796 = arith.constant 7 : i32
        %and3A_2797 = vector.broadcast %and3A_2796 : i32 to vector<16xi32>
        %and3A_2798 = arith.andi %add3A_2776, %and3A_2797 : vector<16xi32>
        %add3A_2799 = arith.addi %add3A_2795, %and3A_2798 : vector<16xi32>
        %swap3A_2800 = arith.constant 32 : index
        %swap3A_2801 = tpu.vector_load %arg9[%swap3A_2800] {strides = array<i32>} : memref<128xi32, #tpu.memory_space<vmem>>, vector<16xi32>,
        tpu.vector_store %arg9[%swap3A_2800], %add3A_2799 {strides = array<i32>} : memref<128xi32, #tpu.memory_space<vmem>>, vector<16xi32>,
        %slice3A_2802 = vector.extract_strided_slice %get3A_2711 {offsets = [3], sizes = [1], strides = [1]} : vector<16xi32> to vector<1xi32>
        %squeeze3A_2803 = vector.extract %slice3A_2802[0] : i32 from vector<1xi32>
        %add3A_2804 = arith.addi %mul3A_4, %squeeze3A_2803 : i32
        %add3A_2805 = vector.broadcast %add3A_2804 : i32 to vector<16xi32>
        %add3A_2806 = arith.addi %add3A_2805, %shift_right_logical3A_6 : vector<16xi32>
        %slice3A_2807 = vector.extract_strided_slice %get3A_2707 {offsets = [3], sizes = [1], strides = [1]} : vector<16xi32> to vector<1xi32>
        %squeeze3A_2808 = vector.extract %slice3A_2807[0] : i32 from vector<1xi32>
        %shift_right_logical3A_2809 = arith.constant 7 : i32
        %shift_right_logical3A_2810 = arith.shrui %squeeze3A_2808, %shift_right_logical3A_2809 : i32
        %add3A_2811 = vector.broadcast %shift_right_logical3A_2810 : i32 to vector<16xi32>
        %add3A_2812 = arith.addi %add3A_2811, %and3A_8 : vector<16xi32>
        %min3A_2813 = arith.constant 63 : i32
        %min3A_2814 = vector.broadcast %min3A_2813 : i32 to vector<16xi32>
        %min3A_2815 = arith.minsi %add3A_2812, %min3A_2814 : vector<16xi32>
        %shift_right_logical3A_2816 = arith.constant 3 : i32
        %shift_right_logical3A_2817 = vector.broadcast %shift_right_logical3A_2816 : i32 to vector<16xi32>
        %shift_right_logical3A_2818 = arith.shrui %add3A_2806, %shift_right_logical3A_2817 : vector<16xi32>
        %shift_left3A_2819 = arith.constant 9 : i32
        %shift_left3A_2820 = vector.broadcast %shift_left3A_2819 : i32 to vector<16xi32>
        %shift_left3A_2821 = arith.shli %shift_right_logical3A_2818, %shift_left3A_2820 : vector<16xi32>
        %shift_left3A_2822 = arith.constant 3 : i32
        %shift_left3A_2823 = vector.broadcast %shift_left3A_2822 : i32 to vector<16xi32>
        %shift_left3A_2824 = arith.shli %min3A_2815, %shift_left3A_2823 : vector<16xi32>
        %add3A_2825 = arith.addi %shift_left3A_2821, %shift_left3A_2824 : vector<16xi32>
        %and3A_2826 = arith.constant 7 : i32
        %and3A_2827 = vector.broadcast %and3A_2826 : i32 to vector<16xi32>
        %and3A_2828 = arith.andi %add3A_2806, %and3A_2827 : vector<16xi32>
        %add3A_2829 = arith.addi %add3A_2825, %and3A_2828 : vector<16xi32>
        %swap3A_2830 = arith.constant 48 : index
        %swap3A_2831 = tpu.vector_load %arg9[%swap3A_2830] {strides = array<i32>} : memref<128xi32, #tpu.memory_space<vmem>>, vector<16xi32>,
        tpu.vector_store %arg9[%swap3A_2830], %add3A_2829 {strides = array<i32>} : memref<128xi32, #tpu.memory_space<vmem>>, vector<16xi32>,
        %slice3A_2832 = vector.extract_strided_slice %get3A_2711 {offsets = [4], sizes = [1], strides = [1]} : vector<16xi32> to vector<1xi32>
        %squeeze3A_2833 = vector.extract %slice3A_2832[0] : i32 from vector<1xi32>
        %add3A_2834 = arith.addi %mul3A_4, %squeeze3A_2833 : i32
        %add3A_2835 = vector.broadcast %add3A_2834 : i32 to vector<16xi32>
        %add3A_2836 = arith.addi %add3A_2835, %shift_right_logical3A_6 : vector<16xi32>
        %slice3A_2837 = vector.extract_strided_slice %get3A_2707 {offsets = [4], sizes = [1], strides = [1]} : vector<16xi32> to vector<1xi32>
        %squeeze3A_2838 = vector.extract %slice3A_2837[0] : i32 from vector<1xi32>
        %shift_right_logical3A_2839 = arith.constant 7 : i32
        %shift_right_logical3A_2840 = arith.shrui %squeeze3A_2838, %shift_right_logical3A_2839 : i32
        %add3A_2841 = vector.broadcast %shift_right_logical3A_2840 : i32 to vector<16xi32>
        %add3A_2842 = arith.addi %add3A_2841, %and3A_8 : vector<16xi32>
        %min3A_2843 = arith.constant 63 : i32
        %min3A_2844 = vector.broadcast %min3A_2843 : i32 to vector<16xi32>
        %min3A_2845 = arith.minsi %add3A_2842, %min3A_2844 : vector<16xi32>
        %shift_right_logical3A_2846 = arith.constant 3 : i32
        %shift_right_logical3A_2847 = vector.broadcast %shift_right_logical3A_2846 : i32 to vector<16xi32>
        %shift_right_logical3A_2848 = arith.shrui %add3A_2836, %shift_right_logical3A_2847 : vector<16xi32>
        %shift_left3A_2849 = arith.constant 9 : i32
        %shift_left3A_2850 = vector.broadcast %shift_left3A_2849 : i32 to vector<16xi32>
        %shift_left3A_2851 = arith.shli %shift_right_logical3A_2848, %shift_left3A_2850 : vector<16xi32>
        %shift_left3A_2852 = arith.constant 3 : i32
        %shift_left3A_2853 = vector.broadcast %shift_left3A_2852 : i32 to vector<16xi32>
        %shift_left3A_2854 = arith.shli %min3A_2845, %shift_left3A_2853 : vector<16xi32>
        %add3A_2855 = arith.addi %shift_left3A_2851, %shift_left3A_2854 : vector<16xi32>
        %and3A_2856 = arith.constant 7 : i32
        %and3A_2857 = vector.broadcast %and3A_2856 : i32 to vector<16xi32>
        %and3A_2858 = arith.andi %add3A_2836, %and3A_2857 : vector<16xi32>
        %add3A_2859 = arith.addi %add3A_2855, %and3A_2858 : vector<16xi32>
        %swap3A_2860 = arith.constant 64 : index
        %swap3A_2861 = tpu.vector_load %arg9[%swap3A_2860] {strides = array<i32>} : memref<128xi32, #tpu.memory_space<vmem>>, vector<16xi32>,
        tpu.vector_store %arg9[%swap3A_2860], %add3A_2859 {strides = array<i32>} : memref<128xi32, #tpu.memory_space<vmem>>, vector<16xi32>,
        %slice3A_2862 = vector.extract_strided_slice %get3A_2711 {offsets = [5], sizes = [1], strides = [1]} : vector<16xi32> to vector<1xi32>
        %squeeze3A_2863 = vector.extract %slice3A_2862[0] : i32 from vector<1xi32>
        %add3A_2864 = arith.addi %mul3A_4, %squeeze3A_2863 : i32
        %add3A_2865 = vector.broadcast %add3A_2864 : i32 to vector<16xi32>
        %add3A_2866 = arith.addi %add3A_2865, %shift_right_logical3A_6 : vector<16xi32>
        %slice3A_2867 = vector.extract_strided_slice %get3A_2707 {offsets = [5], sizes = [1], strides = [1]} : vector<16xi32> to vector<1xi32>
        %squeeze3A_2868 = vector.extract %slice3A_2867[0] : i32 from vector<1xi32>
        %shift_right_logical3A_2869 = arith.constant 7 : i32
        %shift_right_logical3A_2870 = arith.shrui %squeeze3A_2868, %shift_right_logical3A_2869 : i32
        %add3A_2871 = vector.broadcast %shift_right_logical3A_2870 : i32 to vector<16xi32>
        %add3A_2872 = arith.addi %add3A_2871, %and3A_8 : vector<16xi32>
        %min3A_2873 = arith.constant 63 : i32
        %min3A_2874 = vector.broadcast %min3A_2873 : i32 to vector<16xi32>
        %min3A_2875 = arith.minsi %add3A_2872, %min3A_2874 : vector<16xi32>
        %shift_right_logical3A_2876 = arith.constant 3 : i32
        %shift_right_logical3A_2877 = vector.broadcast %shift_right_logical3A_2876 : i32 to vector<16xi32>
        %shift_right_logical3A_2878 = arith.shrui %add3A_2866, %shift_right_logical3A_2877 : vector<16xi32>
        %shift_left3A_2879 = arith.constant 9 : i32
        %shift_left3A_2880 = vector.broadcast %shift_left3A_2879 : i32 to vector<16xi32>
        %shift_left3A_2881 = arith.shli %shift_right_logical3A_2878, %shift_left3A_2880 : vector<16xi32>
        %shift_left3A_2882 = arith.constant 3 : i32
        %shift_left3A_2883 = vector.broadcast %shift_left3A_2882 : i32 to vector<16xi32>
        %shift_left3A_2884 = arith.shli %min3A_2875, %shift_left3A_2883 : vector<16xi32>
        %add3A_2885 = arith.addi %shift_left3A_2881, %shift_left3A_2884 : vector<16xi32>
        %and3A_2886 = arith.constant 7 : i32
        %and3A_2887 = vector.broadcast %and3A_2886 : i32 to vector<16xi32>
        %and3A_2888 = arith.andi %add3A_2866, %and3A_2887 : vector<16xi32>
        %add3A_2889 = arith.addi %add3A_2885, %and3A_2888 : vector<16xi32>
        %swap3A_2890 = arith.constant 80 : index
        %swap3A_2891 = tpu.vector_load %arg9[%swap3A_2890] {strides = array<i32>} : memref<128xi32, #tpu.memory_space<vmem>>, vector<16xi32>,
        tpu.vector_store %arg9[%swap3A_2890], %add3A_2889 {strides = array<i32>} : memref<128xi32, #tpu.memory_space<vmem>>, vector<16xi32>,
        %slice3A_2892 = vector.extract_strided_slice %get3A_2711 {offsets = [6], sizes = [1], strides = [1]} : vector<16xi32> to vector<1xi32>
        %squeeze3A_2893 = vector.extract %slice3A_2892[0] : i32 from vector<1xi32>
        %add3A_2894 = arith.addi %mul3A_4, %squeeze3A_2893 : i32
        %add3A_2895 = vector.broadcast %add3A_2894 : i32 to vector<16xi32>
        %add3A_2896 = arith.addi %add3A_2895, %shift_right_logical3A_6 : vector<16xi32>
        %slice3A_2897 = vector.extract_strided_slice %get3A_2707 {offsets = [6], sizes = [1], strides = [1]} : vector<16xi32> to vector<1xi32>
        %squeeze3A_2898 = vector.extract %slice3A_2897[0] : i32 from vector<1xi32>
        %shift_right_logical3A_2899 = arith.constant 7 : i32
        %shift_right_logical3A_2900 = arith.shrui %squeeze3A_2898, %shift_right_logical3A_2899 : i32
        %add3A_2901 = vector.broadcast %shift_right_logical3A_2900 : i32 to vector<16xi32>
        %add3A_2902 = arith.addi %add3A_2901, %and3A_8 : vector<16xi32>
        %min3A_2903 = arith.constant 63 : i32
        %min3A_2904 = vector.broadcast %min3A_2903 : i32 to vector<16xi32>
        %min3A_2905 = arith.minsi %add3A_2902, %min3A_2904 : vector<16xi32>
        %shift_right_logical3A_2906 = arith.constant 3 : i32
        %shift_right_logical3A_2907 = vector.broadcast %shift_right_logical3A_2906 : i32 to vector<16xi32>
        %shift_right_logical3A_2908 = arith.shrui %add3A_2896, %shift_right_logical3A_2907 : vector<16xi32>
        %shift_left3A_2909 = arith.constant 9 : i32
        %shift_left3A_2910 = vector.broadcast %shift_left3A_2909 : i32 to vector<16xi32>
        %shift_left3A_2911 = arith.shli %shift_right_logical3A_2908, %shift_left3A_2910 : vector<16xi32>
        %shift_left3A_2912 = arith.constant 3 : i32
        %shift_left3A_2913 = vector.broadcast %shift_left3A_2912 : i32 to vector<16xi32>
        %shift_left3A_2914 = arith.shli %min3A_2905, %shift_left3A_2913 : vector<16xi32>
        %add3A_2915 = arith.addi %shift_left3A_2911, %shift_left3A_2914 : vector<16xi32>
        %and3A_2916 = arith.constant 7 : i32
        %and3A_2917 = vector.broadcast %and3A_2916 : i32 to vector<16xi32>
        %and3A_2918 = arith.andi %add3A_2896, %and3A_2917 : vector<16xi32>
        %add3A_2919 = arith.addi %add3A_2915, %and3A_2918 : vector<16xi32>
        %swap3A_2920 = arith.constant 96 : index
        %swap3A_2921 = tpu.vector_load %arg9[%swap3A_2920] {strides = array<i32>} : memref<128xi32, #tpu.memory_space<vmem>>, vector<16xi32>,
        tpu.vector_store %arg9[%swap3A_2920], %add3A_2919 {strides = array<i32>} : memref<128xi32, #tpu.memory_space<vmem>>, vector<16xi32>,
        %slice3A_2922 = vector.extract_strided_slice %get3A_2711 {offsets = [7], sizes = [1], strides = [1]} : vector<16xi32> to vector<1xi32>
        %squeeze3A_2923 = vector.extract %slice3A_2922[0] : i32 from vector<1xi32>
        %add3A_2924 = arith.addi %mul3A_4, %squeeze3A_2923 : i32
        %add3A_2925 = vector.broadcast %add3A_2924 : i32 to vector<16xi32>
        %add3A_2926 = arith.addi %add3A_2925, %shift_right_logical3A_6 : vector<16xi32>
        %slice3A_2927 = vector.extract_strided_slice %get3A_2707 {offsets = [7], sizes = [1], strides = [1]} : vector<16xi32> to vector<1xi32>
        %squeeze3A_2928 = vector.extract %slice3A_2927[0] : i32 from vector<1xi32>
        %shift_right_logical3A_2929 = arith.constant 7 : i32
        %shift_right_logical3A_2930 = arith.shrui %squeeze3A_2928, %shift_right_logical3A_2929 : i32
        %add3A_2931 = vector.broadcast %shift_right_logical3A_2930 : i32 to vector<16xi32>
        %add3A_2932 = arith.addi %add3A_2931, %and3A_8 : vector<16xi32>
        %min3A_2933 = arith.constant 63 : i32
        %min3A_2934 = vector.broadcast %min3A_2933 : i32 to vector<16xi32>
        %min3A_2935 = arith.minsi %add3A_2932, %min3A_2934 : vector<16xi32>
        %shift_right_logical3A_2936 = arith.constant 3 : i32
        %shift_right_logical3A_2937 = vector.broadcast %shift_right_logical3A_2936 : i32 to vector<16xi32>
        %shift_right_logical3A_2938 = arith.shrui %add3A_2926, %shift_right_logical3A_2937 : vector<16xi32>
        %shift_left3A_2939 = arith.constant 9 : i32
        %shift_left3A_2940 = vector.broadcast %shift_left3A_2939 : i32 to vector<16xi32>
        %shift_left3A_2941 = arith.shli %shift_right_logical3A_2938, %shift_left3A_2940 : vector<16xi32>
        %shift_left3A_2942 = arith.constant 3 : i32
        %shift_left3A_2943 = vector.broadcast %shift_left3A_2942 : i32 to vector<16xi32>
        %shift_left3A_2944 = arith.shli %min3A_2935, %shift_left3A_2943 : vector<16xi32>
        %add3A_2945 = arith.addi %shift_left3A_2941, %shift_left3A_2944 : vector<16xi32>
        %and3A_2946 = arith.constant 7 : i32
        %and3A_2947 = vector.broadcast %and3A_2946 : i32 to vector<16xi32>
        %and3A_2948 = arith.andi %add3A_2926, %and3A_2947 : vector<16xi32>
        %add3A_2949 = arith.addi %add3A_2945, %and3A_2948 : vector<16xi32>
        %swap3A_2950 = arith.constant 112 : index
        %swap3A_2951 = tpu.vector_load %arg9[%swap3A_2950] {strides = array<i32>} : memref<128xi32, #tpu.memory_space<vmem>>, vector<16xi32>,
        tpu.vector_store %arg9[%swap3A_2950], %add3A_2949 {strides = array<i32>} : memref<128xi32, #tpu.memory_space<vmem>>, vector<16xi32>,
        %dma_start3A_2952 = arith.constant 0 : i32
        %dma_start3A_2953 = arith.constant 0 : i32
        %dma_start3A_2954 = tpu.memref_slice %arg2[%dma_start3A_2952, %dma_start3A_2953] : memref<131072x128xf32, #tpu.memory_space<hbm>> -> memref<131072x128xf32, #tpu.memory_space<hbm>>
        tpu.enqueue_indirect_dma source(%dma_start3A_2954 : memref<131072x128xf32, #tpu.memory_space<hbm>>) target(%arg11 : memref<128x128xf32, #tpu.memory_space<vmem>>) offsets(%arg9 : memref<128xi32, #tpu.memory_space<vmem>>) semaphore(%arg14 : memref<!tpu.dma_semaphore, #tpu.memory_space<semaphore_mem>>)
      } else {
      }
    }
    %scan3A_554 = arith.constant 16 : i32
    %mul3A_555 = arith.constant 128 : i32
    %mul3A_556 = arith.muli %mul3A_2, %mul3A_555 : i32
    "tpu.region"() ({
      %run_scoped3A = tpu.sem_alloc : memref<!tpu.dma_semaphore, #tpu.memory_space<semaphore_mem>>
      %dma_start3A_557 = tpu.memref_slice %arg5[%mul3A_556] : memref<1048576xf32, #tpu.memory_space<hbm>> -> memref<32768xf32, #tpu.memory_space<hbm>>
      %dma_start3A_558 = tpu.memref_slice %arg5[%mul3A_556] : memref<1048576xf32, #tpu.memory_space<hbm>> -> memref<32768xf32, #tpu.memory_space<hbm>>
      tpu.enqueue_dma source(%arg12 : memref<32768xf32, #tpu.memory_space<vmem>>) target(%dma_start3A_558 : memref<32768xf32, #tpu.memory_space<hbm>>) target_semaphore(%run_scoped3A : memref<!tpu.dma_semaphore, #tpu.memory_space<semaphore_mem>>)
      %dma_wait3A = tpu.memref_slice %arg5[%mul3A_556] : memref<1048576xf32, #tpu.memory_space<hbm>> -> memref<32768xf32, #tpu.memory_space<hbm>>
      %dma_wait3A_559 = tpu.memref_slice %arg5[%mul3A_556] : memref<1048576xf32, #tpu.memory_space<hbm>> -> memref<32768xf32, #tpu.memory_space<hbm>>
      tpu.wait_dma2 semaphore(%run_scoped3A : memref<!tpu.dma_semaphore, #tpu.memory_space<semaphore_mem>>) src(%arg12 : memref<32768xf32, #tpu.memory_space<vmem>>) dst(%dma_wait3A_559 : memref<32768xf32, #tpu.memory_space<hbm>>)
      tpu.yield
    }) : () -> ()
    return
  }
}

module attributes {stable_mosaic.version = 14 : i64} {
  func.func @body(%arg0: i32, %arg1: memref<1x1xf32, #tpu.memory_space<smem>>, %arg2: memref<512x128xf32, #tpu.memory_space<vmem>>, %arg3: memref<128x128xf32, #tpu.memory_space<vmem>>, %arg4: memref<128x128xf32, #tpu.memory_space<vmem>>, %arg5: memref<512x1xf32, #tpu.memory_space<vmem>>, %arg6: memref<1x128xf32, #tpu.memory_space<vmem>>, %arg7: memref<128x128xf32, #tpu.memory_space<vmem>>, %arg8: memref<1x128xf32, #tpu.memory_space<vmem>>, %arg9: memref<512x128xf32, #tpu.memory_space<vmem>>) attributes {dimension_semantics = [#tpu.dimension_semantics<arbitrary>], iteration_bounds = array<i64: 16>, scalar_prefetch = 0 : i64, scratch_operands = 0 : i64, tpu.core_type = #tpu.core_type<tc>, window_params = [{transform_indices = @transform_0, window_bounds = array<i64: 1, 1>}, {transform_indices = @transform_1, window_bounds = array<i64: 512, 128>}, {pipeline_mode = #tpu.pipeline_mode<synchronous>, transform_indices = @transform_2, window_bounds = array<i64: 128, 128>}, {pipeline_mode = #tpu.pipeline_mode<synchronous>, transform_indices = @transform_3, window_bounds = array<i64: 128, 128>}, {transform_indices = @transform_4, window_bounds = array<i64: 512, 1>}, {pipeline_mode = #tpu.pipeline_mode<synchronous>, transform_indices = @transform_5, window_bounds = array<i64: 1, 128>}, {pipeline_mode = #tpu.pipeline_mode<synchronous>, transform_indices = @transform_6, window_bounds = array<i64: 128, 128>}, {pipeline_mode = #tpu.pipeline_mode<synchronous>, transform_indices = @transform_7, window_bounds = array<i64: 1, 128>}, {transform_indices = @transform_8, window_bounds = array<i64: 512, 128>}]} {
    %get3A = arith.constant 0 : index
    %get3A_0 = arith.constant 0 : index
    %get3A_1 = vector.load %arg4[%get3A, %get3A_0] : memref<128x128xf32, #tpu.memory_space<vmem>>, vector<128x128xf32>
    %iota3A = tpu.iota {dimensions = array<i32: 0>} : vector<128x1xi32>
    %shift_right_logical3A = arith.constant 3 : i32
    %shift_right_logical3A_2 = vector.broadcast %shift_right_logical3A : i32 to vector<128x1xi32>
    %shift_right_logical3A_3 = arith.shrui %iota3A, %shift_right_logical3A_2 : vector<128x1xi32>
    %convert_element_type3A = arith.sitofp %shift_right_logical3A_3 : vector<128x1xi32> to vector<128x1xf32>
    %reduce_sum3A = arith.constant dense<0.000000e+00> : vector<128xf32>
    %reduce_sum3A_4 = vector.multi_reduction <add>, %get3A_1, %reduce_sum3A [0] : vector<128x128xf32> to vector<128xf32>
    %broadcast_in_dim3A = vector.shape_cast %reduce_sum3A_4 : vector<128xf32> to vector<1x128xf32>
    %mul3A = vector.broadcast %convert_element_type3A : vector<128x1xf32> to vector<128x128xf32>
    %mul3A_5 = arith.mulf %get3A_1, %mul3A : vector<128x128xf32>
    %reduce_sum3A_6 = arith.constant dense<0.000000e+00> : vector<128xf32>
    %reduce_sum3A_7 = vector.multi_reduction <add>, %mul3A_5, %reduce_sum3A_6 [0] : vector<128x128xf32> to vector<128xf32>
    %broadcast_in_dim3A_8 = vector.shape_cast %reduce_sum3A_7 : vector<128xf32> to vector<1x128xf32>
    %get3A_9 = arith.constant 0 : index
    %get3A_10 = arith.constant 0 : index
    %get3A_11 = memref.load %arg1[%get3A_9, %get3A_10] : memref<1x1xf32, #tpu.memory_space<smem>>
    %get3A_12 = arith.constant 0 : index
    %get3A_13 = arith.constant 0 : index
    %get3A_14 = vector.load %arg2[%get3A_12, %get3A_13] : memref<512x128xf32, #tpu.memory_space<vmem>>, vector<512x128xf32>
    %get3A_15 = arith.constant 0 : index
    %get3A_16 = arith.constant 0 : index
    %get3A_17 = vector.load %arg3[%get3A_15, %get3A_16] : memref<128x128xf32, #tpu.memory_space<vmem>>, vector<128x128xf32>
    %dot_general3A = arith.constant dense<0.000000e+00> : vector<512x128xf32>
    %dot_general3A_18 = tpu.matmul %get3A_14, %get3A_17, %dot_general3A {dimension_numbers = #tpu.dot_dimension_numbers<[1], [0], [0], [1], [0, 0, 1, 1], [], []>, transpose_lhs_hint = false} : vector<512x128xf32>, vector<128x128xf32>, vector<512x128xf32> -> vector<512x128xf32>
    %get3A_19 = arith.constant 0 : index
    %get3A_20 = arith.constant 0 : index
    %get3A_21 = vector.load %arg5[%get3A_19, %get3A_20] : memref<512x1xf32, #tpu.memory_space<vmem>>, vector<512x1xf32>
    %mul3A_22 = vector.broadcast %get3A_11 : f32 to vector<512x1xf32>
    %mul3A_23 = arith.mulf %get3A_21, %mul3A_22 : vector<512x1xf32>
    %mul3A_24 = vector.broadcast %mul3A_23 : vector<512x1xf32> to vector<512x128xf32>
    %mul3A_25 = vector.broadcast %broadcast_in_dim3A : vector<1x128xf32> to vector<512x128xf32>
    %mul3A_26 = arith.mulf %mul3A_24, %mul3A_25 : vector<512x128xf32>
    %add3A = arith.addf %dot_general3A_18, %mul3A_26 : vector<512x128xf32>
    %mul3A_27 = vector.broadcast %get3A_11 : f32 to vector<1x128xf32>
    %mul3A_28 = arith.mulf %mul3A_27, %broadcast_in_dim3A_8 : vector<1x128xf32>
    %get3A_29 = arith.constant 0 : index
    %get3A_30 = arith.constant 0 : index
    %get3A_31 = vector.load %arg6[%get3A_29, %get3A_30] : memref<1x128xf32, #tpu.memory_space<vmem>>, vector<1x128xf32>
    %add3A_32 = arith.addf %mul3A_28, %get3A_31 : vector<1x128xf32>
    %add3A_33 = vector.broadcast %add3A_32 : vector<1x128xf32> to vector<512x128xf32>
    %add3A_34 = arith.addf %add3A, %add3A_33 : vector<512x128xf32>
    %logistic3A = arith.negf %add3A_34 : vector<512x128xf32>
    %logistic3A_35 = math.exp %logistic3A : vector<512x128xf32>
    %logistic3A_36 = arith.constant 1.000000e+00 : f32
    %logistic3A_37 = vector.broadcast %logistic3A_36 : f32 to vector<512x128xf32>
    %logistic3A_38 = arith.addf %logistic3A_37, %logistic3A_35 : vector<512x128xf32>
    %logistic3A_39 = arith.divf %logistic3A_37, %logistic3A_38 : vector<512x128xf32>
    %mul3A_40 = arith.mulf %add3A_34, %logistic3A_39 : vector<512x128xf32>
    %get3A_41 = arith.constant 0 : index
    %get3A_42 = arith.constant 0 : index
    %get3A_43 = vector.load %arg7[%get3A_41, %get3A_42] : memref<128x128xf32, #tpu.memory_space<vmem>>, vector<128x128xf32>
    %dot_general3A_44 = arith.constant dense<0.000000e+00> : vector<512x128xf32>
    %dot_general3A_45 = tpu.matmul %mul3A_40, %get3A_43, %dot_general3A_44 {dimension_numbers = #tpu.dot_dimension_numbers<[1], [0], [0], [1], [0, 0, 1, 1], [], []>, transpose_lhs_hint = false} : vector<512x128xf32>, vector<128x128xf32>, vector<512x128xf32> -> vector<512x128xf32>
    %get3A_46 = arith.constant 0 : index
    %get3A_47 = arith.constant 0 : index
    %get3A_48 = vector.load %arg8[%get3A_46, %get3A_47] : memref<1x128xf32, #tpu.memory_space<vmem>>, vector<1x128xf32>
    %add3A_49 = vector.broadcast %get3A_48 : vector<1x128xf32> to vector<512x128xf32>
    %add3A_50 = arith.addf %dot_general3A_45, %add3A_49 : vector<512x128xf32>
    %swap3A = arith.constant 0 : index
    %swap3A_51 = arith.constant 0 : index
    %swap3A_52 = vector.load %arg9[%swap3A, %swap3A_51] : memref<512x128xf32, #tpu.memory_space<vmem>>, vector<512x128xf32>
    tpu.vector_store %arg9[%swap3A, %swap3A_51], %add3A_50 {strides = array<i32>} : memref<512x128xf32, #tpu.memory_space<vmem>>, vector<512x128xf32>,
    return
  }
  func.func @transform_0(%arg0: i32) -> (i32, i32) {
    %c0_i32 = arith.constant 0 : i32
    %c0_i32_0 = arith.constant 0 : i32
    %c0_i32_1 = arith.constant 0 : i32
    return %c0_i32, %c0_i32_0 : i32, i32
  }
  func.func @transform_1(%arg0: i32) -> (i32, i32) {
    %c0_i32 = arith.constant 0 : i32
    %c0_i32_0 = arith.constant 0 : i32
    return %arg0, %c0_i32 : i32, i32
  }
  func.func @transform_2(%arg0: i32) -> (i32, i32) {
    %c0_i32 = arith.constant 0 : i32
    %c0_i32_0 = arith.constant 0 : i32
    %c0_i32_1 = arith.constant 0 : i32
    return %c0_i32, %c0_i32_0 : i32, i32
  }
  func.func @transform_3(%arg0: i32) -> (i32, i32) {
    %c0_i32 = arith.constant 0 : i32
    %c0_i32_0 = arith.constant 0 : i32
    %c0_i32_1 = arith.constant 0 : i32
    return %c0_i32, %c0_i32_0 : i32, i32
  }
  func.func @transform_4(%arg0: i32) -> (i32, i32) {
    %c0_i32 = arith.constant 0 : i32
    %c0_i32_0 = arith.constant 0 : i32
    return %arg0, %c0_i32 : i32, i32
  }
  func.func @transform_5(%arg0: i32) -> (i32, i32) {
    %c0_i32 = arith.constant 0 : i32
    %c0_i32_0 = arith.constant 0 : i32
    %c0_i32_1 = arith.constant 0 : i32
    return %c0_i32, %c0_i32_0 : i32, i32
  }
  func.func @transform_6(%arg0: i32) -> (i32, i32) {
    %c0_i32 = arith.constant 0 : i32
    %c0_i32_0 = arith.constant 0 : i32
    %c0_i32_1 = arith.constant 0 : i32
    return %c0_i32, %c0_i32_0 : i32, i32
  }
  func.func @transform_7(%arg0: i32) -> (i32, i32) {
    %c0_i32 = arith.constant 0 : i32
    %c0_i32_0 = arith.constant 0 : i32
    %c0_i32_1 = arith.constant 0 : i32
    return %c0_i32, %c0_i32_0 : i32, i32
  }
  func.func @transform_8(%arg0: i32) -> (i32, i32) {
    %c0_i32 = arith.constant 0 : i32
    %c0_i32_0 = arith.constant 0 : i32
    return %arg0, %c0_i32 : i32, i32
  }
}

</mosaic_0001>

<sc_bundles>
// kernel: kernel.4.cloned.1.call-start
scs
__scs_entry_jumppad:
0x0: {  	(pc) =	sbr.rel $0x88, $3  }
0x1: {  	(tag) =	ssettag $0x0;
	lr =	simm.s32 $0x1  }
0x2: {  	[smem:$0x3F9B] =	sst lr;
	_ =	strace $0xD0000000  }
0x3: {  	_ = 	snop  }
0x4: {  	_ = 	snop  }
0x5: {  	_ = 	snop  }
0x6: {  	_ = 	snop  }
0x7: {  	_ = 	snop  }
__scs_overlays_trampoline_lowered:
0x8: {  	[smem:$0x3FAA] =	sst s0  }
0x9: {  	[smem:$0x3FAB] =	sst s1  }
0xa: {  	[smem:$0x3FAC] =	sst s2  }
0xb: {  	[smem:$0x3FAD] =	sst s3  }
0xc: {  	[smem:$0x3FAE] =	sst s4  }
0xd: {  	[smem:$0x3FAF] =	sst s5  }
0xe: {  	[smem:$0x3FB0] =	sst s6  }
0xf: {  	[smem:$0x3FB1] =	sst s7  }
0x10: {  	[smem:$0x3FB2] =	sst s8  }
0x11: {  	[smem:$0x3FB3] =	sst s9;
	s0 =	simm.s32 @!p0 $0x0  }
0x12: {  	s1 =	sld [smem:$0x3F99];
	s0 =	simm.s32 @p0 $0x1  }
0x13: {  	[smem:$0x3FB4] =	sst s0;
	s0 =	simm.s32 @!p1 $0x0  }
0x14: {  	s2 =	sld [smem:$0x3F98];
	s0 =	simm.s32 @p1 $0x1  }
0x15: {  	[smem:$0x3FB5] =	sst s0;
	s0 =	simm.s32 @!p2 $0x0  }
0x16: {  	s3 =	sld [smem:$0x3FDB];
	s0 =	simm.s32 @p2 $0x1  }
0x17: {  	s4 =	simm.s32 $0x1BF5;
	[smem:$0x3FB7] =	sst s0  }
0x18: {  	s0 =	sld [smem:$0x3F9A];
	_ =	swait.ge [sflag:s4], $0x0  }
0x19: {  	s7 =	sld [smem:$0x3F9B]  }
0x1a: {  	s8 =	sadd.s32 $0xFFFFE003, lr  }
0x1b: {  	s9 =	sadd.s32 $0xFFFFFEF7, lr;
	s5 =	simm.s32 $0xFFFFFFFF;
	p2 =	slt.u32 s8, $0xFFFFF086  }
0x1c: {  	p1 =	slt.u32 s9, $0xF7A;
	s5 =	simm.s32 @!p2 $0x0  }
0x1d: {  	s5 =	simm.s32 @p1 $0x1;
	p0 =	seq.s32 s7, s2  }
0x1e: {  	s7 =	smul.u32 @!p0 $0xF7A, s2;
	p2 =	seq.s32 @!p0 s5, $0x0  }
0x1f: {  	s9 =	smul.u32 $0xF7A, s1;
	s8 =	simm.s32 @!p0 $0x1BF5;
	p2 =	por !p2, p0  }
0x20: {  	[sflag:s8] =	ssyncset.s32 @!p0 $0xFFFFF086;
	s6 =	sadd.s32 @!p0 s3, s7;
	s7 =	simm.s32 @!p0 $0x108  }
0x21: {  	s3 =	sadd.s32 s3, s9;
	s6 =	sadd.s32 @!p0 $0x88, s6;
	s7 =	simm.s32 @p2 $0x1082  }
0x22: {  	[simem:s7], [sflag:s8] =	dma.local @!p0 [hbm:s6], $0xF7A  }
0x23: {  	s9 =	sor.u32 $0xD0000000, s2;
	s6 =	simm.s32 $0x108;
	_ =	swait.ge @!p0 [sflag:s8], $0x0  }
0x24: {  	s3 =	sadd.s32 $0x88, s3;
	s6 =	simm.s32 @!p1 $0x1082;
	[sflag:s4] =	ssyncset.s32 $0xFFFFF086  }
0x25: {  	[simem:s6], [sflag:s4] =	dma.local [hbm:s3], $0xF7A  }
0x26: {  	[smem:$0x3F9B] =	sst s1;
	(tag) =	ssettag s2;
	_ =	strace s9  }
0x27: {  	s1 =	sld [smem:$0x3FAB]  }
0x28: {  	s2 =	sld [smem:$0x3FAC]  }
0x29: {  	s4 =	sld [smem:$0x3FAE]  }
0x2a: {  	p0 =	seq.s32 s5, $0x0;
	s5 =	sld [smem:$0x3FAF]  }
0x2b: {  	s6 =	sld [smem:$0x3FB0]  }
0x2c: {  	s7 =	sld [smem:$0x3FB1]  }
0x2d: {  	s3 =	simm.s32 $0x108;
	s8 =	sld [smem:$0x3FB2]  }
0x2e: {  	s3 =	simm.s32 @!p0 $0x1082;
	s9 =	sld [smem:$0x3FB3]  }
0x2f: {  	lr =	sadd.s32 s0, s3;
	s0 =	sld [smem:$0x3FAA]  }
0x30: {  	s3 =	sld [smem:$0x3FAD]  }
0x31: {  	[smem:$0x3FB6] =	sst s10  }
0x32: {  	s10 =	sld [smem:$0x3FB4];
	_ =	sdelay $0x3  }
0x33: {  	p0 =	seq.s32 s10, $0x1;
	s10 =	sld [smem:$0x3FB6];
	_ =	sdelay $0x3  }
0x34: {  	[smem:$0x3FB6] =	sst s10  }
0x35: {  	s10 =	sld [smem:$0x3FB5];
	_ =	sdelay $0x3  }
0x36: {  	p1 =	seq.s32 s10, $0x1;
	s10 =	sld [smem:$0x3FB6];
	_ =	sdelay $0x3  }
0x37: {  	[smem:$0x3FB6] =	sst s10  }
0x38: {  	s10 =	sld [smem:$0x3FB7]  }
0x39: {  	_ = 	snop;
	(pc) =	sbr.ind lr, $3  }
0x3a: {  	_ = 	snop  }
0x3b: {  	_ = 	snop  }
0x3c: {  	p2 =	seq.s32 s10, $0x1;
	s10 =	sld [smem:$0x3FB6]  }
0x3d: {  	_ =	shalt  }
0x3e: {  	_ =	shalt  }
0x3f: {  	_ =	shalt  }
0x40: {  	_ =	shalt  }
0x41: {  	_ =	shalt  }
0x42: {  	_ =	shalt  }
0x43: {  	_ =	shalt  }
0x44: {  	_ =	shalt  }
0x45: {  	_ =	shalt  }
0x46: {  	_ =	shalt  }
0x47: {  	_ =	shalt  }
0x48: {  	_ =	shalt  }
0x49: {  	_ =	shalt  }
0x4a: {  	_ =	shalt  }
0x4b: {  	_ =	shalt  }
0x4c: {  	_ =	shalt  }
0x4d: {  	_ =	shalt  }
0x4e: {  	_ =	shalt  }
0x4f: {  	_ =	shalt  }
0x50: {  	_ =	shalt  }
0x51: {  	_ =	shalt  }
0x52: {  	_ =	shalt  }
0x53: {  	_ =	shalt  }
0x54: {  	_ =	shalt  }
0x55: {  	_ =	shalt  }
0x56: {  	_ =	shalt  }
0x57: {  	_ =	shalt  }
0x58: {  	_ =	shalt  }
0x59: {  	_ =	shalt  }
0x5a: {  	_ =	shalt  }
0x5b: {  	_ =	shalt  }
0x5c: {  	_ =	shalt  }
0x5d: {  	_ =	shalt  }
0x5e: {  	_ =	shalt  }
0x5f: {  	_ =	shalt  }
0x60: {  	_ =	shalt  }
0x61: {  	_ =	shalt  }
0x62: {  	_ =	shalt  }
0x63: {  	_ =	shalt  }
0x64: {  	_ =	shalt  }
0x65: {  	_ =	shalt  }
0x66: {  	_ =	shalt  }
0x67: {  	_ =	shalt  }
0x68: {  	_ =	shalt  }
0x69: {  	_ =	shalt  }
0x6a: {  	_ =	shalt  }
0x6b: {  	_ =	shalt  }
0x6c: {  	_ =	shalt  }
0x6d: {  	_ =	shalt  }
0x6e: {  	_ =	shalt  }
0x6f: {  	_ =	shalt  }
0x70: {  	_ =	shalt  }
0x71: {  	_ =	shalt  }
0x72: {  	_ =	shalt  }
0x73: {  	_ =	shalt  }
0x74: {  	_ =	shalt  }
0x75: {  	_ =	shalt  }
0x76: {  	_ =	shalt  }
0x77: {  	_ =	shalt  }
0x78: {  	_ =	shalt  }
0x79: {  	_ =	shalt  }
0x7a: {  	_ =	shalt  }
0x7b: {  	_ =	shalt  }
0x7c: {  	_ =	shalt  }
0x7d: {  	_ =	shalt  }
0x7e: {  	_ =	shalt  }
0x7f: {  	_ =	shalt  }
0x80: {  	_ =	shalt  }
0x81: {  	_ =	shalt  }
0x82: {  	_ =	shalt  }
0x83: {  	_ =	shalt  }
0x84: {  	_ =	shalt  }
0x85: {  	_ =	shalt  }
0x86: {  	_ =	shalt  }
0x87: {  	_ =	shalt  }
.Lfunc_end0:
.L_simem_size_0:
called_computation_lowered:
.L_overlay_start_0:
0x88: {  	s2 =	sld [smem:$0x3FD9]  }
0x89: {  	s3 =	sld [smem:$0x3FFE];
	_ =	sdelay $0x1  }
0x8a: {  	s1 =	srdreg.scid  }
0x8b: {  	s0 =	sand.u32 $0x1, s1  }
0x8c: {  	s17 =	sshll.u32 s0, $0xA;
	s2 =	sadd.s32 s3, s2  }
0x8d: {  	s2 =	sadd.s32 s2, s17  }
0x8e: {  	[smem:$0x3FC2] =	sst s2  }
0x8f: {  	_ = 	snop  }
0x90: {  	s2 =	sld [smem:$0x3FC9]  }
0x91: {  	s18 =	sld [smem:$0x3FD0];
	(tm) =	ssettm $0x1  }
0x92: {  	s4 =	sld [smem:$0x3FFB];
	_ =	sdelay $0x3  }
0x93: {  	_ =	strace s4  }
0x94: {  	s4 =	sld [smem:$0x3FFC];
	_ =	sdelay $0x3  }
0x95: {  	_ =	strace s4  }
0x96: {  	s4 =	sld [smem:$0x3FFD];
	_ =	sdelay $0x3  }
0x97: {  	_ =	strace s4  }
0x98: {  	_ =	strace $0x8FFFFFFF  }
0x99: {  	s19 =	sld [smem:$0x3FDB];
	_ =	sdelay $0x1  }
0x9a: {  	s5 =	simm.s32 $_scs_section_size  }
0x9b: {  	s6 =	simm.s32 $_size__tile_overlayer_lowered;
	s7 =	simm.s32 $_tile_overlayer_lowered  }
0x9c: {  	s22 =	simm.s32 $0x1BFF;
	s21 =	sshll.u32 s7, $0x1;
	s4 =	sadd.s32 s5, s19  }
0x9d: {  	s8 =	simm.s32 $0x0;
	s20 =	sshll.u32 s6, $0x1;
	s6 =	sadd.s32 s21, s4  }
0x9e: {  	[timem:s8], [sflag:s22] =	dma.local [hbm:s6], s20  }
0x9f: {  	_ =	swait.ge [sflag:s22], s20  }
0xa0: {  	s5 =	ssub.s32 $0x0, s20;
	[sflag:s22] =	ssyncset.done $0x0  }
0xa1: {  	[sflag:s22] =	ssyncadd.s32 s5;
	_ =	sdelay $0x1  }
0xa2: {  	s23 =	simm.s32 $0x1B8B  }
0xa3: {  	_ =	swait.ge [sflag:s23], $0x1  }
0xa4: {  	[sflag:s23] =	ssyncset.done $0x0  }
0xa5: {  	s25 =	simm.s32 $0x1B8E;
	s24 =	sld [smem:$0x3FFE];
	[sflag:s23] =	ssyncadd.s32 $0xFFFFFFFF  }
0xa6: {  	s26 =	simm.s32 $execute0_lowered;
	[smem:$0x3FD2] =	sst s25  }
0xa7: {  	s6 =	sshll.u32 s26, $0x1;
	_ =	strace $0x80000046;
	[dreg:$0x1] =	wrdreg $0xFFFFFFFF  }
0xa8: {  	s28 =	simm.s32 $_size_execute0_lowered;
	s4 =	sadd.s32 s4, s6;
	[dreg:$0x0] =	wrdreg $0x0  }
0xa9: {  	s6 =	sshll.u32 s28, $0x1;
	[dreg:$0x2] =	wrdreg s4  }
0xaa: {  	[dreg:$0x3] =	wrdreg s6  }
0xab: {  	[dreg:$0x4] =	wrdreg $0xC0  }
0xac: {  	_ =	task [dreg:s8], $0x5FFFF  }
0xad: {  	[dreg:$0x1] =	wrdreg $0xFFFFFFFF  }
0xae: {  	[dreg:$0x0] =	wrdreg $0x60  }
0xaf: {  	[dreg:$0x2] =	wrdreg s2  }
0xb0: {  	[dreg:$0x3] =	wrdreg s24  }
0xb1: {  	[dreg:$0x4] =	wrdreg s18  }
0xb2: {  	[dreg:$0x5] =	wrdreg $0x9  }
0xb3: {  	_ =	task.clear_ibuf [dreg:s8], $0x6FFFF;
	_ =	strace $0x90000046  }
0xb4: {  	s29 =	simm.s32 $0x9;
	_ =	strace $0x80000048  }
0xb5: {  	_ =	swait.ge [sflag:s29], $0x1  }
0xb6: {  	[sflag:s29] =	ssyncadd.s32 $0xFFFFFFFF  }
0xb7: {  	_ =	strace $0x90000048  }
0xb8: {  	_ =	sfence  }
0xb9: {  	s30 =	sld [smem:$0x0];
	_ =	sdelay $0x2  }
0xba: {  	s31 =	sshll.u32 s1, $0xD;
	s1 =	sshrl.u32 s1, $0x2  }
0xbb: {  	s3 =	sand.u32 $0x4000, s31;
	s1 =	sadd.s32 s1, s30  }
0xbc: {  	s0 =	sor.u32 s3, s0;
	s1 =	sshll.u32 s1, $0x11  }
0xbd: {  	s0 =	sor.u32 s1, s0  }
0xbe: {  	s0 =	sadd.s32 $0x8F2B, s0  }
0xbf: {  	[sflag:s0] =	ssyncadd.remote.s32 $0x1  }
0xc0: {  	_ =	sfence.sel $0xFFFF  }
0xc1: {  	[dreg:$0x0] =	wrdreg $0xFFFFFFFF;
	(pc) =	sbr.abs _section_cstart, $3  }
0xc2: {  	[dreg:$0x1] =	wrdreg $0xFFFFFFFF  }
0xc3: {  	_ =	task.clear_ibuf [dreg:s8], $0x2FFFF;
	_ =	strace $0x9FFFFFFF  }
0xc4: {  	(tm) =	ssettm $0x7FFFFFFF  }
0xc5: {  	_ =	shalt  }
tec
execute0_lowered:
.L_overlay_start_1:
0x0: {  	(tag) =	ssettag $0x1  }
0x1: {  	v0 =	vimm.s32 $0x701;
	vm14 =	vcmask $0x300  }
0x2: {  	vm13 =	vcmask $0x704;
	v0 =	vsel vm14, $0x0, v0  }
0x3: {  	vm12 =	vcmask $0xB08;
	v0 =	vsel vm13, $0x100, v0  }
0x4: {  	vm11 =	vcmask $0xF0C;
	v0 =	vsel vm12, $0x200, v0  }
0x5: {  	vm10 =	vcmask $0x1310;
	v0 =	vsel vm11, $0x300, v0  }
0x6: {  	vm9 =	vcmask $0x1714;
	v0 =	vsel vm10, $0x400, v0  }
0x7: {  	vm8 =	vcmask $0x1B18;
	v0 =	vsel vm9, $0x500, v0  }
0x8: {  	vm7 =	vcmask $0x1F1C;
	v0 =	vsel vm8, $0x600, v0  }
0x9: {  	vm6 =	vcmask $0x2320;
	v0 =	vsel vm7, $0x700, v0  }
0xa: {  	vm5 =	vcmask $0x2724;
	v0 =	vsel vm6, $0x1, v0  }
0xb: {  	vm4 =	vcmask $0x2B28;
	v0 =	vsel vm5, $0x101, v0  }
0xc: {  	vm3 =	vcmask $0x2F2C;
	v0 =	vsel vm4, $0x201, v0  }
0xd: {  	vm2 =	vcmask $0x3330;
	v0 =	vsel vm3, $0x301, v0  }
0xe: {  	vm0 =	vcmask $0x3734;
	v0 =	vsel vm2, $0x401, v0  }
0xf: {  	vm1 =	vcmask $0x3B38;
	v2 =	vsel vm0, $0x501, v0  }
0x10: {  	v15 =	vsel vm1, $0x601, v2;
	v2 =	vimm.s32 $0x703  }
0x11: {  	v3 =	vimm.s32 $0x705;
	v2 =	vsel vm14, $0x2, v2  }
0x12: {  	v4 =	vimm.s32 $0x707;
	v3 =	vsel vm14, $0x4, v3;
	v2 =	vsel vm13, $0x102, v2  }
0x13: {  	v4 =	vsel vm14, $0x6, v4;
	v3 =	vsel vm13, $0x104, v3;
	v2 =	vsel vm12, $0x202, v2  }
0x14: {  	v4 =	vsel vm13, $0x106, v4;
	v3 =	vsel vm12, $0x204, v3;
	v2 =	vsel vm11, $0x302, v2  }
0x15: {  	v4 =	vsel vm12, $0x206, v4;
	v3 =	vsel vm11, $0x304, v3;
	v2 =	vsel vm10, $0x402, v2  }
0x16: {  	v4 =	vsel vm11, $0x306, v4;
	v3 =	vsel vm10, $0x404, v3;
	v2 =	vsel vm9, $0x502, v2  }
0x17: {  	v4 =	vsel vm10, $0x406, v4;
	v3 =	vsel vm9, $0x504, v3;
	v2 =	vsel vm8, $0x602, v2  }
0x18: {  	v4 =	vsel vm9, $0x506, v4;
	v3 =	vsel vm8, $0x604, v3;
	v2 =	vsel vm7, $0x702, v2  }
0x19: {  	v4 =	vsel vm8, $0x606, v4;
	v3 =	vsel vm7, $0x704, v3;
	v2 =	vsel vm6, $0x3, v2  }
0x1a: {  	v4 =	vsel vm7, $0x706, v4;
	v3 =	vsel vm6, $0x5, v3;
	v2 =	vsel vm5, $0x103, v2  }
0x1b: {  	v4 =	vsel vm6, $0x7, v4;
	v3 =	vsel vm5, $0x105, v3;
	v2 =	vsel vm4, $0x203, v2  }
0x1c: {  	v4 =	vsel vm5, $0x107, v4;
	v3 =	vsel vm4, $0x205, v3;
	v2 =	vsel vm3, $0x303, v2  }
0x1d: {  	v4 =	vsel vm4, $0x207, v4;
	v3 =	vsel vm3, $0x305, v3;
	v2 =	vsel vm2, $0x403, v2  }
0x1e: {  	v4 =	vsel vm3, $0x307, v4;
	v3 =	vsel vm2, $0x405, v3;
	v2 =	vsel vm0, $0x503, v2  }
0x1f: {  	v4 =	vsel vm2, $0x407, v4;
	v3 =	vsel vm0, $0x505, v3;
	v2 =	vsel vm1, $0x603, v2  }
0x20: {  	v4 =	vsel vm0, $0x507, v4;
	[tilespmem:$0x1FF20] =	vst v2;
	v2 =	vsel vm1, $0x605, v3  }
0x21: {  	[tilespmem:$0x1FF30] =	vst v2;
	v2 =	vsel vm1, $0x607, v4  }
0x22: {  	[tilespmem:$0x1FF40] =	vst v2;
	v2 =	vimm.s32 $0x709  }
0x23: {  	v3 =	vimm.s32 $0x70B;
	v2 =	vsel vm14, $0x8, v2  }
0x24: {  	v4 =	vimm.s32 $0x70D;
	v3 =	vsel vm14, $0xA, v3;
	v2 =	vsel vm13, $0x108, v2  }
0x25: {  	v4 =	vsel vm14, $0xC, v4;
	v3 =	vsel vm13, $0x10A, v3;
	v2 =	vsel vm12, $0x208, v2  }
0x26: {  	v4 =	vsel vm13, $0x10C, v4;
	v3 =	vsel vm12, $0x20A, v3;
	v2 =	vsel vm11, $0x308, v2  }
0x27: {  	v4 =	vsel vm12, $0x20C, v4;
	v3 =	vsel vm11, $0x30A, v3;
	v2 =	vsel vm10, $0x408, v2  }
0x28: {  	v4 =	vsel vm11, $0x30C, v4;
	v3 =	vsel vm10, $0x40A, v3;
	v2 =	vsel vm9, $0x508, v2  }
0x29: {  	v4 =	vsel vm10, $0x40C, v4;
	v3 =	vsel vm9, $0x50A, v3;
	v2 =	vsel vm8, $0x608, v2  }
0x2a: {  	v4 =	vsel vm9, $0x50C, v4;
	v3 =	vsel vm8, $0x60A, v3;
	v2 =	vsel vm7, $0x708, v2  }
0x2b: {  	v4 =	vsel vm8, $0x60C, v4;
	v3 =	vsel vm7, $0x70A, v3;
	v2 =	vsel vm6, $0x9, v2  }
0x2c: {  	v4 =	vsel vm7, $0x70C, v4;
	v3 =	vsel vm6, $0xB, v3;
	v2 =	vsel vm5, $0x109, v2  }
0x2d: {  	v4 =	vsel vm6, $0xD, v4;
	v3 =	vsel vm5, $0x10B, v3;
	v2 =	vsel vm4, $0x209, v2  }
0x2e: {  	v4 =	vsel vm5, $0x10D, v4;
	v3 =	vsel vm4, $0x20B, v3;
	v2 =	vsel vm3, $0x309, v2  }
0x2f: {  	v4 =	vsel vm4, $0x20D, v4;
	v3 =	vsel vm3, $0x30B, v3;
	v2 =	vsel vm2, $0x409, v2  }
0x30: {  	v4 =	vsel vm3, $0x30D, v4;
	v3 =	vsel vm2, $0x40B, v3;
	v2 =	vsel vm0, $0x509, v2  }
0x31: {  	v4 =	vsel vm2, $0x40D, v4;
	v3 =	vsel vm0, $0x50B, v3;
	v2 =	vsel vm1, $0x609, v2  }
0x32: {  	v4 =	vsel vm0, $0x50D, v4;
	[tilespmem:$0x1FF50] =	vst v2;
	v2 =	vsel vm1, $0x60B, v3  }
0x33: {  	[tilespmem:$0x1FF60] =	vst v2;
	v2 =	vsel vm1, $0x60D, v4  }
0x34: {  	[tilespmem:$0x1FF70] =	vst v2;
	v2 =	vimm.s32 $0x70F  }
0x35: {  	v3 =	vimm.s32 $0xF01;
	v2 =	vsel vm14, $0xE, v2  }
0x36: {  	v4 =	vimm.s32 $0xF03;
	v3 =	vsel vm14, $0x800, v3;
	v2 =	vsel vm13, $0x10E, v2  }
0x37: {  	v4 =	vsel vm14, $0x802, v4;
	v3 =	vsel vm13, $0x900, v3;
	v2 =	vsel vm12, $0x20E, v2  }
0x38: {  	v4 =	vsel vm13, $0x902, v4;
	v3 =	vsel vm12, $0xA00, v3;
	v2 =	vsel vm11, $0x30E, v2  }
0x39: {  	v4 =	vsel vm12, $0xA02, v4;
	v3 =	vsel vm11, $0xB00, v3;
	v2 =	vsel vm10, $0x40E, v2  }
0x3a: {  	v4 =	vsel vm11, $0xB02, v4;
	v3 =	vsel vm10, $0xC00, v3;
	v2 =	vsel vm9, $0x50E, v2  }
0x3b: {  	v4 =	vsel vm10, $0xC02, v4;
	v3 =	vsel vm9, $0xD00, v3;
	v2 =	vsel vm8, $0x60E, v2  }
0x3c: {  	v4 =	vsel vm9, $0xD02, v4;
	v3 =	vsel vm8, $0xE00, v3;
	v2 =	vsel vm7, $0x70E, v2  }
0x3d: {  	v4 =	vsel vm8, $0xE02, v4;
	v3 =	vsel vm7, $0xF00, v3;
	v2 =	vsel vm6, $0xF, v2  }
0x3e: {  	v4 =	vsel vm7, $0xF02, v4;
	v3 =	vsel vm6, $0x801, v3;
	v2 =	vsel vm5, $0x10F, v2  }
0x3f: {  	v4 =	vsel vm6, $0x803, v4;
	v3 =	vsel vm5, $0x901, v3;
	v2 =	vsel vm4, $0x20F, v2  }
0x40: {  	v4 =	vsel vm5, $0x903, v4;
	v3 =	vsel vm4, $0xA01, v3;
	v2 =	vsel vm3, $0x30F, v2  }
0x41: {  	v4 =	vsel vm4, $0xA03, v4;
	v3 =	vsel vm3, $0xB01, v3;
	v2 =	vsel vm2, $0x40F, v2  }
0x42: {  	v4 =	vsel vm3, $0xB03, v4;
	v3 =	vsel vm2, $0xC01, v3;
	v2 =	vsel vm0, $0x50F, v2  }
0x43: {  	v4 =	vsel vm2, $0xC03, v4;
	v3 =	vsel vm0, $0xD01, v3;
	v2 =	vsel vm1, $0x60F, v2  }
0x44: {  	v4 =	vsel vm0, $0xD03, v4;
	[tilespmem:$0x1FF80] =	vst v2;
	v2 =	vsel vm1, $0xE01, v3  }
0x45: {  	v1 =	vlaneseq.u32;
	[tilespmem:$0x1FF90] =	vst v2;
	v2 =	vsel vm1, $0xE03, v4  }
0x46: {  	v0 =	vshrl.u32 v1, $0x1;
	[tilespmem:$0x1FFA0] =	vst v2;
	v2 =	vimm.s32 $0xF05  }
0x47: {  	v1 =	vand.u32 $0x1, v1;
	v3 =	vimm.s32 $0xF07;
	v2 =	vsel vm14, $0x804, v2  }
0x48: {  	v4 =	vimm.s32 $0xF09;
	v3 =	vsel vm14, $0x806, v3;
	v2 =	vsel vm13, $0x904, v2  }
0x49: {  	v4 =	vsel vm14, $0x808, v4;
	v3 =	vsel vm13, $0x906, v3;
	v2 =	vsel vm12, $0xA04, v2  }
0x4a: {  	v4 =	vsel vm13, $0x908, v4;
	v3 =	vsel vm12, $0xA06, v3;
	v2 =	vsel vm11, $0xB04, v2  }
0x4b: {  	v4 =	vsel vm12, $0xA08, v4;
	v3 =	vsel vm11, $0xB06, v3;
	v2 =	vsel vm10, $0xC04, v2  }
0x4c: {  	v4 =	vsel vm11, $0xB08, v4;
	v3 =	vsel vm10, $0xC06, v3;
	v2 =	vsel vm9, $0xD04, v2  }
0x4d: {  	v4 =	vsel vm10, $0xC08, v4;
	v3 =	vsel vm9, $0xD06, v3;
	v2 =	vsel vm8, $0xE04, v2  }
0x4e: {  	v4 =	vsel vm9, $0xD08, v4;
	v3 =	vsel vm8, $0xE06, v3;
	v2 =	vsel vm7, $0xF04, v2  }
0x4f: {  	v4 =	vsel vm8, $0xE08, v4;
	v3 =	vsel vm7, $0xF06, v3;
	v2 =	vsel vm6, $0x805, v2  }
0x50: {  	v4 =	vsel vm7, $0xF08, v4;
	v3 =	vsel vm6, $0x807, v3;
	v2 =	vsel vm5, $0x905, v2  }
0x51: {  	v4 =	vsel vm6, $0x809, v4;
	v3 =	vsel vm5, $0x907, v3;
	v2 =	vsel vm4, $0xA05, v2  }
0x52: {  	v4 =	vsel vm5, $0x909, v4;
	v3 =	vsel vm4, $0xA07, v3;
	v2 =	vsel vm3, $0xB05, v2  }
0x53: {  	v4 =	vsel vm4, $0xA09, v4;
	v3 =	vsel vm3, $0xB07, v3;
	v2 =	vsel vm2, $0xC05, v2  }
0x54: {  	v4 =	vsel vm3, $0xB09, v4;
	v3 =	vsel vm2, $0xC07, v3;
	v2 =	vsel vm0, $0xD05, v2  }
0x55: {  	v4 =	vsel vm2, $0xC09, v4;
	v3 =	vsel vm0, $0xD07, v3;
	v2 =	vsel vm1, $0xE05, v2  }
0x56: {  	v4 =	vsel vm0, $0xD09, v4;
	[tilespmem:$0x1FFB0] =	vst v2;
	v2 =	vsel vm1, $0xE07, v3;
	v3 =	vimm.s32 $0xF0D  }
0x57: {  	[tilespmem:$0x1FFC0] =	vst v2;
	v2 =	vsel vm1, $0xE09, v4;
	v4 =	vimm.s32 $0xF0F;
	v3 =	vsel vm14, $0x80C, v3  }
0x58: {  	[tilespmem:$0x1FFD0] =	vst v2;
	v2 =	vimm.s32 $0xF0B;
	v4 =	vsel vm14, $0x80E, v4;
	v3 =	vsel vm13, $0x90C, v3  }
0x59: {  	v2 =	vsel vm14, $0x80A, v2;
	v4 =	vsel vm13, $0x90E, v4;
	v3 =	vsel vm12, $0xA0C, v3  }
0x5a: {  	v2 =	vsel vm13, $0x90A, v2;
	v4 =	vsel vm12, $0xA0E, v4;
	v3 =	vsel vm11, $0xB0C, v3  }
0x5b: {  	v2 =	vsel vm12, $0xA0A, v2;
	v4 =	vsel vm11, $0xB0E, v4;
	v3 =	vsel vm10, $0xC0C, v3  }
0x5c: {  	v2 =	vsel vm11, $0xB0A, v2;
	v4 =	vsel vm10, $0xC0E, v4;
	v3 =	vsel vm9, $0xD0C, v3  }
0x5d: {  	v2 =	vsel vm10, $0xC0A, v2;
	v4 =	vsel vm9, $0xD0E, v4;
	v3 =	vsel vm8, $0xE0C, v3  }
0x5e: {  	v2 =	vsel vm9, $0xD0A, v2;
	v4 =	vsel vm8, $0xE0E, v4;
	v3 =	vsel vm7, $0xF0C, v3  }
0x5f: {  	v2 =	vsel vm8, $0xE0A, v2;
	v4 =	vsel vm7, $0xF0E, v4;
	v3 =	vsel vm6, $0x80D, v3  }
0x60: {  	v2 =	vsel vm7, $0xF0A, v2;
	v4 =	vsel vm6, $0x80F, v4;
	v3 =	vsel vm5, $0x90D, v3  }
0x61: {  	v2 =	vsel vm6, $0x80B, v2;
	v4 =	vsel vm5, $0x90F, v4;
	v3 =	vsel vm4, $0xA0D, v3  }
0x62: {  	v2 =	vsel vm5, $0x90B, v2;
	v4 =	vsel vm4, $0xA0F, v4;
	v3 =	vsel vm3, $0xB0D, v3  }
0x63: {  	v2 =	vsel vm4, $0xA0B, v2;
	v4 =	vsel vm3, $0xB0F, v4;
	v3 =	vsel vm2, $0xC0D, v3  }
0x64: {  	v2 =	vsel vm3, $0xB0B, v2;
	v4 =	vsel vm2, $0xC0F, v4;
	v3 =	vsel vm0, $0xD0D, v3  }
0x65: {  	v2 =	vsel vm2, $0xC0B, v2;
	v4 =	vsel vm0, $0xD0F, v4;
	v16 =	vsel vm1, $0xE0D, v3  }
0x66: {  	v3 =	vimm.s32 $0x1703;
	v2 =	vsel vm0, $0xD0B, v2;
	v17 =	vsel vm1, $0xE0F, v4  }
0x67: {  	v4 =	vimm.s32 $0x1705;
	v3 =	vsel vm14, $0x1002, v3;
	v2 =	vsel vm1, $0xE0B, v2  }
0x68: {  	v4 =	vsel vm14, $0x1004, v4;
	v3 =	vsel vm13, $0x1102, v3;
	[tilespmem:$0x1FFE0] =	vst v2;
	v2 =	vimm.s32 $0x1701  }
0x69: {  	v4 =	vsel vm13, $0x1104, v4;
	v3 =	vsel vm12, $0x1202, v3;
	v2 =	vsel vm14, $0x1000, v2  }
0x6a: {  	v4 =	vsel vm12, $0x1204, v4;
	v3 =	vsel vm11, $0x1302, v3;
	v2 =	vsel vm13, $0x1100, v2  }
0x6b: {  	v4 =	vsel vm11, $0x1304, v4;
	v3 =	vsel vm10, $0x1402, v3;
	v2 =	vsel vm12, $0x1200, v2  }
0x6c: {  	v4 =	vsel vm10, $0x1404, v4;
	v3 =	vsel vm9, $0x1502, v3;
	v2 =	vsel vm11, $0x1300, v2  }
0x6d: {  	v4 =	vsel vm9, $0x1504, v4;
	v3 =	vsel vm8, $0x1602, v3;
	v2 =	vsel vm10, $0x1400, v2  }
0x6e: {  	v4 =	vsel vm8, $0x1604, v4;
	v3 =	vsel vm7, $0x1702, v3;
	v2 =	vsel vm9, $0x1500, v2  }
0x6f: {  	v4 =	vsel vm7, $0x1704, v4;
	v3 =	vsel vm6, $0x1003, v3;
	v2 =	vsel vm8, $0x1600, v2  }
0x70: {  	v4 =	vsel vm6, $0x1005, v4;
	v3 =	vsel vm5, $0x1103, v3;
	v2 =	vsel vm7, $0x1700, v2  }
0x71: {  	v4 =	vsel vm5, $0x1105, v4;
	v3 =	vsel vm4, $0x1203, v3;
	v2 =	vsel vm6, $0x1001, v2  }
0x72: {  	v4 =	vsel vm4, $0x1205, v4;
	v3 =	vsel vm3, $0x1303, v3;
	v2 =	vsel vm5, $0x1101, v2  }
0x73: {  	v4 =	vsel vm3, $0x1305, v4;
	v3 =	vsel vm2, $0x1403, v3;
	v2 =	vsel vm4, $0x1201, v2  }
0x74: {  	v4 =	vsel vm2, $0x1405, v4;
	v3 =	vsel vm0, $0x1503, v3;
	v2 =	vsel vm3, $0x1301, v2  }
0x75: {  	v4 =	vsel vm0, $0x1505, v4;
	v19 =	vsel vm1, $0x1603, v3;
	v3 =	vimm.s32 $0x1709  }
0x76: {  	v2 =	vsel vm2, $0x1401, v2;
	v20 =	vsel vm1, $0x1605, v4;
	v4 =	vimm.s32 $0x170B  }
0x77: {  	v3 =	vsel vm14, $0x1008, v3;
	v2 =	vsel vm0, $0x1501, v2;
	v4 =	vsel vm14, $0x100A, v4  }
0x78: {  	v3 =	vsel vm13, $0x1108, v3;
	v18 =	vsel vm1, $0x1601, v2;
	v2 =	vimm.s32 $0x1707  }
0x79: {  	v4 =	vsel vm13, $0x110A, v4;
	v3 =	vsel vm12, $0x1208, v3;
	v2 =	vsel vm14, $0x1006, v2  }
0x7a: {  	v4 =	vsel vm12, $0x120A, v4;
	v3 =	vsel vm11, $0x1308, v3;
	v2 =	vsel vm13, $0x1106, v2  }
0x7b: {  	v4 =	vsel vm11, $0x130A, v4;
	v3 =	vsel vm10, $0x1408, v3;
	v2 =	vsel vm12, $0x1206, v2  }
0x7c: {  	v4 =	vsel vm10, $0x140A, v4;
	v3 =	vsel vm9, $0x1508, v3;
	v2 =	vsel vm11, $0x1306, v2  }
0x7d: {  	v4 =	vsel vm9, $0x150A, v4;
	v3 =	vsel vm8, $0x1608, v3;
	v2 =	vsel vm10, $0x1406, v2  }
0x7e: {  	v4 =	vsel vm8, $0x160A, v4;
	v3 =	vsel vm7, $0x1708, v3;
	v2 =	vsel vm9, $0x1506, v2  }
0x7f: {  	v4 =	vsel vm7, $0x170A, v4;
	v3 =	vsel vm6, $0x1009, v3;
	v2 =	vsel vm8, $0x1606, v2  }
0x80: {  	v4 =	vsel vm6, $0x100B, v4;
	v3 =	vsel vm5, $0x1109, v3;
	v2 =	vsel vm7, $0x1706, v2  }
0x81: {  	v4 =	vsel vm5, $0x110B, v4;
	v3 =	vsel vm4, $0x1209, v3;
	v2 =	vsel vm6, $0x1007, v2  }
0x82: {  	v4 =	vsel vm4, $0x120B, v4;
	v3 =	vsel vm3, $0x1309, v3;
	v2 =	vsel vm5, $0x1107, v2  }
0x83: {  	v4 =	vsel vm3, $0x130B, v4;
	v3 =	vsel vm2, $0x1409, v3;
	v2 =	vsel vm4, $0x1207, v2  }
0x84: {  	v4 =	vsel vm2, $0x140B, v4;
	v3 =	vsel vm0, $0x1509, v3;
	v2 =	vsel vm3, $0x1307, v2  }
0x85: {  	v4 =	vsel vm0, $0x150B, v4;
	v22 =	vsel vm1, $0x1609, v3;
	v3 =	vimm.s32 $0x170F  }
0x86: {  	v2 =	vsel vm2, $0x1407, v2;
	v23 =	vsel vm1, $0x160B, v4;
	v4 =	vimm.s32 $0x1F01  }
0x87: {  	v3 =	vsel vm14, $0x100E, v3;
	v2 =	vsel vm0, $0x1507, v2;
	v4 =	vsel vm14, $0x1800, v4  }
0x88: {  	v3 =	vsel vm13, $0x110E, v3;
	v21 =	vsel vm1, $0x1607, v2;
	v2 =	vimm.s32 $0x170D  }
0x89: {  	v4 =	vsel vm13, $0x1900, v4;
	v3 =	vsel vm12, $0x120E, v3;
	v2 =	vsel vm14, $0x100C, v2  }
0x8a: {  	v4 =	vsel vm12, $0x1A00, v4;
	v3 =	vsel vm11, $0x130E, v3;
	v2 =	vsel vm13, $0x110C, v2  }
0x8b: {  	v4 =	vsel vm11, $0x1B00, v4;
	v3 =	vsel vm10, $0x140E, v3;
	v2 =	vsel vm12, $0x120C, v2  }
0x8c: {  	v4 =	vsel vm10, $0x1C00, v4;
	v3 =	vsel vm9, $0x150E, v3;
	v2 =	vsel vm11, $0x130C, v2  }
0x8d: {  	v4 =	vsel vm9, $0x1D00, v4;
	v3 =	vsel vm8, $0x160E, v3;
	v2 =	vsel vm10, $0x140C, v2  }
0x8e: {  	v4 =	vsel vm8, $0x1E00, v4;
	v3 =	vsel vm7, $0x170E, v3;
	v2 =	vsel vm9, $0x150C, v2  }
0x8f: {  	v4 =	vsel vm7, $0x1F00, v4;
	v3 =	vsel vm6, $0x100F, v3;
	v2 =	vsel vm8, $0x160C, v2  }
0x90: {  	v4 =	vsel vm6, $0x1801, v4;
	v3 =	vsel vm5, $0x110F, v3;
	v2 =	vsel vm7, $0x170C, v2  }
0x91: {  	v4 =	vsel vm5, $0x1901, v4;
	v3 =	vsel vm4, $0x120F, v3;
	v2 =	vsel vm6, $0x100D, v2  }
0x92: {  	v4 =	vsel vm4, $0x1A01, v4;
	v3 =	vsel vm3, $0x130F, v3;
	v2 =	vsel vm5, $0x110D, v2  }
0x93: {  	v4 =	vsel vm3, $0x1B01, v4;
	v3 =	vsel vm2, $0x140F, v3;
	v2 =	vsel vm4, $0x120D, v2  }
0x94: {  	v4 =	vsel vm2, $0x1C01, v4;
	v3 =	vsel vm0, $0x150F, v3;
	v2 =	vsel vm3, $0x130D, v2  }
0x95: {  	v4 =	vsel vm0, $0x1D01, v4;
	v25 =	vsel vm1, $0x160F, v3;
	v3 =	vimm.s32 $0x1F05  }
0x96: {  	v2 =	vsel vm2, $0x140D, v2;
	v26 =	vsel vm1, $0x1E01, v4;
	v4 =	vimm.s32 $0x1F07  }
0x97: {  	v3 =	vsel vm14, $0x1804, v3;
	v2 =	vsel vm0, $0x150D, v2;
	v4 =	vsel vm14, $0x1806, v4  }
0x98: {  	v3 =	vsel vm13, $0x1904, v3;
	v24 =	vsel vm1, $0x160D, v2;
	v2 =	vimm.s32 $0x1F03  }
0x99: {  	v4 =	vsel vm13, $0x1906, v4;
	v3 =	vsel vm12, $0x1A04, v3;
	v2 =	vsel vm14, $0x1802, v2  }
0x9a: {  	v4 =	vsel vm12, $0x1A06, v4;
	v3 =	vsel vm11, $0x1B04, v3;
	v2 =	vsel vm13, $0x1902, v2  }
0x9b: {  	v4 =	vsel vm11, $0x1B06, v4;
	v3 =	vsel vm10, $0x1C04, v3;
	v2 =	vsel vm12, $0x1A02, v2  }
0x9c: {  	v4 =	vsel vm10, $0x1C06, v4;
	v3 =	vsel vm9, $0x1D04, v3;
	v2 =	vsel vm11, $0x1B02, v2  }
0x9d: {  	v4 =	vsel vm9, $0x1D06, v4;
	v3 =	vsel vm8, $0x1E04, v3;
	v2 =	vsel vm10, $0x1C02, v2  }
0x9e: {  	v4 =	vsel vm8, $0x1E06, v4;
	v3 =	vsel vm7, $0x1F04, v3;
	v2 =	vsel vm9, $0x1D02, v2  }
0x9f: {  	v4 =	vsel vm7, $0x1F06, v4;
	v3 =	vsel vm6, $0x1805, v3;
	v2 =	vsel vm8, $0x1E02, v2  }
0xa0: {  	v4 =	vsel vm6, $0x1807, v4;
	v3 =	vsel vm5, $0x1905, v3;
	v2 =	vsel vm7, $0x1F02, v2  }
0xa1: {  	v4 =	vsel vm5, $0x1907, v4;
	v3 =	vsel vm4, $0x1A05, v3;
	v2 =	vsel vm6, $0x1803, v2  }
0xa2: {  	v4 =	vsel vm4, $0x1A07, v4;
	v3 =	vsel vm3, $0x1B05, v3;
	v2 =	vsel vm5, $0x1903, v2  }
0xa3: {  	v4 =	vsel vm3, $0x1B07, v4;
	v3 =	vsel vm2, $0x1C05, v3;
	v2 =	vsel vm4, $0x1A03, v2  }
0xa4: {  	v4 =	vsel vm2, $0x1C07, v4;
	v3 =	vsel vm0, $0x1D05, v3;
	v2 =	vsel vm3, $0x1B03, v2  }
0xa5: {  	v4 =	vsel vm0, $0x1D07, v4;
	v28 =	vsel vm1, $0x1E05, v3;
	v3 =	vimm.s32 $0x1F0B  }
0xa6: {  	v2 =	vsel vm2, $0x1C03, v2;
	v29 =	vsel vm1, $0x1E07, v4;
	v4 =	vimm.s32 $0x1F0D  }
0xa7: {  	v3 =	vsel vm14, $0x180A, v3;
	v2 =	vsel vm0, $0x1D03, v2;
	v4 =	vsel vm14, $0x180C, v4  }
0xa8: {  	v3 =	vsel vm13, $0x190A, v3;
	v27 =	vsel vm1, $0x1E03, v2;
	v2 =	vimm.s32 $0x1F09  }
0xa9: {  	v4 =	vsel vm13, $0x190C, v4;
	v3 =	vsel vm12, $0x1A0A, v3;
	v2 =	vsel vm14, $0x1808, v2  }
0xaa: {  	v4 =	vsel vm12, $0x1A0C, v4;
	v3 =	vsel vm11, $0x1B0A, v3;
	v2 =	vsel vm13, $0x1908, v2  }
0xab: {  	v4 =	vsel vm11, $0x1B0C, v4;
	v3 =	vsel vm10, $0x1C0A, v3;
	v2 =	vsel vm12, $0x1A08, v2  }
0xac: {  	v4 =	vsel vm10, $0x1C0C, v4;
	v3 =	vsel vm9, $0x1D0A, v3;
	v2 =	vsel vm11, $0x1B08, v2  }
0xad: {  	v4 =	vsel vm9, $0x1D0C, v4;
	v3 =	vsel vm8, $0x1E0A, v3;
	v2 =	vsel vm10, $0x1C08, v2  }
0xae: {  	v4 =	vsel vm8, $0x1E0C, v4;
	v3 =	vsel vm7, $0x1F0A, v3;
	v2 =	vsel vm9, $0x1D08, v2  }
0xaf: {  	v4 =	vsel vm7, $0x1F0C, v4;
	v3 =	vsel vm6, $0x180B, v3;
	v2 =	vsel vm8, $0x1E08, v2  }
0xb0: {  	v4 =	vsel vm6, $0x180D, v4;
	v3 =	vsel vm5, $0x190B, v3;
	v2 =	vsel vm7, $0x1F08, v2  }
0xb1: {  	v4 =	vsel vm5, $0x190D, v4;
	v3 =	vsel vm4, $0x1A0B, v3;
	v2 =	vsel vm6, $0x1809, v2  }
0xb2: {  	v4 =	vsel vm4, $0x1A0D, v4;
	v3 =	vsel vm3, $0x1B0B, v3;
	v2 =	vsel vm5, $0x1909, v2  }
0xb3: {  	v4 =	vsel vm3, $0x1B0D, v4;
	v3 =	vsel vm2, $0x1C0B, v3;
	v2 =	vsel vm4, $0x1A09, v2  }
0xb4: {  	v4 =	vsel vm2, $0x1C0D, v4;
	v3 =	vsel vm0, $0x1D0B, v3;
	v2 =	vsel vm3, $0x1B09, v2  }
0xb5: {  	v4 =	vsel vm0, $0x1D0D, v4;
	v31 =	vsel vm1, $0x1E0B, v3;
	v3 =	vimm.s32 $0x2701  }
0xb6: {  	v2 =	vsel vm2, $0x1C09, v2;
	v32 =	vsel vm1, $0x1E0D, v4;
	v4 =	vimm.s32 $0x2703  }
0xb7: {  	v3 =	vsel vm14, $0x2000, v3;
	v2 =	vsel vm0, $0x1D09, v2;
	v4 =	vsel vm14, $0x2002, v4  }
0xb8: {  	v3 =	vsel vm13, $0x2100, v3;
	v30 =	vsel vm1, $0x1E09, v2;
	v2 =	vimm.s32 $0x1F0F  }
0xb9: {  	v4 =	vsel vm13, $0x2102, v4;
	v3 =	vsel vm12, $0x2200, v3;
	v2 =	vsel vm14, $0x180E, v2  }
0xba: {  	v4 =	vsel vm12, $0x2202, v4;
	v3 =	vsel vm11, $0x2300, v3;
	v2 =	vsel vm13, $0x190E, v2  }
0xbb: {  	v4 =	vsel vm11, $0x2302, v4;
	v3 =	vsel vm10, $0x2400, v3;
	v2 =	vsel vm12, $0x1A0E, v2  }
0xbc: {  	v4 =	vsel vm10, $0x2402, v4;
	v3 =	vsel vm9, $0x2500, v3;
	v2 =	vsel vm11, $0x1B0E, v2  }
0xbd: {  	v4 =	vsel vm9, $0x2502, v4;
	v3 =	vsel vm8, $0x2600, v3;
	v2 =	vsel vm10, $0x1C0E, v2  }
0xbe: {  	v4 =	vsel vm8, $0x2602, v4;
	v3 =	vsel vm7, $0x2700, v3;
	v2 =	vsel vm9, $0x1D0E, v2  }
0xbf: {  	v4 =	vsel vm7, $0x2702, v4;
	v3 =	vsel vm6, $0x2001, v3;
	v2 =	vsel vm8, $0x1E0E, v2  }
0xc0: {  	v4 =	vsel vm6, $0x2003, v4;
	v3 =	vsel vm5, $0x2101, v3;
	v2 =	vsel vm7, $0x1F0E, v2  }
0xc1: {  	v4 =	vsel vm5, $0x2103, v4;
	v3 =	vsel vm4, $0x2201, v3;
	v2 =	vsel vm6, $0x180F, v2  }
0xc2: {  	v4 =	vsel vm4, $0x2203, v4;
	v3 =	vsel vm3, $0x2301, v3;
	v2 =	vsel vm5, $0x190F, v2  }
0xc3: {  	v4 =	vsel vm3, $0x2303, v4;
	v3 =	vsel vm2, $0x2401, v3;
	v2 =	vsel vm4, $0x1A0F, v2  }
0xc4: {  	v4 =	vsel vm2, $0x2403, v4;
	v3 =	vsel vm0, $0x2501, v3;
	v2 =	vsel vm3, $0x1B0F, v2  }
0xc5: {  	v4 =	vsel vm0, $0x2503, v4;
	v34 =	vsel vm1, $0x2601, v3;
	v3 =	vimm.s32 $0x2707  }
0xc6: {  	v2 =	vsel vm2, $0x1C0F, v2;
	v35 =	vsel vm1, $0x2603, v4;
	v4 =	vimm.s32 $0x2709  }
0xc7: {  	v3 =	vsel vm14, $0x2006, v3;
	v2 =	vsel vm0, $0x1D0F, v2;
	v4 =	vsel vm14, $0x2008, v4  }
0xc8: {  	v3 =	vsel vm13, $0x2106, v3;
	v33 =	vsel vm1, $0x1E0F, v2;
	v2 =	vimm.s32 $0x2705  }
0xc9: {  	v4 =	vsel vm13, $0x2108, v4;
	v3 =	vsel vm12, $0x2206, v3;
	v2 =	vsel vm14, $0x2004, v2  }
0xca: {  	v4 =	vsel vm12, $0x2208, v4;
	v3 =	vsel vm11, $0x2306, v3;
	v2 =	vsel vm13, $0x2104, v2  }
0xcb: {  	v4 =	vsel vm11, $0x2308, v4;
	v3 =	vsel vm10, $0x2406, v3;
	v2 =	vsel vm12, $0x2204, v2  }
0xcc: {  	v4 =	vsel vm10, $0x2408, v4;
	v3 =	vsel vm9, $0x2506, v3;
	v2 =	vsel vm11, $0x2304, v2  }
0xcd: {  	v4 =	vsel vm9, $0x2508, v4;
	v3 =	vsel vm8, $0x2606, v3;
	v2 =	vsel vm10, $0x2404, v2  }
0xce: {  	v4 =	vsel vm8, $0x2608, v4;
	v3 =	vsel vm7, $0x2706, v3;
	v2 =	vsel vm9, $0x2504, v2  }
0xcf: {  	v4 =	vsel vm7, $0x2708, v4;
	v3 =	vsel vm6, $0x2007, v3;
	v2 =	vsel vm8, $0x2604, v2  }
0xd0: {  	v4 =	vsel vm6, $0x2009, v4;
	v3 =	vsel vm5, $0x2107, v3;
	v2 =	vsel vm7, $0x2704, v2  }
0xd1: {  	v4 =	vsel vm5, $0x2109, v4;
	v3 =	vsel vm4, $0x2207, v3;
	v2 =	vsel vm6, $0x2005, v2  }
0xd2: {  	v4 =	vsel vm4, $0x2209, v4;
	v3 =	vsel vm3, $0x2307, v3;
	v2 =	vsel vm5, $0x2105, v2  }
0xd3: {  	v4 =	vsel vm3, $0x2309, v4;
	v3 =	vsel vm2, $0x2407, v3;
	v2 =	vsel vm4, $0x2205, v2  }
0xd4: {  	v4 =	vsel vm2, $0x2409, v4;
	v3 =	vsel vm0, $0x2507, v3;
	v2 =	vsel vm3, $0x2305, v2  }
0xd5: {  	v4 =	vsel vm0, $0x2509, v4;
	v37 =	vsel vm1, $0x2607, v3;
	v3 =	vimm.s32 $0x270D  }
0xd6: {  	v2 =	vsel vm2, $0x2405, v2;
	v38 =	vsel vm1, $0x2609, v4;
	v4 =	vimm.s32 $0x270F  }
0xd7: {  	v3 =	vsel vm14, $0x200C, v3;
	v2 =	vsel vm0, $0x2505, v2;
	v4 =	vsel vm14, $0x200E, v4  }
0xd8: {  	v3 =	vsel vm13, $0x210C, v3;
	v36 =	vsel vm1, $0x2605, v2;
	v2 =	vimm.s32 $0x270B  }
0xd9: {  	v4 =	vsel vm13, $0x210E, v4;
	v3 =	vsel vm12, $0x220C, v3;
	v2 =	vsel vm14, $0x200A, v2  }
0xda: {  	v4 =	vsel vm12, $0x220E, v4;
	v3 =	vsel vm11, $0x230C, v3;
	v2 =	vsel vm13, $0x210A, v2  }
0xdb: {  	v4 =	vsel vm11, $0x230E, v4;
	v3 =	vsel vm10, $0x240C, v3;
	v2 =	vsel vm12, $0x220A, v2  }
0xdc: {  	v4 =	vsel vm10, $0x240E, v4;
	v3 =	vsel vm9, $0x250C, v3;
	v2 =	vsel vm11, $0x230A, v2  }
0xdd: {  	v4 =	vsel vm9, $0x250E, v4;
	v3 =	vsel vm8, $0x260C, v3;
	v2 =	vsel vm10, $0x240A, v2  }
0xde: {  	v4 =	vsel vm8, $0x260E, v4;
	v3 =	vsel vm7, $0x270C, v3;
	v2 =	vsel vm9, $0x250A, v2  }
0xdf: {  	v4 =	vsel vm7, $0x270E, v4;
	v3 =	vsel vm6, $0x200D, v3;
	v2 =	vsel vm8, $0x260A, v2  }
0xe0: {  	v4 =	vsel vm6, $0x200F, v4;
	v3 =	vsel vm5, $0x210D, v3;
	v2 =	vsel vm7, $0x270A, v2  }
0xe1: {  	v4 =	vsel vm5, $0x210F, v4;
	v3 =	vsel vm4, $0x220D, v3;
	v2 =	vsel vm6, $0x200B, v2  }
0xe2: {  	v4 =	vsel vm4, $0x220F, v4;
	v3 =	vsel vm3, $0x230D, v3;
	v2 =	vsel vm5, $0x210B, v2  }
0xe3: {  	v4 =	vsel vm3, $0x230F, v4;
	v3 =	vsel vm2, $0x240D, v3;
	v2 =	vsel vm4, $0x220B, v2  }
0xe4: {  	v4 =	vsel vm2, $0x240F, v4;
	v3 =	vsel vm0, $0x250D, v3;
	v2 =	vsel vm3, $0x230B, v2  }
0xe5: {  	v4 =	vsel vm0, $0x250F, v4;
	v40 =	vsel vm1, $0x260D, v3;
	v3 =	vimm.s32 $0x2F03  }
0xe6: {  	v2 =	vsel vm2, $0x240B, v2;
	v41 =	vsel vm1, $0x260F, v4;
	v4 =	vimm.s32 $0x2F05  }
0xe7: {  	v3 =	vsel vm14, $0x2802, v3;
	v2 =	vsel vm0, $0x250B, v2;
	v4 =	vsel vm14, $0x2804, v4  }
0xe8: {  	v3 =	vsel vm13, $0x2902, v3;
	v39 =	vsel vm1, $0x260B, v2;
	v2 =	vimm.s32 $0x2F01  }
0xe9: {  	v4 =	vsel vm13, $0x2904, v4;
	v3 =	vsel vm12, $0x2A02, v3;
	v2 =	vsel vm14, $0x2800, v2  }
0xea: {  	v4 =	vsel vm12, $0x2A04, v4;
	v3 =	vsel vm11, $0x2B02, v3;
	v2 =	vsel vm13, $0x2900, v2  }
0xeb: {  	v4 =	vsel vm11, $0x2B04, v4;
	v3 =	vsel vm10, $0x2C02, v3;
	v2 =	vsel vm12, $0x2A00, v2  }
0xec: {  	v4 =	vsel vm10, $0x2C04, v4;
	v3 =	vsel vm9, $0x2D02, v3;
	v2 =	vsel vm11, $0x2B00, v2  }
0xed: {  	v4 =	vsel vm9, $0x2D04, v4;
	v3 =	vsel vm8, $0x2E02, v3;
	v2 =	vsel vm10, $0x2C00, v2  }
0xee: {  	v4 =	vsel vm8, $0x2E04, v4;
	v3 =	vsel vm7, $0x2F02, v3;
	v2 =	vsel vm9, $0x2D00, v2  }
0xef: {  	v4 =	vsel vm7, $0x2F04, v4;
	v3 =	vsel vm6, $0x2803, v3;
	v2 =	vsel vm8, $0x2E00, v2  }
0xf0: {  	v4 =	vsel vm6, $0x2805, v4;
	v3 =	vsel vm5, $0x2903, v3;
	v2 =	vsel vm7, $0x2F00, v2  }
0xf1: {  	v4 =	vsel vm5, $0x2905, v4;
	v3 =	vsel vm4, $0x2A03, v3;
	v2 =	vsel vm6, $0x2801, v2  }
0xf2: {  	v4 =	vsel vm4, $0x2A05, v4;
	v3 =	vsel vm3, $0x2B03, v3;
	v2 =	vsel vm5, $0x2901, v2  }
0xf3: {  	v4 =	vsel vm3, $0x2B05, v4;
	v3 =	vsel vm2, $0x2C03, v3;
	v2 =	vsel vm4, $0x2A01, v2  }
0xf4: {  	v4 =	vsel vm2, $0x2C05, v4;
	v3 =	vsel vm0, $0x2D03, v3;
	v2 =	vsel vm3, $0x2B01, v2  }
0xf5: {  	v4 =	vsel vm0, $0x2D05, v4;
	v43 =	vsel vm1, $0x2E03, v3;
	v3 =	vimm.s32 $0x2F09  }
0xf6: {  	v2 =	vsel vm2, $0x2C01, v2;
	v44 =	vsel vm1, $0x2E05, v4;
	v4 =	vimm.s32 $0x2F0B  }
0xf7: {  	v3 =	vsel vm14, $0x2808, v3;
	v2 =	vsel vm0, $0x2D01, v2;
	v4 =	vsel vm14, $0x280A, v4  }
0xf8: {  	v3 =	vsel vm13, $0x2908, v3;
	v42 =	vsel vm1, $0x2E01, v2;
	v2 =	vimm.s32 $0x2F07  }
0xf9: {  	v4 =	vsel vm13, $0x290A, v4;
	v3 =	vsel vm12, $0x2A08, v3;
	v2 =	vsel vm14, $0x2806, v2  }
0xfa: {  	v4 =	vsel vm12, $0x2A0A, v4;
	v3 =	vsel vm11, $0x2B08, v3;
	v2 =	vsel vm13, $0x2906, v2  }
0xfb: {  	v4 =	vsel vm11, $0x2B0A, v4;
	v3 =	vsel vm10, $0x2C08, v3;
	v2 =	vsel vm12, $0x2A06, v2  }
0xfc: {  	v4 =	vsel vm10, $0x2C0A, v4;
	v3 =	vsel vm9, $0x2D08, v3;
	v2 =	vsel vm11, $0x2B06, v2  }
0xfd: {  	v4 =	vsel vm9, $0x2D0A, v4;
	v3 =	vsel vm8, $0x2E08, v3;
	v2 =	vsel vm10, $0x2C06, v2  }
0xfe: {  	v4 =	vsel vm8, $0x2E0A, v4;
	v3 =	vsel vm7, $0x2F08, v3;
	v2 =	vsel vm9, $0x2D06, v2  }
0xff: {  	v4 =	vsel vm7, $0x2F0A, v4;
	v3 =	vsel vm6, $0x2809, v3;
	v2 =	vsel vm8, $0x2E06, v2  }
0x100: {  	v4 =	vsel vm6, $0x280B, v4;
	v3 =	vsel vm5, $0x2909, v3;
	v2 =	vsel vm7, $0x2F06, v2  }
0x101: {  	v4 =	vsel vm5, $0x290B, v4;
	v3 =	vsel vm4, $0x2A09, v3;
	v2 =	vsel vm6, $0x2807, v2  }
0x102: {  	v4 =	vsel vm4, $0x2A0B, v4;
	v3 =	vsel vm3, $0x2B09, v3;
	v2 =	vsel vm5, $0x2907, v2  }
0x103: {  	v4 =	vsel vm3, $0x2B0B, v4;
	v3 =	vsel vm2, $0x2C09, v3;
	v2 =	vsel vm4, $0x2A07, v2  }
0x104: {  	v4 =	vsel vm2, $0x2C0B, v4;
	v3 =	vsel vm0, $0x2D09, v3;
	v2 =	vsel vm3, $0x2B07, v2  }
0x105: {  	v4 =	vsel vm0, $0x2D0B, v4;
	v46 =	vsel vm1, $0x2E09, v3;
	v3 =	vimm.s32 $0x2F0F  }
0x106: {  	v2 =	vsel vm2, $0x2C07, v2;
	v47 =	vsel vm1, $0x2E0B, v4;
	v4 =	vimm.s32 $0x3701  }
0x107: {  	v3 =	vsel vm14, $0x280E, v3;
	v2 =	vsel vm0, $0x2D07, v2;
	v4 =	vsel vm14, $0x3000, v4  }
0x108: {  	v3 =	vsel vm13, $0x290E, v3;
	v45 =	vsel vm1, $0x2E07, v2;
	v2 =	vimm.s32 $0x2F0D  }
0x109: {  	v4 =	vsel vm13, $0x3100, v4;
	v3 =	vsel vm12, $0x2A0E, v3;
	v2 =	vsel vm14, $0x280C, v2  }
0x10a: {  	v4 =	vsel vm12, $0x3200, v4;
	v3 =	vsel vm11, $0x2B0E, v3;
	v2 =	vsel vm13, $0x290C, v2  }
0x10b: {  	v4 =	vsel vm11, $0x3300, v4;
	v3 =	vsel vm10, $0x2C0E, v3;
	v2 =	vsel vm12, $0x2A0C, v2  }
0x10c: {  	v4 =	vsel vm10, $0x3400, v4;
	v3 =	vsel vm9, $0x2D0E, v3;
	v2 =	vsel vm11, $0x2B0C, v2  }
0x10d: {  	v4 =	vsel vm9, $0x3500, v4;
	v3 =	vsel vm8, $0x2E0E, v3;
	v2 =	vsel vm10, $0x2C0C, v2  }
0x10e: {  	v4 =	vsel vm8, $0x3600, v4;
	v3 =	vsel vm7, $0x2F0E, v3;
	v2 =	vsel vm9, $0x2D0C, v2  }
0x10f: {  	v4 =	vsel vm7, $0x3700, v4;
	v3 =	vsel vm6, $0x280F, v3;
	v2 =	vsel vm8, $0x2E0C, v2  }
0x110: {  	v4 =	vsel vm6, $0x3001, v4;
	v3 =	vsel vm5, $0x290F, v3;
	v2 =	vsel vm7, $0x2F0C, v2  }
0x111: {  	v4 =	vsel vm5, $0x3101, v4;
	v3 =	vsel vm4, $0x2A0F, v3;
	v2 =	vsel vm6, $0x280D, v2  }
0x112: {  	v4 =	vsel vm4, $0x3201, v4;
	v3 =	vsel vm3, $0x2B0F, v3;
	v2 =	vsel vm5, $0x290D, v2  }
0x113: {  	v4 =	vsel vm3, $0x3301, v4;
	v3 =	vsel vm2, $0x2C0F, v3;
	v2 =	vsel vm4, $0x2A0D, v2  }
0x114: {  	v4 =	vsel vm2, $0x3401, v4;
	v3 =	vsel vm0, $0x2D0F, v3;
	v2 =	vsel vm3, $0x2B0D, v2  }
0x115: {  	v4 =	vsel vm0, $0x3501, v4;
	v49 =	vsel vm1, $0x2E0F, v3;
	v3 =	vimm.s32 $0x3705  }
0x116: {  	v2 =	vsel vm2, $0x2C0D, v2;
	v50 =	vsel vm1, $0x3601, v4;
	v4 =	vimm.s32 $0x3707  }
0x117: {  	v3 =	vsel vm14, $0x3004, v3;
	v2 =	vsel vm0, $0x2D0D, v2;
	v4 =	vsel vm14, $0x3006, v4  }
0x118: {  	v3 =	vsel vm13, $0x3104, v3;
	v48 =	vsel vm1, $0x2E0D, v2;
	v2 =	vimm.s32 $0x3703  }
0x119: {  	v4 =	vsel vm13, $0x3106, v4;
	v3 =	vsel vm12, $0x3204, v3;
	v2 =	vsel vm14, $0x3002, v2  }
0x11a: {  	v4 =	vsel vm12, $0x3206, v4;
	v3 =	vsel vm11, $0x3304, v3;
	v2 =	vsel vm13, $0x3102, v2  }
0x11b: {  	v4 =	vsel vm11, $0x3306, v4;
	v3 =	vsel vm10, $0x3404, v3;
	v2 =	vsel vm12, $0x3202, v2  }
0x11c: {  	v4 =	vsel vm10, $0x3406, v4;
	v3 =	vsel vm9, $0x3504, v3;
	v2 =	vsel vm11, $0x3302, v2  }
0x11d: {  	v4 =	vsel vm9, $0x3506, v4;
	v3 =	vsel vm8, $0x3604, v3;
	v2 =	vsel vm10, $0x3402, v2  }
0x11e: {  	v4 =	vsel vm8, $0x3606, v4;
	v3 =	vsel vm7, $0x3704, v3;
	v2 =	vsel vm9, $0x3502, v2  }
0x11f: {  	v4 =	vsel vm7, $0x3706, v4;
	v3 =	vsel vm6, $0x3005, v3;
	v2 =	vsel vm8, $0x3602, v2  }
0x120: {  	v4 =	vsel vm6, $0x3007, v4;
	v3 =	vsel vm5, $0x3105, v3;
	v2 =	vsel vm7, $0x3702, v2  }
0x121: {  	v4 =	vsel vm5, $0x3107, v4;
	v3 =	vsel vm4, $0x3205, v3;
	v2 =	vsel vm6, $0x3003, v2  }
0x122: {  	v4 =	vsel vm4, $0x3207, v4;
	v3 =	vsel vm3, $0x3305, v3;
	v2 =	vsel vm5, $0x3103, v2  }
0x123: {  	v4 =	vsel vm3, $0x3307, v4;
	v3 =	vsel vm2, $0x3405, v3;
	v2 =	vsel vm4, $0x3203, v2  }
0x124: {  	v4 =	vsel vm2, $0x3407, v4;
	v3 =	vsel vm0, $0x3505, v3;
	v2 =	vsel vm3, $0x3303, v2  }
0x125: {  	v4 =	vsel vm0, $0x3507, v4;
	v52 =	vsel vm1, $0x3605, v3;
	v3 =	vimm.s32 $0x370B  }
0x126: {  	v2 =	vsel vm2, $0x3403, v2;
	v53 =	vsel vm1, $0x3607, v4;
	v4 =	vimm.s32 $0x370D  }
0x127: {  	v3 =	vsel vm14, $0x300A, v3;
	v2 =	vsel vm0, $0x3503, v2;
	v4 =	vsel vm14, $0x300C, v4  }
0x128: {  	v3 =	vsel vm13, $0x310A, v3;
	v51 =	vsel vm1, $0x3603, v2;
	v2 =	vimm.s32 $0x3709  }
0x129: {  	v4 =	vsel vm13, $0x310C, v4;
	v3 =	vsel vm12, $0x320A, v3;
	v2 =	vsel vm14, $0x3008, v2  }
0x12a: {  	v4 =	vsel vm12, $0x320C, v4;
	v3 =	vsel vm11, $0x330A, v3;
	v2 =	vsel vm13, $0x3108, v2  }
0x12b: {  	v4 =	vsel vm11, $0x330C, v4;
	v3 =	vsel vm10, $0x340A, v3;
	v2 =	vsel vm12, $0x3208, v2  }
0x12c: {  	v4 =	vsel vm10, $0x340C, v4;
	v3 =	vsel vm9, $0x350A, v3;
	v2 =	vsel vm11, $0x3308, v2  }
0x12d: {  	v4 =	vsel vm9, $0x350C, v4;
	v3 =	vsel vm8, $0x360A, v3;
	v2 =	vsel vm10, $0x3408, v2  }
0x12e: {  	v4 =	vsel vm8, $0x360C, v4;
	v3 =	vsel vm7, $0x370A, v3;
	v2 =	vsel vm9, $0x3508, v2  }
0x12f: {  	v4 =	vsel vm7, $0x370C, v4;
	v3 =	vsel vm6, $0x300B, v3;
	v2 =	vsel vm8, $0x3608, v2  }
0x130: {  	v4 =	vsel vm6, $0x300D, v4;
	v3 =	vsel vm5, $0x310B, v3;
	v2 =	vsel vm7, $0x3708, v2  }
0x131: {  	v4 =	vsel vm5, $0x310D, v4;
	v3 =	vsel vm4, $0x320B, v3;
	v2 =	vsel vm6, $0x3009, v2  }
0x132: {  	v4 =	vsel vm4, $0x320D, v4;
	v3 =	vsel vm3, $0x330B, v3;
	v2 =	vsel vm5, $0x3109, v2  }
0x133: {  	v4 =	vsel vm3, $0x330D, v4;
	v3 =	vsel vm2, $0x340B, v3;
	v2 =	vsel vm4, $0x3209, v2  }
0x134: {  	v4 =	vsel vm2, $0x340D, v4;
	v3 =	vsel vm0, $0x350B, v3;
	v2 =	vsel vm3, $0x3309, v2  }
0x135: {  	v4 =	vsel vm0, $0x350D, v4;
	v55 =	vsel vm1, $0x360B, v3;
	v3 =	vimm.s32 $0x3F01  }
0x136: {  	v2 =	vsel vm2, $0x3409, v2;
	v56 =	vsel vm1, $0x360D, v4;
	v4 =	vimm.s32 $0x3F03  }
0x137: {  	v3 =	vsel vm14, $0x3800, v3;
	v2 =	vsel vm0, $0x3509, v2;
	v4 =	vsel vm14, $0x3802, v4  }
0x138: {  	v3 =	vsel vm13, $0x3900, v3;
	v54 =	vsel vm1, $0x3609, v2;
	v2 =	vimm.s32 $0x370F  }
0x139: {  	v4 =	vsel vm13, $0x3902, v4;
	v3 =	vsel vm12, $0x3A00, v3;
	v2 =	vsel vm14, $0x300E, v2  }
0x13a: {  	v4 =	vsel vm12, $0x3A02, v4;
	v3 =	vsel vm11, $0x3B00, v3;
	v2 =	vsel vm13, $0x310E, v2  }
0x13b: {  	v4 =	vsel vm11, $0x3B02, v4;
	v3 =	vsel vm10, $0x3C00, v3;
	v2 =	vsel vm12, $0x320E, v2  }
0x13c: {  	v4 =	vsel vm10, $0x3C02, v4;
	v3 =	vsel vm9, $0x3D00, v3;
	v2 =	vsel vm11, $0x330E, v2  }
0x13d: {  	v4 =	vsel vm9, $0x3D02, v4;
	v3 =	vsel vm8, $0x3E00, v3;
	v2 =	vsel vm10, $0x340E, v2  }
0x13e: {  	v4 =	vsel vm8, $0x3E02, v4;
	v3 =	vsel vm7, $0x3F00, v3;
	v2 =	vsel vm9, $0x350E, v2  }
0x13f: {  	v4 =	vsel vm7, $0x3F02, v4;
	v3 =	vsel vm6, $0x3801, v3;
	v2 =	vsel vm8, $0x360E, v2  }
0x140: {  	v4 =	vsel vm6, $0x3803, v4;
	v3 =	vsel vm5, $0x3901, v3;
	v2 =	vsel vm7, $0x370E, v2  }
0x141: {  	v4 =	vsel vm5, $0x3903, v4;
	v3 =	vsel vm4, $0x3A01, v3;
	v2 =	vsel vm6, $0x300F, v2  }
0x142: {  	v4 =	vsel vm4, $0x3A03, v4;
	v3 =	vsel vm3, $0x3B01, v3;
	v2 =	vsel vm5, $0x310F, v2  }
0x143: {  	v4 =	vsel vm3, $0x3B03, v4;
	v3 =	vsel vm2, $0x3C01, v3;
	v2 =	vsel vm4, $0x320F, v2  }
0x144: {  	v4 =	vsel vm2, $0x3C03, v4;
	v3 =	vsel vm0, $0x3D01, v3;
	v2 =	vsel vm3, $0x330F, v2  }
0x145: {  	v4 =	vsel vm0, $0x3D03, v4;
	v58 =	vsel vm1, $0x3E01, v3;
	v3 =	vimm.s32 $0x3F07  }
0x146: {  	v2 =	vsel vm2, $0x340F, v2;
	v59 =	vsel vm1, $0x3E03, v4;
	v4 =	vimm.s32 $0x3F09  }
0x147: {  	v3 =	vsel vm14, $0x3806, v3;
	v2 =	vsel vm0, $0x350F, v2;
	v4 =	vsel vm14, $0x3808, v4  }
0x148: {  	v3 =	vsel vm13, $0x3906, v3;
	v57 =	vsel vm1, $0x360F, v2;
	v2 =	vimm.s32 $0x3F05  }
0x149: {  	v4 =	vsel vm13, $0x3908, v4;
	v3 =	vsel vm12, $0x3A06, v3;
	v2 =	vsel vm14, $0x3804, v2  }
0x14a: {  	v4 =	vsel vm12, $0x3A08, v4;
	v3 =	vsel vm11, $0x3B06, v3;
	v2 =	vsel vm13, $0x3904, v2  }
0x14b: {  	v4 =	vsel vm11, $0x3B08, v4;
	v3 =	vsel vm10, $0x3C06, v3;
	v2 =	vsel vm12, $0x3A04, v2  }
0x14c: {  	v4 =	vsel vm10, $0x3C08, v4;
	v3 =	vsel vm9, $0x3D06, v3;
	v2 =	vsel vm11, $0x3B04, v2  }
0x14d: {  	v4 =	vsel vm9, $0x3D08, v4;
	v3 =	vsel vm8, $0x3E06, v3;
	v2 =	vsel vm10, $0x3C04, v2  }
0x14e: {  	v4 =	vsel vm8, $0x3E08, v4;
	v3 =	vsel vm7, $0x3F06, v3;
	v2 =	vsel vm9, $0x3D04, v2  }
0x14f: {  	v4 =	vsel vm7, $0x3F08, v4;
	v3 =	vsel vm6, $0x3807, v3;
	v2 =	vsel vm8, $0x3E04, v2  }
0x150: {  	v4 =	vsel vm6, $0x3809, v4;
	v3 =	vsel vm5, $0x3907, v3;
	v2 =	vsel vm7, $0x3F04, v2  }
0x151: {  	v4 =	vsel vm5, $0x3909, v4;
	v3 =	vsel vm4, $0x3A07, v3;
	v2 =	vsel vm6, $0x3805, v2  }
0x152: {  	v4 =	vsel vm4, $0x3A09, v4;
	v3 =	vsel vm3, $0x3B07, v3;
	v2 =	vsel vm5, $0x3905, v2  }
0x153: {  	v4 =	vsel vm3, $0x3B09, v4;
	v3 =	vsel vm2, $0x3C07, v3;
	v2 =	vsel vm4, $0x3A05, v2  }
0x154: {  	v4 =	vsel vm2, $0x3C09, v4;
	v3 =	vsel vm0, $0x3D07, v3;
	v2 =	vsel vm3, $0x3B05, v2  }
0x155: {  	v4 =	vsel vm0, $0x3D09, v4;
	v61 =	vsel vm1, $0x3E07, v3;
	v2 =	vsel vm2, $0x3C05, v2  }
0x156: {  	v3 =	vimm.s32 $0x3F0D;
	v62 =	vsel vm1, $0x3E09, v4;
	v2 =	vsel vm0, $0x3D05, v2  }
0x157: {  	v4 =	vimm.s32 $0x3F0F;
	v60 =	vsel vm1, $0x3E05, v2;
	v2 =	vimm.s32 $0x3F0B  }
0x158: {  	v3 =	vsel vm14, $0x380C, v3;
	v4 =	vsel vm14, $0x380E, v4;
	v2 =	vsel vm14, $0x380A, v2  }
0x159: {  	v3 =	vsel vm13, $0x390C, v3;
	v4 =	vsel vm13, $0x390E, v4;
	v2 =	vsel vm13, $0x390A, v2  }
0x15a: {  	s0 =	rddreg [dreg:$0x0];
	v3 =	vsel vm12, $0x3A0C, v3;
	v4 =	vsel vm12, $0x3A0E, v4;
	v2 =	vsel vm12, $0x3A0A, v2  }
0x15b: {  	s4 =	rddreg [dreg:$0x1];
	s2 =	srdreg.scid;
	v3 =	vsel vm11, $0x3B0C, v3;
	v4 =	vsel vm11, $0x3B0E, v4;
	v2 =	vsel vm11, $0x3B0A, v2  }
0x15c: {  	s1 =	stileid.u32;
	s7 =	rddreg [dreg:$0x2];
	v3 =	vsel vm10, $0x3C0C, v3;
	v4 =	vsel vm10, $0x3C0E, v4;
	v2 =	vsel vm10, $0x3C0A, v2  }
0x15d: {  	s3 =	simm.s32 $0x0;
	s11 =	simm.s32 $0x80;
	s12 =	simm.s32 $0x300;
	v3 =	vsel vm9, $0x3D0C, v3;
	v4 =	vsel vm9, $0x3D0E, v4;
	v2 =	vsel vm9, $0x3D0A, v2  }
0x15e: {  	s13 =	simm.s32 $0x400;
	s14 =	simm.s32 $0x380;
	s15 =	simm.s32 $0x4400;
	v3 =	vsel vm8, $0x3E0C, v3;
	v4 =	vsel vm8, $0x3E0E, v4;
	v2 =	vsel vm8, $0x3E0A, v2  }
0x15f: {  	s16 =	simm.s32 $0x1;
	s17 =	simm.s32 $0x2;
	s18 =	simm.s32 $0x8400;
	v3 =	vsel vm7, $0x3F0C, v3;
	v4 =	vsel vm7, $0x3F0E, v4;
	v2 =	vsel vm7, $0x3F0A, v2  }
0x160: {  	s5 =	sand.u32 $0x1, s2;
	s6 =	sshll.u32 s1, $0x1;
	s2 =	rddreg [dreg:$0x3];
	v3 =	vsel vm6, $0x380D, v3;
	v4 =	vsel vm6, $0x380F, v4;
	v2 =	vsel vm6, $0x380B, v2  }
0x161: {  	s19 =	simm.s32 $0x0;
	[smem:$0x7FF] =	sst s3;
	s6 =	sor.u32 s5, s6;
	v3 =	vsel vm5, $0x390D, v3;
	v4 =	vsel vm5, $0x390F, v4;
	v2 =	vsel vm5, $0x390B, v2  }
.Ltmp0:
0x162: {  	s5 =	ssub.s32 $0x2, s5;
	s8 =	sshll.u32 s6, $0x5;
	v3 =	vsel vm4, $0x3A0D, v3;
	v4 =	vsel vm4, $0x3A0F, v4;
	v2 =	vsel vm4, $0x3A0B, v2;
	(pc) =	sbr.rel .LBB2_1-.Ltmp0, $4  }
0x163: {  	s31 =	sshrl.u32 s5, $0x1;
	s10 =	sshll.u32 s6, $0xC;
	s6 =	sshll.u32 s6, $0x6;
	v3 =	vsel vm3, $0x3B0D, v3;
	v4 =	vsel vm3, $0x3B0F, v4;
	v2 =	vsel vm3, $0x3B0B, v2  }
0x164: {  	s8 =	sadd.s32 s8, s4;
	s9 =	ssub.s32 s5, s31;
	s7 =	sadd.s32 s7, s10;
	v3 =	vsel vm2, $0x3C0D, v3;
	v4 =	vsel vm2, $0x3C0F, v4;
	v2 =	vsel vm2, $0x3C0B, v2  }
0x165: {  	s10 =	simm.s32 $0x180;
	s4 =	sadd.s32 $0x2600, s8;
	s5 =	sadd.s32 $0x2A00, s8;
	v3 =	vsel vm0, $0x3D0D, v3;
	v4 =	vsel vm0, $0x3D0F, v4;
	v2 =	vsel vm0, $0x3D0B, v2  }
0x166: {  	s8 =	smax.u32 s9, $0x1;
	s9 =	simm.s32 $0x3;
	_ =	strace $0x80000047;
	[tilespmem:$0x1FFF0] =	vst v15;
	v63 =	vsel vm1, $0x3E0B, v2;
	v2 =	vsel vm1, $0x3E0D, v3;
	v3 =	vsel vm1, $0x3E0F, v4  }
.LBB2_6:
0x167: {  	s19 =	sadd.s32 $0x1, s19  }
0x168: {  	p0 =	sne.s32 s19, s8  }
.Ltmp1:
0x169: {  	_ = 	snop;
	(pc) =	sbr.rel @!p0 .LBB2_7-.Ltmp1, $4  }
0x16a: {  	[hbm4b:s7+s3] =	stream.linear.scatter [tilespmem:s18], [sflag:$0x3], $0x8000, $0x38;
	[tilespmem:$0x10400] =	vst v63  }
0x16b: {  	_ =	swait.ge [sflag:s9], $0x8000  }
0x16c: {  	[sflag:s9] =	ssyncset.done $0x0  }
0x16d: {  	[sflag:s9] =	ssyncadd.s32 $0xFFFF8000  }
.LBB2_1:
0x16e: {  	[tilespmem:s3], [sflag:$0x3] =	stream.linear.gather [hbm4b:s4+s3], $0x100, $0x38;
	[tilespmem:$0x10400] =	vst v63  }
0x16f: {  	_ =	swait.ge [sflag:s9], $0x100  }
0x170: {  	[sflag:s9] =	ssyncset.done $0x0  }
0x171: {  	[sflag:s9] =	ssyncadd.s32 $0xFFFFFF00  }
0x172: {  	[tilespmem:s10], [sflag:$0x3] =	stream.linear.gather [hbm4b:s5+s3], $0x100, $0x38;
	[tilespmem:$0x10400] =	vst v63  }
0x173: {  	_ =	swait.ge [sflag:s9], $0x100  }
0x174: {  	[sflag:s9] =	ssyncset.done $0x0  }
0x175: {  	[sflag:s9] =	ssyncadd.s32 $0xFFFFFF00  }
0x176: {  	v4 =	vld [tilespmem:$0x180]  }
0x177: {  	v5 =	vld [tilespmem:$0x0];
	_ =	sdelay $0x3  }
0x178: {  	v4 =	vadd.s32 s6, v4  }
0x179: {  	v5 =	vshrl.u32 v5, $0x7;
	v6 =	vbroadcast v4, $0x0  }
0x17a: {  	v7 =	vbroadcast v5, $0x0;
	v9 =	vbroadcast v4, $0x1  }
0x17b: {  	v10 =	vbroadcast v5, $0x1;
	(v2sf) =	vpush v4, $0x7;
	v11 =	vbroadcast v4, $0x3  }
0x17c: {  	v12 =	vbroadcast v5, $0x3;
	v6 =	vadd.s32 v0, v6;
	v7 =	vadd.s32 v1, v7  }
0x17d: {  	v13 =	vbroadcast v5, $0x4;
	v8 =	vshll.u32 v6, $0x6;
	v7 =	vmin.u32 v7, $0x3F  }
0x17e: {  	v14 =	vbroadcast v4, $0x5;
	v8 =	vand.u32 $0xFFFFFE00, v8;
	v7 =	vshll.u32 v7, $0x3  }
0x17f: {  	v6 =	vand.u32 $0x7, v6;
	v7 =	vor.u32 v7, v8;
	v8 =	vadd.s32 v1, v10  }
0x180: {  	v10 =	vbroadcast v4, $0x2;
	v6 =	vor.u32 v6, v7;
	v7 =	vadd.s32 v0, v9  }
0x181: {  	v8 =	vmin.u32 v8, $0x3F;
	[tilespmem:$0x1FF00] =	vst v6;
	v9 =	vshll.u32 v7, $0x6;
	v6 =	vbroadcast v5, $0x2  }
0x182: {  	(v2sf) =	vpush v5, $0x7;
	v8 =	vshll.u32 v8, $0x3;
	v9 =	vand.u32 $0xFFFFFE00, v9  }
0x183: {  	v8 =	vor.u32 v8, v9;
	v9 =	vadd.s32 v0, v10;
	v6 =	vadd.s32 v1, v6  }
0x184: {  	v7 =	vand.u32 $0x7, v7;
	v10 =	vshll.u32 v9, $0x6;
	v6 =	vmin.u32 v6, $0x3F  }
0x185: {  	v7 =	vor.u32 v7, v8;
	v8 =	vand.u32 $0x7, v9;
	v9 =	vadd.s32 v0, v11  }
0x186: {  	v11 =	vbroadcast v4, $0x4;
	v10 =	vand.u32 $0xFFFFFE00, v10;
	v6 =	vshll.u32 v6, $0x3  }
0x187: {  	v15 =	vbroadcast v5, $0x5;
	v6 =	vor.u32 v6, v10;
	v10 =	vadd.s32 v1, v12  }
0x188: {  	v12 =	vshll.u32 v9, $0x6;
	v11 =	vadd.s32 v0, v11;
	v10 =	vmin.u32 v10, $0x3F  }
0x189: {  	v9 =	vand.u32 $0x7, v9;
	v12 =	vand.u32 $0xFFFFFE00, v12;
	v10 =	vshll.u32 v10, $0x3  }
0x18a: {  	v10 =	vor.u32 v10, v12;
	v12 =	vadd.s32 v1, v13;
	v13 =	vshll.u32 v11, $0x6  }
0x18b: {  	v6 =	vor.u32 v8, v6;
	v12 =	vmin.u32 v12, $0x3F;
	v13 =	vand.u32 $0xFFFFFE00, v13  }
0x18c: {  	v8 =	vor.u32 v9, v10;
	v10 =	vand.u32 $0x7, v11;
	v12 =	vshll.u32 v12, $0x3  }
0x18d: {  	v11 =	vadd.s32 v0, v14;
	v9 =	vor.u32 v12, v13;
	v12 =	vadd.s32 v1, v15  }
0x18e: {  	v13 =	vshll.u32 v11, $0x6;
	v12 =	vmin.u32 v12, $0x3F  }
0x18f: {  	v13 =	vand.u32 $0xFFFFFE00, v13;
	v12 =	vshll.u32 v12, $0x3  }
0x190: {  	v5 =	vbroadcast v5, $0x6;
	v9 =	vor.u32 v10, v9;
	v10 =	vor.u32 v12, v13;
	v12 =	vld [tilespmem:$0x1FF00];
	_ =	sdelay $0x1  }
0x191: {  	v5 =	vadd.s32 v1, v5;
	v4 =	vbroadcast v4, $0x6  }
0x192: {  	v5 =	vmin.u32 v5, $0x3F  }
0x193: {  	v5 =	vshll.u32 v5, $0x3;
	v4 =	vadd.s32 v0, v4;
	[tilespmem:$0x320] =	vst v6;
	s20 =	spop (v2sf)  }
0x194: {  	s21 =	spop (v2sf);
	v6 =	vadd.s32 s20, v0;
	v11 =	vand.u32 $0x7, v11;
	[tilespmem:$0x300] =	vst v12;
	v12 =	vshll.u32 v4, $0x6  }
0x195: {  	[tilespmem:$0x310] =	vst v7;
	v7 =	vor.u32 v11, v10;
	v11 =	vadd.s32 s21, v1;
	v10 =	vand.u32 $0xFFFFFE00, v12  }
0x196: {  	[tilespmem:$0x330] =	vst v8;
	v8 =	vmin.u32 v11, $0x3F;
	v5 =	vor.u32 v5, v10;
	v10 =	vshll.u32 v6, $0x6  }
0x197: {  	[tilespmem:$0x340] =	vst v9;
	v8 =	vshll.u32 v8, $0x3;
	v4 =	vand.u32 $0x7, v4;
	v9 =	vand.u32 $0xFFFFFE00, v10  }
0x198: {  	[tilespmem:$0x350] =	vst v7;
	v6 =	vand.u32 $0x7, v6;
	v4 =	vor.u32 v4, v5;
	v5 =	vor.u32 v8, v9  }
0x199: {  	[tilespmem:$0x360] =	vst v4;
	v4 =	vor.u32 v6, v5  }
0x19a: {  	[tilespmem:$0x370] =	vst v4  }
0x19b: {  	[tilespmem:s13], [sflag:$0x1] =	stream.indirect.gather [hbm4b:s0+s11], $0x80, s12, s11, $0xb8;
	[tilespmem:$0x10400] =	vst v63  }
0x19c: {  	v4 =	vld [tilespmem:$0x188]  }
0x19d: {  	v5 =	vld [tilespmem:$0x8];
	_ =	sdelay $0x4  }
0x19e: {  	v4 =	vadd.s32 s6, v4;
	v5 =	vshrl.u32 v5, $0x7  }
0x19f: {  	v10 =	vbroadcast v4, $0x0;
	v11 =	vbroadcast v5, $0x0  }
0x1a0: {  	v9 =	vbroadcast v4, $0x1;
	(v2sf) =	vpush v4, $0x7;
	v12 =	vbroadcast v4, $0x3  }
0x1a1: {  	v13 =	vbroadcast v5, $0x3;
	v6 =	vadd.s32 v0, v10;
	v7 =	vadd.s32 v1, v11  }
0x1a2: {  	v14 =	vbroadcast v5, $0x4;
	v8 =	vshll.u32 v6, $0x6;
	v7 =	vmin.u32 v7, $0x3F  }
0x1a3: {  	v10 =	vbroadcast v5, $0x1;
	v8 =	vand.u32 $0xFFFFFE00, v8;
	v7 =	vshll.u32 v7, $0x3  }
0x1a4: {  	v15 =	vbroadcast v4, $0x5;
	v6 =	vand.u32 $0x7, v6;
	v7 =	vor.u32 v7, v8  }
0x1a5: {  	v8 =	vadd.s32 v1, v10;
	v6 =	vor.u32 v6, v7;
	v7 =	vadd.s32 v0, v9  }
0x1a6: {  	v10 =	vbroadcast v4, $0x2;
	v8 =	vmin.u32 v8, $0x3F;
	v9 =	vshll.u32 v7, $0x6  }
0x1a7: {  	v11 =	vbroadcast v5, $0x2;
	v8 =	vshll.u32 v8, $0x3;
	v9 =	vand.u32 $0xFFFFFE00, v9  }
0x1a8: {  	(v2sf) =	vpush v5, $0x7;
	v8 =	vor.u32 v8, v9;
	v9 =	vadd.s32 v0, v10  }
0x1a9: {  	[tilespmem:$0x1FF10] =	vst v6;
	v7 =	vand.u32 $0x7, v7;
	v10 =	vadd.s32 v1, v11;
	v6 =	vshll.u32 v9, $0x6  }
0x1aa: {  	v10 =	vmin.u32 v10, $0x3F;
	v7 =	vor.u32 v7, v8;
	v9 =	vand.u32 $0x7, v9  }
0x1ab: {  	v11 =	vand.u32 $0xFFFFFE00, v6;
	v10 =	vshll.u32 v10, $0x3;
	v6 =	vadd.s32 v1, v13  }
0x1ac: {  	v8 =	vor.u32 v10, v11;
	v10 =	vadd.s32 v0, v12;
	v12 =	vbroadcast v4, $0x4  }
0x1ad: {  	v11 =	vmin.u32 v6, $0x3F;
	v6 =	vbroadcast v5, $0x5;
	v13 =	vshll.u32 v10, $0x6  }
0x1ae: {  	v4 =	vbroadcast v4, $0x6;
	v11 =	vshll.u32 v11, $0x3;
	v13 =	vand.u32 $0xFFFFFE00, v13  }
0x1af: {  	v12 =	vadd.s32 v0, v12;
	v11 =	vor.u32 v11, v13;
	v13 =	vadd.s32 v1, v14  }
0x1b0: {  	v10 =	vand.u32 $0x7, v10;
	v14 =	vshll.u32 v12, $0x6;
	v13 =	vmin.u32 v13, $0x3F  }
0x1b1: {  	v8 =	vor.u32 v9, v8;
	v14 =	vand.u32 $0xFFFFFE00, v14;
	v13 =	vshll.u32 v13, $0x3  }
0x1b2: {  	v9 =	vor.u32 v10, v11;
	v11 =	vand.u32 $0x7, v12;
	v10 =	vor.u32 v13, v14  }
0x1b3: {  	v5 =	vbroadcast v5, $0x6;
	v10 =	vor.u32 v11, v10;
	v11 =	vld [tilespmem:$0x1FF10]  }
0x1b4: {  	v6 =	vadd.s32 v1, v6;
	v4 =	vadd.s32 v0, v4  }
0x1b5: {  	v5 =	vadd.s32 v1, v5;
	v6 =	vmin.u32 v6, $0x3F;
	v12 =	vadd.s32 v0, v15  }
0x1b6: {  	s30 =	spop (v2sf);
	v5 =	vmin.u32 v5, $0x3F;
	v6 =	vshll.u32 v6, $0x3;
	v13 =	vshll.u32 v12, $0x6  }
0x1b7: {  	[tilespmem:$0x3A0] =	vst v8;
	v5 =	vshll.u32 v5, $0x3;
	v8 =	vadd.s32 s30, v0;
	v13 =	vand.u32 $0xFFFFFE00, v13  }
0x1b8: {  	s31 =	spop (v2sf);
	v6 =	vor.u32 v6, v13;
	[tilespmem:$0x380] =	vst v11;
	v11 =	vand.u32 $0x7, v12;
	v12 =	vshll.u32 v4, $0x6  }
0x1b9: {  	[tilespmem:$0x390] =	vst v7;
	v6 =	vor.u32 v11, v6;
	v7 =	vand.u32 $0xFFFFFE00, v12;
	v11 =	vadd.s32 s31, v1  }
0x1ba: {  	[tilespmem:$0x3B0] =	vst v9;
	v9 =	vshll.u32 v8, $0x6;
	v5 =	vor.u32 v5, v7;
	v7 =	vmin.u32 v11, $0x3F  }
0x1bb: {  	v9 =	vand.u32 $0xFFFFFE00, v9;
	[tilespmem:$0x3C0] =	vst v10;
	v4 =	vand.u32 $0x7, v4;
	v7 =	vshll.u32 v7, $0x3  }
0x1bc: {  	[tilespmem:$0x3D0] =	vst v6;
	v11 =	vand.u32 $0x7, v8;
	v4 =	vor.u32 v4, v5;
	v5 =	vor.u32 v7, v9  }
0x1bd: {  	[tilespmem:$0x3E0] =	vst v4;
	v4 =	vor.u32 v11, v5  }
0x1be: {  	s20 =	simm.s32 $0x8800;
	s21 =	simm.s32 $0x0;
	[tilespmem:$0x3F0] =	vst v4  }
0x1bf: {  	v15 =	vld [tilespmem:$0x1FFF0];
	[tilespmem:s15], [sflag:$0x2] =	stream.indirect.gather [hbm4b:s0+s11], $0x80, s14, s11, $0xb8  }
.LBB2_2:
0x1c0: {  	_ =	swait.ge [sflag:s16], $0x4000  }
0x1c1: {  	[sflag:s16] =	ssyncset.done $0x0  }
0x1c2: {  	s22 =	sshra.s32 s21, $0x2;
	[sflag:s16] =	ssyncadd.s32 $0xFFFFC000  }
0x1c3: {  	v4 =	vld [tilespmem:s22+$0x0];
	_ =	sdelay $0x4  }
0x1c4: {  	(v2sf) =	vpush v4, $0x0;
	_ =	sdelay $0xe  }
0x1c5: {  	s23 =	spop (v2sf)  }
0x1c6: {  	s23 =	sand.u32 $0x7F, s23  }
0x1c7: {  	v5 =	vadd.s32 s23, v15  }
0x1c8: {  	v6 =	vld [tilespmem:$0x1FF20];
	_ =	sdelay $0x3  }
0x1c9: {  	v5 =	vld.idx.msk [tilespmem:v5+s13+$0x0], $0xffff  }
0x1ca: {  	v6 =	vadd.s32 s23, v6  }
0x1cb: {  	v11 =	vld [tilespmem:$0x1FF30];
	_ =	sdelay $0x2  }
0x1cc: {  	[tilespmem:s20+$0xFFFFFC00] =	vst v5  }
0x1cd: {  	v5 =	vld.idx.msk [tilespmem:v6+s13+$0x0], $0xffff  }
0x1ce: {  	v6 =	vadd.s32 s23, v11  }
0x1cf: {  	v9 =	vld [tilespmem:$0x1FF40];
	_ =	sdelay $0x2  }
0x1d0: {  	[tilespmem:s20+$0xFFFFFC10] =	vst v5  }
0x1d1: {  	v5 =	vld.idx.msk [tilespmem:v6+s13+$0x0], $0xffff  }
0x1d2: {  	v6 =	vadd.s32 s23, v9  }
0x1d3: {  	v10 =	vld [tilespmem:$0x1FF50];
	_ =	sdelay $0x2  }
0x1d4: {  	[tilespmem:s20+$0xFFFFFC20] =	vst v5  }
0x1d5: {  	v5 =	vld.idx.msk [tilespmem:v6+s13+$0x0], $0xffff  }
0x1d6: {  	v6 =	vadd.s32 s23, v10  }
0x1d7: {  	v11 =	vld [tilespmem:$0x1FF60];
	_ =	sdelay $0x2  }
0x1d8: {  	[tilespmem:s20+$0xFFFFFC30] =	vst v5  }
0x1d9: {  	v5 =	vld.idx.msk [tilespmem:v6+s13+$0x0], $0xffff  }
0x1da: {  	v6 =	vadd.s32 s23, v11  }
0x1db: {  	(v2sf) =	vpush v4, $0x1;
	v9 =	vld [tilespmem:$0x1FF70];
	_ =	sdelay $0x2  }
0x1dc: {  	[tilespmem:s20+$0xFFFFFC40] =	vst v5  }
0x1dd: {  	v5 =	vld.idx.msk [tilespmem:v6+s13+$0x0], $0xffff  }
0x1de: {  	v6 =	vadd.s32 s23, v9  }
0x1df: {  	v10 =	vld [tilespmem:$0x1FF80];
	_ =	sdelay $0x2  }
0x1e0: {  	[tilespmem:s20+$0xFFFFFC50] =	vst v5  }
0x1e1: {  	v5 =	vld.idx.msk [tilespmem:v6+s13+$0x0], $0xffff  }
0x1e2: {  	v6 =	vadd.s32 s23, v10  }
0x1e3: {  	v11 =	vld [tilespmem:$0x1FF90];
	_ =	sdelay $0x2  }
0x1e4: {  	s24 =	spop (v2sf);
	[tilespmem:s20+$0xFFFFFC60] =	vst v5  }
0x1e5: {  	s23 =	sand.u32 $0x7F, s24;
	v5 =	vld.idx.msk [tilespmem:v6+s13+$0x0], $0xffff  }
0x1e6: {  	v6 =	vadd.s32 s23, v11  }
0x1e7: {  	v9 =	vld [tilespmem:$0x1FFA0];
	_ =	sdelay $0x2  }
0x1e8: {  	[tilespmem:s20+$0xFFFFFC70] =	vst v5  }
0x1e9: {  	v5 =	vld.idx.msk [tilespmem:v6+s13+$0x0], $0xffff  }
0x1ea: {  	v6 =	vadd.s32 s23, v9  }
0x1eb: {  	v10 =	vld [tilespmem:$0x1FFB0];
	_ =	sdelay $0x2  }
0x1ec: {  	[tilespmem:s20+$0xFFFFFC80] =	vst v5  }
0x1ed: {  	v5 =	vld.idx.msk [tilespmem:v6+s13+$0x0], $0xffff  }
0x1ee: {  	v6 =	vadd.s32 s23, v10  }
0x1ef: {  	v11 =	vld [tilespmem:$0x1FFC0];
	_ =	sdelay $0x2  }
0x1f0: {  	[tilespmem:s20+$0xFFFFFC90] =	vst v5  }
0x1f1: {  	v5 =	vld.idx.msk [tilespmem:v6+s13+$0x0], $0xffff  }
0x1f2: {  	v6 =	vadd.s32 s23, v11  }
0x1f3: {  	v9 =	vld [tilespmem:$0x1FFD0];
	_ =	sdelay $0x2  }
0x1f4: {  	[tilespmem:s20+$0xFFFFFCA0] =	vst v5  }
0x1f5: {  	v5 =	vld.idx.msk [tilespmem:v6+s13+$0x0], $0xffff  }
0x1f6: {  	v6 =	vadd.s32 s23, v9  }
0x1f7: {  	v10 =	vld [tilespmem:$0x1FFE0];
	_ =	sdelay $0x2  }
0x1f8: {  	[tilespmem:s20+$0xFFFFFCB0] =	vst v5  }
0x1f9: {  	v5 =	vld.idx.msk [tilespmem:v6+s13+$0x0], $0xffff  }
0x1fa: {  	v6 =	vadd.s32 s23, v10  }
0x1fb: {  	(v2sf) =	vpush v4, $0x2;
	_ =	sdelay $0x2  }
0x1fc: {  	[tilespmem:s20+$0xFFFFFCC0] =	vst v5  }
0x1fd: {  	v5 =	vld.idx.msk [tilespmem:v6+s13+$0x0], $0xffff  }
0x1fe: {  	v11 =	vadd.s32 s23, v16;
	_ =	sdelay $0x3  }
0x1ff: {  	[tilespmem:s20+$0xFFFFFCD0] =	vst v5  }
0x200: {  	v5 =	vld.idx.msk [tilespmem:v11+s13+$0x0], $0xffff  }
0x201: {  	v9 =	vadd.s32 s23, v17;
	_ =	sdelay $0x3  }
0x202: {  	s25 =	spop (v2sf);
	[tilespmem:s20+$0xFFFFFCE0] =	vst v5  }
0x203: {  	s23 =	sand.u32 $0x7F, s25;
	v5 =	vld.idx.msk [tilespmem:v9+s13+$0x0], $0xffff  }
0x204: {  	v10 =	vadd.s32 s23, v18;
	_ =	sdelay $0x3  }
0x205: {  	[tilespmem:s20+$0xFFFFFCF0] =	vst v5  }
0x206: {  	v5 =	vld.idx.msk [tilespmem:v10+s13+$0x0], $0xffff  }
0x207: {  	v11 =	vadd.s32 s23, v19;
	_ =	sdelay $0x3  }
0x208: {  	[tilespmem:s20+$0xFFFFFD00] =	vst v5  }
0x209: {  	v5 =	vld.idx.msk [tilespmem:v11+s13+$0x0], $0xffff  }
0x20a: {  	v9 =	vadd.s32 s23, v20;
	_ =	sdelay $0x3  }
0x20b: {  	[tilespmem:s20+$0xFFFFFD10] =	vst v5  }
0x20c: {  	v5 =	vld.idx.msk [tilespmem:v9+s13+$0x0], $0xffff  }
0x20d: {  	v10 =	vadd.s32 s23, v21;
	_ =	sdelay $0x3  }
0x20e: {  	[tilespmem:s20+$0xFFFFFD20] =	vst v5  }
0x20f: {  	v5 =	vld.idx.msk [tilespmem:v10+s13+$0x0], $0xffff  }
0x210: {  	v11 =	vadd.s32 s23, v22;
	_ =	sdelay $0x3  }
0x211: {  	[tilespmem:s20+$0xFFFFFD30] =	vst v5  }
0x212: {  	v5 =	vld.idx.msk [tilespmem:v11+s13+$0x0], $0xffff  }
0x213: {  	v9 =	vadd.s32 s23, v23  }
0x214: {  	(v2sf) =	vpush v4, $0x3;
	_ =	sdelay $0x2  }
0x215: {  	[tilespmem:s20+$0xFFFFFD40] =	vst v5  }
0x216: {  	v5 =	vld.idx.msk [tilespmem:v9+s13+$0x0], $0xffff  }
0x217: {  	v10 =	vadd.s32 s23, v24;
	_ =	sdelay $0x3  }
0x218: {  	[tilespmem:s20+$0xFFFFFD50] =	vst v5  }
0x219: {  	v5 =	vld.idx.msk [tilespmem:v10+s13+$0x0], $0xffff  }
0x21a: {  	v11 =	vadd.s32 s23, v25;
	_ =	sdelay $0x3  }
0x21b: {  	s26 =	spop (v2sf);
	[tilespmem:s20+$0xFFFFFD60] =	vst v5  }
0x21c: {  	s23 =	sand.u32 $0x7F, s26;
	v5 =	vld.idx.msk [tilespmem:v11+s13+$0x0], $0xffff  }
0x21d: {  	v9 =	vadd.s32 s23, v26;
	_ =	sdelay $0x3  }
0x21e: {  	[tilespmem:s20+$0xFFFFFD70] =	vst v5  }
0x21f: {  	v5 =	vld.idx.msk [tilespmem:v9+s13+$0x0], $0xffff  }
0x220: {  	v10 =	vadd.s32 s23, v27;
	_ =	sdelay $0x3  }
0x221: {  	[tilespmem:s20+$0xFFFFFD80] =	vst v5  }
0x222: {  	v5 =	vld.idx.msk [tilespmem:v10+s13+$0x0], $0xffff  }
0x223: {  	v11 =	vadd.s32 s23, v28;
	_ =	sdelay $0x3  }
0x224: {  	[tilespmem:s20+$0xFFFFFD90] =	vst v5  }
0x225: {  	v5 =	vld.idx.msk [tilespmem:v11+s13+$0x0], $0xffff  }
0x226: {  	v9 =	vadd.s32 s23, v29;
	_ =	sdelay $0x3  }
0x227: {  	[tilespmem:s20+$0xFFFFFDA0] =	vst v5  }
0x228: {  	v5 =	vld.idx.msk [tilespmem:v9+s13+$0x0], $0xffff  }
0x229: {  	v10 =	vadd.s32 s23, v30;
	_ =	sdelay $0x3  }
0x22a: {  	[tilespmem:s20+$0xFFFFFDB0] =	vst v5  }
0x22b: {  	v5 =	vld.idx.msk [tilespmem:v10+s13+$0x0], $0xffff  }
0x22c: {  	v11 =	vadd.s32 s23, v31  }
0x22d: {  	(v2sf) =	vpush v4, $0x4;
	_ =	sdelay $0x2  }
0x22e: {  	[tilespmem:s20+$0xFFFFFDC0] =	vst v5  }
0x22f: {  	v5 =	vld.idx.msk [tilespmem:v11+s13+$0x0], $0xffff  }
0x230: {  	v9 =	vadd.s32 s23, v32;
	_ =	sdelay $0x3  }
0x231: {  	[tilespmem:s20+$0xFFFFFDD0] =	vst v5  }
0x232: {  	v5 =	vld.idx.msk [tilespmem:v9+s13+$0x0], $0xffff  }
0x233: {  	v10 =	vadd.s32 s23, v33;
	_ =	sdelay $0x3  }
0x234: {  	s28 =	spop (v2sf);
	[tilespmem:s20+$0xFFFFFDE0] =	vst v5  }
0x235: {  	s23 =	sand.u32 $0x7F, s28;
	v5 =	vld.idx.msk [tilespmem:v10+s13+$0x0], $0xffff  }
0x236: {  	v11 =	vadd.s32 s23, v34;
	_ =	sdelay $0x3  }
0x237: {  	[tilespmem:s20+$0xFFFFFDF0] =	vst v5  }
0x238: {  	v5 =	vld.idx.msk [tilespmem:v11+s13+$0x0], $0xffff  }
0x239: {  	v9 =	vadd.s32 s23, v35;
	_ =	sdelay $0x3  }
0x23a: {  	[tilespmem:s20+$0xFFFFFE00] =	vst v5  }
0x23b: {  	v5 =	vld.idx.msk [tilespmem:v9+s13+$0x0], $0xffff  }
0x23c: {  	v10 =	vadd.s32 s23, v36;
	_ =	sdelay $0x3  }
0x23d: {  	[tilespmem:s20+$0xFFFFFE10] =	vst v5  }
0x23e: {  	v5 =	vld.idx.msk [tilespmem:v10+s13+$0x0], $0xffff  }
0x23f: {  	v11 =	vadd.s32 s23, v37;
	_ =	sdelay $0x3  }
0x240: {  	[tilespmem:s20+$0xFFFFFE20] =	vst v5  }
0x241: {  	v5 =	vld.idx.msk [tilespmem:v11+s13+$0x0], $0xffff  }
0x242: {  	v9 =	vadd.s32 s23, v38;
	_ =	sdelay $0x3  }
0x243: {  	[tilespmem:s20+$0xFFFFFE30] =	vst v5  }
0x244: {  	v5 =	vld.idx.msk [tilespmem:v9+s13+$0x0], $0xffff  }
0x245: {  	v10 =	vadd.s32 s23, v39  }
0x246: {  	(v2sf) =	vpush v4, $0x5;
	_ =	sdelay $0x2  }
0x247: {  	[tilespmem:s20+$0xFFFFFE40] =	vst v5  }
0x248: {  	v5 =	vld.idx.msk [tilespmem:v10+s13+$0x0], $0xffff  }
0x249: {  	v11 =	vadd.s32 s23, v40;
	_ =	sdelay $0x3  }
0x24a: {  	[tilespmem:s20+$0xFFFFFE50] =	vst v5  }
0x24b: {  	v5 =	vld.idx.msk [tilespmem:v11+s13+$0x0], $0xffff  }
0x24c: {  	v9 =	vadd.s32 s23, v41;
	_ =	sdelay $0x3  }
0x24d: {  	s29 =	spop (v2sf);
	[tilespmem:s20+$0xFFFFFE60] =	vst v5  }
0x24e: {  	s23 =	sand.u32 $0x7F, s29;
	v5 =	vld.idx.msk [tilespmem:v9+s13+$0x0], $0xffff  }
0x24f: {  	v10 =	vadd.s32 s23, v42;
	_ =	sdelay $0x3  }
0x250: {  	[tilespmem:s20+$0xFFFFFE70] =	vst v5  }
0x251: {  	v5 =	vld.idx.msk [tilespmem:v10+s13+$0x0], $0xffff  }
0x252: {  	v11 =	vadd.s32 s23, v43;
	_ =	sdelay $0x3  }
0x253: {  	[tilespmem:s20+$0xFFFFFE80] =	vst v5  }
0x254: {  	v5 =	vld.idx.msk [tilespmem:v11+s13+$0x0], $0xffff  }
0x255: {  	v9 =	vadd.s32 s23, v44;
	_ =	sdelay $0x3  }
0x256: {  	[tilespmem:s20+$0xFFFFFE90] =	vst v5  }
0x257: {  	v5 =	vld.idx.msk [tilespmem:v9+s13+$0x0], $0xffff  }
0x258: {  	v10 =	vadd.s32 s23, v45;
	_ =	sdelay $0x3  }
0x259: {  	[tilespmem:s20+$0xFFFFFEA0] =	vst v5  }
0x25a: {  	v5 =	vld.idx.msk [tilespmem:v10+s13+$0x0], $0xffff  }
0x25b: {  	v11 =	vadd.s32 s23, v46;
	_ =	sdelay $0x3  }
0x25c: {  	[tilespmem:s20+$0xFFFFFEB0] =	vst v5  }
0x25d: {  	v5 =	vld.idx.msk [tilespmem:v11+s13+$0x0], $0xffff  }
0x25e: {  	v9 =	vadd.s32 s23, v47  }
0x25f: {  	(v2sf) =	vpush v4, $0x6;
	_ =	sdelay $0x2  }
0x260: {  	[tilespmem:s20+$0xFFFFFEC0] =	vst v5  }
0x261: {  	v5 =	vld.idx.msk [tilespmem:v9+s13+$0x0], $0xffff  }
0x262: {  	v10 =	vadd.s32 s23, v48;
	_ =	sdelay $0x3  }
0x263: {  	[tilespmem:s20+$0xFFFFFED0] =	vst v5  }
0x264: {  	v5 =	vld.idx.msk [tilespmem:v10+s13+$0x0], $0xffff  }
0x265: {  	v11 =	vadd.s32 s23, v49;
	_ =	sdelay $0x3  }
0x266: {  	s30 =	spop (v2sf);
	[tilespmem:s20+$0xFFFFFEE0] =	vst v5  }
0x267: {  	s23 =	sand.u32 $0x7F, s30;
	v5 =	vld.idx.msk [tilespmem:v11+s13+$0x0], $0xffff  }
0x268: {  	v9 =	vadd.s32 s23, v50;
	_ =	sdelay $0x3  }
0x269: {  	[tilespmem:s20+$0xFFFFFEF0] =	vst v5  }
0x26a: {  	v5 =	vld.idx.msk [tilespmem:v9+s13+$0x0], $0xffff  }
0x26b: {  	v10 =	vadd.s32 s23, v51;
	_ =	sdelay $0x3  }
0x26c: {  	[tilespmem:s20+$0xFFFFFF00] =	vst v5  }
0x26d: {  	v5 =	vld.idx.msk [tilespmem:v10+s13+$0x0], $0xffff  }
0x26e: {  	v11 =	vadd.s32 s23, v52;
	_ =	sdelay $0x3  }
0x26f: {  	[tilespmem:s20+$0xFFFFFF10] =	vst v5  }
0x270: {  	v5 =	vld.idx.msk [tilespmem:v11+s13+$0x0], $0xffff  }
0x271: {  	v9 =	vadd.s32 s23, v53;
	_ =	sdelay $0x3  }
0x272: {  	[tilespmem:s20+$0xFFFFFF20] =	vst v5  }
0x273: {  	v5 =	vld.idx.msk [tilespmem:v9+s13+$0x0], $0xffff  }
0x274: {  	v10 =	vadd.s32 s23, v54;
	_ =	sdelay $0x3  }
0x275: {  	[tilespmem:s20+$0xFFFFFF30] =	vst v5  }
0x276: {  	v5 =	vld.idx.msk [tilespmem:v10+s13+$0x0], $0xffff  }
0x277: {  	v11 =	vadd.s32 s23, v55  }
0x278: {  	(v2sf) =	vpush v4, $0x7;
	_ =	sdelay $0x2  }
0x279: {  	[tilespmem:s20+$0xFFFFFF40] =	vst v5  }
0x27a: {  	v4 =	vld.idx.msk [tilespmem:v11+s13+$0x0], $0xffff  }
0x27b: {  	v5 =	vadd.s32 s23, v56;
	_ =	sdelay $0x3  }
0x27c: {  	[tilespmem:s20+$0xFFFFFF50] =	vst v4  }
0x27d: {  	v4 =	vld.idx.msk [tilespmem:v5+s13+$0x0], $0xffff  }
0x27e: {  	v5 =	vadd.s32 s23, v57;
	_ =	sdelay $0x3  }
0x27f: {  	s31 =	spop (v2sf);
	[tilespmem:s20+$0xFFFFFF60] =	vst v4  }
0x280: {  	s23 =	sand.u32 $0x7F, s31;
	v4 =	vld.idx.msk [tilespmem:v5+s13+$0x0], $0xffff  }
0x281: {  	v5 =	vadd.s32 s23, v58;
	_ =	sdelay $0x3  }
0x282: {  	[tilespmem:s20+$0xFFFFFF70] =	vst v4  }
0x283: {  	v4 =	vld.idx.msk [tilespmem:v5+s13+$0x0], $0xffff  }
0x284: {  	v5 =	vadd.s32 s23, v59;
	_ =	sdelay $0x3  }
0x285: {  	[tilespmem:s20+$0xFFFFFF80] =	vst v4  }
0x286: {  	v4 =	vld.idx.msk [tilespmem:v5+s13+$0x0], $0xffff  }
0x287: {  	v5 =	vadd.s32 s23, v60;
	_ =	sdelay $0x3  }
0x288: {  	[tilespmem:s20+$0xFFFFFF90] =	vst v4  }
0x289: {  	v4 =	vld.idx.msk [tilespmem:v5+s13+$0x0], $0xffff  }
0x28a: {  	v5 =	vadd.s32 s23, v61;
	_ =	sdelay $0x3  }
0x28b: {  	[tilespmem:s20+$0xFFFFFFA0] =	vst v4  }
0x28c: {  	v4 =	vld.idx.msk [tilespmem:v5+s13+$0x0], $0xffff  }
0x28d: {  	v5 =	vadd.s32 s23, v62;
	_ =	sdelay $0x3  }
0x28e: {  	[tilespmem:s20+$0xFFFFFFB0] =	vst v4  }
0x28f: {  	v4 =	vld.idx.msk [tilespmem:v5+s13+$0x0], $0xffff  }
0x290: {  	v5 =	vadd.s32 s23, v63;
	_ =	sdelay $0x3  }
0x291: {  	[tilespmem:s20+$0xFFFFFFC0] =	vst v4  }
0x292: {  	v4 =	vld.idx.msk [tilespmem:v5+s13+$0x0], $0xffff  }
0x293: {  	v5 =	vadd.s32 s23, v2;
	_ =	sdelay $0x3  }
0x294: {  	[tilespmem:s20+$0xFFFFFFD0] =	vst v4  }
0x295: {  	v4 =	vld.idx.msk [tilespmem:v5+s13+$0x0], $0xffff  }
0x296: {  	v5 =	vadd.s32 s23, v3;
	_ =	sdelay $0x3  }
0x297: {  	[tilespmem:s20+$0xFFFFFFE0] =	vst v4  }
0x298: {  	p0 =	seq.s32 s21, $0x3C0;
	v4 =	vld.idx.msk [tilespmem:v5+s13+$0x0], $0xffff  }
.Ltmp2:
0x299: {  	_ = 	snop;
	(pc) =	sbr.rel @p0 .LBB2_4-.Ltmp2, $2  }
0x29a: {  	_ =	sdelay $0x2  }
0x29b: {  	[tilespmem:s20+$0xFFFFFFF0] =	vst v4  }
0x29c: {  	v4 =	vld [tilespmem:s22+$0x10]  }
0x29d: {  	v5 =	vld [tilespmem:s22+$0x190];
	_ =	sdelay $0x4  }
0x29e: {  	v4 =	vshrl.u32 v4, $0x7;
	v5 =	vadd.s32 s6, v5  }
0x29f: {  	v6 =	vbroadcast v4, $0x0;
	v7 =	vbroadcast v5, $0x0  }
0x2a0: {  	v9 =	vbroadcast v5, $0x1;
	v10 =	vbroadcast v4, $0x1  }
0x2a1: {  	v11 =	vbroadcast v4, $0x2;
	v12 =	vbroadcast v4, $0x3;
	(v2sf) =	vpush v5, $0x7  }
0x2a2: {  	(v2sf) =	vpush v4, $0x7;
	v6 =	vadd.s32 v1, v6;
	v7 =	vadd.s32 v0, v7  }
0x2a3: {  	v12 =	vadd.s32 v1, v12;
	v6 =	vmin.u32 v6, $0x3F;
	v8 =	vshll.u32 v7, $0x6  }
0x2a4: {  	v7 =	vand.u32 $0x7, v7;
	v8 =	vand.u32 $0xFFFFFE00, v8;
	v6 =	vshll.u32 v6, $0x3  }
0x2a5: {  	v6 =	vor.u32 v6, v8;
	v8 =	vadd.s32 v0, v9;
	v9 =	vadd.s32 v1, v10  }
0x2a6: {  	v12 =	vmin.u32 v12, $0x3F;
	v9 =	vmin.u32 v9, $0x3F;
	v10 =	vshll.u32 v8, $0x6  }
0x2a7: {  	v12 =	vshll.u32 v12, $0x3;
	v10 =	vand.u32 $0xFFFFFE00, v10;
	v9 =	vshll.u32 v9, $0x3  }
0x2a8: {  	v6 =	vor.u32 v7, v6;
	v7 =	vor.u32 v9, v10;
	v9 =	vbroadcast v5, $0x2  }
0x2a9: {  	v8 =	vand.u32 $0x7, v8;
	v10 =	vadd.s32 v1, v11;
	v11 =	vbroadcast v5, $0x3  }
0x2aa: {  	v10 =	vmin.u32 v10, $0x3F;
	v7 =	vor.u32 v8, v7;
	v9 =	vadd.s32 v0, v9  }
0x2ab: {  	v11 =	vadd.s32 v0, v11;
	v10 =	vshll.u32 v10, $0x3;
	v13 =	vshll.u32 v9, $0x6  }
0x2ac: {  	v14 =	vshll.u32 v11, $0x6;
	v9 =	vand.u32 $0x7, v9;
	v13 =	vand.u32 $0xFFFFFE00, v13  }
0x2ad: {  	v11 =	vand.u32 $0x7, v11;
	v14 =	vand.u32 $0xFFFFFE00, v14;
	v10 =	vor.u32 v10, v13  }
0x2ae: {  	v12 =	vor.u32 v12, v14;
	v13 =	vbroadcast v5, $0x4;
	v14 =	vbroadcast v4, $0x4  }
0x2af: {  	v8 =	vor.u32 v9, v10;
	v9 =	vor.u32 v11, v12;
	v12 =	vbroadcast v5, $0x5  }
0x2b0: {  	v5 =	vbroadcast v5, $0x6;
	v10 =	vadd.s32 v0, v13;
	v11 =	vadd.s32 v1, v14  }
0x2b1: {  	v14 =	vbroadcast v4, $0x5;
	v4 =	vbroadcast v4, $0x6;
	v11 =	vmin.u32 v11, $0x3F  }
0x2b2: {  	s23 =	spop (v2sf);
	v13 =	vshll.u32 v10, $0x6;
	v12 =	vadd.s32 v0, v12;
	v10 =	vand.u32 $0x7, v10  }
0x2b3: {  	[tilespmem:$0x310] =	vst v7;
	v5 =	vadd.s32 v0, v5;
	s31 =	spop (v2sf);
	v13 =	vand.u32 $0xFFFFFE00, v13;
	v11 =	vshll.u32 v11, $0x3  }
0x2b4: {  	[tilespmem:$0x320] =	vst v8;
	v4 =	vadd.s32 v1, v4;
	v7 =	vshll.u32 v5, $0x6;
	v8 =	vadd.s32 s31, v1  }
0x2b5: {  	v5 =	vand.u32 $0x7, v5;
	v11 =	vor.u32 v11, v13;
	v13 =	vadd.s32 v1, v14  }
0x2b6: {  	v14 =	vshll.u32 v12, $0x6;
	v12 =	vand.u32 $0x7, v12;
	v13 =	vmin.u32 v13, $0x3F  }
0x2b7: {  	v4 =	vmin.u32 v4, $0x3F;
	v14 =	vand.u32 $0xFFFFFE00, v14;
	v13 =	vshll.u32 v13, $0x3  }
0x2b8: {  	v7 =	vand.u32 $0xFFFFFE00, v7;
	v10 =	vor.u32 v10, v11;
	v11 =	vor.u32 v13, v14  }
0x2b9: {  	[tilespmem:$0x300] =	vst v6;
	v4 =	vshll.u32 v4, $0x3;
	v6 =	vor.u32 v12, v11;
	v11 =	vadd.s32 s23, v0  }
0x2ba: {  	[tilespmem:$0x330] =	vst v9;
	v4 =	vor.u32 v4, v7;
	v7 =	vmin.u32 v8, $0x3F;
	v8 =	vshll.u32 v11, $0x6  }
0x2bb: {  	[tilespmem:$0x340] =	vst v10;
	v7 =	vshll.u32 v7, $0x3;
	v4 =	vor.u32 v5, v4;
	v8 =	vand.u32 $0xFFFFFE00, v8  }
0x2bc: {  	[tilespmem:$0x360] =	vst v4;
	v11 =	vand.u32 $0x7, v11;
	v5 =	vor.u32 v7, v8  }
0x2bd: {  	[tilespmem:$0x350] =	vst v6;
	v4 =	vor.u32 v11, v5  }
0x2be: {  	[tilespmem:$0x370] =	vst v4  }
0x2bf: {  	[tilespmem:s13], [sflag:$0x1] =	stream.indirect.gather [hbm4b:s0+s11], $0x80, s12, s11, $0xb8;
	[tilespmem:$0x10400] =	vst v63  }
.LBB2_4:
0x2c0: {  	_ =	swait.ge [sflag:s17], $0x4000  }
0x2c1: {  	[sflag:s17] =	ssyncset.done $0x0  }
0x2c2: {  	[sflag:s17] =	ssyncadd.s32 $0xFFFFC000  }
0x2c3: {  	v4 =	vld [tilespmem:s22+$0x8];
	_ =	sdelay $0x4  }
0x2c4: {  	(v2sf) =	vpush v4, $0x0;
	_ =	sdelay $0xe  }
0x2c5: {  	s23 =	spop (v2sf)  }
0x2c6: {  	s23 =	sand.u32 $0x7F, s23  }
0x2c7: {  	v5 =	vadd.s32 s23, v15  }
0x2c8: {  	v6 =	vld [tilespmem:$0x1FF20];
	_ =	sdelay $0x3  }
0x2c9: {  	v5 =	vld.idx.msk [tilespmem:v5+s15+$0x0], $0xffff  }
0x2ca: {  	v6 =	vadd.s32 s23, v6  }
0x2cb: {  	v11 =	vld [tilespmem:$0x1FF30];
	_ =	sdelay $0x2  }
0x2cc: {  	[tilespmem:s20+$0x0] =	vst v5  }
0x2cd: {  	v5 =	vld.idx.msk [tilespmem:v6+s15+$0x0], $0xffff  }
0x2ce: {  	v6 =	vadd.s32 s23, v11  }
0x2cf: {  	v9 =	vld [tilespmem:$0x1FF40];
	_ =	sdelay $0x2  }
0x2d0: {  	[tilespmem:s20+$0x10] =	vst v5  }
0x2d1: {  	v5 =	vld.idx.msk [tilespmem:v6+s15+$0x0], $0xffff  }
0x2d2: {  	v6 =	vadd.s32 s23, v9  }
0x2d3: {  	v10 =	vld [tilespmem:$0x1FF50];
	_ =	sdelay $0x2  }
0x2d4: {  	[tilespmem:s20+$0x20] =	vst v5  }
0x2d5: {  	v5 =	vld.idx.msk [tilespmem:v6+s15+$0x0], $0xffff  }
0x2d6: {  	v6 =	vadd.s32 s23, v10  }
0x2d7: {  	v11 =	vld [tilespmem:$0x1FF60];
	_ =	sdelay $0x2  }
0x2d8: {  	[tilespmem:s20+$0x30] =	vst v5  }
0x2d9: {  	v5 =	vld.idx.msk [tilespmem:v6+s15+$0x0], $0xffff  }
0x2da: {  	v6 =	vadd.s32 s23, v11  }
0x2db: {  	(v2sf) =	vpush v4, $0x1;
	v9 =	vld [tilespmem:$0x1FF70];
	_ =	sdelay $0x2  }
0x2dc: {  	[tilespmem:s20+$0x40] =	vst v5  }
0x2dd: {  	v5 =	vld.idx.msk [tilespmem:v6+s15+$0x0], $0xffff  }
0x2de: {  	v6 =	vadd.s32 s23, v9  }
0x2df: {  	v10 =	vld [tilespmem:$0x1FF80];
	_ =	sdelay $0x2  }
0x2e0: {  	[tilespmem:s20+$0x50] =	vst v5  }
0x2e1: {  	v5 =	vld.idx.msk [tilespmem:v6+s15+$0x0], $0xffff  }
0x2e2: {  	v6 =	vadd.s32 s23, v10  }
0x2e3: {  	v11 =	vld [tilespmem:$0x1FF90];
	_ =	sdelay $0x2  }
0x2e4: {  	s24 =	spop (v2sf);
	[tilespmem:s20+$0x60] =	vst v5  }
0x2e5: {  	s23 =	sand.u32 $0x7F, s24;
	v5 =	vld.idx.msk [tilespmem:v6+s15+$0x0], $0xffff  }
0x2e6: {  	v6 =	vadd.s32 s23, v11  }
0x2e7: {  	v9 =	vld [tilespmem:$0x1FFA0];
	_ =	sdelay $0x2  }
0x2e8: {  	[tilespmem:s20+$0x70] =	vst v5  }
0x2e9: {  	v5 =	vld.idx.msk [tilespmem:v6+s15+$0x0], $0xffff  }
0x2ea: {  	v6 =	vadd.s32 s23, v9  }
0x2eb: {  	v10 =	vld [tilespmem:$0x1FFB0];
	_ =	sdelay $0x2  }
0x2ec: {  	[tilespmem:s20+$0x80] =	vst v5  }
0x2ed: {  	v5 =	vld.idx.msk [tilespmem:v6+s15+$0x0], $0xffff  }
0x2ee: {  	v6 =	vadd.s32 s23, v10  }
0x2ef: {  	v11 =	vld [tilespmem:$0x1FFC0];
	_ =	sdelay $0x2  }
0x2f0: {  	[tilespmem:s20+$0x90] =	vst v5  }
0x2f1: {  	v5 =	vld.idx.msk [tilespmem:v6+s15+$0x0], $0xffff  }
0x2f2: {  	v6 =	vadd.s32 s23, v11  }
0x2f3: {  	v9 =	vld [tilespmem:$0x1FFD0];
	_ =	sdelay $0x2  }
0x2f4: {  	[tilespmem:s20+$0xA0] =	vst v5  }
0x2f5: {  	v5 =	vld.idx.msk [tilespmem:v6+s15+$0x0], $0xffff  }
0x2f6: {  	v6 =	vadd.s32 s23, v9  }
0x2f7: {  	v10 =	vld [tilespmem:$0x1FFE0];
	_ =	sdelay $0x2  }
0x2f8: {  	[tilespmem:s20+$0xB0] =	vst v5  }
0x2f9: {  	v5 =	vld.idx.msk [tilespmem:v6+s15+$0x0], $0xffff  }
0x2fa: {  	v6 =	vadd.s32 s23, v10  }
0x2fb: {  	(v2sf) =	vpush v4, $0x2;
	_ =	sdelay $0x2  }
0x2fc: {  	[tilespmem:s20+$0xC0] =	vst v5  }
0x2fd: {  	v5 =	vld.idx.msk [tilespmem:v6+s15+$0x0], $0xffff  }
0x2fe: {  	v11 =	vadd.s32 s23, v16;
	_ =	sdelay $0x3  }
0x2ff: {  	[tilespmem:s20+$0xD0] =	vst v5  }
0x300: {  	v5 =	vld.idx.msk [tilespmem:v11+s15+$0x0], $0xffff  }
0x301: {  	v9 =	vadd.s32 s23, v17;
	_ =	sdelay $0x3  }
0x302: {  	s25 =	spop (v2sf);
	[tilespmem:s20+$0xE0] =	vst v5  }
0x303: {  	s23 =	sand.u32 $0x7F, s25;
	v5 =	vld.idx.msk [tilespmem:v9+s15+$0x0], $0xffff  }
0x304: {  	v10 =	vadd.s32 s23, v18;
	_ =	sdelay $0x3  }
0x305: {  	[tilespmem:s20+$0xF0] =	vst v5  }
0x306: {  	v5 =	vld.idx.msk [tilespmem:v10+s15+$0x0], $0xffff  }
0x307: {  	v11 =	vadd.s32 s23, v19;
	_ =	sdelay $0x3  }
0x308: {  	[tilespmem:s20+$0x100] =	vst v5  }
0x309: {  	v5 =	vld.idx.msk [tilespmem:v11+s15+$0x0], $0xffff  }
0x30a: {  	v9 =	vadd.s32 s23, v20;
	_ =	sdelay $0x3  }
0x30b: {  	[tilespmem:s20+$0x110] =	vst v5  }
0x30c: {  	v5 =	vld.idx.msk [tilespmem:v9+s15+$0x0], $0xffff  }
0x30d: {  	v10 =	vadd.s32 s23, v21;
	_ =	sdelay $0x3  }
0x30e: {  	[tilespmem:s20+$0x120] =	vst v5  }
0x30f: {  	v5 =	vld.idx.msk [tilespmem:v10+s15+$0x0], $0xffff  }
0x310: {  	v11 =	vadd.s32 s23, v22;
	_ =	sdelay $0x3  }
0x311: {  	[tilespmem:s20+$0x130] =	vst v5  }
0x312: {  	v5 =	vld.idx.msk [tilespmem:v11+s15+$0x0], $0xffff  }
0x313: {  	v9 =	vadd.s32 s23, v23  }
0x314: {  	(v2sf) =	vpush v4, $0x3;
	_ =	sdelay $0x2  }
0x315: {  	[tilespmem:s20+$0x140] =	vst v5  }
0x316: {  	v5 =	vld.idx.msk [tilespmem:v9+s15+$0x0], $0xffff  }
0x317: {  	v10 =	vadd.s32 s23, v24;
	_ =	sdelay $0x3  }
0x318: {  	[tilespmem:s20+$0x150] =	vst v5  }
0x319: {  	v5 =	vld.idx.msk [tilespmem:v10+s15+$0x0], $0xffff  }
0x31a: {  	v11 =	vadd.s32 s23, v25;
	_ =	sdelay $0x3  }
0x31b: {  	s26 =	spop (v2sf);
	[tilespmem:s20+$0x160] =	vst v5  }
0x31c: {  	s23 =	sand.u32 $0x7F, s26;
	v5 =	vld.idx.msk [tilespmem:v11+s15+$0x0], $0xffff  }
0x31d: {  	v9 =	vadd.s32 s23, v26;
	_ =	sdelay $0x3  }
0x31e: {  	[tilespmem:s20+$0x170] =	vst v5  }
0x31f: {  	v5 =	vld.idx.msk [tilespmem:v9+s15+$0x0], $0xffff  }
0x320: {  	v10 =	vadd.s32 s23, v27;
	_ =	sdelay $0x3  }
0x321: {  	[tilespmem:s20+$0x180] =	vst v5  }
0x322: {  	v5 =	vld.idx.msk [tilespmem:v10+s15+$0x0], $0xffff  }
0x323: {  	v11 =	vadd.s32 s23, v28;
	_ =	sdelay $0x3  }
0x324: {  	[tilespmem:s20+$0x190] =	vst v5  }
0x325: {  	v5 =	vld.idx.msk [tilespmem:v11+s15+$0x0], $0xffff  }
0x326: {  	v9 =	vadd.s32 s23, v29;
	_ =	sdelay $0x3  }
0x327: {  	[tilespmem:s20+$0x1A0] =	vst v5  }
0x328: {  	v5 =	vld.idx.msk [tilespmem:v9+s15+$0x0], $0xffff  }
0x329: {  	v10 =	vadd.s32 s23, v30;
	_ =	sdelay $0x3  }
0x32a: {  	[tilespmem:s20+$0x1B0] =	vst v5  }
0x32b: {  	v5 =	vld.idx.msk [tilespmem:v10+s15+$0x0], $0xffff  }
0x32c: {  	v11 =	vadd.s32 s23, v31  }
0x32d: {  	(v2sf) =	vpush v4, $0x4;
	_ =	sdelay $0x2  }
0x32e: {  	[tilespmem:s20+$0x1C0] =	vst v5  }
0x32f: {  	v5 =	vld.idx.msk [tilespmem:v11+s15+$0x0], $0xffff  }
0x330: {  	v9 =	vadd.s32 s23, v32;
	_ =	sdelay $0x3  }
0x331: {  	[tilespmem:s20+$0x1D0] =	vst v5  }
0x332: {  	v5 =	vld.idx.msk [tilespmem:v9+s15+$0x0], $0xffff  }
0x333: {  	v10 =	vadd.s32 s23, v33;
	_ =	sdelay $0x3  }
0x334: {  	s28 =	spop (v2sf);
	[tilespmem:s20+$0x1E0] =	vst v5  }
0x335: {  	s23 =	sand.u32 $0x7F, s28;
	v5 =	vld.idx.msk [tilespmem:v10+s15+$0x0], $0xffff  }
0x336: {  	v11 =	vadd.s32 s23, v34;
	_ =	sdelay $0x3  }
0x337: {  	[tilespmem:s20+$0x1F0] =	vst v5  }
0x338: {  	v5 =	vld.idx.msk [tilespmem:v11+s15+$0x0], $0xffff  }
0x339: {  	v9 =	vadd.s32 s23, v35;
	_ =	sdelay $0x3  }
0x33a: {  	[tilespmem:s20+$0x200] =	vst v5  }
0x33b: {  	v5 =	vld.idx.msk [tilespmem:v9+s15+$0x0], $0xffff  }
0x33c: {  	v10 =	vadd.s32 s23, v36;
	_ =	sdelay $0x3  }
0x33d: {  	[tilespmem:s20+$0x210] =	vst v5  }
0x33e: {  	v5 =	vld.idx.msk [tilespmem:v10+s15+$0x0], $0xffff  }
0x33f: {  	v11 =	vadd.s32 s23, v37;
	_ =	sdelay $0x3  }
0x340: {  	[tilespmem:s20+$0x220] =	vst v5  }
0x341: {  	v5 =	vld.idx.msk [tilespmem:v11+s15+$0x0], $0xffff  }
0x342: {  	v9 =	vadd.s32 s23, v38;
	_ =	sdelay $0x3  }
0x343: {  	[tilespmem:s20+$0x230] =	vst v5  }
0x344: {  	v5 =	vld.idx.msk [tilespmem:v9+s15+$0x0], $0xffff  }
0x345: {  	v10 =	vadd.s32 s23, v39  }
0x346: {  	(v2sf) =	vpush v4, $0x5;
	_ =	sdelay $0x2  }
0x347: {  	[tilespmem:s20+$0x240] =	vst v5  }
0x348: {  	v5 =	vld.idx.msk [tilespmem:v10+s15+$0x0], $0xffff  }
0x349: {  	v11 =	vadd.s32 s23, v40;
	_ =	sdelay $0x3  }
0x34a: {  	[tilespmem:s20+$0x250] =	vst v5  }
0x34b: {  	v5 =	vld.idx.msk [tilespmem:v11+s15+$0x0], $0xffff  }
0x34c: {  	v9 =	vadd.s32 s23, v41;
	_ =	sdelay $0x3  }
0x34d: {  	s29 =	spop (v2sf);
	[tilespmem:s20+$0x260] =	vst v5  }
0x34e: {  	s23 =	sand.u32 $0x7F, s29;
	v5 =	vld.idx.msk [tilespmem:v9+s15+$0x0], $0xffff  }
0x34f: {  	v10 =	vadd.s32 s23, v42;
	_ =	sdelay $0x3  }
0x350: {  	[tilespmem:s20+$0x270] =	vst v5  }
0x351: {  	v5 =	vld.idx.msk [tilespmem:v10+s15+$0x0], $0xffff  }
0x352: {  	v11 =	vadd.s32 s23, v43;
	_ =	sdelay $0x3  }
0x353: {  	[tilespmem:s20+$0x280] =	vst v5  }
0x354: {  	v5 =	vld.idx.msk [tilespmem:v11+s15+$0x0], $0xffff  }
0x355: {  	v9 =	vadd.s32 s23, v44;
	_ =	sdelay $0x3  }
0x356: {  	[tilespmem:s20+$0x290] =	vst v5  }
0x357: {  	v5 =	vld.idx.msk [tilespmem:v9+s15+$0x0], $0xffff  }
0x358: {  	v10 =	vadd.s32 s23, v45;
	_ =	sdelay $0x3  }
0x359: {  	[tilespmem:s20+$0x2A0] =	vst v5  }
0x35a: {  	v5 =	vld.idx.msk [tilespmem:v10+s15+$0x0], $0xffff  }
0x35b: {  	v11 =	vadd.s32 s23, v46;
	_ =	sdelay $0x3  }
0x35c: {  	[tilespmem:s20+$0x2B0] =	vst v5  }
0x35d: {  	v5 =	vld.idx.msk [tilespmem:v11+s15+$0x0], $0xffff  }
0x35e: {  	v9 =	vadd.s32 s23, v47  }
0x35f: {  	(v2sf) =	vpush v4, $0x6;
	_ =	sdelay $0x2  }
0x360: {  	[tilespmem:s20+$0x2C0] =	vst v5  }
0x361: {  	v5 =	vld.idx.msk [tilespmem:v9+s15+$0x0], $0xffff  }
0x362: {  	v10 =	vadd.s32 s23, v48;
	_ =	sdelay $0x3  }
0x363: {  	[tilespmem:s20+$0x2D0] =	vst v5  }
0x364: {  	v5 =	vld.idx.msk [tilespmem:v10+s15+$0x0], $0xffff  }
0x365: {  	v11 =	vadd.s32 s23, v49;
	_ =	sdelay $0x3  }
0x366: {  	s30 =	spop (v2sf);
	[tilespmem:s20+$0x2E0] =	vst v5  }
0x367: {  	s23 =	sand.u32 $0x7F, s30;
	v5 =	vld.idx.msk [tilespmem:v11+s15+$0x0], $0xffff  }
0x368: {  	v9 =	vadd.s32 s23, v50;
	_ =	sdelay $0x3  }
0x369: {  	[tilespmem:s20+$0x2F0] =	vst v5  }
0x36a: {  	v5 =	vld.idx.msk [tilespmem:v9+s15+$0x0], $0xffff  }
0x36b: {  	v10 =	vadd.s32 s23, v51;
	_ =	sdelay $0x3  }
0x36c: {  	[tilespmem:s20+$0x300] =	vst v5  }
0x36d: {  	v5 =	vld.idx.msk [tilespmem:v10+s15+$0x0], $0xffff  }
0x36e: {  	v11 =	vadd.s32 s23, v52;
	_ =	sdelay $0x3  }
0x36f: {  	[tilespmem:s20+$0x310] =	vst v5  }
0x370: {  	v5 =	vld.idx.msk [tilespmem:v11+s15+$0x0], $0xffff  }
0x371: {  	v9 =	vadd.s32 s23, v53;
	_ =	sdelay $0x3  }
0x372: {  	[tilespmem:s20+$0x320] =	vst v5  }
0x373: {  	v5 =	vld.idx.msk [tilespmem:v9+s15+$0x0], $0xffff  }
0x374: {  	v10 =	vadd.s32 s23, v54;
	_ =	sdelay $0x3  }
0x375: {  	[tilespmem:s20+$0x330] =	vst v5  }
0x376: {  	v5 =	vld.idx.msk [tilespmem:v10+s15+$0x0], $0xffff  }
0x377: {  	v11 =	vadd.s32 s23, v55  }
0x378: {  	(v2sf) =	vpush v4, $0x7;
	_ =	sdelay $0x2  }
0x379: {  	[tilespmem:s20+$0x340] =	vst v5  }
0x37a: {  	v4 =	vld.idx.msk [tilespmem:v11+s15+$0x0], $0xffff  }
0x37b: {  	v5 =	vadd.s32 s23, v56;
	_ =	sdelay $0x3  }
0x37c: {  	[tilespmem:s20+$0x350] =	vst v4  }
0x37d: {  	v4 =	vld.idx.msk [tilespmem:v5+s15+$0x0], $0xffff  }
0x37e: {  	v5 =	vadd.s32 s23, v57;
	_ =	sdelay $0x3  }
0x37f: {  	s31 =	spop (v2sf);
	[tilespmem:s20+$0x360] =	vst v4  }
0x380: {  	s23 =	sand.u32 $0x7F, s31;
	v4 =	vld.idx.msk [tilespmem:v5+s15+$0x0], $0xffff  }
0x381: {  	v5 =	vadd.s32 s23, v58;
	_ =	sdelay $0x3  }
0x382: {  	[tilespmem:s20+$0x370] =	vst v4  }
0x383: {  	v4 =	vld.idx.msk [tilespmem:v5+s15+$0x0], $0xffff  }
0x384: {  	v5 =	vadd.s32 s23, v59;
	_ =	sdelay $0x3  }
0x385: {  	[tilespmem:s20+$0x380] =	vst v4  }
0x386: {  	v4 =	vld.idx.msk [tilespmem:v5+s15+$0x0], $0xffff  }
0x387: {  	v5 =	vadd.s32 s23, v60;
	_ =	sdelay $0x3  }
0x388: {  	[tilespmem:s20+$0x390] =	vst v4  }
0x389: {  	v4 =	vld.idx.msk [tilespmem:v5+s15+$0x0], $0xffff  }
0x38a: {  	v5 =	vadd.s32 s23, v61;
	_ =	sdelay $0x3  }
0x38b: {  	[tilespmem:s20+$0x3A0] =	vst v4  }
0x38c: {  	v4 =	vld.idx.msk [tilespmem:v5+s15+$0x0], $0xffff  }
0x38d: {  	v5 =	vadd.s32 s23, v62;
	_ =	sdelay $0x3  }
0x38e: {  	[tilespmem:s20+$0x3B0] =	vst v4  }
0x38f: {  	v4 =	vld.idx.msk [tilespmem:v5+s15+$0x0], $0xffff  }
0x390: {  	v5 =	vadd.s32 s23, v63;
	_ =	sdelay $0x3  }
0x391: {  	[tilespmem:s20+$0x3C0] =	vst v4  }
0x392: {  	v4 =	vld.idx.msk [tilespmem:v5+s15+$0x0], $0xffff  }
0x393: {  	v5 =	vadd.s32 s23, v2;
	_ =	sdelay $0x3  }
0x394: {  	[tilespmem:s20+$0x3D0] =	vst v4  }
0x395: {  	v4 =	vld.idx.msk [tilespmem:v5+s15+$0x0], $0xffff  }
0x396: {  	v5 =	vadd.s32 s23, v3;
	_ =	sdelay $0x3  }
0x397: {  	[tilespmem:s20+$0x3E0] =	vst v4  }
0x398: {  	v4 =	vld.idx.msk [tilespmem:v5+s15+$0x0], $0xffff  }
.Ltmp3:
0x399: {  	_ = 	snop;
	(pc) =	sbr.rel @p0 .LBB2_6-.Ltmp3, $2  }
0x39a: {  	_ =	sdelay $0x2  }
0x39b: {  	[tilespmem:s20+$0x3F0] =	vst v4  }
0x39c: {  	v4 =	vld [tilespmem:s22+$0x18]  }
0x39d: {  	v5 =	vld [tilespmem:s22+$0x198];
	_ =	sdelay $0x4  }
0x39e: {  	v4 =	vshrl.u32 v4, $0x7;
	v5 =	vadd.s32 s6, v5  }
0x39f: {  	v6 =	vbroadcast v4, $0x0;
	v7 =	vbroadcast v5, $0x0  }
0x3a0: {  	v9 =	vbroadcast v5, $0x1;
	v10 =	vbroadcast v4, $0x1  }
0x3a1: {  	v11 =	vbroadcast v4, $0x2;
	v12 =	vbroadcast v4, $0x3;
	(v2sf) =	vpush v5, $0x7  }
0x3a2: {  	(v2sf) =	vpush v4, $0x7;
	v6 =	vadd.s32 v1, v6;
	v7 =	vadd.s32 v0, v7  }
0x3a3: {  	v12 =	vadd.s32 v1, v12;
	v6 =	vmin.u32 v6, $0x3F;
	v8 =	vshll.u32 v7, $0x6  }
0x3a4: {  	v7 =	vand.u32 $0x7, v7;
	v8 =	vand.u32 $0xFFFFFE00, v8;
	v6 =	vshll.u32 v6, $0x3  }
0x3a5: {  	v6 =	vor.u32 v6, v8;
	v8 =	vadd.s32 v0, v9;
	v9 =	vadd.s32 v1, v10  }
0x3a6: {  	v12 =	vmin.u32 v12, $0x3F;
	v9 =	vmin.u32 v9, $0x3F;
	v10 =	vshll.u32 v8, $0x6  }
0x3a7: {  	v12 =	vshll.u32 v12, $0x3;
	v10 =	vand.u32 $0xFFFFFE00, v10;
	v9 =	vshll.u32 v9, $0x3  }
0x3a8: {  	v6 =	vor.u32 v7, v6;
	v7 =	vor.u32 v9, v10;
	v9 =	vbroadcast v5, $0x2  }
0x3a9: {  	v8 =	vand.u32 $0x7, v8;
	v10 =	vadd.s32 v1, v11;
	v11 =	vbroadcast v5, $0x3  }
0x3aa: {  	v10 =	vmin.u32 v10, $0x3F;
	v7 =	vor.u32 v8, v7;
	v9 =	vadd.s32 v0, v9  }
0x3ab: {  	v11 =	vadd.s32 v0, v11;
	v10 =	vshll.u32 v10, $0x3;
	v13 =	vshll.u32 v9, $0x6  }
0x3ac: {  	v14 =	vshll.u32 v11, $0x6;
	v9 =	vand.u32 $0x7, v9;
	v13 =	vand.u32 $0xFFFFFE00, v13  }
0x3ad: {  	v11 =	vand.u32 $0x7, v11;
	v14 =	vand.u32 $0xFFFFFE00, v14;
	v10 =	vor.u32 v10, v13  }
0x3ae: {  	v12 =	vor.u32 v12, v14;
	v13 =	vbroadcast v5, $0x4;
	v14 =	vbroadcast v4, $0x4  }
0x3af: {  	v8 =	vor.u32 v9, v10;
	v9 =	vor.u32 v11, v12;
	v12 =	vbroadcast v5, $0x5  }
0x3b0: {  	v5 =	vbroadcast v5, $0x6;
	v10 =	vadd.s32 v0, v13;
	v11 =	vadd.s32 v1, v14  }
0x3b1: {  	v14 =	vbroadcast v4, $0x5;
	v4 =	vbroadcast v4, $0x6;
	v11 =	vmin.u32 v11, $0x3F  }
0x3b2: {  	s30 =	spop (v2sf);
	v13 =	vshll.u32 v10, $0x6;
	v12 =	vadd.s32 v0, v12;
	v10 =	vand.u32 $0x7, v10  }
0x3b3: {  	[tilespmem:$0x390] =	vst v7;
	v5 =	vadd.s32 v0, v5;
	s31 =	spop (v2sf);
	v13 =	vand.u32 $0xFFFFFE00, v13;
	v11 =	vshll.u32 v11, $0x3  }
0x3b4: {  	[tilespmem:$0x3A0] =	vst v8;
	v4 =	vadd.s32 v1, v4;
	v7 =	vshll.u32 v5, $0x6;
	v8 =	vadd.s32 s31, v1  }
0x3b5: {  	v5 =	vand.u32 $0x7, v5;
	v11 =	vor.u32 v11, v13;
	v13 =	vadd.s32 v1, v14  }
0x3b6: {  	v14 =	vshll.u32 v12, $0x6;
	v12 =	vand.u32 $0x7, v12;
	v13 =	vmin.u32 v13, $0x3F  }
0x3b7: {  	v4 =	vmin.u32 v4, $0x3F;
	v14 =	vand.u32 $0xFFFFFE00, v14;
	v13 =	vshll.u32 v13, $0x3  }
0x3b8: {  	v7 =	vand.u32 $0xFFFFFE00, v7;
	v10 =	vor.u32 v10, v11;
	v11 =	vor.u32 v13, v14  }
0x3b9: {  	[tilespmem:$0x380] =	vst v6;
	v4 =	vshll.u32 v4, $0x3;
	v6 =	vor.u32 v12, v11;
	v11 =	vadd.s32 s30, v0  }
0x3ba: {  	[tilespmem:$0x3B0] =	vst v9;
	v4 =	vor.u32 v4, v7;
	v7 =	vmin.u32 v8, $0x3F;
	v8 =	vshll.u32 v11, $0x6  }
.Ltmp4:
0x3bb: {  	[tilespmem:$0x3C0] =	vst v10;
	v7 =	vshll.u32 v7, $0x3;
	v4 =	vor.u32 v5, v4;
	v8 =	vand.u32 $0xFFFFFE00, v8;
	(pc) =	sbr.rel .LBB2_2-.Ltmp4, $4  }
0x3bc: {  	[tilespmem:$0x3E0] =	vst v4;
	v11 =	vand.u32 $0x7, v11;
	v5 =	vor.u32 v7, v8  }
0x3bd: {  	[tilespmem:$0x3D0] =	vst v6;
	v4 =	vor.u32 v11, v5  }
0x3be: {  	s21 =	sadd.s32 $0x40, s21;
	s20 =	sadd.s32 $0x800, s20;
	[tilespmem:$0x3F0] =	vst v4  }
0x3bf: {  	[tilespmem:s15], [sflag:$0x2] =	stream.indirect.gather [hbm4b:s0+s11], $0x80, s14, s11, $0xb8;
	[tilespmem:$0x10400] =	vst v63  }
.LBB2_7:
0x3c0: {  	_ =	sfence.sel $0x180000  }
0x3c1: {  	[bflag:$0x0] =	sbarrier.arrive $0xFFFF  }
0x3c2: {  	p0 =	sne.s32 s1, $0x0;
	_ =	strace $0x90000047  }
0x3c3: {  	s0 =	sadd.s32 @!p0 $0x100000, s2;
	[bflag:$0x2] =	sbarrier.arrive $0xFFFF  }
0x3c4: {  	[sflag:s0] =	ssyncadd.tile.s32 @!p0 $0x1;
	_ =	shalt  }
.Lfunc_end2:
_tile_overlayer_lowered:
.L_overlay_start_2:
0x3c5: {  	(tag) =	ssettag $0x2  }
0x3c6: {  	s0 =	rddreg [dreg:$0x0];
	s2 =	stileid.u32  }
0x3c7: {  	s1 =	rddreg [dreg:$0x1];
	p0 =	sne.s32 s2, $0x0  }
0x3c8: {  	s3 =	rddreg [dreg:$0x2];
	[bflag:$0x3] =	sbarrier.arrive $0xFFFF;
	s2 =	simm.s32 @!p0 $0x1C03  }
0x3c9: {  	[timem:s3], [sflag:s2] =	dma.local @!p0 [hbm:s0], s1  }
0x3ca: {  	s0 =	simm.s32 @!p0 $0x3  }
0x3cb: {  	_ =	swait.ge @!p0 [sflag:s0], s1  }
0x3cc: {  	s1 =	ssub.s32 @!p0 $0x0, s1;
	[sflag:s0] =	ssyncset.done @!p0 $0x0  }
0x3cd: {  	[sflag:s0] =	ssyncadd.s32 @!p0 s1  }
0x3ce: {  	[bflag:$0x3] =	sbarrier.arrive $0xFFFF  }
0x3cf: {  	_ =	shalt  }

</sc_bundles>
